<compile_context>
chip_gen: v7x
topology: tpu7x:2x2x1
jax: 0.10.2.dev20260603
libtpu: 0.0.44.dev20260713+nightly
codegen_flags: <defaults>
</compile_context>

<pallas_src>
import jax
import jax.numpy as jnp
from jax import lax
from jax.experimental import pallas as pl
from jax.experimental.pallas import tpu as pltpu
from jax.experimental.pallas import tpu_sc as plsc

N = 10000
D = 128
E = 320000
NC = 2
NS = 16
NW = NC * NS
K = 128
PT = 10240
EP = NW * PT
NB = PT // K
NTD = NB // 2
KA = 80
NBA = PT // KA
QB = NBA // 4
NTA = QB // 4
NP = 10240
RPP = NP // NS
RT = 2000


def _mesh():
    return plsc.VectorSubcoreMesh(core_axis_name="c", subcore_axis_name="s")



def _deg_body(dst_hbm, out_hbm, idx_v, ones_v, zb_v, deg_s, sem0, sem1):
    cid = lax.axis_index("c")
    sid = lax.axis_index("s")
    gid = cid * NS + sid

    def zbody(i, c):
        zb_v[pl.ds(i * 16, 16)] = jnp.zeros((16,), jnp.float32)
        return c

    lax.fori_loop(0, RPP // 16, zbody, 0)

    def obody(i, c):
        ones_v[pl.ds(i * 16, 16)] = jnp.ones((16,), jnp.float32)
        return c

    lax.fori_loop(0, K // 16, obody, 0)
    pltpu.sync_copy(zb_v, deg_s.at[pl.ds(sid * RPP, RPP)])
    pltpu.sync_copy(dst_hbm.at[gid], idx_v)
    plsc.subcore_barrier()

    def body(t, c):
        pltpu.async_copy(ones_v, deg_s.at[idx_v.at[2 * t]], sem0, add=True)
        pltpu.async_copy(ones_v, deg_s.at[idx_v.at[2 * t + 1]], sem1, add=True)
        pltpu.make_async_copy(ones_v, deg_s.at[idx_v.at[2 * t]], sem0).wait()
        pltpu.make_async_copy(ones_v, deg_s.at[idx_v.at[2 * t + 1]],
                              sem1).wait()
        return c

    lax.fori_loop(0, NTD, body, 0)
    plsc.subcore_barrier()
    pltpu.sync_copy(deg_s.at[pl.ds(sid * RPP, RPP)],
                    out_hbm.at[pl.ds(cid * NP + sid * RPP, RPP)])


def _deg_call(dst3):
    return pl.kernel(
        _deg_body,
        out_type=jax.ShapeDtypeStruct((NC * NP,), jnp.float32),
        mesh=_mesh(),
        scratch_types=[
            pltpu.VMEM((NB, K), jnp.int32),
            pltpu.VMEM((K,), jnp.float32),
            pltpu.VMEM((RPP,), jnp.float32),
            pltpu.VMEM_SHARED((NP,), jnp.float32),
            pltpu.SemaphoreType.DMA,
            pltpu.SemaphoreType.DMA,
        ],
    )(dst3)



def _agg_body(hs_hbm, src_hbm, dst_hbm, zeros_hbm, out_hbm,
              src_v, dst_v, rows_v, acc_s, gsems, ssems):
    cid = lax.axis_index("c")
    sid = lax.axis_index("s")
    gid = cid * NS + sid
    pltpu.sync_copy(zeros_hbm.at[pl.ds(sid * RPP, RPP)],
                    acc_s.at[pl.ds(sid * RPP, RPP)])

    for p in range(4):
        pltpu.sync_copy(src_hbm.at[gid, pl.ds(p * QB, QB)], src_v)
        pltpu.sync_copy(dst_hbm.at[gid, pl.ds(p * QB, QB)], dst_v)

        for b in range(4):
            pltpu.async_copy(hs_hbm.at[src_v.at[b]], rows_v.at[b],
                             gsems.at[b])

        if p == 0:
            plsc.subcore_barrier()

        def body(t, c):
            for b in range(4):
                j = 4 * t + b
                pltpu.make_async_copy(hs_hbm.at[src_v.at[j]], rows_v.at[b],
                                      gsems.at[b]).wait()
                pltpu.async_copy(rows_v.at[b], acc_s.at[dst_v.at[j]],
                                 ssems.at[b], add=True)
            for b in range(4):
                j = 4 * t + b
                pltpu.make_async_copy(rows_v.at[b], acc_s.at[dst_v.at[j]],
                                      ssems.at[b]).wait()

                @pl.when(t + 1 < NTA)
                def _():
                    pltpu.async_copy(hs_hbm.at[src_v.at[j + 4]],
                                     rows_v.at[b], gsems.at[b])

            return c

        lax.fori_loop(0, NTA, body, 0)

    plsc.subcore_barrier()
    pltpu.sync_copy(acc_s.at[pl.ds(sid * RPP, RPP)],
                    out_hbm.at[cid, pl.ds(sid * RPP, RPP)])


def _agg_call(hs, src3, dst3, zeros_nd):
    return pl.kernel(
        _agg_body,
        out_type=jax.ShapeDtypeStruct((NC, NP, D), jnp.float32),
        mesh=_mesh(),
        scratch_types=[
            pltpu.VMEM((QB, KA), jnp.int32),
            pltpu.VMEM((QB, KA), jnp.int32),
            pltpu.VMEM((4, KA, D), jnp.float32),
            pltpu.VMEM_SHARED((NP, D), jnp.float32),
            pltpu.SemaphoreType.DMA((4,)),
            pltpu.SemaphoreType.DMA((4,)),
        ],
    )(hs, src3, dst3, zeros_nd)



def _tc0_body(degp_ref, isd_ref):
    d = degp_ref[...]
    isd_ref[...] = lax.rsqrt(d[0] + d[1] + 1.0)


def _tc0(degp3):
    return pl.pallas_call(
        _tc0_body,
        out_shape=jax.ShapeDtypeStruct((NP // 128, 128), jnp.float32),
    )(degp3)


def _tc1_body(x_ref, w_ref, isd_ref, hs_ref):
    mm = jnp.dot(x_ref[...], w_ref[...], preferred_element_type=jnp.float32)
    hs_ref[...] = mm * isd_ref[...]


def _tc1(x_p, W1, isd_col):
    return pl.pallas_call(
        _tc1_body,
        grid=(N // RT,),
        in_specs=[
            pl.BlockSpec((RT, D), lambda i: (i, 0)),
            pl.BlockSpec((D, D), lambda i: (0, 0)),
            pl.BlockSpec((RT, 1), lambda i: (i, 0)),
        ],
        out_specs=pl.BlockSpec((RT, D), lambda i: (i, 0)),
        out_shape=jax.ShapeDtypeStruct((N, D), jnp.float32),
    )(x_p, W1, isd_col)


def _tc2_body(aggp_ref, hs_ref, isd_ref, w_ref, out_ref):
    a = aggp_ref[...]
    isd = isd_ref[...]
    h1 = jnp.maximum((a[0] + a[1] + hs_ref[...]) * isd, 0.0)
    mm = jnp.dot(h1, w_ref[...], preferred_element_type=jnp.float32)
    out_ref[...] = mm * isd


def _tc2(aggp, hs0, isd_col, W2):
    return pl.pallas_call(
        _tc2_body,
        grid=(N // RT,),
        in_specs=[
            pl.BlockSpec((NC, RT, D), lambda i: (0, i, 0)),
            pl.BlockSpec((RT, D), lambda i: (i, 0)),
            pl.BlockSpec((RT, 1), lambda i: (i, 0)),
            pl.BlockSpec((D, D), lambda i: (0, 0)),
        ],
        out_specs=pl.BlockSpec((RT, D), lambda i: (i, 0)),
        out_shape=jax.ShapeDtypeStruct((N, D), jnp.float32),
    )(aggp, hs0, isd_col, W2)


def _tc3_body(aggp_ref, hs_ref, isd_ref, out_ref):
    a = aggp_ref[...]
    out_ref[...] = (a[0] + a[1] + hs_ref[...]) * isd_ref[...]


def _tc3(aggp, hs1, isd_col):
    return pl.pallas_call(
        _tc3_body,
        grid=(N // RT,),
        in_specs=[
            pl.BlockSpec((NC, RT, D), lambda i: (0, i, 0)),
            pl.BlockSpec((RT, D), lambda i: (i, 0)),
            pl.BlockSpec((RT, 1), lambda i: (i, 0)),
        ],
        out_specs=pl.BlockSpec((RT, D), lambda i: (i, 0)),
        out_shape=jax.ShapeDtypeStruct((N, D), jnp.float32),
    )(aggp, hs1, isd_col)



def kernel(x, edge_index, W1, W2):
    edge_index = edge_index.astype(jnp.int32)
    npad = EP - E
    pad_src = jnp.arange(npad, dtype=jnp.int32) % N
    pad_dst = N + (jnp.arange(npad, dtype=jnp.int32) % (NP - N))
    src_p = jnp.concatenate([edge_index[0], pad_src])
    dst_p = jnp.concatenate([edge_index[1], pad_dst])
    src3 = src_p.reshape(NW, NBA, KA)
    dst3 = dst_p.reshape(NW, NBA, KA)
    dst3d = dst_p.reshape(NW, NB, K)
    zeros_nd = jnp.zeros((NP, D), jnp.float32)

    degf = _deg_call(dst3d)
    isd_col = _tc0(degf.reshape(NC, NP // 128, 128)).reshape(NP, 1)
    hs0 = _tc1(x, W1, isd_col)
    aggp1 = _agg_call(hs0, src3, dst3, zeros_nd)
    hs1 = _tc2(aggp1, hs0, isd_col, W2)
    aggp2 = _agg_call(hs1, src3, dst3, zeros_nd)
    return _tc3(aggp2, hs1, isd_col)

# --- scband reference (transcript-rebuilt; emitter-appended) ---
"""Pipeline reference for scband-ubg-gcn-50697793962365 (READ-ONLY COPY).

The authoritative reference and input builder live on the scoring server;
editing this copy changes nothing except your own understanding.
"""

import jax, jax.numpy as jnp
import numpy as np

N = 10000
E = 320000
D_IN = 128
D_HID = 128
D_OUT = 128


def setup_inputs(seed: int = 0) -> dict:
    key = jax.random.key(seed)
    k_x, k_e, k_w1, k_w2 = jax.random.split(key, 4)
    x = jax.random.normal(k_x, (N, D_IN), dtype=jnp.float32)
    edge_index = jax.random.randint(k_e, (2, E), 0, N)
    W1 = jax.random.normal(k_w1, (D_IN, D_HID), dtype=jnp.float32) * 0.05
    W2 = jax.random.normal(k_w2, (D_HID, D_OUT), dtype=jnp.float32) * 0.05
    return {"x": x, "edge_index": edge_index, "W1": W1, "W2": W2}


def reference(x, edge_index, W1, W2):
    # Two-layer GCN with symmetric normalization and self-loops,
    # matching the standard GCN message-passing kernel that the
    # UBG compiled CUDA kernels implement (SpMM over normalized adjacency).
    src = edge_index[0]
    dst = edge_index[1]
    n = x.shape[0]
    # degree including self-loop
    deg = jnp.zeros((n,), dtype=x.dtype).at[dst].add(1.0) + 1.0
    inv_sqrt_deg = jax.lax.rsqrt(deg)
    edge_norm = (inv_sqrt_deg[src] * inv_sqrt_deg[dst])[:, None]
    self_norm = (inv_sqrt_deg * inv_sqrt_deg)[:, None]

    def gcn_layer(h, W):
        h = h @ W
        msg = jnp.take(h, src, axis=0) * edge_norm
        agg = jnp.zeros_like(h).at[dst].add(msg)
        agg = agg + h * self_norm  # self-loop contribution
        return agg

    h = jax.nn.relu(gcn_layer(x, W1))
    out = gcn_layer(h, W2)
    return out

if __name__ == "__main__":
    import jax
    _d = setup_inputs()
    print(jax.jit(kernel)(*tuple(_d.values())))

</pallas_src>

<mosaic_0001>
#map = affine_map<(d0, d1) -> (0, 0, 0)>
#map1 = affine_map<(d0, d1) -> (0)>
module attributes {stable_mosaic.version = 14 : i64} {
  func.func @_deg_body(%arg0: i32, %arg1: i32, %arg2: memref<32x80x128xi32, #tpu.memory_space<hbm>>, %arg3: memref<20480xf32, #tpu.memory_space<hbm>>, %arg4: memref<80x128xi32, #tpu.memory_space<vmem>>, %arg5: memref<128xf32, #tpu.memory_space<vmem>>, %arg6: memref<640xf32, #tpu.memory_space<vmem>>, %arg7: memref<10240xf32, #tpu.memory_space<vmem_shared>>, %arg8: memref<!tpu.dma_semaphore, #tpu.memory_space<semaphore_mem>>, %arg9: memref<!tpu.dma_semaphore, #tpu.memory_space<semaphore_mem>>) attributes {dimension_semantics = [#tpu.dimension_semantics<core_parallel>, #tpu.dimension_semantics<subcore_parallel>], iteration_bounds = array<i64: 2, 16>, scalar_prefetch = 0 : i64, scratch_operands = 6 : i64, tpu.core_type = #tpu.core_type<sc_vector_subcore>, window_params = [{transform_indices = #map}, {transform_indices = #map1}]} {
    %mul3A = arith.constant 16 : i32
    %mul3A_0 = arith.muli %arg0, %mul3A : i32
    %add3A = arith.addi %mul3A_0, %arg1 : i32
    %scan3A = arith.constant 0 : i32
    %scan3A_1 = arith.constant 0 : i32
    %scan3A_2 = arith.constant 40 : i32
    %scan3A_3 = arith.addi %scan3A_1, %scan3A_2 : i32
    %scan3A_4 = arith.constant 1 : i32
    scf.for %scan3A_28 = %scan3A_1 to %scan3A_3 step %scan3A_4  : i32 {
      %broadcast_in_dim3A = arith.constant 0.000000e+00 : f32
      %broadcast_in_dim3A_29 = vector.broadcast %broadcast_in_dim3A : f32 to vector<16xf32>
      %mul3A_30 = arith.constant 16 : i32
      %mul3A_31 = arith.muli %scan3A_28, %mul3A_30 : i32
      %swap3A = arith.index_cast %mul3A_31 : i32 to index
      %swap3A_32 = tpu.vector_load %arg6[%swap3A] {strides = array<i32>} : memref<640xf32, #tpu.memory_space<vmem>>, vector<16xf32>,
      %swap3A_33 = vector.shape_cast %swap3A_32 : vector<16xf32> to vector<16xf32>
      %swap3A_34 = vector.shape_cast %broadcast_in_dim3A_29 : vector<16xf32> to vector<16xf32>
      tpu.vector_store %arg6[%swap3A], %swap3A_34 {strides = array<i32>} : memref<640xf32, #tpu.memory_space<vmem>>, vector<16xf32>,
    }
    %scan3A_5 = arith.constant 40 : i32
    %scan3A_6 = arith.constant 0 : i32
    %scan3A_7 = arith.constant 0 : i32
    %scan3A_8 = arith.constant 8 : i32
    %scan3A_9 = arith.addi %scan3A_7, %scan3A_8 : i32
    %scan3A_10 = arith.constant 1 : i32
    scf.for %scan3A_28 = %scan3A_7 to %scan3A_9 step %scan3A_10  : i32 {
      %broadcast_in_dim3A = arith.constant 1.000000e+00 : f32
      %broadcast_in_dim3A_29 = vector.broadcast %broadcast_in_dim3A : f32 to vector<16xf32>
      %mul3A_30 = arith.constant 16 : i32
      %mul3A_31 = arith.muli %scan3A_28, %mul3A_30 : i32
      %swap3A = arith.index_cast %mul3A_31 : i32 to index
      %swap3A_32 = tpu.vector_load %arg5[%swap3A] {strides = array<i32>} : memref<128xf32, #tpu.memory_space<vmem>>, vector<16xf32>,
      %swap3A_33 = vector.shape_cast %swap3A_32 : vector<16xf32> to vector<16xf32>
      %swap3A_34 = vector.shape_cast %broadcast_in_dim3A_29 : vector<16xf32> to vector<16xf32>
      tpu.vector_store %arg5[%swap3A], %swap3A_34 {strides = array<i32>} : memref<128xf32, #tpu.memory_space<vmem>>, vector<16xf32>,
    }
    %scan3A_11 = arith.constant 8 : i32
    %mul3A_12 = arith.constant 640 : i32
    %mul3A_13 = arith.muli %arg1, %mul3A_12 : i32
    "tpu.region"() ({
      %run_scoped3A = tpu.sem_alloc : memref<!tpu.dma_semaphore, #tpu.memory_space<semaphore_mem>>
      %dma_start3A = tpu.memref_slice %arg7[%mul3A_13] : memref<10240xf32, #tpu.memory_space<vmem_shared>> -> memref<640xf32, #tpu.memory_space<vmem_shared>>
      %dma_start3A_28 = tpu.memref_slice %arg7[%mul3A_13] : memref<10240xf32, #tpu.memory_space<vmem_shared>> -> memref<640xf32, #tpu.memory_space<vmem_shared>>
      tpu.enqueue_dma source(%arg6 : memref<640xf32, #tpu.memory_space<vmem>>) target(%dma_start3A_28 : memref<640xf32, #tpu.memory_space<vmem_shared>>) target_semaphore(%run_scoped3A : memref<!tpu.dma_semaphore, #tpu.memory_space<semaphore_mem>>)
      %dma_wait3A = tpu.memref_slice %arg7[%mul3A_13] : memref<10240xf32, #tpu.memory_space<vmem_shared>> -> memref<640xf32, #tpu.memory_space<vmem_shared>>
      %dma_wait3A_29 = tpu.memref_slice %arg7[%mul3A_13] : memref<10240xf32, #tpu.memory_space<vmem_shared>> -> memref<640xf32, #tpu.memory_space<vmem_shared>>
      tpu.wait_dma2 semaphore(%run_scoped3A : memref<!tpu.dma_semaphore, #tpu.memory_space<semaphore_mem>>) src(%arg6 : memref<640xf32, #tpu.memory_space<vmem>>) dst(%dma_wait3A_29 : memref<640xf32, #tpu.memory_space<vmem_shared>>)
      tpu.yield
    }) : () -> ()
    "tpu.region"() ({
      %run_scoped3A = tpu.sem_alloc : memref<!tpu.dma_semaphore, #tpu.memory_space<semaphore_mem>>
      %dma_start3A = arith.constant 0 : i32
      %dma_start3A_28 = arith.constant 0 : i32
      %dma_start3A_29 = tpu.memref_slice %arg2[%add3A, %dma_start3A, %dma_start3A_28] : memref<32x80x128xi32, #tpu.memory_space<hbm>> -> memref<1x80x128xi32, #tpu.memory_space<hbm>>
      %dma_start3A_30 = tpu.memref_squeeze %dma_start3A_29 : memref<1x80x128xi32, #tpu.memory_space<hbm>> -> memref<80x128xi32, #tpu.memory_space<hbm>>
      %dma_start3A_31 = arith.constant 0 : i32
      %dma_start3A_32 = arith.constant 0 : i32
      %dma_start3A_33 = tpu.memref_slice %arg2[%add3A, %dma_start3A_31, %dma_start3A_32] : memref<32x80x128xi32, #tpu.memory_space<hbm>> -> memref<1x80x128xi32, #tpu.memory_space<hbm>>
      %dma_start3A_34 = tpu.memref_squeeze %dma_start3A_33 : memref<1x80x128xi32, #tpu.memory_space<hbm>> -> memref<80x128xi32, #tpu.memory_space<hbm>>
      tpu.enqueue_dma source(%dma_start3A_34 : memref<80x128xi32, #tpu.memory_space<hbm>>) target(%arg4 : memref<80x128xi32, #tpu.memory_space<vmem>>) target_semaphore(%run_scoped3A : memref<!tpu.dma_semaphore, #tpu.memory_space<semaphore_mem>>)
      %dma_wait3A = arith.constant 0 : i32
      %dma_wait3A_35 = arith.constant 0 : i32
      %dma_wait3A_36 = tpu.memref_slice %arg2[%add3A, %dma_wait3A, %dma_wait3A_35] : memref<32x80x128xi32, #tpu.memory_space<hbm>> -> memref<1x80x128xi32, #tpu.memory_space<hbm>>
      %dma_wait3A_37 = tpu.memref_squeeze %dma_wait3A_36 : memref<1x80x128xi32, #tpu.memory_space<hbm>> -> memref<80x128xi32, #tpu.memory_space<hbm>>
      %dma_wait3A_38 = arith.constant 0 : i32
      %dma_wait3A_39 = arith.constant 0 : i32
      %dma_wait3A_40 = tpu.memref_slice %arg2[%add3A, %dma_wait3A_38, %dma_wait3A_39] : memref<32x80x128xi32, #tpu.memory_space<hbm>> -> memref<1x80x128xi32, #tpu.memory_space<hbm>>
      %dma_wait3A_41 = tpu.memref_squeeze %dma_wait3A_40 : memref<1x80x128xi32, #tpu.memory_space<hbm>> -> memref<80x128xi32, #tpu.memory_space<hbm>>
      tpu.wait_dma2 semaphore(%run_scoped3A : memref<!tpu.dma_semaphore, #tpu.memory_space<semaphore_mem>>) src(%dma_wait3A_41 : memref<80x128xi32, #tpu.memory_space<hbm>>) dst(%arg4 : memref<80x128xi32, #tpu.memory_space<vmem>>)
      tpu.yield
    }) : () -> ()
    %barrier3A = arith.constant 0 : index
    tpu.barrier barrier_id(%barrier3A)
    %scan3A_14 = arith.constant 0 : i32
    %scan3A_15 = arith.constant 0 : i32
    %scan3A_16 = arith.constant 40 : i32
    %scan3A_17 = arith.addi %scan3A_15, %scan3A_16 : i32
    %scan3A_18 = arith.constant 1 : i32
    scf.for %scan3A_28 = %scan3A_15 to %scan3A_17 step %scan3A_18  : i32 {
      %mul3A_29 = arith.constant 2 : i32
      %mul3A_30 = arith.muli %mul3A_29, %scan3A_28 : i32
      %dma_start3A = arith.constant 0 : i32
      %dma_start3A_31 = tpu.memref_slice %arg4[%mul3A_30, %dma_start3A] : memref<80x128xi32, #tpu.memory_space<vmem>> -> memref<1x128xi32, #tpu.memory_space<vmem>>
      %dma_start3A_32 = tpu.memref_squeeze %dma_start3A_31 : memref<1x128xi32, #tpu.memory_space<vmem>> -> memref<128xi32, #tpu.memory_space<vmem>>
      %dma_start3A_33 = arith.constant 0 : i32
      %dma_start3A_34 = tpu.memref_slice %arg7[%dma_start3A_33] : memref<10240xf32, #tpu.memory_space<vmem_shared>> -> memref<10240xf32, #tpu.memory_space<vmem_shared>>
      tpu.enqueue_indirect_dma source(%arg5 : memref<128xf32, #tpu.memory_space<vmem>>) target(%dma_start3A_34 : memref<10240xf32, #tpu.memory_space<vmem_shared>>) offsets(%dma_start3A_32 : memref<128xi32, #tpu.memory_space<vmem>>) semaphore(%arg8 : memref<!tpu.dma_semaphore, #tpu.memory_space<semaphore_mem>>) {add = true}
      %mul3A_35 = arith.constant 2 : i32
      %mul3A_36 = arith.muli %mul3A_35, %scan3A_28 : i32
      %add3A_37 = arith.constant 1 : i32
      %add3A_38 = arith.addi %mul3A_36, %add3A_37 : i32
      %dma_start3A_39 = arith.constant 0 : i32
      %dma_start3A_40 = tpu.memref_slice %arg4[%add3A_38, %dma_start3A_39] : memref<80x128xi32, #tpu.memory_space<vmem>> -> memref<1x128xi32, #tpu.memory_space<vmem>>
      %dma_start3A_41 = tpu.memref_squeeze %dma_start3A_40 : memref<1x128xi32, #tpu.memory_space<vmem>> -> memref<128xi32, #tpu.memory_space<vmem>>
      %dma_start3A_42 = arith.constant 0 : i32
      %dma_start3A_43 = tpu.memref_slice %arg7[%dma_start3A_42] : memref<10240xf32, #tpu.memory_space<vmem_shared>> -> memref<10240xf32, #tpu.memory_space<vmem_shared>>
      tpu.enqueue_indirect_dma source(%arg5 : memref<128xf32, #tpu.memory_space<vmem>>) target(%dma_start3A_43 : memref<10240xf32, #tpu.memory_space<vmem_shared>>) offsets(%dma_start3A_41 : memref<128xi32, #tpu.memory_space<vmem>>) semaphore(%arg9 : memref<!tpu.dma_semaphore, #tpu.memory_space<semaphore_mem>>) {add = true}
      %mul3A_44 = arith.constant 2 : i32
      %mul3A_45 = arith.muli %mul3A_44, %scan3A_28 : i32
      %dma_wait3A = arith.constant 0 : i32
      %dma_wait3A_46 = tpu.memref_slice %arg4[%mul3A_45, %dma_wait3A] : memref<80x128xi32, #tpu.memory_space<vmem>> -> memref<1x128xi32, #tpu.memory_space<vmem>>
      %dma_wait3A_47 = tpu.memref_squeeze %dma_wait3A_46 : memref<1x128xi32, #tpu.memory_space<vmem>> -> memref<128xi32, #tpu.memory_space<vmem>>
      %dma_wait3A_48 = arith.constant 0 : i32
      %dma_wait3A_49 = tpu.memref_slice %arg7[%dma_wait3A_48] : memref<10240xf32, #tpu.memory_space<vmem_shared>> -> memref<10240xf32, #tpu.memory_space<vmem_shared>>
      tpu.wait_indirect_dma semaphore(%arg8 : memref<!tpu.dma_semaphore, #tpu.memory_space<semaphore_mem>>) src(%arg5 : memref<128xf32, #tpu.memory_space<vmem>>) dst(%dma_wait3A_49 : memref<10240xf32, #tpu.memory_space<vmem_shared>>)
      %mul3A_50 = arith.constant 2 : i32
      %mul3A_51 = arith.muli %mul3A_50, %scan3A_28 : i32
      %add3A_52 = arith.constant 1 : i32
      %add3A_53 = arith.addi %mul3A_51, %add3A_52 : i32
      %dma_wait3A_54 = arith.constant 0 : i32
      %dma_wait3A_55 = tpu.memref_slice %arg4[%add3A_53, %dma_wait3A_54] : memref<80x128xi32, #tpu.memory_space<vmem>> -> memref<1x128xi32, #tpu.memory_space<vmem>>
      %dma_wait3A_56 = tpu.memref_squeeze %dma_wait3A_55 : memref<1x128xi32, #tpu.memory_space<vmem>> -> memref<128xi32, #tpu.memory_space<vmem>>
      %dma_wait3A_57 = arith.constant 0 : i32
      %dma_wait3A_58 = tpu.memref_slice %arg7[%dma_wait3A_57] : memref<10240xf32, #tpu.memory_space<vmem_shared>> -> memref<10240xf32, #tpu.memory_space<vmem_shared>>
      tpu.wait_indirect_dma semaphore(%arg9 : memref<!tpu.dma_semaphore, #tpu.memory_space<semaphore_mem>>) src(%arg5 : memref<128xf32, #tpu.memory_space<vmem>>) dst(%dma_wait3A_58 : memref<10240xf32, #tpu.memory_space<vmem_shared>>)
    }
    %scan3A_19 = arith.constant 40 : i32
    %barrier3A_20 = arith.constant 0 : index
    tpu.barrier barrier_id(%barrier3A_20)
    %mul3A_21 = arith.constant 640 : i32
    %mul3A_22 = arith.muli %arg1, %mul3A_21 : i32
    %mul3A_23 = arith.constant 10240 : i32
    %mul3A_24 = arith.muli %arg0, %mul3A_23 : i32
    %mul3A_25 = arith.constant 640 : i32
    %mul3A_26 = arith.muli %arg1, %mul3A_25 : i32
    %add3A_27 = arith.addi %mul3A_24, %mul3A_26 : i32
    "tpu.region"() ({
      %run_scoped3A = tpu.sem_alloc : memref<!tpu.dma_semaphore, #tpu.memory_space<semaphore_mem>>
      %dma_start3A = tpu.memref_slice %arg3[%add3A_27] : memref<20480xf32, #tpu.memory_space<hbm>> -> memref<640xf32, #tpu.memory_space<hbm>>
      %dma_start3A_28 = tpu.memref_slice %arg7[%mul3A_22] : memref<10240xf32, #tpu.memory_space<vmem_shared>> -> memref<640xf32, #tpu.memory_space<vmem_shared>>
      tpu.enqueue_dma source(%dma_start3A_28 : memref<640xf32, #tpu.memory_space<vmem_shared>>) target(%dma_start3A : memref<640xf32, #tpu.memory_space<hbm>>) target_semaphore(%run_scoped3A : memref<!tpu.dma_semaphore, #tpu.memory_space<semaphore_mem>>)
      %dma_wait3A = tpu.memref_slice %arg3[%add3A_27] : memref<20480xf32, #tpu.memory_space<hbm>> -> memref<640xf32, #tpu.memory_space<hbm>>
      %dma_wait3A_29 = tpu.memref_slice %arg7[%mul3A_22] : memref<10240xf32, #tpu.memory_space<vmem_shared>> -> memref<640xf32, #tpu.memory_space<vmem_shared>>
      tpu.wait_dma2 semaphore(%run_scoped3A : memref<!tpu.dma_semaphore, #tpu.memory_space<semaphore_mem>>) src(%dma_wait3A_29 : memref<640xf32, #tpu.memory_space<vmem_shared>>) dst(%dma_wait3A : memref<640xf32, #tpu.memory_space<hbm>>)
      tpu.yield
    }) : () -> ()
    return
  }
}

#map = affine_map<(d0, d1) -> (0, 0)>
#map1 = affine_map<(d0, d1) -> (0, 0, 0)>
module attributes {stable_mosaic.version = 14 : i64} {
  func.func @_agg_body(%arg0: i32, %arg1: i32, %arg2: memref<10000x128xf32, #tpu.memory_space<hbm>>, %arg3: memref<32x128x80xi32, #tpu.memory_space<hbm>>, %arg4: memref<32x128x80xi32, #tpu.memory_space<hbm>>, %arg5: memref<10240x128xf32, #tpu.memory_space<hbm>>, %arg6: memref<2x10240x128xf32, #tpu.memory_space<hbm>>, %arg7: memref<32x80xi32, #tpu.memory_space<vmem>>, %arg8: memref<32x80xi32, #tpu.memory_space<vmem>>, %arg9: memref<4x80x128xf32, #tpu.memory_space<vmem>>, %arg10: memref<10240x128xf32, #tpu.memory_space<vmem_shared>>, %arg11: memref<4x!tpu.dma_semaphore, #tpu.memory_space<semaphore_mem>>, %arg12: memref<4x!tpu.dma_semaphore, #tpu.memory_space<semaphore_mem>>) attributes {dimension_semantics = [#tpu.dimension_semantics<core_parallel>, #tpu.dimension_semantics<subcore_parallel>], iteration_bounds = array<i64: 2, 16>, scalar_prefetch = 0 : i64, scratch_operands = 6 : i64, tpu.core_type = #tpu.core_type<sc_vector_subcore>, window_params = [{transform_indices = #map}, {transform_indices = #map1}, {transform_indices = #map1}, {transform_indices = #map}, {transform_indices = #map1}]} {
    %mul3A = arith.constant 16 : i32
    %mul3A_0 = arith.muli %arg0, %mul3A : i32
    %add3A = arith.addi %mul3A_0, %arg1 : i32
    %mul3A_1 = arith.constant 640 : i32
    %mul3A_2 = arith.muli %arg1, %mul3A_1 : i32
    %mul3A_3 = arith.constant 640 : i32
    %mul3A_4 = arith.muli %arg1, %mul3A_3 : i32
    "tpu.region"() ({
      %run_scoped3A = tpu.sem_alloc : memref<!tpu.dma_semaphore, #tpu.memory_space<semaphore_mem>>
      %dma_start3A_272 = arith.constant 0 : i32
      %dma_start3A_273 = tpu.memref_slice %arg10[%mul3A_4, %dma_start3A_272] : memref<10240x128xf32, #tpu.memory_space<vmem_shared>> -> memref<640x128xf32, #tpu.memory_space<vmem_shared>>
      %dma_start3A_274 = arith.constant 0 : i32
      %dma_start3A_275 = tpu.memref_slice %arg5[%mul3A_2, %dma_start3A_274] : memref<10240x128xf32, #tpu.memory_space<hbm>> -> memref<640x128xf32, #tpu.memory_space<hbm>>
      tpu.enqueue_dma source(%dma_start3A_275 : memref<640x128xf32, #tpu.memory_space<hbm>>) target(%dma_start3A_273 : memref<640x128xf32, #tpu.memory_space<vmem_shared>>) target_semaphore(%run_scoped3A : memref<!tpu.dma_semaphore, #tpu.memory_space<semaphore_mem>>)
      %dma_wait3A = arith.constant 0 : i32
      %dma_wait3A_276 = tpu.memref_slice %arg10[%mul3A_4, %dma_wait3A] : memref<10240x128xf32, #tpu.memory_space<vmem_shared>> -> memref<640x128xf32, #tpu.memory_space<vmem_shared>>
      %dma_wait3A_277 = arith.constant 0 : i32
      %dma_wait3A_278 = tpu.memref_slice %arg5[%mul3A_2, %dma_wait3A_277] : memref<10240x128xf32, #tpu.memory_space<hbm>> -> memref<640x128xf32, #tpu.memory_space<hbm>>
      tpu.wait_dma2 semaphore(%run_scoped3A : memref<!tpu.dma_semaphore, #tpu.memory_space<semaphore_mem>>) src(%dma_wait3A_278 : memref<640x128xf32, #tpu.memory_space<hbm>>) dst(%dma_wait3A_276 : memref<640x128xf32, #tpu.memory_space<vmem_shared>>)
      tpu.yield
    }) : () -> ()
    "tpu.region"() ({
      %run_scoped3A = tpu.sem_alloc : memref<!tpu.dma_semaphore, #tpu.memory_space<semaphore_mem>>
      %dma_start3A_272 = arith.constant 0 : i32
      %dma_start3A_273 = arith.constant 0 : i32
      %dma_start3A_274 = tpu.memref_slice %arg3[%add3A, %dma_start3A_272, %dma_start3A_273] : memref<32x128x80xi32, #tpu.memory_space<hbm>> -> memref<1x32x80xi32, #tpu.memory_space<hbm>>
      %dma_start3A_275 = tpu.memref_squeeze %dma_start3A_274 : memref<1x32x80xi32, #tpu.memory_space<hbm>> -> memref<32x80xi32, #tpu.memory_space<hbm>>
      %dma_start3A_276 = arith.constant 0 : i32
      %dma_start3A_277 = arith.constant 0 : i32
      %dma_start3A_278 = tpu.memref_slice %arg3[%add3A, %dma_start3A_276, %dma_start3A_277] : memref<32x128x80xi32, #tpu.memory_space<hbm>> -> memref<1x32x80xi32, #tpu.memory_space<hbm>>
      %dma_start3A_279 = tpu.memref_squeeze %dma_start3A_278 : memref<1x32x80xi32, #tpu.memory_space<hbm>> -> memref<32x80xi32, #tpu.memory_space<hbm>>
      tpu.enqueue_dma source(%dma_start3A_279 : memref<32x80xi32, #tpu.memory_space<hbm>>) target(%arg7 : memref<32x80xi32, #tpu.memory_space<vmem>>) target_semaphore(%run_scoped3A : memref<!tpu.dma_semaphore, #tpu.memory_space<semaphore_mem>>)
      %dma_wait3A = arith.constant 0 : i32
      %dma_wait3A_280 = arith.constant 0 : i32
      %dma_wait3A_281 = tpu.memref_slice %arg3[%add3A, %dma_wait3A, %dma_wait3A_280] : memref<32x128x80xi32, #tpu.memory_space<hbm>> -> memref<1x32x80xi32, #tpu.memory_space<hbm>>
      %dma_wait3A_282 = tpu.memref_squeeze %dma_wait3A_281 : memref<1x32x80xi32, #tpu.memory_space<hbm>> -> memref<32x80xi32, #tpu.memory_space<hbm>>
      %dma_wait3A_283 = arith.constant 0 : i32
      %dma_wait3A_284 = arith.constant 0 : i32
      %dma_wait3A_285 = tpu.memref_slice %arg3[%add3A, %dma_wait3A_283, %dma_wait3A_284] : memref<32x128x80xi32, #tpu.memory_space<hbm>> -> memref<1x32x80xi32, #tpu.memory_space<hbm>>
      %dma_wait3A_286 = tpu.memref_squeeze %dma_wait3A_285 : memref<1x32x80xi32, #tpu.memory_space<hbm>> -> memref<32x80xi32, #tpu.memory_space<hbm>>
      tpu.wait_dma2 semaphore(%run_scoped3A : memref<!tpu.dma_semaphore, #tpu.memory_space<semaphore_mem>>) src(%dma_wait3A_286 : memref<32x80xi32, #tpu.memory_space<hbm>>) dst(%arg7 : memref<32x80xi32, #tpu.memory_space<vmem>>)
      tpu.yield
    }) : () -> ()
    "tpu.region"() ({
      %run_scoped3A = tpu.sem_alloc : memref<!tpu.dma_semaphore, #tpu.memory_space<semaphore_mem>>
      %dma_start3A_272 = arith.constant 0 : i32
      %dma_start3A_273 = arith.constant 0 : i32
      %dma_start3A_274 = tpu.memref_slice %arg4[%add3A, %dma_start3A_272, %dma_start3A_273] : memref<32x128x80xi32, #tpu.memory_space<hbm>> -> memref<1x32x80xi32, #tpu.memory_space<hbm>>
      %dma_start3A_275 = tpu.memref_squeeze %dma_start3A_274 : memref<1x32x80xi32, #tpu.memory_space<hbm>> -> memref<32x80xi32, #tpu.memory_space<hbm>>
      %dma_start3A_276 = arith.constant 0 : i32
      %dma_start3A_277 = arith.constant 0 : i32
      %dma_start3A_278 = tpu.memref_slice %arg4[%add3A, %dma_start3A_276, %dma_start3A_277] : memref<32x128x80xi32, #tpu.memory_space<hbm>> -> memref<1x32x80xi32, #tpu.memory_space<hbm>>
      %dma_start3A_279 = tpu.memref_squeeze %dma_start3A_278 : memref<1x32x80xi32, #tpu.memory_space<hbm>> -> memref<32x80xi32, #tpu.memory_space<hbm>>
      tpu.enqueue_dma source(%dma_start3A_279 : memref<32x80xi32, #tpu.memory_space<hbm>>) target(%arg8 : memref<32x80xi32, #tpu.memory_space<vmem>>) target_semaphore(%run_scoped3A : memref<!tpu.dma_semaphore, #tpu.memory_space<semaphore_mem>>)
      %dma_wait3A = arith.constant 0 : i32
      %dma_wait3A_280 = arith.constant 0 : i32
      %dma_wait3A_281 = tpu.memref_slice %arg4[%add3A, %dma_wait3A, %dma_wait3A_280] : memref<32x128x80xi32, #tpu.memory_space<hbm>> -> memref<1x32x80xi32, #tpu.memory_space<hbm>>
      %dma_wait3A_282 = tpu.memref_squeeze %dma_wait3A_281 : memref<1x32x80xi32, #tpu.memory_space<hbm>> -> memref<32x80xi32, #tpu.memory_space<hbm>>
      %dma_wait3A_283 = arith.constant 0 : i32
      %dma_wait3A_284 = arith.constant 0 : i32
      %dma_wait3A_285 = tpu.memref_slice %arg4[%add3A, %dma_wait3A_283, %dma_wait3A_284] : memref<32x128x80xi32, #tpu.memory_space<hbm>> -> memref<1x32x80xi32, #tpu.memory_space<hbm>>
      %dma_wait3A_286 = tpu.memref_squeeze %dma_wait3A_285 : memref<1x32x80xi32, #tpu.memory_space<hbm>> -> memref<32x80xi32, #tpu.memory_space<hbm>>
      tpu.wait_dma2 semaphore(%run_scoped3A : memref<!tpu.dma_semaphore, #tpu.memory_space<semaphore_mem>>) src(%dma_wait3A_286 : memref<32x80xi32, #tpu.memory_space<hbm>>) dst(%arg8 : memref<32x80xi32, #tpu.memory_space<vmem>>)
      tpu.yield
    }) : () -> ()
    %dma_start3A = arith.constant 0 : i32
    %dma_start3A_5 = arith.constant 0 : i32
    %dma_start3A_6 = arith.constant 0 : i32
    %dma_start3A_7 = arith.constant 0 : i32
    %dma_start3A_8 = arith.constant 0 : i32
    %dma_start3A_9 = tpu.memref_slice %arg9[%dma_start3A_5, %dma_start3A_7, %dma_start3A_8] : memref<4x80x128xf32, #tpu.memory_space<vmem>> -> memref<1x80x128xf32, #tpu.memory_space<vmem>>
    %dma_start3A_10 = tpu.memref_squeeze %dma_start3A_9 : memref<1x80x128xf32, #tpu.memory_space<vmem>> -> memref<80x128xf32, #tpu.memory_space<vmem>>
    %dma_start3A_11 = arith.constant 0 : i32
    %dma_start3A_12 = tpu.memref_slice %arg7[%dma_start3A, %dma_start3A_11] : memref<32x80xi32, #tpu.memory_space<vmem>> -> memref<1x80xi32, #tpu.memory_space<vmem>>
    %dma_start3A_13 = tpu.memref_squeeze %dma_start3A_12 : memref<1x80xi32, #tpu.memory_space<vmem>> -> memref<80xi32, #tpu.memory_space<vmem>>
    %dma_start3A_14 = arith.constant 0 : i32
    %dma_start3A_15 = arith.constant 0 : i32
    %dma_start3A_16 = tpu.memref_slice %arg2[%dma_start3A_14, %dma_start3A_15] : memref<10000x128xf32, #tpu.memory_space<hbm>> -> memref<10000x128xf32, #tpu.memory_space<hbm>>
    %dma_start3A_17 = tpu.memref_slice %arg11[%dma_start3A_6] : memref<4x!tpu.dma_semaphore, #tpu.memory_space<semaphore_mem>> -> memref<1x!tpu.dma_semaphore, #tpu.memory_space<semaphore_mem>>
    %dma_start3A_18 = tpu.memref_squeeze %dma_start3A_17 : memref<1x!tpu.dma_semaphore, #tpu.memory_space<semaphore_mem>> -> memref<!tpu.dma_semaphore, #tpu.memory_space<semaphore_mem>>
    tpu.enqueue_indirect_dma source(%dma_start3A_16 : memref<10000x128xf32, #tpu.memory_space<hbm>>) target(%dma_start3A_10 : memref<80x128xf32, #tpu.memory_space<vmem>>) offsets(%dma_start3A_13 : memref<80xi32, #tpu.memory_space<vmem>>) semaphore(%dma_start3A_18 : memref<!tpu.dma_semaphore, #tpu.memory_space<semaphore_mem>>)
    %dma_start3A_19 = arith.constant 1 : i32
    %dma_start3A_20 = arith.constant 1 : i32
    %dma_start3A_21 = arith.constant 1 : i32
    %dma_start3A_22 = arith.constant 0 : i32
    %dma_start3A_23 = arith.constant 0 : i32
    %dma_start3A_24 = tpu.memref_slice %arg9[%dma_start3A_20, %dma_start3A_22, %dma_start3A_23] : memref<4x80x128xf32, #tpu.memory_space<vmem>> -> memref<1x80x128xf32, #tpu.memory_space<vmem>>
    %dma_start3A_25 = tpu.memref_squeeze %dma_start3A_24 : memref<1x80x128xf32, #tpu.memory_space<vmem>> -> memref<80x128xf32, #tpu.memory_space<vmem>>
    %dma_start3A_26 = arith.constant 0 : i32
    %dma_start3A_27 = tpu.memref_slice %arg7[%dma_start3A_19, %dma_start3A_26] : memref<32x80xi32, #tpu.memory_space<vmem>> -> memref<1x80xi32, #tpu.memory_space<vmem>>
    %dma_start3A_28 = tpu.memref_squeeze %dma_start3A_27 : memref<1x80xi32, #tpu.memory_space<vmem>> -> memref<80xi32, #tpu.memory_space<vmem>>
    %dma_start3A_29 = arith.constant 0 : i32
    %dma_start3A_30 = arith.constant 0 : i32
    %dma_start3A_31 = tpu.memref_slice %arg2[%dma_start3A_29, %dma_start3A_30] : memref<10000x128xf32, #tpu.memory_space<hbm>> -> memref<10000x128xf32, #tpu.memory_space<hbm>>
    %dma_start3A_32 = tpu.memref_slice %arg11[%dma_start3A_21] : memref<4x!tpu.dma_semaphore, #tpu.memory_space<semaphore_mem>> -> memref<1x!tpu.dma_semaphore, #tpu.memory_space<semaphore_mem>>
    %dma_start3A_33 = tpu.memref_squeeze %dma_start3A_32 : memref<1x!tpu.dma_semaphore, #tpu.memory_space<semaphore_mem>> -> memref<!tpu.dma_semaphore, #tpu.memory_space<semaphore_mem>>
    tpu.enqueue_indirect_dma source(%dma_start3A_31 : memref<10000x128xf32, #tpu.memory_space<hbm>>) target(%dma_start3A_25 : memref<80x128xf32, #tpu.memory_space<vmem>>) offsets(%dma_start3A_28 : memref<80xi32, #tpu.memory_space<vmem>>) semaphore(%dma_start3A_33 : memref<!tpu.dma_semaphore, #tpu.memory_space<semaphore_mem>>)
    %dma_start3A_34 = arith.constant 2 : i32
    %dma_start3A_35 = arith.constant 2 : i32
    %dma_start3A_36 = arith.constant 2 : i32
    %dma_start3A_37 = arith.constant 0 : i32
    %dma_start3A_38 = arith.constant 0 : i32
    %dma_start3A_39 = tpu.memref_slice %arg9[%dma_start3A_35, %dma_start3A_37, %dma_start3A_38] : memref<4x80x128xf32, #tpu.memory_space<vmem>> -> memref<1x80x128xf32, #tpu.memory_space<vmem>>
    %dma_start3A_40 = tpu.memref_squeeze %dma_start3A_39 : memref<1x80x128xf32, #tpu.memory_space<vmem>> -> memref<80x128xf32, #tpu.memory_space<vmem>>
    %dma_start3A_41 = arith.constant 0 : i32
    %dma_start3A_42 = tpu.memref_slice %arg7[%dma_start3A_34, %dma_start3A_41] : memref<32x80xi32, #tpu.memory_space<vmem>> -> memref<1x80xi32, #tpu.memory_space<vmem>>
    %dma_start3A_43 = tpu.memref_squeeze %dma_start3A_42 : memref<1x80xi32, #tpu.memory_space<vmem>> -> memref<80xi32, #tpu.memory_space<vmem>>
    %dma_start3A_44 = arith.constant 0 : i32
    %dma_start3A_45 = arith.constant 0 : i32
    %dma_start3A_46 = tpu.memref_slice %arg2[%dma_start3A_44, %dma_start3A_45] : memref<10000x128xf32, #tpu.memory_space<hbm>> -> memref<10000x128xf32, #tpu.memory_space<hbm>>
    %dma_start3A_47 = tpu.memref_slice %arg11[%dma_start3A_36] : memref<4x!tpu.dma_semaphore, #tpu.memory_space<semaphore_mem>> -> memref<1x!tpu.dma_semaphore, #tpu.memory_space<semaphore_mem>>
    %dma_start3A_48 = tpu.memref_squeeze %dma_start3A_47 : memref<1x!tpu.dma_semaphore, #tpu.memory_space<semaphore_mem>> -> memref<!tpu.dma_semaphore, #tpu.memory_space<semaphore_mem>>
    tpu.enqueue_indirect_dma source(%dma_start3A_46 : memref<10000x128xf32, #tpu.memory_space<hbm>>) target(%dma_start3A_40 : memref<80x128xf32, #tpu.memory_space<vmem>>) offsets(%dma_start3A_43 : memref<80xi32, #tpu.memory_space<vmem>>) semaphore(%dma_start3A_48 : memref<!tpu.dma_semaphore, #tpu.memory_space<semaphore_mem>>)
    %dma_start3A_49 = arith.constant 3 : i32
    %dma_start3A_50 = arith.constant 3 : i32
    %dma_start3A_51 = arith.constant 3 : i32
    %dma_start3A_52 = arith.constant 0 : i32
    %dma_start3A_53 = arith.constant 0 : i32
    %dma_start3A_54 = tpu.memref_slice %arg9[%dma_start3A_50, %dma_start3A_52, %dma_start3A_53] : memref<4x80x128xf32, #tpu.memory_space<vmem>> -> memref<1x80x128xf32, #tpu.memory_space<vmem>>
    %dma_start3A_55 = tpu.memref_squeeze %dma_start3A_54 : memref<1x80x128xf32, #tpu.memory_space<vmem>> -> memref<80x128xf32, #tpu.memory_space<vmem>>
    %dma_start3A_56 = arith.constant 0 : i32
    %dma_start3A_57 = tpu.memref_slice %arg7[%dma_start3A_49, %dma_start3A_56] : memref<32x80xi32, #tpu.memory_space<vmem>> -> memref<1x80xi32, #tpu.memory_space<vmem>>
    %dma_start3A_58 = tpu.memref_squeeze %dma_start3A_57 : memref<1x80xi32, #tpu.memory_space<vmem>> -> memref<80xi32, #tpu.memory_space<vmem>>
    %dma_start3A_59 = arith.constant 0 : i32
    %dma_start3A_60 = arith.constant 0 : i32
    %dma_start3A_61 = tpu.memref_slice %arg2[%dma_start3A_59, %dma_start3A_60] : memref<10000x128xf32, #tpu.memory_space<hbm>> -> memref<10000x128xf32, #tpu.memory_space<hbm>>
    %dma_start3A_62 = tpu.memref_slice %arg11[%dma_start3A_51] : memref<4x!tpu.dma_semaphore, #tpu.memory_space<semaphore_mem>> -> memref<1x!tpu.dma_semaphore, #tpu.memory_space<semaphore_mem>>
    %dma_start3A_63 = tpu.memref_squeeze %dma_start3A_62 : memref<1x!tpu.dma_semaphore, #tpu.memory_space<semaphore_mem>> -> memref<!tpu.dma_semaphore, #tpu.memory_space<semaphore_mem>>
    tpu.enqueue_indirect_dma source(%dma_start3A_61 : memref<10000x128xf32, #tpu.memory_space<hbm>>) target(%dma_start3A_55 : memref<80x128xf32, #tpu.memory_space<vmem>>) offsets(%dma_start3A_58 : memref<80xi32, #tpu.memory_space<vmem>>) semaphore(%dma_start3A_63 : memref<!tpu.dma_semaphore, #tpu.memory_space<semaphore_mem>>)
    %barrier3A = arith.constant 0 : index
    tpu.barrier barrier_id(%barrier3A)
    %scan3A = arith.constant 0 : i32
    %scan3A_64 = arith.constant 0 : i32
    %scan3A_65 = arith.constant 8 : i32
    %scan3A_66 = arith.addi %scan3A_64, %scan3A_65 : i32
    %scan3A_67 = arith.constant 1 : i32
    scf.for %scan3A_272 = %scan3A_64 to %scan3A_66 step %scan3A_67  : i32 {
      %mul3A_273 = arith.constant 4 : i32
      %mul3A_274 = arith.muli %mul3A_273, %scan3A_272 : i32
      %add3A_275 = arith.constant 0 : i32
      %add3A_276 = arith.addi %mul3A_274, %add3A_275 : i32
      %dma_wait3A = arith.constant 0 : i32
      %dma_wait3A_277 = arith.constant 0 : i32
      %dma_wait3A_278 = arith.constant 0 : i32
      %dma_wait3A_279 = arith.constant 0 : i32
      %dma_wait3A_280 = tpu.memref_slice %arg9[%dma_wait3A, %dma_wait3A_278, %dma_wait3A_279] : memref<4x80x128xf32, #tpu.memory_space<vmem>> -> memref<1x80x128xf32, #tpu.memory_space<vmem>>
      %dma_wait3A_281 = tpu.memref_squeeze %dma_wait3A_280 : memref<1x80x128xf32, #tpu.memory_space<vmem>> -> memref<80x128xf32, #tpu.memory_space<vmem>>
      %dma_wait3A_282 = arith.constant 0 : i32
      %dma_wait3A_283 = tpu.memref_slice %arg7[%add3A_276, %dma_wait3A_282] : memref<32x80xi32, #tpu.memory_space<vmem>> -> memref<1x80xi32, #tpu.memory_space<vmem>>
      %dma_wait3A_284 = tpu.memref_squeeze %dma_wait3A_283 : memref<1x80xi32, #tpu.memory_space<vmem>> -> memref<80xi32, #tpu.memory_space<vmem>>
      %dma_wait3A_285 = arith.constant 0 : i32
      %dma_wait3A_286 = arith.constant 0 : i32
      %dma_wait3A_287 = tpu.memref_slice %arg2[%dma_wait3A_285, %dma_wait3A_286] : memref<10000x128xf32, #tpu.memory_space<hbm>> -> memref<10000x128xf32, #tpu.memory_space<hbm>>
      %dma_wait3A_288 = tpu.memref_slice %arg11[%dma_wait3A_277] : memref<4x!tpu.dma_semaphore, #tpu.memory_space<semaphore_mem>> -> memref<1x!tpu.dma_semaphore, #tpu.memory_space<semaphore_mem>>
      %dma_wait3A_289 = tpu.memref_squeeze %dma_wait3A_288 : memref<1x!tpu.dma_semaphore, #tpu.memory_space<semaphore_mem>> -> memref<!tpu.dma_semaphore, #tpu.memory_space<semaphore_mem>>
      tpu.wait_indirect_dma semaphore(%dma_wait3A_289 : memref<!tpu.dma_semaphore, #tpu.memory_space<semaphore_mem>>) src(%dma_wait3A_287 : memref<10000x128xf32, #tpu.memory_space<hbm>>) dst(%dma_wait3A_281 : memref<80x128xf32, #tpu.memory_space<vmem>>)
      %dma_start3A_290 = arith.constant 0 : i32
      %dma_start3A_291 = arith.constant 0 : i32
      %dma_start3A_292 = arith.constant 0 : i32
      %dma_start3A_293 = arith.constant 0 : i32
      %dma_start3A_294 = tpu.memref_slice %arg9[%dma_start3A_290, %dma_start3A_292, %dma_start3A_293] : memref<4x80x128xf32, #tpu.memory_space<vmem>> -> memref<1x80x128xf32, #tpu.memory_space<vmem>>
      %dma_start3A_295 = tpu.memref_squeeze %dma_start3A_294 : memref<1x80x128xf32, #tpu.memory_space<vmem>> -> memref<80x128xf32, #tpu.memory_space<vmem>>
      %dma_start3A_296 = arith.constant 0 : i32
      %dma_start3A_297 = tpu.memref_slice %arg8[%add3A_276, %dma_start3A_296] : memref<32x80xi32, #tpu.memory_space<vmem>> -> memref<1x80xi32, #tpu.memory_space<vmem>>
      %dma_start3A_298 = tpu.memref_squeeze %dma_start3A_297 : memref<1x80xi32, #tpu.memory_space<vmem>> -> memref<80xi32, #tpu.memory_space<vmem>>
      %dma_start3A_299 = arith.constant 0 : i32
      %dma_start3A_300 = arith.constant 0 : i32
      %dma_start3A_301 = tpu.memref_slice %arg10[%dma_start3A_299, %dma_start3A_300] : memref<10240x128xf32, #tpu.memory_space<vmem_shared>> -> memref<10240x128xf32, #tpu.memory_space<vmem_shared>>
      %dma_start3A_302 = tpu.memref_slice %arg12[%dma_start3A_291] : memref<4x!tpu.dma_semaphore, #tpu.memory_space<semaphore_mem>> -> memref<1x!tpu.dma_semaphore, #tpu.memory_space<semaphore_mem>>
      %dma_start3A_303 = tpu.memref_squeeze %dma_start3A_302 : memref<1x!tpu.dma_semaphore, #tpu.memory_space<semaphore_mem>> -> memref<!tpu.dma_semaphore, #tpu.memory_space<semaphore_mem>>
      tpu.enqueue_indirect_dma source(%dma_start3A_295 : memref<80x128xf32, #tpu.memory_space<vmem>>) target(%dma_start3A_301 : memref<10240x128xf32, #tpu.memory_space<vmem_shared>>) offsets(%dma_start3A_298 : memref<80xi32, #tpu.memory_space<vmem>>) semaphore(%dma_start3A_303 : memref<!tpu.dma_semaphore, #tpu.memory_space<semaphore_mem>>) {add = true}
      %mul3A_304 = arith.constant 4 : i32
      %mul3A_305 = arith.muli %mul3A_304, %scan3A_272 : i32
      %add3A_306 = arith.constant 1 : i32
      %add3A_307 = arith.addi %mul3A_305, %add3A_306 : i32
      %dma_wait3A_308 = arith.constant 1 : i32
      %dma_wait3A_309 = arith.constant 1 : i32
      %dma_wait3A_310 = arith.constant 0 : i32
      %dma_wait3A_311 = arith.constant 0 : i32
      %dma_wait3A_312 = tpu.memref_slice %arg9[%dma_wait3A_308, %dma_wait3A_310, %dma_wait3A_311] : memref<4x80x128xf32, #tpu.memory_space<vmem>> -> memref<1x80x128xf32, #tpu.memory_space<vmem>>
      %dma_wait3A_313 = tpu.memref_squeeze %dma_wait3A_312 : memref<1x80x128xf32, #tpu.memory_space<vmem>> -> memref<80x128xf32, #tpu.memory_space<vmem>>
      %dma_wait3A_314 = arith.constant 0 : i32
      %dma_wait3A_315 = tpu.memref_slice %arg7[%add3A_307, %dma_wait3A_314] : memref<32x80xi32, #tpu.memory_space<vmem>> -> memref<1x80xi32, #tpu.memory_space<vmem>>
      %dma_wait3A_316 = tpu.memref_squeeze %dma_wait3A_315 : memref<1x80xi32, #tpu.memory_space<vmem>> -> memref<80xi32, #tpu.memory_space<vmem>>
      %dma_wait3A_317 = arith.constant 0 : i32
      %dma_wait3A_318 = arith.constant 0 : i32
      %dma_wait3A_319 = tpu.memref_slice %arg2[%dma_wait3A_317, %dma_wait3A_318] : memref<10000x128xf32, #tpu.memory_space<hbm>> -> memref<10000x128xf32, #tpu.memory_space<hbm>>
      %dma_wait3A_320 = tpu.memref_slice %arg11[%dma_wait3A_309] : memref<4x!tpu.dma_semaphore, #tpu.memory_space<semaphore_mem>> -> memref<1x!tpu.dma_semaphore, #tpu.memory_space<semaphore_mem>>
      %dma_wait3A_321 = tpu.memref_squeeze %dma_wait3A_320 : memref<1x!tpu.dma_semaphore, #tpu.memory_space<semaphore_mem>> -> memref<!tpu.dma_semaphore, #tpu.memory_space<semaphore_mem>>
      tpu.wait_indirect_dma semaphore(%dma_wait3A_321 : memref<!tpu.dma_semaphore, #tpu.memory_space<semaphore_mem>>) src(%dma_wait3A_319 : memref<10000x128xf32, #tpu.memory_space<hbm>>) dst(%dma_wait3A_313 : memref<80x128xf32, #tpu.memory_space<vmem>>)
      %dma_start3A_322 = arith.constant 1 : i32
      %dma_start3A_323 = arith.constant 1 : i32
      %dma_start3A_324 = arith.constant 0 : i32
      %dma_start3A_325 = arith.constant 0 : i32
      %dma_start3A_326 = tpu.memref_slice %arg9[%dma_start3A_322, %dma_start3A_324, %dma_start3A_325] : memref<4x80x128xf32, #tpu.memory_space<vmem>> -> memref<1x80x128xf32, #tpu.memory_space<vmem>>
      %dma_start3A_327 = tpu.memref_squeeze %dma_start3A_326 : memref<1x80x128xf32, #tpu.memory_space<vmem>> -> memref<80x128xf32, #tpu.memory_space<vmem>>
      %dma_start3A_328 = arith.constant 0 : i32
      %dma_start3A_329 = tpu.memref_slice %arg8[%add3A_307, %dma_start3A_328] : memref<32x80xi32, #tpu.memory_space<vmem>> -> memref<1x80xi32, #tpu.memory_space<vmem>>
      %dma_start3A_330 = tpu.memref_squeeze %dma_start3A_329 : memref<1x80xi32, #tpu.memory_space<vmem>> -> memref<80xi32, #tpu.memory_space<vmem>>
      %dma_start3A_331 = arith.constant 0 : i32
      %dma_start3A_332 = arith.constant 0 : i32
      %dma_start3A_333 = tpu.memref_slice %arg10[%dma_start3A_331, %dma_start3A_332] : memref<10240x128xf32, #tpu.memory_space<vmem_shared>> -> memref<10240x128xf32, #tpu.memory_space<vmem_shared>>
      %dma_start3A_334 = tpu.memref_slice %arg12[%dma_start3A_323] : memref<4x!tpu.dma_semaphore, #tpu.memory_space<semaphore_mem>> -> memref<1x!tpu.dma_semaphore, #tpu.memory_space<semaphore_mem>>
      %dma_start3A_335 = tpu.memref_squeeze %dma_start3A_334 : memref<1x!tpu.dma_semaphore, #tpu.memory_space<semaphore_mem>> -> memref<!tpu.dma_semaphore, #tpu.memory_space<semaphore_mem>>
      tpu.enqueue_indirect_dma source(%dma_start3A_327 : memref<80x128xf32, #tpu.memory_space<vmem>>) target(%dma_start3A_333 : memref<10240x128xf32, #tpu.memory_space<vmem_shared>>) offsets(%dma_start3A_330 : memref<80xi32, #tpu.memory_space<vmem>>) semaphore(%dma_start3A_335 : memref<!tpu.dma_semaphore, #tpu.memory_space<semaphore_mem>>) {add = true}
      %mul3A_336 = arith.constant 4 : i32
      %mul3A_337 = arith.muli %mul3A_336, %scan3A_272 : i32
      %add3A_338 = arith.constant 2 : i32
      %add3A_339 = arith.addi %mul3A_337, %add3A_338 : i32
      %dma_wait3A_340 = arith.constant 2 : i32
      %dma_wait3A_341 = arith.constant 2 : i32
      %dma_wait3A_342 = arith.constant 0 : i32
      %dma_wait3A_343 = arith.constant 0 : i32
      %dma_wait3A_344 = tpu.memref_slice %arg9[%dma_wait3A_340, %dma_wait3A_342, %dma_wait3A_343] : memref<4x80x128xf32, #tpu.memory_space<vmem>> -> memref<1x80x128xf32, #tpu.memory_space<vmem>>
      %dma_wait3A_345 = tpu.memref_squeeze %dma_wait3A_344 : memref<1x80x128xf32, #tpu.memory_space<vmem>> -> memref<80x128xf32, #tpu.memory_space<vmem>>
      %dma_wait3A_346 = arith.constant 0 : i32
      %dma_wait3A_347 = tpu.memref_slice %arg7[%add3A_339, %dma_wait3A_346] : memref<32x80xi32, #tpu.memory_space<vmem>> -> memref<1x80xi32, #tpu.memory_space<vmem>>
      %dma_wait3A_348 = tpu.memref_squeeze %dma_wait3A_347 : memref<1x80xi32, #tpu.memory_space<vmem>> -> memref<80xi32, #tpu.memory_space<vmem>>
      %dma_wait3A_349 = arith.constant 0 : i32
      %dma_wait3A_350 = arith.constant 0 : i32
      %dma_wait3A_351 = tpu.memref_slice %arg2[%dma_wait3A_349, %dma_wait3A_350] : memref<10000x128xf32, #tpu.memory_space<hbm>> -> memref<10000x128xf32, #tpu.memory_space<hbm>>
      %dma_wait3A_352 = tpu.memref_slice %arg11[%dma_wait3A_341] : memref<4x!tpu.dma_semaphore, #tpu.memory_space<semaphore_mem>> -> memref<1x!tpu.dma_semaphore, #tpu.memory_space<semaphore_mem>>
      %dma_wait3A_353 = tpu.memref_squeeze %dma_wait3A_352 : memref<1x!tpu.dma_semaphore, #tpu.memory_space<semaphore_mem>> -> memref<!tpu.dma_semaphore, #tpu.memory_space<semaphore_mem>>
      tpu.wait_indirect_dma semaphore(%dma_wait3A_353 : memref<!tpu.dma_semaphore, #tpu.memory_space<semaphore_mem>>) src(%dma_wait3A_351 : memref<10000x128xf32, #tpu.memory_space<hbm>>) dst(%dma_wait3A_345 : memref<80x128xf32, #tpu.memory_space<vmem>>)
      %dma_start3A_354 = arith.constant 2 : i32
      %dma_start3A_355 = arith.constant 2 : i32
      %dma_start3A_356 = arith.constant 0 : i32
      %dma_start3A_357 = arith.constant 0 : i32
      %dma_start3A_358 = tpu.memref_slice %arg9[%dma_start3A_354, %dma_start3A_356, %dma_start3A_357] : memref<4x80x128xf32, #tpu.memory_space<vmem>> -> memref<1x80x128xf32, #tpu.memory_space<vmem>>
      %dma_start3A_359 = tpu.memref_squeeze %dma_start3A_358 : memref<1x80x128xf32, #tpu.memory_space<vmem>> -> memref<80x128xf32, #tpu.memory_space<vmem>>
      %dma_start3A_360 = arith.constant 0 : i32
      %dma_start3A_361 = tpu.memref_slice %arg8[%add3A_339, %dma_start3A_360] : memref<32x80xi32, #tpu.memory_space<vmem>> -> memref<1x80xi32, #tpu.memory_space<vmem>>
      %dma_start3A_362 = tpu.memref_squeeze %dma_start3A_361 : memref<1x80xi32, #tpu.memory_space<vmem>> -> memref<80xi32, #tpu.memory_space<vmem>>
      %dma_start3A_363 = arith.constant 0 : i32
      %dma_start3A_364 = arith.constant 0 : i32
      %dma_start3A_365 = tpu.memref_slice %arg10[%dma_start3A_363, %dma_start3A_364] : memref<10240x128xf32, #tpu.memory_space<vmem_shared>> -> memref<10240x128xf32, #tpu.memory_space<vmem_shared>>
      %dma_start3A_366 = tpu.memref_slice %arg12[%dma_start3A_355] : memref<4x!tpu.dma_semaphore, #tpu.memory_space<semaphore_mem>> -> memref<1x!tpu.dma_semaphore, #tpu.memory_space<semaphore_mem>>
      %dma_start3A_367 = tpu.memref_squeeze %dma_start3A_366 : memref<1x!tpu.dma_semaphore, #tpu.memory_space<semaphore_mem>> -> memref<!tpu.dma_semaphore, #tpu.memory_space<semaphore_mem>>
      tpu.enqueue_indirect_dma source(%dma_start3A_359 : memref<80x128xf32, #tpu.memory_space<vmem>>) target(%dma_start3A_365 : memref<10240x128xf32, #tpu.memory_space<vmem_shared>>) offsets(%dma_start3A_362 : memref<80xi32, #tpu.memory_space<vmem>>) semaphore(%dma_start3A_367 : memref<!tpu.dma_semaphore, #tpu.memory_space<semaphore_mem>>) {add = true}
      %mul3A_368 = arith.constant 4 : i32
      %mul3A_369 = arith.muli %mul3A_368, %scan3A_272 : i32
      %add3A_370 = arith.constant 3 : i32
      %add3A_371 = arith.addi %mul3A_369, %add3A_370 : i32
      %dma_wait3A_372 = arith.constant 3 : i32
      %dma_wait3A_373 = arith.constant 3 : i32
      %dma_wait3A_374 = arith.constant 0 : i32
      %dma_wait3A_375 = arith.constant 0 : i32
      %dma_wait3A_376 = tpu.memref_slice %arg9[%dma_wait3A_372, %dma_wait3A_374, %dma_wait3A_375] : memref<4x80x128xf32, #tpu.memory_space<vmem>> -> memref<1x80x128xf32, #tpu.memory_space<vmem>>
      %dma_wait3A_377 = tpu.memref_squeeze %dma_wait3A_376 : memref<1x80x128xf32, #tpu.memory_space<vmem>> -> memref<80x128xf32, #tpu.memory_space<vmem>>
      %dma_wait3A_378 = arith.constant 0 : i32
      %dma_wait3A_379 = tpu.memref_slice %arg7[%add3A_371, %dma_wait3A_378] : memref<32x80xi32, #tpu.memory_space<vmem>> -> memref<1x80xi32, #tpu.memory_space<vmem>>
      %dma_wait3A_380 = tpu.memref_squeeze %dma_wait3A_379 : memref<1x80xi32, #tpu.memory_space<vmem>> -> memref<80xi32, #tpu.memory_space<vmem>>
      %dma_wait3A_381 = arith.constant 0 : i32
      %dma_wait3A_382 = arith.constant 0 : i32
      %dma_wait3A_383 = tpu.memref_slice %arg2[%dma_wait3A_381, %dma_wait3A_382] : memref<10000x128xf32, #tpu.memory_space<hbm>> -> memref<10000x128xf32, #tpu.memory_space<hbm>>
      %dma_wait3A_384 = tpu.memref_slice %arg11[%dma_wait3A_373] : memref<4x!tpu.dma_semaphore, #tpu.memory_space<semaphore_mem>> -> memref<1x!tpu.dma_semaphore, #tpu.memory_space<semaphore_mem>>
      %dma_wait3A_385 = tpu.memref_squeeze %dma_wait3A_384 : memref<1x!tpu.dma_semaphore, #tpu.memory_space<semaphore_mem>> -> memref<!tpu.dma_semaphore, #tpu.memory_space<semaphore_mem>>
      tpu.wait_indirect_dma semaphore(%dma_wait3A_385 : memref<!tpu.dma_semaphore, #tpu.memory_space<semaphore_mem>>) src(%dma_wait3A_383 : memref<10000x128xf32, #tpu.memory_space<hbm>>) dst(%dma_wait3A_377 : memref<80x128xf32, #tpu.memory_space<vmem>>)
      %dma_start3A_386 = arith.constant 3 : i32
      %dma_start3A_387 = arith.constant 3 : i32
      %dma_start3A_388 = arith.constant 0 : i32
      %dma_start3A_389 = arith.constant 0 : i32
      %dma_start3A_390 = tpu.memref_slice %arg9[%dma_start3A_386, %dma_start3A_388, %dma_start3A_389] : memref<4x80x128xf32, #tpu.memory_space<vmem>> -> memref<1x80x128xf32, #tpu.memory_space<vmem>>
      %dma_start3A_391 = tpu.memref_squeeze %dma_start3A_390 : memref<1x80x128xf32, #tpu.memory_space<vmem>> -> memref<80x128xf32, #tpu.memory_space<vmem>>
      %dma_start3A_392 = arith.constant 0 : i32
      %dma_start3A_393 = tpu.memref_slice %arg8[%add3A_371, %dma_start3A_392] : memref<32x80xi32, #tpu.memory_space<vmem>> -> memref<1x80xi32, #tpu.memory_space<vmem>>
      %dma_start3A_394 = tpu.memref_squeeze %dma_start3A_393 : memref<1x80xi32, #tpu.memory_space<vmem>> -> memref<80xi32, #tpu.memory_space<vmem>>
      %dma_start3A_395 = arith.constant 0 : i32
      %dma_start3A_396 = arith.constant 0 : i32
      %dma_start3A_397 = tpu.memref_slice %arg10[%dma_start3A_395, %dma_start3A_396] : memref<10240x128xf32, #tpu.memory_space<vmem_shared>> -> memref<10240x128xf32, #tpu.memory_space<vmem_shared>>
      %dma_start3A_398 = tpu.memref_slice %arg12[%dma_start3A_387] : memref<4x!tpu.dma_semaphore, #tpu.memory_space<semaphore_mem>> -> memref<1x!tpu.dma_semaphore, #tpu.memory_space<semaphore_mem>>
      %dma_start3A_399 = tpu.memref_squeeze %dma_start3A_398 : memref<1x!tpu.dma_semaphore, #tpu.memory_space<semaphore_mem>> -> memref<!tpu.dma_semaphore, #tpu.memory_space<semaphore_mem>>
      tpu.enqueue_indirect_dma source(%dma_start3A_391 : memref<80x128xf32, #tpu.memory_space<vmem>>) target(%dma_start3A_397 : memref<10240x128xf32, #tpu.memory_space<vmem_shared>>) offsets(%dma_start3A_394 : memref<80xi32, #tpu.memory_space<vmem>>) semaphore(%dma_start3A_399 : memref<!tpu.dma_semaphore, #tpu.memory_space<semaphore_mem>>) {add = true}
      %mul3A_400 = arith.constant 4 : i32
      %mul3A_401 = arith.muli %mul3A_400, %scan3A_272 : i32
      %add3A_402 = arith.constant 0 : i32
      %add3A_403 = arith.addi %mul3A_401, %add3A_402 : i32
      %dma_wait3A_404 = arith.constant 0 : i32
      %dma_wait3A_405 = arith.constant 0 : i32
      %dma_wait3A_406 = arith.constant 0 : i32
      %dma_wait3A_407 = arith.constant 0 : i32
      %dma_wait3A_408 = tpu.memref_slice %arg9[%dma_wait3A_404, %dma_wait3A_406, %dma_wait3A_407] : memref<4x80x128xf32, #tpu.memory_space<vmem>> -> memref<1x80x128xf32, #tpu.memory_space<vmem>>
      %dma_wait3A_409 = tpu.memref_squeeze %dma_wait3A_408 : memref<1x80x128xf32, #tpu.memory_space<vmem>> -> memref<80x128xf32, #tpu.memory_space<vmem>>
      %dma_wait3A_410 = arith.constant 0 : i32
      %dma_wait3A_411 = tpu.memref_slice %arg8[%add3A_403, %dma_wait3A_410] : memref<32x80xi32, #tpu.memory_space<vmem>> -> memref<1x80xi32, #tpu.memory_space<vmem>>
      %dma_wait3A_412 = tpu.memref_squeeze %dma_wait3A_411 : memref<1x80xi32, #tpu.memory_space<vmem>> -> memref<80xi32, #tpu.memory_space<vmem>>
      %dma_wait3A_413 = arith.constant 0 : i32
      %dma_wait3A_414 = arith.constant 0 : i32
      %dma_wait3A_415 = tpu.memref_slice %arg10[%dma_wait3A_413, %dma_wait3A_414] : memref<10240x128xf32, #tpu.memory_space<vmem_shared>> -> memref<10240x128xf32, #tpu.memory_space<vmem_shared>>
      %dma_wait3A_416 = tpu.memref_slice %arg12[%dma_wait3A_405] : memref<4x!tpu.dma_semaphore, #tpu.memory_space<semaphore_mem>> -> memref<1x!tpu.dma_semaphore, #tpu.memory_space<semaphore_mem>>
      %dma_wait3A_417 = tpu.memref_squeeze %dma_wait3A_416 : memref<1x!tpu.dma_semaphore, #tpu.memory_space<semaphore_mem>> -> memref<!tpu.dma_semaphore, #tpu.memory_space<semaphore_mem>>
      tpu.wait_indirect_dma semaphore(%dma_wait3A_417 : memref<!tpu.dma_semaphore, #tpu.memory_space<semaphore_mem>>) src(%dma_wait3A_409 : memref<80x128xf32, #tpu.memory_space<vmem>>) dst(%dma_wait3A_415 : memref<10240x128xf32, #tpu.memory_space<vmem_shared>>)
      %add3A_418 = arith.constant 1 : i32
      %add3A_419 = arith.addi %scan3A_272, %add3A_418 : i32
      %lt3A = arith.constant 8 : i32
      %lt3A_420 = arith.cmpi slt, %add3A_419, %lt3A : i32
      %convert_element_type3A = arith.extui %lt3A_420 : i1 to i32
      %cond3A = arith.constant 0 : i32
      %cond3A_421 = arith.cmpi ne, %convert_element_type3A, %cond3A : i32
      scf.if %cond3A_421 {
        %add3A_497 = arith.constant 4 : i32
        %add3A_498 = arith.addi %add3A_403, %add3A_497 : i32
        %dma_start3A_499 = arith.constant 0 : i32
        %dma_start3A_500 = arith.constant 0 : i32
        %dma_start3A_501 = arith.constant 0 : i32
        %dma_start3A_502 = arith.constant 0 : i32
        %dma_start3A_503 = tpu.memref_slice %arg9[%dma_start3A_499, %dma_start3A_501, %dma_start3A_502] : memref<4x80x128xf32, #tpu.memory_space<vmem>> -> memref<1x80x128xf32, #tpu.memory_space<vmem>>
        %dma_start3A_504 = tpu.memref_squeeze %dma_start3A_503 : memref<1x80x128xf32, #tpu.memory_space<vmem>> -> memref<80x128xf32, #tpu.memory_space<vmem>>
        %dma_start3A_505 = arith.constant 0 : i32
        %dma_start3A_506 = tpu.memref_slice %arg7[%add3A_498, %dma_start3A_505] : memref<32x80xi32, #tpu.memory_space<vmem>> -> memref<1x80xi32, #tpu.memory_space<vmem>>
        %dma_start3A_507 = tpu.memref_squeeze %dma_start3A_506 : memref<1x80xi32, #tpu.memory_space<vmem>> -> memref<80xi32, #tpu.memory_space<vmem>>
        %dma_start3A_508 = arith.constant 0 : i32
        %dma_start3A_509 = arith.constant 0 : i32
        %dma_start3A_510 = tpu.memref_slice %arg2[%dma_start3A_508, %dma_start3A_509] : memref<10000x128xf32, #tpu.memory_space<hbm>> -> memref<10000x128xf32, #tpu.memory_space<hbm>>
        %dma_start3A_511 = tpu.memref_slice %arg11[%dma_start3A_500] : memref<4x!tpu.dma_semaphore, #tpu.memory_space<semaphore_mem>> -> memref<1x!tpu.dma_semaphore, #tpu.memory_space<semaphore_mem>>
        %dma_start3A_512 = tpu.memref_squeeze %dma_start3A_511 : memref<1x!tpu.dma_semaphore, #tpu.memory_space<semaphore_mem>> -> memref<!tpu.dma_semaphore, #tpu.memory_space<semaphore_mem>>
        tpu.enqueue_indirect_dma source(%dma_start3A_510 : memref<10000x128xf32, #tpu.memory_space<hbm>>) target(%dma_start3A_504 : memref<80x128xf32, #tpu.memory_space<vmem>>) offsets(%dma_start3A_507 : memref<80xi32, #tpu.memory_space<vmem>>) semaphore(%dma_start3A_512 : memref<!tpu.dma_semaphore, #tpu.memory_space<semaphore_mem>>)
      } else {
      }
      %mul3A_422 = arith.constant 4 : i32
      %mul3A_423 = arith.muli %mul3A_422, %scan3A_272 : i32
      %add3A_424 = arith.constant 1 : i32
      %add3A_425 = arith.addi %mul3A_423, %add3A_424 : i32
      %dma_wait3A_426 = arith.constant 1 : i32
      %dma_wait3A_427 = arith.constant 1 : i32
      %dma_wait3A_428 = arith.constant 0 : i32
      %dma_wait3A_429 = arith.constant 0 : i32
      %dma_wait3A_430 = tpu.memref_slice %arg9[%dma_wait3A_426, %dma_wait3A_428, %dma_wait3A_429] : memref<4x80x128xf32, #tpu.memory_space<vmem>> -> memref<1x80x128xf32, #tpu.memory_space<vmem>>
      %dma_wait3A_431 = tpu.memref_squeeze %dma_wait3A_430 : memref<1x80x128xf32, #tpu.memory_space<vmem>> -> memref<80x128xf32, #tpu.memory_space<vmem>>
      %dma_wait3A_432 = arith.constant 0 : i32
      %dma_wait3A_433 = tpu.memref_slice %arg8[%add3A_425, %dma_wait3A_432] : memref<32x80xi32, #tpu.memory_space<vmem>> -> memref<1x80xi32, #tpu.memory_space<vmem>>
      %dma_wait3A_434 = tpu.memref_squeeze %dma_wait3A_433 : memref<1x80xi32, #tpu.memory_space<vmem>> -> memref<80xi32, #tpu.memory_space<vmem>>
      %dma_wait3A_435 = arith.constant 0 : i32
      %dma_wait3A_436 = arith.constant 0 : i32
      %dma_wait3A_437 = tpu.memref_slice %arg10[%dma_wait3A_435, %dma_wait3A_436] : memref<10240x128xf32, #tpu.memory_space<vmem_shared>> -> memref<10240x128xf32, #tpu.memory_space<vmem_shared>>
      %dma_wait3A_438 = tpu.memref_slice %arg12[%dma_wait3A_427] : memref<4x!tpu.dma_semaphore, #tpu.memory_space<semaphore_mem>> -> memref<1x!tpu.dma_semaphore, #tpu.memory_space<semaphore_mem>>
      %dma_wait3A_439 = tpu.memref_squeeze %dma_wait3A_438 : memref<1x!tpu.dma_semaphore, #tpu.memory_space<semaphore_mem>> -> memref<!tpu.dma_semaphore, #tpu.memory_space<semaphore_mem>>
      tpu.wait_indirect_dma semaphore(%dma_wait3A_439 : memref<!tpu.dma_semaphore, #tpu.memory_space<semaphore_mem>>) src(%dma_wait3A_431 : memref<80x128xf32, #tpu.memory_space<vmem>>) dst(%dma_wait3A_437 : memref<10240x128xf32, #tpu.memory_space<vmem_shared>>)
      %add3A_440 = arith.constant 1 : i32
      %add3A_441 = arith.addi %scan3A_272, %add3A_440 : i32
      %lt3A_442 = arith.constant 8 : i32
      %lt3A_443 = arith.cmpi slt, %add3A_441, %lt3A_442 : i32
      %convert_element_type3A_444 = arith.extui %lt3A_443 : i1 to i32
      %cond3A_445 = arith.constant 0 : i32
      %cond3A_446 = arith.cmpi ne, %convert_element_type3A_444, %cond3A_445 : i32
      scf.if %cond3A_446 {
        %add3A_497 = arith.constant 4 : i32
        %add3A_498 = arith.addi %add3A_425, %add3A_497 : i32
        %dma_start3A_499 = arith.constant 1 : i32
        %dma_start3A_500 = arith.constant 1 : i32
        %dma_start3A_501 = arith.constant 0 : i32
        %dma_start3A_502 = arith.constant 0 : i32
        %dma_start3A_503 = tpu.memref_slice %arg9[%dma_start3A_499, %dma_start3A_501, %dma_start3A_502] : memref<4x80x128xf32, #tpu.memory_space<vmem>> -> memref<1x80x128xf32, #tpu.memory_space<vmem>>
        %dma_start3A_504 = tpu.memref_squeeze %dma_start3A_503 : memref<1x80x128xf32, #tpu.memory_space<vmem>> -> memref<80x128xf32, #tpu.memory_space<vmem>>
        %dma_start3A_505 = arith.constant 0 : i32
        %dma_start3A_506 = tpu.memref_slice %arg7[%add3A_498, %dma_start3A_505] : memref<32x80xi32, #tpu.memory_space<vmem>> -> memref<1x80xi32, #tpu.memory_space<vmem>>
        %dma_start3A_507 = tpu.memref_squeeze %dma_start3A_506 : memref<1x80xi32, #tpu.memory_space<vmem>> -> memref<80xi32, #tpu.memory_space<vmem>>
        %dma_start3A_508 = arith.constant 0 : i32
        %dma_start3A_509 = arith.constant 0 : i32
        %dma_start3A_510 = tpu.memref_slice %arg2[%dma_start3A_508, %dma_start3A_509] : memref<10000x128xf32, #tpu.memory_space<hbm>> -> memref<10000x128xf32, #tpu.memory_space<hbm>>
        %dma_start3A_511 = tpu.memref_slice %arg11[%dma_start3A_500] : memref<4x!tpu.dma_semaphore, #tpu.memory_space<semaphore_mem>> -> memref<1x!tpu.dma_semaphore, #tpu.memory_space<semaphore_mem>>
        %dma_start3A_512 = tpu.memref_squeeze %dma_start3A_511 : memref<1x!tpu.dma_semaphore, #tpu.memory_space<semaphore_mem>> -> memref<!tpu.dma_semaphore, #tpu.memory_space<semaphore_mem>>
        tpu.enqueue_indirect_dma source(%dma_start3A_510 : memref<10000x128xf32, #tpu.memory_space<hbm>>) target(%dma_start3A_504 : memref<80x128xf32, #tpu.memory_space<vmem>>) offsets(%dma_start3A_507 : memref<80xi32, #tpu.memory_space<vmem>>) semaphore(%dma_start3A_512 : memref<!tpu.dma_semaphore, #tpu.memory_space<semaphore_mem>>)
      } else {
      }
      %mul3A_447 = arith.constant 4 : i32
      %mul3A_448 = arith.muli %mul3A_447, %scan3A_272 : i32
      %add3A_449 = arith.constant 2 : i32
      %add3A_450 = arith.addi %mul3A_448, %add3A_449 : i32
      %dma_wait3A_451 = arith.constant 2 : i32
      %dma_wait3A_452 = arith.constant 2 : i32
      %dma_wait3A_453 = arith.constant 0 : i32
      %dma_wait3A_454 = arith.constant 0 : i32
      %dma_wait3A_455 = tpu.memref_slice %arg9[%dma_wait3A_451, %dma_wait3A_453, %dma_wait3A_454] : memref<4x80x128xf32, #tpu.memory_space<vmem>> -> memref<1x80x128xf32, #tpu.memory_space<vmem>>
      %dma_wait3A_456 = tpu.memref_squeeze %dma_wait3A_455 : memref<1x80x128xf32, #tpu.memory_space<vmem>> -> memref<80x128xf32, #tpu.memory_space<vmem>>
      %dma_wait3A_457 = arith.constant 0 : i32
      %dma_wait3A_458 = tpu.memref_slice %arg8[%add3A_450, %dma_wait3A_457] : memref<32x80xi32, #tpu.memory_space<vmem>> -> memref<1x80xi32, #tpu.memory_space<vmem>>
      %dma_wait3A_459 = tpu.memref_squeeze %dma_wait3A_458 : memref<1x80xi32, #tpu.memory_space<vmem>> -> memref<80xi32, #tpu.memory_space<vmem>>
      %dma_wait3A_460 = arith.constant 0 : i32
      %dma_wait3A_461 = arith.constant 0 : i32
      %dma_wait3A_462 = tpu.memref_slice %arg10[%dma_wait3A_460, %dma_wait3A_461] : memref<10240x128xf32, #tpu.memory_space<vmem_shared>> -> memref<10240x128xf32, #tpu.memory_space<vmem_shared>>
      %dma_wait3A_463 = tpu.memref_slice %arg12[%dma_wait3A_452] : memref<4x!tpu.dma_semaphore, #tpu.memory_space<semaphore_mem>> -> memref<1x!tpu.dma_semaphore, #tpu.memory_space<semaphore_mem>>
      %dma_wait3A_464 = tpu.memref_squeeze %dma_wait3A_463 : memref<1x!tpu.dma_semaphore, #tpu.memory_space<semaphore_mem>> -> memref<!tpu.dma_semaphore, #tpu.memory_space<semaphore_mem>>
      tpu.wait_indirect_dma semaphore(%dma_wait3A_464 : memref<!tpu.dma_semaphore, #tpu.memory_space<semaphore_mem>>) src(%dma_wait3A_456 : memref<80x128xf32, #tpu.memory_space<vmem>>) dst(%dma_wait3A_462 : memref<10240x128xf32, #tpu.memory_space<vmem_shared>>)
      %add3A_465 = arith.constant 1 : i32
      %add3A_466 = arith.addi %scan3A_272, %add3A_465 : i32
      %lt3A_467 = arith.constant 8 : i32
      %lt3A_468 = arith.cmpi slt, %add3A_466, %lt3A_467 : i32
      %convert_element_type3A_469 = arith.extui %lt3A_468 : i1 to i32
      %cond3A_470 = arith.constant 0 : i32
      %cond3A_471 = arith.cmpi ne, %convert_element_type3A_469, %cond3A_470 : i32
      scf.if %cond3A_471 {
        %add3A_497 = arith.constant 4 : i32
        %add3A_498 = arith.addi %add3A_450, %add3A_497 : i32
        %dma_start3A_499 = arith.constant 2 : i32
        %dma_start3A_500 = arith.constant 2 : i32
        %dma_start3A_501 = arith.constant 0 : i32
        %dma_start3A_502 = arith.constant 0 : i32
        %dma_start3A_503 = tpu.memref_slice %arg9[%dma_start3A_499, %dma_start3A_501, %dma_start3A_502] : memref<4x80x128xf32, #tpu.memory_space<vmem>> -> memref<1x80x128xf32, #tpu.memory_space<vmem>>
        %dma_start3A_504 = tpu.memref_squeeze %dma_start3A_503 : memref<1x80x128xf32, #tpu.memory_space<vmem>> -> memref<80x128xf32, #tpu.memory_space<vmem>>
        %dma_start3A_505 = arith.constant 0 : i32
        %dma_start3A_506 = tpu.memref_slice %arg7[%add3A_498, %dma_start3A_505] : memref<32x80xi32, #tpu.memory_space<vmem>> -> memref<1x80xi32, #tpu.memory_space<vmem>>
        %dma_start3A_507 = tpu.memref_squeeze %dma_start3A_506 : memref<1x80xi32, #tpu.memory_space<vmem>> -> memref<80xi32, #tpu.memory_space<vmem>>
        %dma_start3A_508 = arith.constant 0 : i32
        %dma_start3A_509 = arith.constant 0 : i32
        %dma_start3A_510 = tpu.memref_slice %arg2[%dma_start3A_508, %dma_start3A_509] : memref<10000x128xf32, #tpu.memory_space<hbm>> -> memref<10000x128xf32, #tpu.memory_space<hbm>>
        %dma_start3A_511 = tpu.memref_slice %arg11[%dma_start3A_500] : memref<4x!tpu.dma_semaphore, #tpu.memory_space<semaphore_mem>> -> memref<1x!tpu.dma_semaphore, #tpu.memory_space<semaphore_mem>>
        %dma_start3A_512 = tpu.memref_squeeze %dma_start3A_511 : memref<1x!tpu.dma_semaphore, #tpu.memory_space<semaphore_mem>> -> memref<!tpu.dma_semaphore, #tpu.memory_space<semaphore_mem>>
        tpu.enqueue_indirect_dma source(%dma_start3A_510 : memref<10000x128xf32, #tpu.memory_space<hbm>>) target(%dma_start3A_504 : memref<80x128xf32, #tpu.memory_space<vmem>>) offsets(%dma_start3A_507 : memref<80xi32, #tpu.memory_space<vmem>>) semaphore(%dma_start3A_512 : memref<!tpu.dma_semaphore, #tpu.memory_space<semaphore_mem>>)
      } else {
      }
      %mul3A_472 = arith.constant 4 : i32
      %mul3A_473 = arith.muli %mul3A_472, %scan3A_272 : i32
      %add3A_474 = arith.constant 3 : i32
      %add3A_475 = arith.addi %mul3A_473, %add3A_474 : i32
      %dma_wait3A_476 = arith.constant 3 : i32
      %dma_wait3A_477 = arith.constant 3 : i32
      %dma_wait3A_478 = arith.constant 0 : i32
      %dma_wait3A_479 = arith.constant 0 : i32
      %dma_wait3A_480 = tpu.memref_slice %arg9[%dma_wait3A_476, %dma_wait3A_478, %dma_wait3A_479] : memref<4x80x128xf32, #tpu.memory_space<vmem>> -> memref<1x80x128xf32, #tpu.memory_space<vmem>>
      %dma_wait3A_481 = tpu.memref_squeeze %dma_wait3A_480 : memref<1x80x128xf32, #tpu.memory_space<vmem>> -> memref<80x128xf32, #tpu.memory_space<vmem>>
      %dma_wait3A_482 = arith.constant 0 : i32
      %dma_wait3A_483 = tpu.memref_slice %arg8[%add3A_475, %dma_wait3A_482] : memref<32x80xi32, #tpu.memory_space<vmem>> -> memref<1x80xi32, #tpu.memory_space<vmem>>
      %dma_wait3A_484 = tpu.memref_squeeze %dma_wait3A_483 : memref<1x80xi32, #tpu.memory_space<vmem>> -> memref<80xi32, #tpu.memory_space<vmem>>
      %dma_wait3A_485 = arith.constant 0 : i32
      %dma_wait3A_486 = arith.constant 0 : i32
      %dma_wait3A_487 = tpu.memref_slice %arg10[%dma_wait3A_485, %dma_wait3A_486] : memref<10240x128xf32, #tpu.memory_space<vmem_shared>> -> memref<10240x128xf32, #tpu.memory_space<vmem_shared>>
      %dma_wait3A_488 = tpu.memref_slice %arg12[%dma_wait3A_477] : memref<4x!tpu.dma_semaphore, #tpu.memory_space<semaphore_mem>> -> memref<1x!tpu.dma_semaphore, #tpu.memory_space<semaphore_mem>>
      %dma_wait3A_489 = tpu.memref_squeeze %dma_wait3A_488 : memref<1x!tpu.dma_semaphore, #tpu.memory_space<semaphore_mem>> -> memref<!tpu.dma_semaphore, #tpu.memory_space<semaphore_mem>>
      tpu.wait_indirect_dma semaphore(%dma_wait3A_489 : memref<!tpu.dma_semaphore, #tpu.memory_space<semaphore_mem>>) src(%dma_wait3A_481 : memref<80x128xf32, #tpu.memory_space<vmem>>) dst(%dma_wait3A_487 : memref<10240x128xf32, #tpu.memory_space<vmem_shared>>)
      %add3A_490 = arith.constant 1 : i32
      %add3A_491 = arith.addi %scan3A_272, %add3A_490 : i32
      %lt3A_492 = arith.constant 8 : i32
      %lt3A_493 = arith.cmpi slt, %add3A_491, %lt3A_492 : i32
      %convert_element_type3A_494 = arith.extui %lt3A_493 : i1 to i32
      %cond3A_495 = arith.constant 0 : i32
      %cond3A_496 = arith.cmpi ne, %convert_element_type3A_494, %cond3A_495 : i32
      scf.if %cond3A_496 {
        %add3A_497 = arith.constant 4 : i32
        %add3A_498 = arith.addi %add3A_475, %add3A_497 : i32
        %dma_start3A_499 = arith.constant 3 : i32
        %dma_start3A_500 = arith.constant 3 : i32
        %dma_start3A_501 = arith.constant 0 : i32
        %dma_start3A_502 = arith.constant 0 : i32
        %dma_start3A_503 = tpu.memref_slice %arg9[%dma_start3A_499, %dma_start3A_501, %dma_start3A_502] : memref<4x80x128xf32, #tpu.memory_space<vmem>> -> memref<1x80x128xf32, #tpu.memory_space<vmem>>
        %dma_start3A_504 = tpu.memref_squeeze %dma_start3A_503 : memref<1x80x128xf32, #tpu.memory_space<vmem>> -> memref<80x128xf32, #tpu.memory_space<vmem>>
        %dma_start3A_505 = arith.constant 0 : i32
        %dma_start3A_506 = tpu.memref_slice %arg7[%add3A_498, %dma_start3A_505] : memref<32x80xi32, #tpu.memory_space<vmem>> -> memref<1x80xi32, #tpu.memory_space<vmem>>
        %dma_start3A_507 = tpu.memref_squeeze %dma_start3A_506 : memref<1x80xi32, #tpu.memory_space<vmem>> -> memref<80xi32, #tpu.memory_space<vmem>>
        %dma_start3A_508 = arith.constant 0 : i32
        %dma_start3A_509 = arith.constant 0 : i32
        %dma_start3A_510 = tpu.memref_slice %arg2[%dma_start3A_508, %dma_start3A_509] : memref<10000x128xf32, #tpu.memory_space<hbm>> -> memref<10000x128xf32, #tpu.memory_space<hbm>>
        %dma_start3A_511 = tpu.memref_slice %arg11[%dma_start3A_500] : memref<4x!tpu.dma_semaphore, #tpu.memory_space<semaphore_mem>> -> memref<1x!tpu.dma_semaphore, #tpu.memory_space<semaphore_mem>>
        %dma_start3A_512 = tpu.memref_squeeze %dma_start3A_511 : memref<1x!tpu.dma_semaphore, #tpu.memory_space<semaphore_mem>> -> memref<!tpu.dma_semaphore, #tpu.memory_space<semaphore_mem>>
        tpu.enqueue_indirect_dma source(%dma_start3A_510 : memref<10000x128xf32, #tpu.memory_space<hbm>>) target(%dma_start3A_504 : memref<80x128xf32, #tpu.memory_space<vmem>>) offsets(%dma_start3A_507 : memref<80xi32, #tpu.memory_space<vmem>>) semaphore(%dma_start3A_512 : memref<!tpu.dma_semaphore, #tpu.memory_space<semaphore_mem>>)
      } else {
      }
    }
    %scan3A_68 = arith.constant 8 : i32
    "tpu.region"() ({
      %run_scoped3A = tpu.sem_alloc : memref<!tpu.dma_semaphore, #tpu.memory_space<semaphore_mem>>
      %dma_start3A_272 = arith.constant 32 : i32
      %dma_start3A_273 = arith.constant 0 : i32
      %dma_start3A_274 = tpu.memref_slice %arg3[%add3A, %dma_start3A_272, %dma_start3A_273] : memref<32x128x80xi32, #tpu.memory_space<hbm>> -> memref<1x32x80xi32, #tpu.memory_space<hbm>>
      %dma_start3A_275 = tpu.memref_squeeze %dma_start3A_274 : memref<1x32x80xi32, #tpu.memory_space<hbm>> -> memref<32x80xi32, #tpu.memory_space<hbm>>
      %dma_start3A_276 = arith.constant 32 : i32
      %dma_start3A_277 = arith.constant 0 : i32
      %dma_start3A_278 = tpu.memref_slice %arg3[%add3A, %dma_start3A_276, %dma_start3A_277] : memref<32x128x80xi32, #tpu.memory_space<hbm>> -> memref<1x32x80xi32, #tpu.memory_space<hbm>>
      %dma_start3A_279 = tpu.memref_squeeze %dma_start3A_278 : memref<1x32x80xi32, #tpu.memory_space<hbm>> -> memref<32x80xi32, #tpu.memory_space<hbm>>
      tpu.enqueue_dma source(%dma_start3A_279 : memref<32x80xi32, #tpu.memory_space<hbm>>) target(%arg7 : memref<32x80xi32, #tpu.memory_space<vmem>>) target_semaphore(%run_scoped3A : memref<!tpu.dma_semaphore, #tpu.memory_space<semaphore_mem>>)
      %dma_wait3A = arith.constant 32 : i32
      %dma_wait3A_280 = arith.constant 0 : i32
      %dma_wait3A_281 = tpu.memref_slice %arg3[%add3A, %dma_wait3A, %dma_wait3A_280] : memref<32x128x80xi32, #tpu.memory_space<hbm>> -> memref<1x32x80xi32, #tpu.memory_space<hbm>>
      %dma_wait3A_282 = tpu.memref_squeeze %dma_wait3A_281 : memref<1x32x80xi32, #tpu.memory_space<hbm>> -> memref<32x80xi32, #tpu.memory_space<hbm>>
      %dma_wait3A_283 = arith.constant 32 : i32
      %dma_wait3A_284 = arith.constant 0 : i32
      %dma_wait3A_285 = tpu.memref_slice %arg3[%add3A, %dma_wait3A_283, %dma_wait3A_284] : memref<32x128x80xi32, #tpu.memory_space<hbm>> -> memref<1x32x80xi32, #tpu.memory_space<hbm>>
      %dma_wait3A_286 = tpu.memref_squeeze %dma_wait3A_285 : memref<1x32x80xi32, #tpu.memory_space<hbm>> -> memref<32x80xi32, #tpu.memory_space<hbm>>
      tpu.wait_dma2 semaphore(%run_scoped3A : memref<!tpu.dma_semaphore, #tpu.memory_space<semaphore_mem>>) src(%dma_wait3A_286 : memref<32x80xi32, #tpu.memory_space<hbm>>) dst(%arg7 : memref<32x80xi32, #tpu.memory_space<vmem>>)
      tpu.yield
    }) : () -> ()
    "tpu.region"() ({
      %run_scoped3A = tpu.sem_alloc : memref<!tpu.dma_semaphore, #tpu.memory_space<semaphore_mem>>
      %dma_start3A_272 = arith.constant 32 : i32
      %dma_start3A_273 = arith.constant 0 : i32
      %dma_start3A_274 = tpu.memref_slice %arg4[%add3A, %dma_start3A_272, %dma_start3A_273] : memref<32x128x80xi32, #tpu.memory_space<hbm>> -> memref<1x32x80xi32, #tpu.memory_space<hbm>>
      %dma_start3A_275 = tpu.memref_squeeze %dma_start3A_274 : memref<1x32x80xi32, #tpu.memory_space<hbm>> -> memref<32x80xi32, #tpu.memory_space<hbm>>
      %dma_start3A_276 = arith.constant 32 : i32
      %dma_start3A_277 = arith.constant 0 : i32
      %dma_start3A_278 = tpu.memref_slice %arg4[%add3A, %dma_start3A_276, %dma_start3A_277] : memref<32x128x80xi32, #tpu.memory_space<hbm>> -> memref<1x32x80xi32, #tpu.memory_space<hbm>>
      %dma_start3A_279 = tpu.memref_squeeze %dma_start3A_278 : memref<1x32x80xi32, #tpu.memory_space<hbm>> -> memref<32x80xi32, #tpu.memory_space<hbm>>
      tpu.enqueue_dma source(%dma_start3A_279 : memref<32x80xi32, #tpu.memory_space<hbm>>) target(%arg8 : memref<32x80xi32, #tpu.memory_space<vmem>>) target_semaphore(%run_scoped3A : memref<!tpu.dma_semaphore, #tpu.memory_space<semaphore_mem>>)
      %dma_wait3A = arith.constant 32 : i32
      %dma_wait3A_280 = arith.constant 0 : i32
      %dma_wait3A_281 = tpu.memref_slice %arg4[%add3A, %dma_wait3A, %dma_wait3A_280] : memref<32x128x80xi32, #tpu.memory_space<hbm>> -> memref<1x32x80xi32, #tpu.memory_space<hbm>>
      %dma_wait3A_282 = tpu.memref_squeeze %dma_wait3A_281 : memref<1x32x80xi32, #tpu.memory_space<hbm>> -> memref<32x80xi32, #tpu.memory_space<hbm>>
      %dma_wait3A_283 = arith.constant 32 : i32
      %dma_wait3A_284 = arith.constant 0 : i32
      %dma_wait3A_285 = tpu.memref_slice %arg4[%add3A, %dma_wait3A_283, %dma_wait3A_284] : memref<32x128x80xi32, #tpu.memory_space<hbm>> -> memref<1x32x80xi32, #tpu.memory_space<hbm>>
      %dma_wait3A_286 = tpu.memref_squeeze %dma_wait3A_285 : memref<1x32x80xi32, #tpu.memory_space<hbm>> -> memref<32x80xi32, #tpu.memory_space<hbm>>
      tpu.wait_dma2 semaphore(%run_scoped3A : memref<!tpu.dma_semaphore, #tpu.memory_space<semaphore_mem>>) src(%dma_wait3A_286 : memref<32x80xi32, #tpu.memory_space<hbm>>) dst(%arg8 : memref<32x80xi32, #tpu.memory_space<vmem>>)
      tpu.yield
    }) : () -> ()
    %dma_start3A_69 = arith.constant 0 : i32
    %dma_start3A_70 = arith.constant 0 : i32
    %dma_start3A_71 = arith.constant 0 : i32
    %dma_start3A_72 = arith.constant 0 : i32
    %dma_start3A_73 = arith.constant 0 : i32
    %dma_start3A_74 = tpu.memref_slice %arg9[%dma_start3A_70, %dma_start3A_72, %dma_start3A_73] : memref<4x80x128xf32, #tpu.memory_space<vmem>> -> memref<1x80x128xf32, #tpu.memory_space<vmem>>
    %dma_start3A_75 = tpu.memref_squeeze %dma_start3A_74 : memref<1x80x128xf32, #tpu.memory_space<vmem>> -> memref<80x128xf32, #tpu.memory_space<vmem>>
    %dma_start3A_76 = arith.constant 0 : i32
    %dma_start3A_77 = tpu.memref_slice %arg7[%dma_start3A_69, %dma_start3A_76] : memref<32x80xi32, #tpu.memory_space<vmem>> -> memref<1x80xi32, #tpu.memory_space<vmem>>
    %dma_start3A_78 = tpu.memref_squeeze %dma_start3A_77 : memref<1x80xi32, #tpu.memory_space<vmem>> -> memref<80xi32, #tpu.memory_space<vmem>>
    %dma_start3A_79 = arith.constant 0 : i32
    %dma_start3A_80 = arith.constant 0 : i32
    %dma_start3A_81 = tpu.memref_slice %arg2[%dma_start3A_79, %dma_start3A_80] : memref<10000x128xf32, #tpu.memory_space<hbm>> -> memref<10000x128xf32, #tpu.memory_space<hbm>>
    %dma_start3A_82 = tpu.memref_slice %arg11[%dma_start3A_71] : memref<4x!tpu.dma_semaphore, #tpu.memory_space<semaphore_mem>> -> memref<1x!tpu.dma_semaphore, #tpu.memory_space<semaphore_mem>>
    %dma_start3A_83 = tpu.memref_squeeze %dma_start3A_82 : memref<1x!tpu.dma_semaphore, #tpu.memory_space<semaphore_mem>> -> memref<!tpu.dma_semaphore, #tpu.memory_space<semaphore_mem>>
    tpu.enqueue_indirect_dma source(%dma_start3A_81 : memref<10000x128xf32, #tpu.memory_space<hbm>>) target(%dma_start3A_75 : memref<80x128xf32, #tpu.memory_space<vmem>>) offsets(%dma_start3A_78 : memref<80xi32, #tpu.memory_space<vmem>>) semaphore(%dma_start3A_83 : memref<!tpu.dma_semaphore, #tpu.memory_space<semaphore_mem>>)
    %dma_start3A_84 = arith.constant 1 : i32
    %dma_start3A_85 = arith.constant 1 : i32
    %dma_start3A_86 = arith.constant 1 : i32
    %dma_start3A_87 = arith.constant 0 : i32
    %dma_start3A_88 = arith.constant 0 : i32
    %dma_start3A_89 = tpu.memref_slice %arg9[%dma_start3A_85, %dma_start3A_87, %dma_start3A_88] : memref<4x80x128xf32, #tpu.memory_space<vmem>> -> memref<1x80x128xf32, #tpu.memory_space<vmem>>
    %dma_start3A_90 = tpu.memref_squeeze %dma_start3A_89 : memref<1x80x128xf32, #tpu.memory_space<vmem>> -> memref<80x128xf32, #tpu.memory_space<vmem>>
    %dma_start3A_91 = arith.constant 0 : i32
    %dma_start3A_92 = tpu.memref_slice %arg7[%dma_start3A_84, %dma_start3A_91] : memref<32x80xi32, #tpu.memory_space<vmem>> -> memref<1x80xi32, #tpu.memory_space<vmem>>
    %dma_start3A_93 = tpu.memref_squeeze %dma_start3A_92 : memref<1x80xi32, #tpu.memory_space<vmem>> -> memref<80xi32, #tpu.memory_space<vmem>>
    %dma_start3A_94 = arith.constant 0 : i32
    %dma_start3A_95 = arith.constant 0 : i32
    %dma_start3A_96 = tpu.memref_slice %arg2[%dma_start3A_94, %dma_start3A_95] : memref<10000x128xf32, #tpu.memory_space<hbm>> -> memref<10000x128xf32, #tpu.memory_space<hbm>>
    %dma_start3A_97 = tpu.memref_slice %arg11[%dma_start3A_86] : memref<4x!tpu.dma_semaphore, #tpu.memory_space<semaphore_mem>> -> memref<1x!tpu.dma_semaphore, #tpu.memory_space<semaphore_mem>>
    %dma_start3A_98 = tpu.memref_squeeze %dma_start3A_97 : memref<1x!tpu.dma_semaphore, #tpu.memory_space<semaphore_mem>> -> memref<!tpu.dma_semaphore, #tpu.memory_space<semaphore_mem>>
    tpu.enqueue_indirect_dma source(%dma_start3A_96 : memref<10000x128xf32, #tpu.memory_space<hbm>>) target(%dma_start3A_90 : memref<80x128xf32, #tpu.memory_space<vmem>>) offsets(%dma_start3A_93 : memref<80xi32, #tpu.memory_space<vmem>>) semaphore(%dma_start3A_98 : memref<!tpu.dma_semaphore, #tpu.memory_space<semaphore_mem>>)
    %dma_start3A_99 = arith.constant 2 : i32
    %dma_start3A_100 = arith.constant 2 : i32
    %dma_start3A_101 = arith.constant 2 : i32
    %dma_start3A_102 = arith.constant 0 : i32
    %dma_start3A_103 = arith.constant 0 : i32
    %dma_start3A_104 = tpu.memref_slice %arg9[%dma_start3A_100, %dma_start3A_102, %dma_start3A_103] : memref<4x80x128xf32, #tpu.memory_space<vmem>> -> memref<1x80x128xf32, #tpu.memory_space<vmem>>
    %dma_start3A_105 = tpu.memref_squeeze %dma_start3A_104 : memref<1x80x128xf32, #tpu.memory_space<vmem>> -> memref<80x128xf32, #tpu.memory_space<vmem>>
    %dma_start3A_106 = arith.constant 0 : i32
    %dma_start3A_107 = tpu.memref_slice %arg7[%dma_start3A_99, %dma_start3A_106] : memref<32x80xi32, #tpu.memory_space<vmem>> -> memref<1x80xi32, #tpu.memory_space<vmem>>
    %dma_start3A_108 = tpu.memref_squeeze %dma_start3A_107 : memref<1x80xi32, #tpu.memory_space<vmem>> -> memref<80xi32, #tpu.memory_space<vmem>>
    %dma_start3A_109 = arith.constant 0 : i32
    %dma_start3A_110 = arith.constant 0 : i32
    %dma_start3A_111 = tpu.memref_slice %arg2[%dma_start3A_109, %dma_start3A_110] : memref<10000x128xf32, #tpu.memory_space<hbm>> -> memref<10000x128xf32, #tpu.memory_space<hbm>>
    %dma_start3A_112 = tpu.memref_slice %arg11[%dma_start3A_101] : memref<4x!tpu.dma_semaphore, #tpu.memory_space<semaphore_mem>> -> memref<1x!tpu.dma_semaphore, #tpu.memory_space<semaphore_mem>>
    %dma_start3A_113 = tpu.memref_squeeze %dma_start3A_112 : memref<1x!tpu.dma_semaphore, #tpu.memory_space<semaphore_mem>> -> memref<!tpu.dma_semaphore, #tpu.memory_space<semaphore_mem>>
    tpu.enqueue_indirect_dma source(%dma_start3A_111 : memref<10000x128xf32, #tpu.memory_space<hbm>>) target(%dma_start3A_105 : memref<80x128xf32, #tpu.memory_space<vmem>>) offsets(%dma_start3A_108 : memref<80xi32, #tpu.memory_space<vmem>>) semaphore(%dma_start3A_113 : memref<!tpu.dma_semaphore, #tpu.memory_space<semaphore_mem>>)
    %dma_start3A_114 = arith.constant 3 : i32
    %dma_start3A_115 = arith.constant 3 : i32
    %dma_start3A_116 = arith.constant 3 : i32
    %dma_start3A_117 = arith.constant 0 : i32
    %dma_start3A_118 = arith.constant 0 : i32
    %dma_start3A_119 = tpu.memref_slice %arg9[%dma_start3A_115, %dma_start3A_117, %dma_start3A_118] : memref<4x80x128xf32, #tpu.memory_space<vmem>> -> memref<1x80x128xf32, #tpu.memory_space<vmem>>
    %dma_start3A_120 = tpu.memref_squeeze %dma_start3A_119 : memref<1x80x128xf32, #tpu.memory_space<vmem>> -> memref<80x128xf32, #tpu.memory_space<vmem>>
    %dma_start3A_121 = arith.constant 0 : i32
    %dma_start3A_122 = tpu.memref_slice %arg7[%dma_start3A_114, %dma_start3A_121] : memref<32x80xi32, #tpu.memory_space<vmem>> -> memref<1x80xi32, #tpu.memory_space<vmem>>
    %dma_start3A_123 = tpu.memref_squeeze %dma_start3A_122 : memref<1x80xi32, #tpu.memory_space<vmem>> -> memref<80xi32, #tpu.memory_space<vmem>>
    %dma_start3A_124 = arith.constant 0 : i32
    %dma_start3A_125 = arith.constant 0 : i32
    %dma_start3A_126 = tpu.memref_slice %arg2[%dma_start3A_124, %dma_start3A_125] : memref<10000x128xf32, #tpu.memory_space<hbm>> -> memref<10000x128xf32, #tpu.memory_space<hbm>>
    %dma_start3A_127 = tpu.memref_slice %arg11[%dma_start3A_116] : memref<4x!tpu.dma_semaphore, #tpu.memory_space<semaphore_mem>> -> memref<1x!tpu.dma_semaphore, #tpu.memory_space<semaphore_mem>>
    %dma_start3A_128 = tpu.memref_squeeze %dma_start3A_127 : memref<1x!tpu.dma_semaphore, #tpu.memory_space<semaphore_mem>> -> memref<!tpu.dma_semaphore, #tpu.memory_space<semaphore_mem>>
    tpu.enqueue_indirect_dma source(%dma_start3A_126 : memref<10000x128xf32, #tpu.memory_space<hbm>>) target(%dma_start3A_120 : memref<80x128xf32, #tpu.memory_space<vmem>>) offsets(%dma_start3A_123 : memref<80xi32, #tpu.memory_space<vmem>>) semaphore(%dma_start3A_128 : memref<!tpu.dma_semaphore, #tpu.memory_space<semaphore_mem>>)
    %scan3A_129 = arith.constant 0 : i32
    %scan3A_130 = arith.constant 0 : i32
    %scan3A_131 = arith.constant 8 : i32
    %scan3A_132 = arith.addi %scan3A_130, %scan3A_131 : i32
    %scan3A_133 = arith.constant 1 : i32
    scf.for %scan3A_272 = %scan3A_130 to %scan3A_132 step %scan3A_133  : i32 {
      %mul3A_273 = arith.constant 4 : i32
      %mul3A_274 = arith.muli %mul3A_273, %scan3A_272 : i32
      %add3A_275 = arith.constant 0 : i32
      %add3A_276 = arith.addi %mul3A_274, %add3A_275 : i32
      %dma_wait3A = arith.constant 0 : i32
      %dma_wait3A_277 = arith.constant 0 : i32
      %dma_wait3A_278 = arith.constant 0 : i32
      %dma_wait3A_279 = arith.constant 0 : i32
      %dma_wait3A_280 = tpu.memref_slice %arg9[%dma_wait3A, %dma_wait3A_278, %dma_wait3A_279] : memref<4x80x128xf32, #tpu.memory_space<vmem>> -> memref<1x80x128xf32, #tpu.memory_space<vmem>>
      %dma_wait3A_281 = tpu.memref_squeeze %dma_wait3A_280 : memref<1x80x128xf32, #tpu.memory_space<vmem>> -> memref<80x128xf32, #tpu.memory_space<vmem>>
      %dma_wait3A_282 = arith.constant 0 : i32
      %dma_wait3A_283 = tpu.memref_slice %arg7[%add3A_276, %dma_wait3A_282] : memref<32x80xi32, #tpu.memory_space<vmem>> -> memref<1x80xi32, #tpu.memory_space<vmem>>
      %dma_wait3A_284 = tpu.memref_squeeze %dma_wait3A_283 : memref<1x80xi32, #tpu.memory_space<vmem>> -> memref<80xi32, #tpu.memory_space<vmem>>
      %dma_wait3A_285 = arith.constant 0 : i32
      %dma_wait3A_286 = arith.constant 0 : i32
      %dma_wait3A_287 = tpu.memref_slice %arg2[%dma_wait3A_285, %dma_wait3A_286] : memref<10000x128xf32, #tpu.memory_space<hbm>> -> memref<10000x128xf32, #tpu.memory_space<hbm>>
      %dma_wait3A_288 = tpu.memref_slice %arg11[%dma_wait3A_277] : memref<4x!tpu.dma_semaphore, #tpu.memory_space<semaphore_mem>> -> memref<1x!tpu.dma_semaphore, #tpu.memory_space<semaphore_mem>>
      %dma_wait3A_289 = tpu.memref_squeeze %dma_wait3A_288 : memref<1x!tpu.dma_semaphore, #tpu.memory_space<semaphore_mem>> -> memref<!tpu.dma_semaphore, #tpu.memory_space<semaphore_mem>>
      tpu.wait_indirect_dma semaphore(%dma_wait3A_289 : memref<!tpu.dma_semaphore, #tpu.memory_space<semaphore_mem>>) src(%dma_wait3A_287 : memref<10000x128xf32, #tpu.memory_space<hbm>>) dst(%dma_wait3A_281 : memref<80x128xf32, #tpu.memory_space<vmem>>)
      %dma_start3A_290 = arith.constant 0 : i32
      %dma_start3A_291 = arith.constant 0 : i32
      %dma_start3A_292 = arith.constant 0 : i32
      %dma_start3A_293 = arith.constant 0 : i32
      %dma_start3A_294 = tpu.memref_slice %arg9[%dma_start3A_290, %dma_start3A_292, %dma_start3A_293] : memref<4x80x128xf32, #tpu.memory_space<vmem>> -> memref<1x80x128xf32, #tpu.memory_space<vmem>>
      %dma_start3A_295 = tpu.memref_squeeze %dma_start3A_294 : memref<1x80x128xf32, #tpu.memory_space<vmem>> -> memref<80x128xf32, #tpu.memory_space<vmem>>
      %dma_start3A_296 = arith.constant 0 : i32
      %dma_start3A_297 = tpu.memref_slice %arg8[%add3A_276, %dma_start3A_296] : memref<32x80xi32, #tpu.memory_space<vmem>> -> memref<1x80xi32, #tpu.memory_space<vmem>>
      %dma_start3A_298 = tpu.memref_squeeze %dma_start3A_297 : memref<1x80xi32, #tpu.memory_space<vmem>> -> memref<80xi32, #tpu.memory_space<vmem>>
      %dma_start3A_299 = arith.constant 0 : i32
      %dma_start3A_300 = arith.constant 0 : i32
      %dma_start3A_301 = tpu.memref_slice %arg10[%dma_start3A_299, %dma_start3A_300] : memref<10240x128xf32, #tpu.memory_space<vmem_shared>> -> memref<10240x128xf32, #tpu.memory_space<vmem_shared>>
      %dma_start3A_302 = tpu.memref_slice %arg12[%dma_start3A_291] : memref<4x!tpu.dma_semaphore, #tpu.memory_space<semaphore_mem>> -> memref<1x!tpu.dma_semaphore, #tpu.memory_space<semaphore_mem>>
      %dma_start3A_303 = tpu.memref_squeeze %dma_start3A_302 : memref<1x!tpu.dma_semaphore, #tpu.memory_space<semaphore_mem>> -> memref<!tpu.dma_semaphore, #tpu.memory_space<semaphore_mem>>
      tpu.enqueue_indirect_dma source(%dma_start3A_295 : memref<80x128xf32, #tpu.memory_space<vmem>>) target(%dma_start3A_301 : memref<10240x128xf32, #tpu.memory_space<vmem_shared>>) offsets(%dma_start3A_298 : memref<80xi32, #tpu.memory_space<vmem>>) semaphore(%dma_start3A_303 : memref<!tpu.dma_semaphore, #tpu.memory_space<semaphore_mem>>) {add = true}
      %mul3A_304 = arith.constant 4 : i32
      %mul3A_305 = arith.muli %mul3A_304, %scan3A_272 : i32
      %add3A_306 = arith.constant 1 : i32
      %add3A_307 = arith.addi %mul3A_305, %add3A_306 : i32
      %dma_wait3A_308 = arith.constant 1 : i32
      %dma_wait3A_309 = arith.constant 1 : i32
      %dma_wait3A_310 = arith.constant 0 : i32
      %dma_wait3A_311 = arith.constant 0 : i32
      %dma_wait3A_312 = tpu.memref_slice %arg9[%dma_wait3A_308, %dma_wait3A_310, %dma_wait3A_311] : memref<4x80x128xf32, #tpu.memory_space<vmem>> -> memref<1x80x128xf32, #tpu.memory_space<vmem>>
      %dma_wait3A_313 = tpu.memref_squeeze %dma_wait3A_312 : memref<1x80x128xf32, #tpu.memory_space<vmem>> -> memref<80x128xf32, #tpu.memory_space<vmem>>
      %dma_wait3A_314 = arith.constant 0 : i32
      %dma_wait3A_315 = tpu.memref_slice %arg7[%add3A_307, %dma_wait3A_314] : memref<32x80xi32, #tpu.memory_space<vmem>> -> memref<1x80xi32, #tpu.memory_space<vmem>>
      %dma_wait3A_316 = tpu.memref_squeeze %dma_wait3A_315 : memref<1x80xi32, #tpu.memory_space<vmem>> -> memref<80xi32, #tpu.memory_space<vmem>>
      %dma_wait3A_317 = arith.constant 0 : i32
      %dma_wait3A_318 = arith.constant 0 : i32
      %dma_wait3A_319 = tpu.memref_slice %arg2[%dma_wait3A_317, %dma_wait3A_318] : memref<10000x128xf32, #tpu.memory_space<hbm>> -> memref<10000x128xf32, #tpu.memory_space<hbm>>
      %dma_wait3A_320 = tpu.memref_slice %arg11[%dma_wait3A_309] : memref<4x!tpu.dma_semaphore, #tpu.memory_space<semaphore_mem>> -> memref<1x!tpu.dma_semaphore, #tpu.memory_space<semaphore_mem>>
      %dma_wait3A_321 = tpu.memref_squeeze %dma_wait3A_320 : memref<1x!tpu.dma_semaphore, #tpu.memory_space<semaphore_mem>> -> memref<!tpu.dma_semaphore, #tpu.memory_space<semaphore_mem>>
      tpu.wait_indirect_dma semaphore(%dma_wait3A_321 : memref<!tpu.dma_semaphore, #tpu.memory_space<semaphore_mem>>) src(%dma_wait3A_319 : memref<10000x128xf32, #tpu.memory_space<hbm>>) dst(%dma_wait3A_313 : memref<80x128xf32, #tpu.memory_space<vmem>>)
      %dma_start3A_322 = arith.constant 1 : i32
      %dma_start3A_323 = arith.constant 1 : i32
      %dma_start3A_324 = arith.constant 0 : i32
      %dma_start3A_325 = arith.constant 0 : i32
      %dma_start3A_326 = tpu.memref_slice %arg9[%dma_start3A_322, %dma_start3A_324, %dma_start3A_325] : memref<4x80x128xf32, #tpu.memory_space<vmem>> -> memref<1x80x128xf32, #tpu.memory_space<vmem>>
      %dma_start3A_327 = tpu.memref_squeeze %dma_start3A_326 : memref<1x80x128xf32, #tpu.memory_space<vmem>> -> memref<80x128xf32, #tpu.memory_space<vmem>>
      %dma_start3A_328 = arith.constant 0 : i32
      %dma_start3A_329 = tpu.memref_slice %arg8[%add3A_307, %dma_start3A_328] : memref<32x80xi32, #tpu.memory_space<vmem>> -> memref<1x80xi32, #tpu.memory_space<vmem>>
      %dma_start3A_330 = tpu.memref_squeeze %dma_start3A_329 : memref<1x80xi32, #tpu.memory_space<vmem>> -> memref<80xi32, #tpu.memory_space<vmem>>
      %dma_start3A_331 = arith.constant 0 : i32
      %dma_start3A_332 = arith.constant 0 : i32
      %dma_start3A_333 = tpu.memref_slice %arg10[%dma_start3A_331, %dma_start3A_332] : memref<10240x128xf32, #tpu.memory_space<vmem_shared>> -> memref<10240x128xf32, #tpu.memory_space<vmem_shared>>
      %dma_start3A_334 = tpu.memref_slice %arg12[%dma_start3A_323] : memref<4x!tpu.dma_semaphore, #tpu.memory_space<semaphore_mem>> -> memref<1x!tpu.dma_semaphore, #tpu.memory_space<semaphore_mem>>
      %dma_start3A_335 = tpu.memref_squeeze %dma_start3A_334 : memref<1x!tpu.dma_semaphore, #tpu.memory_space<semaphore_mem>> -> memref<!tpu.dma_semaphore, #tpu.memory_space<semaphore_mem>>
      tpu.enqueue_indirect_dma source(%dma_start3A_327 : memref<80x128xf32, #tpu.memory_space<vmem>>) target(%dma_start3A_333 : memref<10240x128xf32, #tpu.memory_space<vmem_shared>>) offsets(%dma_start3A_330 : memref<80xi32, #tpu.memory_space<vmem>>) semaphore(%dma_start3A_335 : memref<!tpu.dma_semaphore, #tpu.memory_space<semaphore_mem>>) {add = true}
      %mul3A_336 = arith.constant 4 : i32
      %mul3A_337 = arith.muli %mul3A_336, %scan3A_272 : i32
      %add3A_338 = arith.constant 2 : i32
      %add3A_339 = arith.addi %mul3A_337, %add3A_338 : i32
      %dma_wait3A_340 = arith.constant 2 : i32
      %dma_wait3A_341 = arith.constant 2 : i32
      %dma_wait3A_342 = arith.constant 0 : i32
      %dma_wait3A_343 = arith.constant 0 : i32
      %dma_wait3A_344 = tpu.memref_slice %arg9[%dma_wait3A_340, %dma_wait3A_342, %dma_wait3A_343] : memref<4x80x128xf32, #tpu.memory_space<vmem>> -> memref<1x80x128xf32, #tpu.memory_space<vmem>>
      %dma_wait3A_345 = tpu.memref_squeeze %dma_wait3A_344 : memref<1x80x128xf32, #tpu.memory_space<vmem>> -> memref<80x128xf32, #tpu.memory_space<vmem>>
      %dma_wait3A_346 = arith.constant 0 : i32
      %dma_wait3A_347 = tpu.memref_slice %arg7[%add3A_339, %dma_wait3A_346] : memref<32x80xi32, #tpu.memory_space<vmem>> -> memref<1x80xi32, #tpu.memory_space<vmem>>
      %dma_wait3A_348 = tpu.memref_squeeze %dma_wait3A_347 : memref<1x80xi32, #tpu.memory_space<vmem>> -> memref<80xi32, #tpu.memory_space<vmem>>
      %dma_wait3A_349 = arith.constant 0 : i32
      %dma_wait3A_350 = arith.constant 0 : i32
      %dma_wait3A_351 = tpu.memref_slice %arg2[%dma_wait3A_349, %dma_wait3A_350] : memref<10000x128xf32, #tpu.memory_space<hbm>> -> memref<10000x128xf32, #tpu.memory_space<hbm>>
      %dma_wait3A_352 = tpu.memref_slice %arg11[%dma_wait3A_341] : memref<4x!tpu.dma_semaphore, #tpu.memory_space<semaphore_mem>> -> memref<1x!tpu.dma_semaphore, #tpu.memory_space<semaphore_mem>>
      %dma_wait3A_353 = tpu.memref_squeeze %dma_wait3A_352 : memref<1x!tpu.dma_semaphore, #tpu.memory_space<semaphore_mem>> -> memref<!tpu.dma_semaphore, #tpu.memory_space<semaphore_mem>>
      tpu.wait_indirect_dma semaphore(%dma_wait3A_353 : memref<!tpu.dma_semaphore, #tpu.memory_space<semaphore_mem>>) src(%dma_wait3A_351 : memref<10000x128xf32, #tpu.memory_space<hbm>>) dst(%dma_wait3A_345 : memref<80x128xf32, #tpu.memory_space<vmem>>)
      %dma_start3A_354 = arith.constant 2 : i32
      %dma_start3A_355 = arith.constant 2 : i32
      %dma_start3A_356 = arith.constant 0 : i32
      %dma_start3A_357 = arith.constant 0 : i32
      %dma_start3A_358 = tpu.memref_slice %arg9[%dma_start3A_354, %dma_start3A_356, %dma_start3A_357] : memref<4x80x128xf32, #tpu.memory_space<vmem>> -> memref<1x80x128xf32, #tpu.memory_space<vmem>>
      %dma_start3A_359 = tpu.memref_squeeze %dma_start3A_358 : memref<1x80x128xf32, #tpu.memory_space<vmem>> -> memref<80x128xf32, #tpu.memory_space<vmem>>
      %dma_start3A_360 = arith.constant 0 : i32
      %dma_start3A_361 = tpu.memref_slice %arg8[%add3A_339, %dma_start3A_360] : memref<32x80xi32, #tpu.memory_space<vmem>> -> memref<1x80xi32, #tpu.memory_space<vmem>>
      %dma_start3A_362 = tpu.memref_squeeze %dma_start3A_361 : memref<1x80xi32, #tpu.memory_space<vmem>> -> memref<80xi32, #tpu.memory_space<vmem>>
      %dma_start3A_363 = arith.constant 0 : i32
      %dma_start3A_364 = arith.constant 0 : i32
      %dma_start3A_365 = tpu.memref_slice %arg10[%dma_start3A_363, %dma_start3A_364] : memref<10240x128xf32, #tpu.memory_space<vmem_shared>> -> memref<10240x128xf32, #tpu.memory_space<vmem_shared>>
      %dma_start3A_366 = tpu.memref_slice %arg12[%dma_start3A_355] : memref<4x!tpu.dma_semaphore, #tpu.memory_space<semaphore_mem>> -> memref<1x!tpu.dma_semaphore, #tpu.memory_space<semaphore_mem>>
      %dma_start3A_367 = tpu.memref_squeeze %dma_start3A_366 : memref<1x!tpu.dma_semaphore, #tpu.memory_space<semaphore_mem>> -> memref<!tpu.dma_semaphore, #tpu.memory_space<semaphore_mem>>
      tpu.enqueue_indirect_dma source(%dma_start3A_359 : memref<80x128xf32, #tpu.memory_space<vmem>>) target(%dma_start3A_365 : memref<10240x128xf32, #tpu.memory_space<vmem_shared>>) offsets(%dma_start3A_362 : memref<80xi32, #tpu.memory_space<vmem>>) semaphore(%dma_start3A_367 : memref<!tpu.dma_semaphore, #tpu.memory_space<semaphore_mem>>) {add = true}
      %mul3A_368 = arith.constant 4 : i32
      %mul3A_369 = arith.muli %mul3A_368, %scan3A_272 : i32
      %add3A_370 = arith.constant 3 : i32
      %add3A_371 = arith.addi %mul3A_369, %add3A_370 : i32
      %dma_wait3A_372 = arith.constant 3 : i32
      %dma_wait3A_373 = arith.constant 3 : i32
      %dma_wait3A_374 = arith.constant 0 : i32
      %dma_wait3A_375 = arith.constant 0 : i32
      %dma_wait3A_376 = tpu.memref_slice %arg9[%dma_wait3A_372, %dma_wait3A_374, %dma_wait3A_375] : memref<4x80x128xf32, #tpu.memory_space<vmem>> -> memref<1x80x128xf32, #tpu.memory_space<vmem>>
      %dma_wait3A_377 = tpu.memref_squeeze %dma_wait3A_376 : memref<1x80x128xf32, #tpu.memory_space<vmem>> -> memref<80x128xf32, #tpu.memory_space<vmem>>
      %dma_wait3A_378 = arith.constant 0 : i32
      %dma_wait3A_379 = tpu.memref_slice %arg7[%add3A_371, %dma_wait3A_378] : memref<32x80xi32, #tpu.memory_space<vmem>> -> memref<1x80xi32, #tpu.memory_space<vmem>>
      %dma_wait3A_380 = tpu.memref_squeeze %dma_wait3A_379 : memref<1x80xi32, #tpu.memory_space<vmem>> -> memref<80xi32, #tpu.memory_space<vmem>>
      %dma_wait3A_381 = arith.constant 0 : i32
      %dma_wait3A_382 = arith.constant 0 : i32
      %dma_wait3A_383 = tpu.memref_slice %arg2[%dma_wait3A_381, %dma_wait3A_382] : memref<10000x128xf32, #tpu.memory_space<hbm>> -> memref<10000x128xf32, #tpu.memory_space<hbm>>
      %dma_wait3A_384 = tpu.memref_slice %arg11[%dma_wait3A_373] : memref<4x!tpu.dma_semaphore, #tpu.memory_space<semaphore_mem>> -> memref<1x!tpu.dma_semaphore, #tpu.memory_space<semaphore_mem>>
      %dma_wait3A_385 = tpu.memref_squeeze %dma_wait3A_384 : memref<1x!tpu.dma_semaphore, #tpu.memory_space<semaphore_mem>> -> memref<!tpu.dma_semaphore, #tpu.memory_space<semaphore_mem>>
      tpu.wait_indirect_dma semaphore(%dma_wait3A_385 : memref<!tpu.dma_semaphore, #tpu.memory_space<semaphore_mem>>) src(%dma_wait3A_383 : memref<10000x128xf32, #tpu.memory_space<hbm>>) dst(%dma_wait3A_377 : memref<80x128xf32, #tpu.memory_space<vmem>>)
      %dma_start3A_386 = arith.constant 3 : i32
      %dma_start3A_387 = arith.constant 3 : i32
      %dma_start3A_388 = arith.constant 0 : i32
      %dma_start3A_389 = arith.constant 0 : i32
      %dma_start3A_390 = tpu.memref_slice %arg9[%dma_start3A_386, %dma_start3A_388, %dma_start3A_389] : memref<4x80x128xf32, #tpu.memory_space<vmem>> -> memref<1x80x128xf32, #tpu.memory_space<vmem>>
      %dma_start3A_391 = tpu.memref_squeeze %dma_start3A_390 : memref<1x80x128xf32, #tpu.memory_space<vmem>> -> memref<80x128xf32, #tpu.memory_space<vmem>>
      %dma_start3A_392 = arith.constant 0 : i32
      %dma_start3A_393 = tpu.memref_slice %arg8[%add3A_371, %dma_start3A_392] : memref<32x80xi32, #tpu.memory_space<vmem>> -> memref<1x80xi32, #tpu.memory_space<vmem>>
      %dma_start3A_394 = tpu.memref_squeeze %dma_start3A_393 : memref<1x80xi32, #tpu.memory_space<vmem>> -> memref<80xi32, #tpu.memory_space<vmem>>
      %dma_start3A_395 = arith.constant 0 : i32
      %dma_start3A_396 = arith.constant 0 : i32
      %dma_start3A_397 = tpu.memref_slice %arg10[%dma_start3A_395, %dma_start3A_396] : memref<10240x128xf32, #tpu.memory_space<vmem_shared>> -> memref<10240x128xf32, #tpu.memory_space<vmem_shared>>
      %dma_start3A_398 = tpu.memref_slice %arg12[%dma_start3A_387] : memref<4x!tpu.dma_semaphore, #tpu.memory_space<semaphore_mem>> -> memref<1x!tpu.dma_semaphore, #tpu.memory_space<semaphore_mem>>
      %dma_start3A_399 = tpu.memref_squeeze %dma_start3A_398 : memref<1x!tpu.dma_semaphore, #tpu.memory_space<semaphore_mem>> -> memref<!tpu.dma_semaphore, #tpu.memory_space<semaphore_mem>>
      tpu.enqueue_indirect_dma source(%dma_start3A_391 : memref<80x128xf32, #tpu.memory_space<vmem>>) target(%dma_start3A_397 : memref<10240x128xf32, #tpu.memory_space<vmem_shared>>) offsets(%dma_start3A_394 : memref<80xi32, #tpu.memory_space<vmem>>) semaphore(%dma_start3A_399 : memref<!tpu.dma_semaphore, #tpu.memory_space<semaphore_mem>>) {add = true}
      %mul3A_400 = arith.constant 4 : i32
      %mul3A_401 = arith.muli %mul3A_400, %scan3A_272 : i32
      %add3A_402 = arith.constant 0 : i32
      %add3A_403 = arith.addi %mul3A_401, %add3A_402 : i32
      %dma_wait3A_404 = arith.constant 0 : i32
      %dma_wait3A_405 = arith.constant 0 : i32
      %dma_wait3A_406 = arith.constant 0 : i32
      %dma_wait3A_407 = arith.constant 0 : i32
      %dma_wait3A_408 = tpu.memref_slice %arg9[%dma_wait3A_404, %dma_wait3A_406, %dma_wait3A_407] : memref<4x80x128xf32, #tpu.memory_space<vmem>> -> memref<1x80x128xf32, #tpu.memory_space<vmem>>
      %dma_wait3A_409 = tpu.memref_squeeze %dma_wait3A_408 : memref<1x80x128xf32, #tpu.memory_space<vmem>> -> memref<80x128xf32, #tpu.memory_space<vmem>>
      %dma_wait3A_410 = arith.constant 0 : i32
      %dma_wait3A_411 = tpu.memref_slice %arg8[%add3A_403, %dma_wait3A_410] : memref<32x80xi32, #tpu.memory_space<vmem>> -> memref<1x80xi32, #tpu.memory_space<vmem>>
      %dma_wait3A_412 = tpu.memref_squeeze %dma_wait3A_411 : memref<1x80xi32, #tpu.memory_space<vmem>> -> memref<80xi32, #tpu.memory_space<vmem>>
      %dma_wait3A_413 = arith.constant 0 : i32
      %dma_wait3A_414 = arith.constant 0 : i32
      %dma_wait3A_415 = tpu.memref_slice %arg10[%dma_wait3A_413, %dma_wait3A_414] : memref<10240x128xf32, #tpu.memory_space<vmem_shared>> -> memref<10240x128xf32, #tpu.memory_space<vmem_shared>>
      %dma_wait3A_416 = tpu.memref_slice %arg12[%dma_wait3A_405] : memref<4x!tpu.dma_semaphore, #tpu.memory_space<semaphore_mem>> -> memref<1x!tpu.dma_semaphore, #tpu.memory_space<semaphore_mem>>
      %dma_wait3A_417 = tpu.memref_squeeze %dma_wait3A_416 : memref<1x!tpu.dma_semaphore, #tpu.memory_space<semaphore_mem>> -> memref<!tpu.dma_semaphore, #tpu.memory_space<semaphore_mem>>
      tpu.wait_indirect_dma semaphore(%dma_wait3A_417 : memref<!tpu.dma_semaphore, #tpu.memory_space<semaphore_mem>>) src(%dma_wait3A_409 : memref<80x128xf32, #tpu.memory_space<vmem>>) dst(%dma_wait3A_415 : memref<10240x128xf32, #tpu.memory_space<vmem_shared>>)
      %add3A_418 = arith.constant 1 : i32
      %add3A_419 = arith.addi %scan3A_272, %add3A_418 : i32
      %lt3A = arith.constant 8 : i32
      %lt3A_420 = arith.cmpi slt, %add3A_419, %lt3A : i32
      %convert_element_type3A = arith.extui %lt3A_420 : i1 to i32
      %cond3A = arith.constant 0 : i32
      %cond3A_421 = arith.cmpi ne, %convert_element_type3A, %cond3A : i32
      scf.if %cond3A_421 {
        %add3A_497 = arith.constant 4 : i32
        %add3A_498 = arith.addi %add3A_403, %add3A_497 : i32
        %dma_start3A_499 = arith.constant 0 : i32
        %dma_start3A_500 = arith.constant 0 : i32
        %dma_start3A_501 = arith.constant 0 : i32
        %dma_start3A_502 = arith.constant 0 : i32
        %dma_start3A_503 = tpu.memref_slice %arg9[%dma_start3A_499, %dma_start3A_501, %dma_start3A_502] : memref<4x80x128xf32, #tpu.memory_space<vmem>> -> memref<1x80x128xf32, #tpu.memory_space<vmem>>
        %dma_start3A_504 = tpu.memref_squeeze %dma_start3A_503 : memref<1x80x128xf32, #tpu.memory_space<vmem>> -> memref<80x128xf32, #tpu.memory_space<vmem>>
        %dma_start3A_505 = arith.constant 0 : i32
        %dma_start3A_506 = tpu.memref_slice %arg7[%add3A_498, %dma_start3A_505] : memref<32x80xi32, #tpu.memory_space<vmem>> -> memref<1x80xi32, #tpu.memory_space<vmem>>
        %dma_start3A_507 = tpu.memref_squeeze %dma_start3A_506 : memref<1x80xi32, #tpu.memory_space<vmem>> -> memref<80xi32, #tpu.memory_space<vmem>>
        %dma_start3A_508 = arith.constant 0 : i32
        %dma_start3A_509 = arith.constant 0 : i32
        %dma_start3A_510 = tpu.memref_slice %arg2[%dma_start3A_508, %dma_start3A_509] : memref<10000x128xf32, #tpu.memory_space<hbm>> -> memref<10000x128xf32, #tpu.memory_space<hbm>>
        %dma_start3A_511 = tpu.memref_slice %arg11[%dma_start3A_500] : memref<4x!tpu.dma_semaphore, #tpu.memory_space<semaphore_mem>> -> memref<1x!tpu.dma_semaphore, #tpu.memory_space<semaphore_mem>>
        %dma_start3A_512 = tpu.memref_squeeze %dma_start3A_511 : memref<1x!tpu.dma_semaphore, #tpu.memory_space<semaphore_mem>> -> memref<!tpu.dma_semaphore, #tpu.memory_space<semaphore_mem>>
        tpu.enqueue_indirect_dma source(%dma_start3A_510 : memref<10000x128xf32, #tpu.memory_space<hbm>>) target(%dma_start3A_504 : memref<80x128xf32, #tpu.memory_space<vmem>>) offsets(%dma_start3A_507 : memref<80xi32, #tpu.memory_space<vmem>>) semaphore(%dma_start3A_512 : memref<!tpu.dma_semaphore, #tpu.memory_space<semaphore_mem>>)
      } else {
      }
      %mul3A_422 = arith.constant 4 : i32
      %mul3A_423 = arith.muli %mul3A_422, %scan3A_272 : i32
      %add3A_424 = arith.constant 1 : i32
      %add3A_425 = arith.addi %mul3A_423, %add3A_424 : i32
      %dma_wait3A_426 = arith.constant 1 : i32
      %dma_wait3A_427 = arith.constant 1 : i32
      %dma_wait3A_428 = arith.constant 0 : i32
      %dma_wait3A_429 = arith.constant 0 : i32
      %dma_wait3A_430 = tpu.memref_slice %arg9[%dma_wait3A_426, %dma_wait3A_428, %dma_wait3A_429] : memref<4x80x128xf32, #tpu.memory_space<vmem>> -> memref<1x80x128xf32, #tpu.memory_space<vmem>>
      %dma_wait3A_431 = tpu.memref_squeeze %dma_wait3A_430 : memref<1x80x128xf32, #tpu.memory_space<vmem>> -> memref<80x128xf32, #tpu.memory_space<vmem>>
      %dma_wait3A_432 = arith.constant 0 : i32
      %dma_wait3A_433 = tpu.memref_slice %arg8[%add3A_425, %dma_wait3A_432] : memref<32x80xi32, #tpu.memory_space<vmem>> -> memref<1x80xi32, #tpu.memory_space<vmem>>
      %dma_wait3A_434 = tpu.memref_squeeze %dma_wait3A_433 : memref<1x80xi32, #tpu.memory_space<vmem>> -> memref<80xi32, #tpu.memory_space<vmem>>
      %dma_wait3A_435 = arith.constant 0 : i32
      %dma_wait3A_436 = arith.constant 0 : i32
      %dma_wait3A_437 = tpu.memref_slice %arg10[%dma_wait3A_435, %dma_wait3A_436] : memref<10240x128xf32, #tpu.memory_space<vmem_shared>> -> memref<10240x128xf32, #tpu.memory_space<vmem_shared>>
      %dma_wait3A_438 = tpu.memref_slice %arg12[%dma_wait3A_427] : memref<4x!tpu.dma_semaphore, #tpu.memory_space<semaphore_mem>> -> memref<1x!tpu.dma_semaphore, #tpu.memory_space<semaphore_mem>>
      %dma_wait3A_439 = tpu.memref_squeeze %dma_wait3A_438 : memref<1x!tpu.dma_semaphore, #tpu.memory_space<semaphore_mem>> -> memref<!tpu.dma_semaphore, #tpu.memory_space<semaphore_mem>>
      tpu.wait_indirect_dma semaphore(%dma_wait3A_439 : memref<!tpu.dma_semaphore, #tpu.memory_space<semaphore_mem>>) src(%dma_wait3A_431 : memref<80x128xf32, #tpu.memory_space<vmem>>) dst(%dma_wait3A_437 : memref<10240x128xf32, #tpu.memory_space<vmem_shared>>)
      %add3A_440 = arith.constant 1 : i32
      %add3A_441 = arith.addi %scan3A_272, %add3A_440 : i32
      %lt3A_442 = arith.constant 8 : i32
      %lt3A_443 = arith.cmpi slt, %add3A_441, %lt3A_442 : i32
      %convert_element_type3A_444 = arith.extui %lt3A_443 : i1 to i32
      %cond3A_445 = arith.constant 0 : i32
      %cond3A_446 = arith.cmpi ne, %convert_element_type3A_444, %cond3A_445 : i32
      scf.if %cond3A_446 {
        %add3A_497 = arith.constant 4 : i32
        %add3A_498 = arith.addi %add3A_425, %add3A_497 : i32
        %dma_start3A_499 = arith.constant 1 : i32
        %dma_start3A_500 = arith.constant 1 : i32
        %dma_start3A_501 = arith.constant 0 : i32
        %dma_start3A_502 = arith.constant 0 : i32
        %dma_start3A_503 = tpu.memref_slice %arg9[%dma_start3A_499, %dma_start3A_501, %dma_start3A_502] : memref<4x80x128xf32, #tpu.memory_space<vmem>> -> memref<1x80x128xf32, #tpu.memory_space<vmem>>
        %dma_start3A_504 = tpu.memref_squeeze %dma_start3A_503 : memref<1x80x128xf32, #tpu.memory_space<vmem>> -> memref<80x128xf32, #tpu.memory_space<vmem>>
        %dma_start3A_505 = arith.constant 0 : i32
        %dma_start3A_506 = tpu.memref_slice %arg7[%add3A_498, %dma_start3A_505] : memref<32x80xi32, #tpu.memory_space<vmem>> -> memref<1x80xi32, #tpu.memory_space<vmem>>
        %dma_start3A_507 = tpu.memref_squeeze %dma_start3A_506 : memref<1x80xi32, #tpu.memory_space<vmem>> -> memref<80xi32, #tpu.memory_space<vmem>>
        %dma_start3A_508 = arith.constant 0 : i32
        %dma_start3A_509 = arith.constant 0 : i32
        %dma_start3A_510 = tpu.memref_slice %arg2[%dma_start3A_508, %dma_start3A_509] : memref<10000x128xf32, #tpu.memory_space<hbm>> -> memref<10000x128xf32, #tpu.memory_space<hbm>>
        %dma_start3A_511 = tpu.memref_slice %arg11[%dma_start3A_500] : memref<4x!tpu.dma_semaphore, #tpu.memory_space<semaphore_mem>> -> memref<1x!tpu.dma_semaphore, #tpu.memory_space<semaphore_mem>>
        %dma_start3A_512 = tpu.memref_squeeze %dma_start3A_511 : memref<1x!tpu.dma_semaphore, #tpu.memory_space<semaphore_mem>> -> memref<!tpu.dma_semaphore, #tpu.memory_space<semaphore_mem>>
        tpu.enqueue_indirect_dma source(%dma_start3A_510 : memref<10000x128xf32, #tpu.memory_space<hbm>>) target(%dma_start3A_504 : memref<80x128xf32, #tpu.memory_space<vmem>>) offsets(%dma_start3A_507 : memref<80xi32, #tpu.memory_space<vmem>>) semaphore(%dma_start3A_512 : memref<!tpu.dma_semaphore, #tpu.memory_space<semaphore_mem>>)
      } else {
      }
      %mul3A_447 = arith.constant 4 : i32
      %mul3A_448 = arith.muli %mul3A_447, %scan3A_272 : i32
      %add3A_449 = arith.constant 2 : i32
      %add3A_450 = arith.addi %mul3A_448, %add3A_449 : i32
      %dma_wait3A_451 = arith.constant 2 : i32
      %dma_wait3A_452 = arith.constant 2 : i32
      %dma_wait3A_453 = arith.constant 0 : i32
      %dma_wait3A_454 = arith.constant 0 : i32
      %dma_wait3A_455 = tpu.memref_slice %arg9[%dma_wait3A_451, %dma_wait3A_453, %dma_wait3A_454] : memref<4x80x128xf32, #tpu.memory_space<vmem>> -> memref<1x80x128xf32, #tpu.memory_space<vmem>>
      %dma_wait3A_456 = tpu.memref_squeeze %dma_wait3A_455 : memref<1x80x128xf32, #tpu.memory_space<vmem>> -> memref<80x128xf32, #tpu.memory_space<vmem>>
      %dma_wait3A_457 = arith.constant 0 : i32
      %dma_wait3A_458 = tpu.memref_slice %arg8[%add3A_450, %dma_wait3A_457] : memref<32x80xi32, #tpu.memory_space<vmem>> -> memref<1x80xi32, #tpu.memory_space<vmem>>
      %dma_wait3A_459 = tpu.memref_squeeze %dma_wait3A_458 : memref<1x80xi32, #tpu.memory_space<vmem>> -> memref<80xi32, #tpu.memory_space<vmem>>
      %dma_wait3A_460 = arith.constant 0 : i32
      %dma_wait3A_461 = arith.constant 0 : i32
      %dma_wait3A_462 = tpu.memref_slice %arg10[%dma_wait3A_460, %dma_wait3A_461] : memref<10240x128xf32, #tpu.memory_space<vmem_shared>> -> memref<10240x128xf32, #tpu.memory_space<vmem_shared>>
      %dma_wait3A_463 = tpu.memref_slice %arg12[%dma_wait3A_452] : memref<4x!tpu.dma_semaphore, #tpu.memory_space<semaphore_mem>> -> memref<1x!tpu.dma_semaphore, #tpu.memory_space<semaphore_mem>>
      %dma_wait3A_464 = tpu.memref_squeeze %dma_wait3A_463 : memref<1x!tpu.dma_semaphore, #tpu.memory_space<semaphore_mem>> -> memref<!tpu.dma_semaphore, #tpu.memory_space<semaphore_mem>>
      tpu.wait_indirect_dma semaphore(%dma_wait3A_464 : memref<!tpu.dma_semaphore, #tpu.memory_space<semaphore_mem>>) src(%dma_wait3A_456 : memref<80x128xf32, #tpu.memory_space<vmem>>) dst(%dma_wait3A_462 : memref<10240x128xf32, #tpu.memory_space<vmem_shared>>)
      %add3A_465 = arith.constant 1 : i32
      %add3A_466 = arith.addi %scan3A_272, %add3A_465 : i32
      %lt3A_467 = arith.constant 8 : i32
      %lt3A_468 = arith.cmpi slt, %add3A_466, %lt3A_467 : i32
      %convert_element_type3A_469 = arith.extui %lt3A_468 : i1 to i32
      %cond3A_470 = arith.constant 0 : i32
      %cond3A_471 = arith.cmpi ne, %convert_element_type3A_469, %cond3A_470 : i32
      scf.if %cond3A_471 {
        %add3A_497 = arith.constant 4 : i32
        %add3A_498 = arith.addi %add3A_450, %add3A_497 : i32
        %dma_start3A_499 = arith.constant 2 : i32
        %dma_start3A_500 = arith.constant 2 : i32
        %dma_start3A_501 = arith.constant 0 : i32
        %dma_start3A_502 = arith.constant 0 : i32
        %dma_start3A_503 = tpu.memref_slice %arg9[%dma_start3A_499, %dma_start3A_501, %dma_start3A_502] : memref<4x80x128xf32, #tpu.memory_space<vmem>> -> memref<1x80x128xf32, #tpu.memory_space<vmem>>
        %dma_start3A_504 = tpu.memref_squeeze %dma_start3A_503 : memref<1x80x128xf32, #tpu.memory_space<vmem>> -> memref<80x128xf32, #tpu.memory_space<vmem>>
        %dma_start3A_505 = arith.constant 0 : i32
        %dma_start3A_506 = tpu.memref_slice %arg7[%add3A_498, %dma_start3A_505] : memref<32x80xi32, #tpu.memory_space<vmem>> -> memref<1x80xi32, #tpu.memory_space<vmem>>
        %dma_start3A_507 = tpu.memref_squeeze %dma_start3A_506 : memref<1x80xi32, #tpu.memory_space<vmem>> -> memref<80xi32, #tpu.memory_space<vmem>>
        %dma_start3A_508 = arith.constant 0 : i32
        %dma_start3A_509 = arith.constant 0 : i32
        %dma_start3A_510 = tpu.memref_slice %arg2[%dma_start3A_508, %dma_start3A_509] : memref<10000x128xf32, #tpu.memory_space<hbm>> -> memref<10000x128xf32, #tpu.memory_space<hbm>>
        %dma_start3A_511 = tpu.memref_slice %arg11[%dma_start3A_500] : memref<4x!tpu.dma_semaphore, #tpu.memory_space<semaphore_mem>> -> memref<1x!tpu.dma_semaphore, #tpu.memory_space<semaphore_mem>>
        %dma_start3A_512 = tpu.memref_squeeze %dma_start3A_511 : memref<1x!tpu.dma_semaphore, #tpu.memory_space<semaphore_mem>> -> memref<!tpu.dma_semaphore, #tpu.memory_space<semaphore_mem>>
        tpu.enqueue_indirect_dma source(%dma_start3A_510 : memref<10000x128xf32, #tpu.memory_space<hbm>>) target(%dma_start3A_504 : memref<80x128xf32, #tpu.memory_space<vmem>>) offsets(%dma_start3A_507 : memref<80xi32, #tpu.memory_space<vmem>>) semaphore(%dma_start3A_512 : memref<!tpu.dma_semaphore, #tpu.memory_space<semaphore_mem>>)
      } else {
      }
      %mul3A_472 = arith.constant 4 : i32
      %mul3A_473 = arith.muli %mul3A_472, %scan3A_272 : i32
      %add3A_474 = arith.constant 3 : i32
      %add3A_475 = arith.addi %mul3A_473, %add3A_474 : i32
      %dma_wait3A_476 = arith.constant 3 : i32
      %dma_wait3A_477 = arith.constant 3 : i32
      %dma_wait3A_478 = arith.constant 0 : i32
      %dma_wait3A_479 = arith.constant 0 : i32
      %dma_wait3A_480 = tpu.memref_slice %arg9[%dma_wait3A_476, %dma_wait3A_478, %dma_wait3A_479] : memref<4x80x128xf32, #tpu.memory_space<vmem>> -> memref<1x80x128xf32, #tpu.memory_space<vmem>>
      %dma_wait3A_481 = tpu.memref_squeeze %dma_wait3A_480 : memref<1x80x128xf32, #tpu.memory_space<vmem>> -> memref<80x128xf32, #tpu.memory_space<vmem>>
      %dma_wait3A_482 = arith.constant 0 : i32
      %dma_wait3A_483 = tpu.memref_slice %arg8[%add3A_475, %dma_wait3A_482] : memref<32x80xi32, #tpu.memory_space<vmem>> -> memref<1x80xi32, #tpu.memory_space<vmem>>
      %dma_wait3A_484 = tpu.memref_squeeze %dma_wait3A_483 : memref<1x80xi32, #tpu.memory_space<vmem>> -> memref<80xi32, #tpu.memory_space<vmem>>
      %dma_wait3A_485 = arith.constant 0 : i32
      %dma_wait3A_486 = arith.constant 0 : i32
      %dma_wait3A_487 = tpu.memref_slice %arg10[%dma_wait3A_485, %dma_wait3A_486] : memref<10240x128xf32, #tpu.memory_space<vmem_shared>> -> memref<10240x128xf32, #tpu.memory_space<vmem_shared>>
      %dma_wait3A_488 = tpu.memref_slice %arg12[%dma_wait3A_477] : memref<4x!tpu.dma_semaphore, #tpu.memory_space<semaphore_mem>> -> memref<1x!tpu.dma_semaphore, #tpu.memory_space<semaphore_mem>>
      %dma_wait3A_489 = tpu.memref_squeeze %dma_wait3A_488 : memref<1x!tpu.dma_semaphore, #tpu.memory_space<semaphore_mem>> -> memref<!tpu.dma_semaphore, #tpu.memory_space<semaphore_mem>>
      tpu.wait_indirect_dma semaphore(%dma_wait3A_489 : memref<!tpu.dma_semaphore, #tpu.memory_space<semaphore_mem>>) src(%dma_wait3A_481 : memref<80x128xf32, #tpu.memory_space<vmem>>) dst(%dma_wait3A_487 : memref<10240x128xf32, #tpu.memory_space<vmem_shared>>)
      %add3A_490 = arith.constant 1 : i32
      %add3A_491 = arith.addi %scan3A_272, %add3A_490 : i32
      %lt3A_492 = arith.constant 8 : i32
      %lt3A_493 = arith.cmpi slt, %add3A_491, %lt3A_492 : i32
      %convert_element_type3A_494 = arith.extui %lt3A_493 : i1 to i32
      %cond3A_495 = arith.constant 0 : i32
      %cond3A_496 = arith.cmpi ne, %convert_element_type3A_494, %cond3A_495 : i32
      scf.if %cond3A_496 {
        %add3A_497 = arith.constant 4 : i32
        %add3A_498 = arith.addi %add3A_475, %add3A_497 : i32
        %dma_start3A_499 = arith.constant 3 : i32
        %dma_start3A_500 = arith.constant 3 : i32
        %dma_start3A_501 = arith.constant 0 : i32
        %dma_start3A_502 = arith.constant 0 : i32
        %dma_start3A_503 = tpu.memref_slice %arg9[%dma_start3A_499, %dma_start3A_501, %dma_start3A_502] : memref<4x80x128xf32, #tpu.memory_space<vmem>> -> memref<1x80x128xf32, #tpu.memory_space<vmem>>
        %dma_start3A_504 = tpu.memref_squeeze %dma_start3A_503 : memref<1x80x128xf32, #tpu.memory_space<vmem>> -> memref<80x128xf32, #tpu.memory_space<vmem>>
        %dma_start3A_505 = arith.constant 0 : i32
        %dma_start3A_506 = tpu.memref_slice %arg7[%add3A_498, %dma_start3A_505] : memref<32x80xi32, #tpu.memory_space<vmem>> -> memref<1x80xi32, #tpu.memory_space<vmem>>
        %dma_start3A_507 = tpu.memref_squeeze %dma_start3A_506 : memref<1x80xi32, #tpu.memory_space<vmem>> -> memref<80xi32, #tpu.memory_space<vmem>>
        %dma_start3A_508 = arith.constant 0 : i32
        %dma_start3A_509 = arith.constant 0 : i32
        %dma_start3A_510 = tpu.memref_slice %arg2[%dma_start3A_508, %dma_start3A_509] : memref<10000x128xf32, #tpu.memory_space<hbm>> -> memref<10000x128xf32, #tpu.memory_space<hbm>>
        %dma_start3A_511 = tpu.memref_slice %arg11[%dma_start3A_500] : memref<4x!tpu.dma_semaphore, #tpu.memory_space<semaphore_mem>> -> memref<1x!tpu.dma_semaphore, #tpu.memory_space<semaphore_mem>>
        %dma_start3A_512 = tpu.memref_squeeze %dma_start3A_511 : memref<1x!tpu.dma_semaphore, #tpu.memory_space<semaphore_mem>> -> memref<!tpu.dma_semaphore, #tpu.memory_space<semaphore_mem>>
        tpu.enqueue_indirect_dma source(%dma_start3A_510 : memref<10000x128xf32, #tpu.memory_space<hbm>>) target(%dma_start3A_504 : memref<80x128xf32, #tpu.memory_space<vmem>>) offsets(%dma_start3A_507 : memref<80xi32, #tpu.memory_space<vmem>>) semaphore(%dma_start3A_512 : memref<!tpu.dma_semaphore, #tpu.memory_space<semaphore_mem>>)
      } else {
      }
    }
    %scan3A_134 = arith.constant 8 : i32
    "tpu.region"() ({
      %run_scoped3A = tpu.sem_alloc : memref<!tpu.dma_semaphore, #tpu.memory_space<semaphore_mem>>
      %dma_start3A_272 = arith.constant 64 : i32
      %dma_start3A_273 = arith.constant 0 : i32
      %dma_start3A_274 = tpu.memref_slice %arg3[%add3A, %dma_start3A_272, %dma_start3A_273] : memref<32x128x80xi32, #tpu.memory_space<hbm>> -> memref<1x32x80xi32, #tpu.memory_space<hbm>>
      %dma_start3A_275 = tpu.memref_squeeze %dma_start3A_274 : memref<1x32x80xi32, #tpu.memory_space<hbm>> -> memref<32x80xi32, #tpu.memory_space<hbm>>
      %dma_start3A_276 = arith.constant 64 : i32
      %dma_start3A_277 = arith.constant 0 : i32
      %dma_start3A_278 = tpu.memref_slice %arg3[%add3A, %dma_start3A_276, %dma_start3A_277] : memref<32x128x80xi32, #tpu.memory_space<hbm>> -> memref<1x32x80xi32, #tpu.memory_space<hbm>>
      %dma_start3A_279 = tpu.memref_squeeze %dma_start3A_278 : memref<1x32x80xi32, #tpu.memory_space<hbm>> -> memref<32x80xi32, #tpu.memory_space<hbm>>
      tpu.enqueue_dma source(%dma_start3A_279 : memref<32x80xi32, #tpu.memory_space<hbm>>) target(%arg7 : memref<32x80xi32, #tpu.memory_space<vmem>>) target_semaphore(%run_scoped3A : memref<!tpu.dma_semaphore, #tpu.memory_space<semaphore_mem>>)
      %dma_wait3A = arith.constant 64 : i32
      %dma_wait3A_280 = arith.constant 0 : i32
      %dma_wait3A_281 = tpu.memref_slice %arg3[%add3A, %dma_wait3A, %dma_wait3A_280] : memref<32x128x80xi32, #tpu.memory_space<hbm>> -> memref<1x32x80xi32, #tpu.memory_space<hbm>>
      %dma_wait3A_282 = tpu.memref_squeeze %dma_wait3A_281 : memref<1x32x80xi32, #tpu.memory_space<hbm>> -> memref<32x80xi32, #tpu.memory_space<hbm>>
      %dma_wait3A_283 = arith.constant 64 : i32
      %dma_wait3A_284 = arith.constant 0 : i32
      %dma_wait3A_285 = tpu.memref_slice %arg3[%add3A, %dma_wait3A_283, %dma_wait3A_284] : memref<32x128x80xi32, #tpu.memory_space<hbm>> -> memref<1x32x80xi32, #tpu.memory_space<hbm>>
      %dma_wait3A_286 = tpu.memref_squeeze %dma_wait3A_285 : memref<1x32x80xi32, #tpu.memory_space<hbm>> -> memref<32x80xi32, #tpu.memory_space<hbm>>
      tpu.wait_dma2 semaphore(%run_scoped3A : memref<!tpu.dma_semaphore, #tpu.memory_space<semaphore_mem>>) src(%dma_wait3A_286 : memref<32x80xi32, #tpu.memory_space<hbm>>) dst(%arg7 : memref<32x80xi32, #tpu.memory_space<vmem>>)
      tpu.yield
    }) : () -> ()
    "tpu.region"() ({
      %run_scoped3A = tpu.sem_alloc : memref<!tpu.dma_semaphore, #tpu.memory_space<semaphore_mem>>
      %dma_start3A_272 = arith.constant 64 : i32
      %dma_start3A_273 = arith.constant 0 : i32
      %dma_start3A_274 = tpu.memref_slice %arg4[%add3A, %dma_start3A_272, %dma_start3A_273] : memref<32x128x80xi32, #tpu.memory_space<hbm>> -> memref<1x32x80xi32, #tpu.memory_space<hbm>>
      %dma_start3A_275 = tpu.memref_squeeze %dma_start3A_274 : memref<1x32x80xi32, #tpu.memory_space<hbm>> -> memref<32x80xi32, #tpu.memory_space<hbm>>
      %dma_start3A_276 = arith.constant 64 : i32
      %dma_start3A_277 = arith.constant 0 : i32
      %dma_start3A_278 = tpu.memref_slice %arg4[%add3A, %dma_start3A_276, %dma_start3A_277] : memref<32x128x80xi32, #tpu.memory_space<hbm>> -> memref<1x32x80xi32, #tpu.memory_space<hbm>>
      %dma_start3A_279 = tpu.memref_squeeze %dma_start3A_278 : memref<1x32x80xi32, #tpu.memory_space<hbm>> -> memref<32x80xi32, #tpu.memory_space<hbm>>
      tpu.enqueue_dma source(%dma_start3A_279 : memref<32x80xi32, #tpu.memory_space<hbm>>) target(%arg8 : memref<32x80xi32, #tpu.memory_space<vmem>>) target_semaphore(%run_scoped3A : memref<!tpu.dma_semaphore, #tpu.memory_space<semaphore_mem>>)
      %dma_wait3A = arith.constant 64 : i32
      %dma_wait3A_280 = arith.constant 0 : i32
      %dma_wait3A_281 = tpu.memref_slice %arg4[%add3A, %dma_wait3A, %dma_wait3A_280] : memref<32x128x80xi32, #tpu.memory_space<hbm>> -> memref<1x32x80xi32, #tpu.memory_space<hbm>>
      %dma_wait3A_282 = tpu.memref_squeeze %dma_wait3A_281 : memref<1x32x80xi32, #tpu.memory_space<hbm>> -> memref<32x80xi32, #tpu.memory_space<hbm>>
      %dma_wait3A_283 = arith.constant 64 : i32
      %dma_wait3A_284 = arith.constant 0 : i32
      %dma_wait3A_285 = tpu.memref_slice %arg4[%add3A, %dma_wait3A_283, %dma_wait3A_284] : memref<32x128x80xi32, #tpu.memory_space<hbm>> -> memref<1x32x80xi32, #tpu.memory_space<hbm>>
      %dma_wait3A_286 = tpu.memref_squeeze %dma_wait3A_285 : memref<1x32x80xi32, #tpu.memory_space<hbm>> -> memref<32x80xi32, #tpu.memory_space<hbm>>
      tpu.wait_dma2 semaphore(%run_scoped3A : memref<!tpu.dma_semaphore, #tpu.memory_space<semaphore_mem>>) src(%dma_wait3A_286 : memref<32x80xi32, #tpu.memory_space<hbm>>) dst(%arg8 : memref<32x80xi32, #tpu.memory_space<vmem>>)
      tpu.yield
    }) : () -> ()
    %dma_start3A_135 = arith.constant 0 : i32
    %dma_start3A_136 = arith.constant 0 : i32
    %dma_start3A_137 = arith.constant 0 : i32
    %dma_start3A_138 = arith.constant 0 : i32
    %dma_start3A_139 = arith.constant 0 : i32
    %dma_start3A_140 = tpu.memref_slice %arg9[%dma_start3A_136, %dma_start3A_138, %dma_start3A_139] : memref<4x80x128xf32, #tpu.memory_space<vmem>> -> memref<1x80x128xf32, #tpu.memory_space<vmem>>
    %dma_start3A_141 = tpu.memref_squeeze %dma_start3A_140 : memref<1x80x128xf32, #tpu.memory_space<vmem>> -> memref<80x128xf32, #tpu.memory_space<vmem>>
    %dma_start3A_142 = arith.constant 0 : i32
    %dma_start3A_143 = tpu.memref_slice %arg7[%dma_start3A_135, %dma_start3A_142] : memref<32x80xi32, #tpu.memory_space<vmem>> -> memref<1x80xi32, #tpu.memory_space<vmem>>
    %dma_start3A_144 = tpu.memref_squeeze %dma_start3A_143 : memref<1x80xi32, #tpu.memory_space<vmem>> -> memref<80xi32, #tpu.memory_space<vmem>>
    %dma_start3A_145 = arith.constant 0 : i32
    %dma_start3A_146 = arith.constant 0 : i32
    %dma_start3A_147 = tpu.memref_slice %arg2[%dma_start3A_145, %dma_start3A_146] : memref<10000x128xf32, #tpu.memory_space<hbm>> -> memref<10000x128xf32, #tpu.memory_space<hbm>>
    %dma_start3A_148 = tpu.memref_slice %arg11[%dma_start3A_137] : memref<4x!tpu.dma_semaphore, #tpu.memory_space<semaphore_mem>> -> memref<1x!tpu.dma_semaphore, #tpu.memory_space<semaphore_mem>>
    %dma_start3A_149 = tpu.memref_squeeze %dma_start3A_148 : memref<1x!tpu.dma_semaphore, #tpu.memory_space<semaphore_mem>> -> memref<!tpu.dma_semaphore, #tpu.memory_space<semaphore_mem>>
    tpu.enqueue_indirect_dma source(%dma_start3A_147 : memref<10000x128xf32, #tpu.memory_space<hbm>>) target(%dma_start3A_141 : memref<80x128xf32, #tpu.memory_space<vmem>>) offsets(%dma_start3A_144 : memref<80xi32, #tpu.memory_space<vmem>>) semaphore(%dma_start3A_149 : memref<!tpu.dma_semaphore, #tpu.memory_space<semaphore_mem>>)
    %dma_start3A_150 = arith.constant 1 : i32
    %dma_start3A_151 = arith.constant 1 : i32
    %dma_start3A_152 = arith.constant 1 : i32
    %dma_start3A_153 = arith.constant 0 : i32
    %dma_start3A_154 = arith.constant 0 : i32
    %dma_start3A_155 = tpu.memref_slice %arg9[%dma_start3A_151, %dma_start3A_153, %dma_start3A_154] : memref<4x80x128xf32, #tpu.memory_space<vmem>> -> memref<1x80x128xf32, #tpu.memory_space<vmem>>
    %dma_start3A_156 = tpu.memref_squeeze %dma_start3A_155 : memref<1x80x128xf32, #tpu.memory_space<vmem>> -> memref<80x128xf32, #tpu.memory_space<vmem>>
    %dma_start3A_157 = arith.constant 0 : i32
    %dma_start3A_158 = tpu.memref_slice %arg7[%dma_start3A_150, %dma_start3A_157] : memref<32x80xi32, #tpu.memory_space<vmem>> -> memref<1x80xi32, #tpu.memory_space<vmem>>
    %dma_start3A_159 = tpu.memref_squeeze %dma_start3A_158 : memref<1x80xi32, #tpu.memory_space<vmem>> -> memref<80xi32, #tpu.memory_space<vmem>>
    %dma_start3A_160 = arith.constant 0 : i32
    %dma_start3A_161 = arith.constant 0 : i32
    %dma_start3A_162 = tpu.memref_slice %arg2[%dma_start3A_160, %dma_start3A_161] : memref<10000x128xf32, #tpu.memory_space<hbm>> -> memref<10000x128xf32, #tpu.memory_space<hbm>>
    %dma_start3A_163 = tpu.memref_slice %arg11[%dma_start3A_152] : memref<4x!tpu.dma_semaphore, #tpu.memory_space<semaphore_mem>> -> memref<1x!tpu.dma_semaphore, #tpu.memory_space<semaphore_mem>>
    %dma_start3A_164 = tpu.memref_squeeze %dma_start3A_163 : memref<1x!tpu.dma_semaphore, #tpu.memory_space<semaphore_mem>> -> memref<!tpu.dma_semaphore, #tpu.memory_space<semaphore_mem>>
    tpu.enqueue_indirect_dma source(%dma_start3A_162 : memref<10000x128xf32, #tpu.memory_space<hbm>>) target(%dma_start3A_156 : memref<80x128xf32, #tpu.memory_space<vmem>>) offsets(%dma_start3A_159 : memref<80xi32, #tpu.memory_space<vmem>>) semaphore(%dma_start3A_164 : memref<!tpu.dma_semaphore, #tpu.memory_space<semaphore_mem>>)
    %dma_start3A_165 = arith.constant 2 : i32
    %dma_start3A_166 = arith.constant 2 : i32
    %dma_start3A_167 = arith.constant 2 : i32
    %dma_start3A_168 = arith.constant 0 : i32
    %dma_start3A_169 = arith.constant 0 : i32
    %dma_start3A_170 = tpu.memref_slice %arg9[%dma_start3A_166, %dma_start3A_168, %dma_start3A_169] : memref<4x80x128xf32, #tpu.memory_space<vmem>> -> memref<1x80x128xf32, #tpu.memory_space<vmem>>
    %dma_start3A_171 = tpu.memref_squeeze %dma_start3A_170 : memref<1x80x128xf32, #tpu.memory_space<vmem>> -> memref<80x128xf32, #tpu.memory_space<vmem>>
    %dma_start3A_172 = arith.constant 0 : i32
    %dma_start3A_173 = tpu.memref_slice %arg7[%dma_start3A_165, %dma_start3A_172] : memref<32x80xi32, #tpu.memory_space<vmem>> -> memref<1x80xi32, #tpu.memory_space<vmem>>
    %dma_start3A_174 = tpu.memref_squeeze %dma_start3A_173 : memref<1x80xi32, #tpu.memory_space<vmem>> -> memref<80xi32, #tpu.memory_space<vmem>>
    %dma_start3A_175 = arith.constant 0 : i32
    %dma_start3A_176 = arith.constant 0 : i32
    %dma_start3A_177 = tpu.memref_slice %arg2[%dma_start3A_175, %dma_start3A_176] : memref<10000x128xf32, #tpu.memory_space<hbm>> -> memref<10000x128xf32, #tpu.memory_space<hbm>>
    %dma_start3A_178 = tpu.memref_slice %arg11[%dma_start3A_167] : memref<4x!tpu.dma_semaphore, #tpu.memory_space<semaphore_mem>> -> memref<1x!tpu.dma_semaphore, #tpu.memory_space<semaphore_mem>>
    %dma_start3A_179 = tpu.memref_squeeze %dma_start3A_178 : memref<1x!tpu.dma_semaphore, #tpu.memory_space<semaphore_mem>> -> memref<!tpu.dma_semaphore, #tpu.memory_space<semaphore_mem>>
    tpu.enqueue_indirect_dma source(%dma_start3A_177 : memref<10000x128xf32, #tpu.memory_space<hbm>>) target(%dma_start3A_171 : memref<80x128xf32, #tpu.memory_space<vmem>>) offsets(%dma_start3A_174 : memref<80xi32, #tpu.memory_space<vmem>>) semaphore(%dma_start3A_179 : memref<!tpu.dma_semaphore, #tpu.memory_space<semaphore_mem>>)
    %dma_start3A_180 = arith.constant 3 : i32
    %dma_start3A_181 = arith.constant 3 : i32
    %dma_start3A_182 = arith.constant 3 : i32
    %dma_start3A_183 = arith.constant 0 : i32
    %dma_start3A_184 = arith.constant 0 : i32
    %dma_start3A_185 = tpu.memref_slice %arg9[%dma_start3A_181, %dma_start3A_183, %dma_start3A_184] : memref<4x80x128xf32, #tpu.memory_space<vmem>> -> memref<1x80x128xf32, #tpu.memory_space<vmem>>
    %dma_start3A_186 = tpu.memref_squeeze %dma_start3A_185 : memref<1x80x128xf32, #tpu.memory_space<vmem>> -> memref<80x128xf32, #tpu.memory_space<vmem>>
    %dma_start3A_187 = arith.constant 0 : i32
    %dma_start3A_188 = tpu.memref_slice %arg7[%dma_start3A_180, %dma_start3A_187] : memref<32x80xi32, #tpu.memory_space<vmem>> -> memref<1x80xi32, #tpu.memory_space<vmem>>
    %dma_start3A_189 = tpu.memref_squeeze %dma_start3A_188 : memref<1x80xi32, #tpu.memory_space<vmem>> -> memref<80xi32, #tpu.memory_space<vmem>>
    %dma_start3A_190 = arith.constant 0 : i32
    %dma_start3A_191 = arith.constant 0 : i32
    %dma_start3A_192 = tpu.memref_slice %arg2[%dma_start3A_190, %dma_start3A_191] : memref<10000x128xf32, #tpu.memory_space<hbm>> -> memref<10000x128xf32, #tpu.memory_space<hbm>>
    %dma_start3A_193 = tpu.memref_slice %arg11[%dma_start3A_182] : memref<4x!tpu.dma_semaphore, #tpu.memory_space<semaphore_mem>> -> memref<1x!tpu.dma_semaphore, #tpu.memory_space<semaphore_mem>>
    %dma_start3A_194 = tpu.memref_squeeze %dma_start3A_193 : memref<1x!tpu.dma_semaphore, #tpu.memory_space<semaphore_mem>> -> memref<!tpu.dma_semaphore, #tpu.memory_space<semaphore_mem>>
    tpu.enqueue_indirect_dma source(%dma_start3A_192 : memref<10000x128xf32, #tpu.memory_space<hbm>>) target(%dma_start3A_186 : memref<80x128xf32, #tpu.memory_space<vmem>>) offsets(%dma_start3A_189 : memref<80xi32, #tpu.memory_space<vmem>>) semaphore(%dma_start3A_194 : memref<!tpu.dma_semaphore, #tpu.memory_space<semaphore_mem>>)
    %scan3A_195 = arith.constant 0 : i32
    %scan3A_196 = arith.constant 0 : i32
    %scan3A_197 = arith.constant 8 : i32
    %scan3A_198 = arith.addi %scan3A_196, %scan3A_197 : i32
    %scan3A_199 = arith.constant 1 : i32
    scf.for %scan3A_272 = %scan3A_196 to %scan3A_198 step %scan3A_199  : i32 {
      %mul3A_273 = arith.constant 4 : i32
      %mul3A_274 = arith.muli %mul3A_273, %scan3A_272 : i32
      %add3A_275 = arith.constant 0 : i32
      %add3A_276 = arith.addi %mul3A_274, %add3A_275 : i32
      %dma_wait3A = arith.constant 0 : i32
      %dma_wait3A_277 = arith.constant 0 : i32
      %dma_wait3A_278 = arith.constant 0 : i32
      %dma_wait3A_279 = arith.constant 0 : i32
      %dma_wait3A_280 = tpu.memref_slice %arg9[%dma_wait3A, %dma_wait3A_278, %dma_wait3A_279] : memref<4x80x128xf32, #tpu.memory_space<vmem>> -> memref<1x80x128xf32, #tpu.memory_space<vmem>>
      %dma_wait3A_281 = tpu.memref_squeeze %dma_wait3A_280 : memref<1x80x128xf32, #tpu.memory_space<vmem>> -> memref<80x128xf32, #tpu.memory_space<vmem>>
      %dma_wait3A_282 = arith.constant 0 : i32
      %dma_wait3A_283 = tpu.memref_slice %arg7[%add3A_276, %dma_wait3A_282] : memref<32x80xi32, #tpu.memory_space<vmem>> -> memref<1x80xi32, #tpu.memory_space<vmem>>
      %dma_wait3A_284 = tpu.memref_squeeze %dma_wait3A_283 : memref<1x80xi32, #tpu.memory_space<vmem>> -> memref<80xi32, #tpu.memory_space<vmem>>
      %dma_wait3A_285 = arith.constant 0 : i32
      %dma_wait3A_286 = arith.constant 0 : i32
      %dma_wait3A_287 = tpu.memref_slice %arg2[%dma_wait3A_285, %dma_wait3A_286] : memref<10000x128xf32, #tpu.memory_space<hbm>> -> memref<10000x128xf32, #tpu.memory_space<hbm>>
      %dma_wait3A_288 = tpu.memref_slice %arg11[%dma_wait3A_277] : memref<4x!tpu.dma_semaphore, #tpu.memory_space<semaphore_mem>> -> memref<1x!tpu.dma_semaphore, #tpu.memory_space<semaphore_mem>>
      %dma_wait3A_289 = tpu.memref_squeeze %dma_wait3A_288 : memref<1x!tpu.dma_semaphore, #tpu.memory_space<semaphore_mem>> -> memref<!tpu.dma_semaphore, #tpu.memory_space<semaphore_mem>>
      tpu.wait_indirect_dma semaphore(%dma_wait3A_289 : memref<!tpu.dma_semaphore, #tpu.memory_space<semaphore_mem>>) src(%dma_wait3A_287 : memref<10000x128xf32, #tpu.memory_space<hbm>>) dst(%dma_wait3A_281 : memref<80x128xf32, #tpu.memory_space<vmem>>)
      %dma_start3A_290 = arith.constant 0 : i32
      %dma_start3A_291 = arith.constant 0 : i32
      %dma_start3A_292 = arith.constant 0 : i32
      %dma_start3A_293 = arith.constant 0 : i32
      %dma_start3A_294 = tpu.memref_slice %arg9[%dma_start3A_290, %dma_start3A_292, %dma_start3A_293] : memref<4x80x128xf32, #tpu.memory_space<vmem>> -> memref<1x80x128xf32, #tpu.memory_space<vmem>>
      %dma_start3A_295 = tpu.memref_squeeze %dma_start3A_294 : memref<1x80x128xf32, #tpu.memory_space<vmem>> -> memref<80x128xf32, #tpu.memory_space<vmem>>
      %dma_start3A_296 = arith.constant 0 : i32
      %dma_start3A_297 = tpu.memref_slice %arg8[%add3A_276, %dma_start3A_296] : memref<32x80xi32, #tpu.memory_space<vmem>> -> memref<1x80xi32, #tpu.memory_space<vmem>>
      %dma_start3A_298 = tpu.memref_squeeze %dma_start3A_297 : memref<1x80xi32, #tpu.memory_space<vmem>> -> memref<80xi32, #tpu.memory_space<vmem>>
      %dma_start3A_299 = arith.constant 0 : i32
      %dma_start3A_300 = arith.constant 0 : i32
      %dma_start3A_301 = tpu.memref_slice %arg10[%dma_start3A_299, %dma_start3A_300] : memref<10240x128xf32, #tpu.memory_space<vmem_shared>> -> memref<10240x128xf32, #tpu.memory_space<vmem_shared>>
      %dma_start3A_302 = tpu.memref_slice %arg12[%dma_start3A_291] : memref<4x!tpu.dma_semaphore, #tpu.memory_space<semaphore_mem>> -> memref<1x!tpu.dma_semaphore, #tpu.memory_space<semaphore_mem>>
      %dma_start3A_303 = tpu.memref_squeeze %dma_start3A_302 : memref<1x!tpu.dma_semaphore, #tpu.memory_space<semaphore_mem>> -> memref<!tpu.dma_semaphore, #tpu.memory_space<semaphore_mem>>
      tpu.enqueue_indirect_dma source(%dma_start3A_295 : memref<80x128xf32, #tpu.memory_space<vmem>>) target(%dma_start3A_301 : memref<10240x128xf32, #tpu.memory_space<vmem_shared>>) offsets(%dma_start3A_298 : memref<80xi32, #tpu.memory_space<vmem>>) semaphore(%dma_start3A_303 : memref<!tpu.dma_semaphore, #tpu.memory_space<semaphore_mem>>) {add = true}
      %mul3A_304 = arith.constant 4 : i32
      %mul3A_305 = arith.muli %mul3A_304, %scan3A_272 : i32
      %add3A_306 = arith.constant 1 : i32
      %add3A_307 = arith.addi %mul3A_305, %add3A_306 : i32
      %dma_wait3A_308 = arith.constant 1 : i32
      %dma_wait3A_309 = arith.constant 1 : i32
      %dma_wait3A_310 = arith.constant 0 : i32
      %dma_wait3A_311 = arith.constant 0 : i32
      %dma_wait3A_312 = tpu.memref_slice %arg9[%dma_wait3A_308, %dma_wait3A_310, %dma_wait3A_311] : memref<4x80x128xf32, #tpu.memory_space<vmem>> -> memref<1x80x128xf32, #tpu.memory_space<vmem>>
      %dma_wait3A_313 = tpu.memref_squeeze %dma_wait3A_312 : memref<1x80x128xf32, #tpu.memory_space<vmem>> -> memref<80x128xf32, #tpu.memory_space<vmem>>
      %dma_wait3A_314 = arith.constant 0 : i32
      %dma_wait3A_315 = tpu.memref_slice %arg7[%add3A_307, %dma_wait3A_314] : memref<32x80xi32, #tpu.memory_space<vmem>> -> memref<1x80xi32, #tpu.memory_space<vmem>>
      %dma_wait3A_316 = tpu.memref_squeeze %dma_wait3A_315 : memref<1x80xi32, #tpu.memory_space<vmem>> -> memref<80xi32, #tpu.memory_space<vmem>>
      %dma_wait3A_317 = arith.constant 0 : i32
      %dma_wait3A_318 = arith.constant 0 : i32
      %dma_wait3A_319 = tpu.memref_slice %arg2[%dma_wait3A_317, %dma_wait3A_318] : memref<10000x128xf32, #tpu.memory_space<hbm>> -> memref<10000x128xf32, #tpu.memory_space<hbm>>
      %dma_wait3A_320 = tpu.memref_slice %arg11[%dma_wait3A_309] : memref<4x!tpu.dma_semaphore, #tpu.memory_space<semaphore_mem>> -> memref<1x!tpu.dma_semaphore, #tpu.memory_space<semaphore_mem>>
      %dma_wait3A_321 = tpu.memref_squeeze %dma_wait3A_320 : memref<1x!tpu.dma_semaphore, #tpu.memory_space<semaphore_mem>> -> memref<!tpu.dma_semaphore, #tpu.memory_space<semaphore_mem>>
      tpu.wait_indirect_dma semaphore(%dma_wait3A_321 : memref<!tpu.dma_semaphore, #tpu.memory_space<semaphore_mem>>) src(%dma_wait3A_319 : memref<10000x128xf32, #tpu.memory_space<hbm>>) dst(%dma_wait3A_313 : memref<80x128xf32, #tpu.memory_space<vmem>>)
      %dma_start3A_322 = arith.constant 1 : i32
      %dma_start3A_323 = arith.constant 1 : i32
      %dma_start3A_324 = arith.constant 0 : i32
      %dma_start3A_325 = arith.constant 0 : i32
      %dma_start3A_326 = tpu.memref_slice %arg9[%dma_start3A_322, %dma_start3A_324, %dma_start3A_325] : memref<4x80x128xf32, #tpu.memory_space<vmem>> -> memref<1x80x128xf32, #tpu.memory_space<vmem>>
      %dma_start3A_327 = tpu.memref_squeeze %dma_start3A_326 : memref<1x80x128xf32, #tpu.memory_space<vmem>> -> memref<80x128xf32, #tpu.memory_space<vmem>>
      %dma_start3A_328 = arith.constant 0 : i32
      %dma_start3A_329 = tpu.memref_slice %arg8[%add3A_307, %dma_start3A_328] : memref<32x80xi32, #tpu.memory_space<vmem>> -> memref<1x80xi32, #tpu.memory_space<vmem>>
      %dma_start3A_330 = tpu.memref_squeeze %dma_start3A_329 : memref<1x80xi32, #tpu.memory_space<vmem>> -> memref<80xi32, #tpu.memory_space<vmem>>
      %dma_start3A_331 = arith.constant 0 : i32
      %dma_start3A_332 = arith.constant 0 : i32
      %dma_start3A_333 = tpu.memref_slice %arg10[%dma_start3A_331, %dma_start3A_332] : memref<10240x128xf32, #tpu.memory_space<vmem_shared>> -> memref<10240x128xf32, #tpu.memory_space<vmem_shared>>
      %dma_start3A_334 = tpu.memref_slice %arg12[%dma_start3A_323] : memref<4x!tpu.dma_semaphore, #tpu.memory_space<semaphore_mem>> -> memref<1x!tpu.dma_semaphore, #tpu.memory_space<semaphore_mem>>
      %dma_start3A_335 = tpu.memref_squeeze %dma_start3A_334 : memref<1x!tpu.dma_semaphore, #tpu.memory_space<semaphore_mem>> -> memref<!tpu.dma_semaphore, #tpu.memory_space<semaphore_mem>>
      tpu.enqueue_indirect_dma source(%dma_start3A_327 : memref<80x128xf32, #tpu.memory_space<vmem>>) target(%dma_start3A_333 : memref<10240x128xf32, #tpu.memory_space<vmem_shared>>) offsets(%dma_start3A_330 : memref<80xi32, #tpu.memory_space<vmem>>) semaphore(%dma_start3A_335 : memref<!tpu.dma_semaphore, #tpu.memory_space<semaphore_mem>>) {add = true}
      %mul3A_336 = arith.constant 4 : i32
      %mul3A_337 = arith.muli %mul3A_336, %scan3A_272 : i32
      %add3A_338 = arith.constant 2 : i32
      %add3A_339 = arith.addi %mul3A_337, %add3A_338 : i32
      %dma_wait3A_340 = arith.constant 2 : i32
      %dma_wait3A_341 = arith.constant 2 : i32
      %dma_wait3A_342 = arith.constant 0 : i32
      %dma_wait3A_343 = arith.constant 0 : i32
      %dma_wait3A_344 = tpu.memref_slice %arg9[%dma_wait3A_340, %dma_wait3A_342, %dma_wait3A_343] : memref<4x80x128xf32, #tpu.memory_space<vmem>> -> memref<1x80x128xf32, #tpu.memory_space<vmem>>
      %dma_wait3A_345 = tpu.memref_squeeze %dma_wait3A_344 : memref<1x80x128xf32, #tpu.memory_space<vmem>> -> memref<80x128xf32, #tpu.memory_space<vmem>>
      %dma_wait3A_346 = arith.constant 0 : i32
      %dma_wait3A_347 = tpu.memref_slice %arg7[%add3A_339, %dma_wait3A_346] : memref<32x80xi32, #tpu.memory_space<vmem>> -> memref<1x80xi32, #tpu.memory_space<vmem>>
      %dma_wait3A_348 = tpu.memref_squeeze %dma_wait3A_347 : memref<1x80xi32, #tpu.memory_space<vmem>> -> memref<80xi32, #tpu.memory_space<vmem>>
      %dma_wait3A_349 = arith.constant 0 : i32
      %dma_wait3A_350 = arith.constant 0 : i32
      %dma_wait3A_351 = tpu.memref_slice %arg2[%dma_wait3A_349, %dma_wait3A_350] : memref<10000x128xf32, #tpu.memory_space<hbm>> -> memref<10000x128xf32, #tpu.memory_space<hbm>>
      %dma_wait3A_352 = tpu.memref_slice %arg11[%dma_wait3A_341] : memref<4x!tpu.dma_semaphore, #tpu.memory_space<semaphore_mem>> -> memref<1x!tpu.dma_semaphore, #tpu.memory_space<semaphore_mem>>
      %dma_wait3A_353 = tpu.memref_squeeze %dma_wait3A_352 : memref<1x!tpu.dma_semaphore, #tpu.memory_space<semaphore_mem>> -> memref<!tpu.dma_semaphore, #tpu.memory_space<semaphore_mem>>
      tpu.wait_indirect_dma semaphore(%dma_wait3A_353 : memref<!tpu.dma_semaphore, #tpu.memory_space<semaphore_mem>>) src(%dma_wait3A_351 : memref<10000x128xf32, #tpu.memory_space<hbm>>) dst(%dma_wait3A_345 : memref<80x128xf32, #tpu.memory_space<vmem>>)
      %dma_start3A_354 = arith.constant 2 : i32
      %dma_start3A_355 = arith.constant 2 : i32
      %dma_start3A_356 = arith.constant 0 : i32
      %dma_start3A_357 = arith.constant 0 : i32
      %dma_start3A_358 = tpu.memref_slice %arg9[%dma_start3A_354, %dma_start3A_356, %dma_start3A_357] : memref<4x80x128xf32, #tpu.memory_space<vmem>> -> memref<1x80x128xf32, #tpu.memory_space<vmem>>
      %dma_start3A_359 = tpu.memref_squeeze %dma_start3A_358 : memref<1x80x128xf32, #tpu.memory_space<vmem>> -> memref<80x128xf32, #tpu.memory_space<vmem>>
      %dma_start3A_360 = arith.constant 0 : i32
      %dma_start3A_361 = tpu.memref_slice %arg8[%add3A_339, %dma_start3A_360] : memref<32x80xi32, #tpu.memory_space<vmem>> -> memref<1x80xi32, #tpu.memory_space<vmem>>
      %dma_start3A_362 = tpu.memref_squeeze %dma_start3A_361 : memref<1x80xi32, #tpu.memory_space<vmem>> -> memref<80xi32, #tpu.memory_space<vmem>>
      %dma_start3A_363 = arith.constant 0 : i32
      %dma_start3A_364 = arith.constant 0 : i32
      %dma_start3A_365 = tpu.memref_slice %arg10[%dma_start3A_363, %dma_start3A_364] : memref<10240x128xf32, #tpu.memory_space<vmem_shared>> -> memref<10240x128xf32, #tpu.memory_space<vmem_shared>>
      %dma_start3A_366 = tpu.memref_slice %arg12[%dma_start3A_355] : memref<4x!tpu.dma_semaphore, #tpu.memory_space<semaphore_mem>> -> memref<1x!tpu.dma_semaphore, #tpu.memory_space<semaphore_mem>>
      %dma_start3A_367 = tpu.memref_squeeze %dma_start3A_366 : memref<1x!tpu.dma_semaphore, #tpu.memory_space<semaphore_mem>> -> memref<!tpu.dma_semaphore, #tpu.memory_space<semaphore_mem>>
      tpu.enqueue_indirect_dma source(%dma_start3A_359 : memref<80x128xf32, #tpu.memory_space<vmem>>) target(%dma_start3A_365 : memref<10240x128xf32, #tpu.memory_space<vmem_shared>>) offsets(%dma_start3A_362 : memref<80xi32, #tpu.memory_space<vmem>>) semaphore(%dma_start3A_367 : memref<!tpu.dma_semaphore, #tpu.memory_space<semaphore_mem>>) {add = true}
      %mul3A_368 = arith.constant 4 : i32
      %mul3A_369 = arith.muli %mul3A_368, %scan3A_272 : i32
      %add3A_370 = arith.constant 3 : i32
      %add3A_371 = arith.addi %mul3A_369, %add3A_370 : i32
      %dma_wait3A_372 = arith.constant 3 : i32
      %dma_wait3A_373 = arith.constant 3 : i32
      %dma_wait3A_374 = arith.constant 0 : i32
      %dma_wait3A_375 = arith.constant 0 : i32
      %dma_wait3A_376 = tpu.memref_slice %arg9[%dma_wait3A_372, %dma_wait3A_374, %dma_wait3A_375] : memref<4x80x128xf32, #tpu.memory_space<vmem>> -> memref<1x80x128xf32, #tpu.memory_space<vmem>>
      %dma_wait3A_377 = tpu.memref_squeeze %dma_wait3A_376 : memref<1x80x128xf32, #tpu.memory_space<vmem>> -> memref<80x128xf32, #tpu.memory_space<vmem>>
      %dma_wait3A_378 = arith.constant 0 : i32
      %dma_wait3A_379 = tpu.memref_slice %arg7[%add3A_371, %dma_wait3A_378] : memref<32x80xi32, #tpu.memory_space<vmem>> -> memref<1x80xi32, #tpu.memory_space<vmem>>
      %dma_wait3A_380 = tpu.memref_squeeze %dma_wait3A_379 : memref<1x80xi32, #tpu.memory_space<vmem>> -> memref<80xi32, #tpu.memory_space<vmem>>
      %dma_wait3A_381 = arith.constant 0 : i32
      %dma_wait3A_382 = arith.constant 0 : i32
      %dma_wait3A_383 = tpu.memref_slice %arg2[%dma_wait3A_381, %dma_wait3A_382] : memref<10000x128xf32, #tpu.memory_space<hbm>> -> memref<10000x128xf32, #tpu.memory_space<hbm>>
      %dma_wait3A_384 = tpu.memref_slice %arg11[%dma_wait3A_373] : memref<4x!tpu.dma_semaphore, #tpu.memory_space<semaphore_mem>> -> memref<1x!tpu.dma_semaphore, #tpu.memory_space<semaphore_mem>>
      %dma_wait3A_385 = tpu.memref_squeeze %dma_wait3A_384 : memref<1x!tpu.dma_semaphore, #tpu.memory_space<semaphore_mem>> -> memref<!tpu.dma_semaphore, #tpu.memory_space<semaphore_mem>>
      tpu.wait_indirect_dma semaphore(%dma_wait3A_385 : memref<!tpu.dma_semaphore, #tpu.memory_space<semaphore_mem>>) src(%dma_wait3A_383 : memref<10000x128xf32, #tpu.memory_space<hbm>>) dst(%dma_wait3A_377 : memref<80x128xf32, #tpu.memory_space<vmem>>)
      %dma_start3A_386 = arith.constant 3 : i32
      %dma_start3A_387 = arith.constant 3 : i32
      %dma_start3A_388 = arith.constant 0 : i32
      %dma_start3A_389 = arith.constant 0 : i32
      %dma_start3A_390 = tpu.memref_slice %arg9[%dma_start3A_386, %dma_start3A_388, %dma_start3A_389] : memref<4x80x128xf32, #tpu.memory_space<vmem>> -> memref<1x80x128xf32, #tpu.memory_space<vmem>>
      %dma_start3A_391 = tpu.memref_squeeze %dma_start3A_390 : memref<1x80x128xf32, #tpu.memory_space<vmem>> -> memref<80x128xf32, #tpu.memory_space<vmem>>
      %dma_start3A_392 = arith.constant 0 : i32
      %dma_start3A_393 = tpu.memref_slice %arg8[%add3A_371, %dma_start3A_392] : memref<32x80xi32, #tpu.memory_space<vmem>> -> memref<1x80xi32, #tpu.memory_space<vmem>>
      %dma_start3A_394 = tpu.memref_squeeze %dma_start3A_393 : memref<1x80xi32, #tpu.memory_space<vmem>> -> memref<80xi32, #tpu.memory_space<vmem>>
      %dma_start3A_395 = arith.constant 0 : i32
      %dma_start3A_396 = arith.constant 0 : i32
      %dma_start3A_397 = tpu.memref_slice %arg10[%dma_start3A_395, %dma_start3A_396] : memref<10240x128xf32, #tpu.memory_space<vmem_shared>> -> memref<10240x128xf32, #tpu.memory_space<vmem_shared>>
      %dma_start3A_398 = tpu.memref_slice %arg12[%dma_start3A_387] : memref<4x!tpu.dma_semaphore, #tpu.memory_space<semaphore_mem>> -> memref<1x!tpu.dma_semaphore, #tpu.memory_space<semaphore_mem>>
      %dma_start3A_399 = tpu.memref_squeeze %dma_start3A_398 : memref<1x!tpu.dma_semaphore, #tpu.memory_space<semaphore_mem>> -> memref<!tpu.dma_semaphore, #tpu.memory_space<semaphore_mem>>
      tpu.enqueue_indirect_dma source(%dma_start3A_391 : memref<80x128xf32, #tpu.memory_space<vmem>>) target(%dma_start3A_397 : memref<10240x128xf32, #tpu.memory_space<vmem_shared>>) offsets(%dma_start3A_394 : memref<80xi32, #tpu.memory_space<vmem>>) semaphore(%dma_start3A_399 : memref<!tpu.dma_semaphore, #tpu.memory_space<semaphore_mem>>) {add = true}
      %mul3A_400 = arith.constant 4 : i32
      %mul3A_401 = arith.muli %mul3A_400, %scan3A_272 : i32
      %add3A_402 = arith.constant 0 : i32
      %add3A_403 = arith.addi %mul3A_401, %add3A_402 : i32
      %dma_wait3A_404 = arith.constant 0 : i32
      %dma_wait3A_405 = arith.constant 0 : i32
      %dma_wait3A_406 = arith.constant 0 : i32
      %dma_wait3A_407 = arith.constant 0 : i32
      %dma_wait3A_408 = tpu.memref_slice %arg9[%dma_wait3A_404, %dma_wait3A_406, %dma_wait3A_407] : memref<4x80x128xf32, #tpu.memory_space<vmem>> -> memref<1x80x128xf32, #tpu.memory_space<vmem>>
      %dma_wait3A_409 = tpu.memref_squeeze %dma_wait3A_408 : memref<1x80x128xf32, #tpu.memory_space<vmem>> -> memref<80x128xf32, #tpu.memory_space<vmem>>
      %dma_wait3A_410 = arith.constant 0 : i32
      %dma_wait3A_411 = tpu.memref_slice %arg8[%add3A_403, %dma_wait3A_410] : memref<32x80xi32, #tpu.memory_space<vmem>> -> memref<1x80xi32, #tpu.memory_space<vmem>>
      %dma_wait3A_412 = tpu.memref_squeeze %dma_wait3A_411 : memref<1x80xi32, #tpu.memory_space<vmem>> -> memref<80xi32, #tpu.memory_space<vmem>>
      %dma_wait3A_413 = arith.constant 0 : i32
      %dma_wait3A_414 = arith.constant 0 : i32
      %dma_wait3A_415 = tpu.memref_slice %arg10[%dma_wait3A_413, %dma_wait3A_414] : memref<10240x128xf32, #tpu.memory_space<vmem_shared>> -> memref<10240x128xf32, #tpu.memory_space<vmem_shared>>
      %dma_wait3A_416 = tpu.memref_slice %arg12[%dma_wait3A_405] : memref<4x!tpu.dma_semaphore, #tpu.memory_space<semaphore_mem>> -> memref<1x!tpu.dma_semaphore, #tpu.memory_space<semaphore_mem>>
      %dma_wait3A_417 = tpu.memref_squeeze %dma_wait3A_416 : memref<1x!tpu.dma_semaphore, #tpu.memory_space<semaphore_mem>> -> memref<!tpu.dma_semaphore, #tpu.memory_space<semaphore_mem>>
      tpu.wait_indirect_dma semaphore(%dma_wait3A_417 : memref<!tpu.dma_semaphore, #tpu.memory_space<semaphore_mem>>) src(%dma_wait3A_409 : memref<80x128xf32, #tpu.memory_space<vmem>>) dst(%dma_wait3A_415 : memref<10240x128xf32, #tpu.memory_space<vmem_shared>>)
      %add3A_418 = arith.constant 1 : i32
      %add3A_419 = arith.addi %scan3A_272, %add3A_418 : i32
      %lt3A = arith.constant 8 : i32
      %lt3A_420 = arith.cmpi slt, %add3A_419, %lt3A : i32
      %convert_element_type3A = arith.extui %lt3A_420 : i1 to i32
      %cond3A = arith.constant 0 : i32
      %cond3A_421 = arith.cmpi ne, %convert_element_type3A, %cond3A : i32
      scf.if %cond3A_421 {
        %add3A_497 = arith.constant 4 : i32
        %add3A_498 = arith.addi %add3A_403, %add3A_497 : i32
        %dma_start3A_499 = arith.constant 0 : i32
        %dma_start3A_500 = arith.constant 0 : i32
        %dma_start3A_501 = arith.constant 0 : i32
        %dma_start3A_502 = arith.constant 0 : i32
        %dma_start3A_503 = tpu.memref_slice %arg9[%dma_start3A_499, %dma_start3A_501, %dma_start3A_502] : memref<4x80x128xf32, #tpu.memory_space<vmem>> -> memref<1x80x128xf32, #tpu.memory_space<vmem>>
        %dma_start3A_504 = tpu.memref_squeeze %dma_start3A_503 : memref<1x80x128xf32, #tpu.memory_space<vmem>> -> memref<80x128xf32, #tpu.memory_space<vmem>>
        %dma_start3A_505 = arith.constant 0 : i32
        %dma_start3A_506 = tpu.memref_slice %arg7[%add3A_498, %dma_start3A_505] : memref<32x80xi32, #tpu.memory_space<vmem>> -> memref<1x80xi32, #tpu.memory_space<vmem>>
        %dma_start3A_507 = tpu.memref_squeeze %dma_start3A_506 : memref<1x80xi32, #tpu.memory_space<vmem>> -> memref<80xi32, #tpu.memory_space<vmem>>
        %dma_start3A_508 = arith.constant 0 : i32
        %dma_start3A_509 = arith.constant 0 : i32
        %dma_start3A_510 = tpu.memref_slice %arg2[%dma_start3A_508, %dma_start3A_509] : memref<10000x128xf32, #tpu.memory_space<hbm>> -> memref<10000x128xf32, #tpu.memory_space<hbm>>
        %dma_start3A_511 = tpu.memref_slice %arg11[%dma_start3A_500] : memref<4x!tpu.dma_semaphore, #tpu.memory_space<semaphore_mem>> -> memref<1x!tpu.dma_semaphore, #tpu.memory_space<semaphore_mem>>
        %dma_start3A_512 = tpu.memref_squeeze %dma_start3A_511 : memref<1x!tpu.dma_semaphore, #tpu.memory_space<semaphore_mem>> -> memref<!tpu.dma_semaphore, #tpu.memory_space<semaphore_mem>>
        tpu.enqueue_indirect_dma source(%dma_start3A_510 : memref<10000x128xf32, #tpu.memory_space<hbm>>) target(%dma_start3A_504 : memref<80x128xf32, #tpu.memory_space<vmem>>) offsets(%dma_start3A_507 : memref<80xi32, #tpu.memory_space<vmem>>) semaphore(%dma_start3A_512 : memref<!tpu.dma_semaphore, #tpu.memory_space<semaphore_mem>>)
      } else {
      }
      %mul3A_422 = arith.constant 4 : i32
      %mul3A_423 = arith.muli %mul3A_422, %scan3A_272 : i32
      %add3A_424 = arith.constant 1 : i32
      %add3A_425 = arith.addi %mul3A_423, %add3A_424 : i32
      %dma_wait3A_426 = arith.constant 1 : i32
      %dma_wait3A_427 = arith.constant 1 : i32
      %dma_wait3A_428 = arith.constant 0 : i32
      %dma_wait3A_429 = arith.constant 0 : i32
      %dma_wait3A_430 = tpu.memref_slice %arg9[%dma_wait3A_426, %dma_wait3A_428, %dma_wait3A_429] : memref<4x80x128xf32, #tpu.memory_space<vmem>> -> memref<1x80x128xf32, #tpu.memory_space<vmem>>
      %dma_wait3A_431 = tpu.memref_squeeze %dma_wait3A_430 : memref<1x80x128xf32, #tpu.memory_space<vmem>> -> memref<80x128xf32, #tpu.memory_space<vmem>>
      %dma_wait3A_432 = arith.constant 0 : i32
      %dma_wait3A_433 = tpu.memref_slice %arg8[%add3A_425, %dma_wait3A_432] : memref<32x80xi32, #tpu.memory_space<vmem>> -> memref<1x80xi32, #tpu.memory_space<vmem>>
      %dma_wait3A_434 = tpu.memref_squeeze %dma_wait3A_433 : memref<1x80xi32, #tpu.memory_space<vmem>> -> memref<80xi32, #tpu.memory_space<vmem>>
      %dma_wait3A_435 = arith.constant 0 : i32
      %dma_wait3A_436 = arith.constant 0 : i32
      %dma_wait3A_437 = tpu.memref_slice %arg10[%dma_wait3A_435, %dma_wait3A_436] : memref<10240x128xf32, #tpu.memory_space<vmem_shared>> -> memref<10240x128xf32, #tpu.memory_space<vmem_shared>>
      %dma_wait3A_438 = tpu.memref_slice %arg12[%dma_wait3A_427] : memref<4x!tpu.dma_semaphore, #tpu.memory_space<semaphore_mem>> -> memref<1x!tpu.dma_semaphore, #tpu.memory_space<semaphore_mem>>
      %dma_wait3A_439 = tpu.memref_squeeze %dma_wait3A_438 : memref<1x!tpu.dma_semaphore, #tpu.memory_space<semaphore_mem>> -> memref<!tpu.dma_semaphore, #tpu.memory_space<semaphore_mem>>
      tpu.wait_indirect_dma semaphore(%dma_wait3A_439 : memref<!tpu.dma_semaphore, #tpu.memory_space<semaphore_mem>>) src(%dma_wait3A_431 : memref<80x128xf32, #tpu.memory_space<vmem>>) dst(%dma_wait3A_437 : memref<10240x128xf32, #tpu.memory_space<vmem_shared>>)
      %add3A_440 = arith.constant 1 : i32
      %add3A_441 = arith.addi %scan3A_272, %add3A_440 : i32
      %lt3A_442 = arith.constant 8 : i32
      %lt3A_443 = arith.cmpi slt, %add3A_441, %lt3A_442 : i32
      %convert_element_type3A_444 = arith.extui %lt3A_443 : i1 to i32
      %cond3A_445 = arith.constant 0 : i32
      %cond3A_446 = arith.cmpi ne, %convert_element_type3A_444, %cond3A_445 : i32
      scf.if %cond3A_446 {
        %add3A_497 = arith.constant 4 : i32
        %add3A_498 = arith.addi %add3A_425, %add3A_497 : i32
        %dma_start3A_499 = arith.constant 1 : i32
        %dma_start3A_500 = arith.constant 1 : i32
        %dma_start3A_501 = arith.constant 0 : i32
        %dma_start3A_502 = arith.constant 0 : i32
        %dma_start3A_503 = tpu.memref_slice %arg9[%dma_start3A_499, %dma_start3A_501, %dma_start3A_502] : memref<4x80x128xf32, #tpu.memory_space<vmem>> -> memref<1x80x128xf32, #tpu.memory_space<vmem>>
        %dma_start3A_504 = tpu.memref_squeeze %dma_start3A_503 : memref<1x80x128xf32, #tpu.memory_space<vmem>> -> memref<80x128xf32, #tpu.memory_space<vmem>>
        %dma_start3A_505 = arith.constant 0 : i32
        %dma_start3A_506 = tpu.memref_slice %arg7[%add3A_498, %dma_start3A_505] : memref<32x80xi32, #tpu.memory_space<vmem>> -> memref<1x80xi32, #tpu.memory_space<vmem>>
        %dma_start3A_507 = tpu.memref_squeeze %dma_start3A_506 : memref<1x80xi32, #tpu.memory_space<vmem>> -> memref<80xi32, #tpu.memory_space<vmem>>
        %dma_start3A_508 = arith.constant 0 : i32
        %dma_start3A_509 = arith.constant 0 : i32
        %dma_start3A_510 = tpu.memref_slice %arg2[%dma_start3A_508, %dma_start3A_509] : memref<10000x128xf32, #tpu.memory_space<hbm>> -> memref<10000x128xf32, #tpu.memory_space<hbm>>
        %dma_start3A_511 = tpu.memref_slice %arg11[%dma_start3A_500] : memref<4x!tpu.dma_semaphore, #tpu.memory_space<semaphore_mem>> -> memref<1x!tpu.dma_semaphore, #tpu.memory_space<semaphore_mem>>
        %dma_start3A_512 = tpu.memref_squeeze %dma_start3A_511 : memref<1x!tpu.dma_semaphore, #tpu.memory_space<semaphore_mem>> -> memref<!tpu.dma_semaphore, #tpu.memory_space<semaphore_mem>>
        tpu.enqueue_indirect_dma source(%dma_start3A_510 : memref<10000x128xf32, #tpu.memory_space<hbm>>) target(%dma_start3A_504 : memref<80x128xf32, #tpu.memory_space<vmem>>) offsets(%dma_start3A_507 : memref<80xi32, #tpu.memory_space<vmem>>) semaphore(%dma_start3A_512 : memref<!tpu.dma_semaphore, #tpu.memory_space<semaphore_mem>>)
      } else {
      }
      %mul3A_447 = arith.constant 4 : i32
      %mul3A_448 = arith.muli %mul3A_447, %scan3A_272 : i32
      %add3A_449 = arith.constant 2 : i32
      %add3A_450 = arith.addi %mul3A_448, %add3A_449 : i32
      %dma_wait3A_451 = arith.constant 2 : i32
      %dma_wait3A_452 = arith.constant 2 : i32
      %dma_wait3A_453 = arith.constant 0 : i32
      %dma_wait3A_454 = arith.constant 0 : i32
      %dma_wait3A_455 = tpu.memref_slice %arg9[%dma_wait3A_451, %dma_wait3A_453, %dma_wait3A_454] : memref<4x80x128xf32, #tpu.memory_space<vmem>> -> memref<1x80x128xf32, #tpu.memory_space<vmem>>
      %dma_wait3A_456 = tpu.memref_squeeze %dma_wait3A_455 : memref<1x80x128xf32, #tpu.memory_space<vmem>> -> memref<80x128xf32, #tpu.memory_space<vmem>>
      %dma_wait3A_457 = arith.constant 0 : i32
      %dma_wait3A_458 = tpu.memref_slice %arg8[%add3A_450, %dma_wait3A_457] : memref<32x80xi32, #tpu.memory_space<vmem>> -> memref<1x80xi32, #tpu.memory_space<vmem>>
      %dma_wait3A_459 = tpu.memref_squeeze %dma_wait3A_458 : memref<1x80xi32, #tpu.memory_space<vmem>> -> memref<80xi32, #tpu.memory_space<vmem>>
      %dma_wait3A_460 = arith.constant 0 : i32
      %dma_wait3A_461 = arith.constant 0 : i32
      %dma_wait3A_462 = tpu.memref_slice %arg10[%dma_wait3A_460, %dma_wait3A_461] : memref<10240x128xf32, #tpu.memory_space<vmem_shared>> -> memref<10240x128xf32, #tpu.memory_space<vmem_shared>>
      %dma_wait3A_463 = tpu.memref_slice %arg12[%dma_wait3A_452] : memref<4x!tpu.dma_semaphore, #tpu.memory_space<semaphore_mem>> -> memref<1x!tpu.dma_semaphore, #tpu.memory_space<semaphore_mem>>
      %dma_wait3A_464 = tpu.memref_squeeze %dma_wait3A_463 : memref<1x!tpu.dma_semaphore, #tpu.memory_space<semaphore_mem>> -> memref<!tpu.dma_semaphore, #tpu.memory_space<semaphore_mem>>
      tpu.wait_indirect_dma semaphore(%dma_wait3A_464 : memref<!tpu.dma_semaphore, #tpu.memory_space<semaphore_mem>>) src(%dma_wait3A_456 : memref<80x128xf32, #tpu.memory_space<vmem>>) dst(%dma_wait3A_462 : memref<10240x128xf32, #tpu.memory_space<vmem_shared>>)
      %add3A_465 = arith.constant 1 : i32
      %add3A_466 = arith.addi %scan3A_272, %add3A_465 : i32
      %lt3A_467 = arith.constant 8 : i32
      %lt3A_468 = arith.cmpi slt, %add3A_466, %lt3A_467 : i32
      %convert_element_type3A_469 = arith.extui %lt3A_468 : i1 to i32
      %cond3A_470 = arith.constant 0 : i32
      %cond3A_471 = arith.cmpi ne, %convert_element_type3A_469, %cond3A_470 : i32
      scf.if %cond3A_471 {
        %add3A_497 = arith.constant 4 : i32
        %add3A_498 = arith.addi %add3A_450, %add3A_497 : i32
        %dma_start3A_499 = arith.constant 2 : i32
        %dma_start3A_500 = arith.constant 2 : i32
        %dma_start3A_501 = arith.constant 0 : i32
        %dma_start3A_502 = arith.constant 0 : i32
        %dma_start3A_503 = tpu.memref_slice %arg9[%dma_start3A_499, %dma_start3A_501, %dma_start3A_502] : memref<4x80x128xf32, #tpu.memory_space<vmem>> -> memref<1x80x128xf32, #tpu.memory_space<vmem>>
        %dma_start3A_504 = tpu.memref_squeeze %dma_start3A_503 : memref<1x80x128xf32, #tpu.memory_space<vmem>> -> memref<80x128xf32, #tpu.memory_space<vmem>>
        %dma_start3A_505 = arith.constant 0 : i32
        %dma_start3A_506 = tpu.memref_slice %arg7[%add3A_498, %dma_start3A_505] : memref<32x80xi32, #tpu.memory_space<vmem>> -> memref<1x80xi32, #tpu.memory_space<vmem>>
        %dma_start3A_507 = tpu.memref_squeeze %dma_start3A_506 : memref<1x80xi32, #tpu.memory_space<vmem>> -> memref<80xi32, #tpu.memory_space<vmem>>
        %dma_start3A_508 = arith.constant 0 : i32
        %dma_start3A_509 = arith.constant 0 : i32
        %dma_start3A_510 = tpu.memref_slice %arg2[%dma_start3A_508, %dma_start3A_509] : memref<10000x128xf32, #tpu.memory_space<hbm>> -> memref<10000x128xf32, #tpu.memory_space<hbm>>
        %dma_start3A_511 = tpu.memref_slice %arg11[%dma_start3A_500] : memref<4x!tpu.dma_semaphore, #tpu.memory_space<semaphore_mem>> -> memref<1x!tpu.dma_semaphore, #tpu.memory_space<semaphore_mem>>
        %dma_start3A_512 = tpu.memref_squeeze %dma_start3A_511 : memref<1x!tpu.dma_semaphore, #tpu.memory_space<semaphore_mem>> -> memref<!tpu.dma_semaphore, #tpu.memory_space<semaphore_mem>>
        tpu.enqueue_indirect_dma source(%dma_start3A_510 : memref<10000x128xf32, #tpu.memory_space<hbm>>) target(%dma_start3A_504 : memref<80x128xf32, #tpu.memory_space<vmem>>) offsets(%dma_start3A_507 : memref<80xi32, #tpu.memory_space<vmem>>) semaphore(%dma_start3A_512 : memref<!tpu.dma_semaphore, #tpu.memory_space<semaphore_mem>>)
      } else {
      }
      %mul3A_472 = arith.constant 4 : i32
      %mul3A_473 = arith.muli %mul3A_472, %scan3A_272 : i32
      %add3A_474 = arith.constant 3 : i32
      %add3A_475 = arith.addi %mul3A_473, %add3A_474 : i32
      %dma_wait3A_476 = arith.constant 3 : i32
      %dma_wait3A_477 = arith.constant 3 : i32
      %dma_wait3A_478 = arith.constant 0 : i32
      %dma_wait3A_479 = arith.constant 0 : i32
      %dma_wait3A_480 = tpu.memref_slice %arg9[%dma_wait3A_476, %dma_wait3A_478, %dma_wait3A_479] : memref<4x80x128xf32, #tpu.memory_space<vmem>> -> memref<1x80x128xf32, #tpu.memory_space<vmem>>
      %dma_wait3A_481 = tpu.memref_squeeze %dma_wait3A_480 : memref<1x80x128xf32, #tpu.memory_space<vmem>> -> memref<80x128xf32, #tpu.memory_space<vmem>>
      %dma_wait3A_482 = arith.constant 0 : i32
      %dma_wait3A_483 = tpu.memref_slice %arg8[%add3A_475, %dma_wait3A_482] : memref<32x80xi32, #tpu.memory_space<vmem>> -> memref<1x80xi32, #tpu.memory_space<vmem>>
      %dma_wait3A_484 = tpu.memref_squeeze %dma_wait3A_483 : memref<1x80xi32, #tpu.memory_space<vmem>> -> memref<80xi32, #tpu.memory_space<vmem>>
      %dma_wait3A_485 = arith.constant 0 : i32
      %dma_wait3A_486 = arith.constant 0 : i32
      %dma_wait3A_487 = tpu.memref_slice %arg10[%dma_wait3A_485, %dma_wait3A_486] : memref<10240x128xf32, #tpu.memory_space<vmem_shared>> -> memref<10240x128xf32, #tpu.memory_space<vmem_shared>>
      %dma_wait3A_488 = tpu.memref_slice %arg12[%dma_wait3A_477] : memref<4x!tpu.dma_semaphore, #tpu.memory_space<semaphore_mem>> -> memref<1x!tpu.dma_semaphore, #tpu.memory_space<semaphore_mem>>
      %dma_wait3A_489 = tpu.memref_squeeze %dma_wait3A_488 : memref<1x!tpu.dma_semaphore, #tpu.memory_space<semaphore_mem>> -> memref<!tpu.dma_semaphore, #tpu.memory_space<semaphore_mem>>
      tpu.wait_indirect_dma semaphore(%dma_wait3A_489 : memref<!tpu.dma_semaphore, #tpu.memory_space<semaphore_mem>>) src(%dma_wait3A_481 : memref<80x128xf32, #tpu.memory_space<vmem>>) dst(%dma_wait3A_487 : memref<10240x128xf32, #tpu.memory_space<vmem_shared>>)
      %add3A_490 = arith.constant 1 : i32
      %add3A_491 = arith.addi %scan3A_272, %add3A_490 : i32
      %lt3A_492 = arith.constant 8 : i32
      %lt3A_493 = arith.cmpi slt, %add3A_491, %lt3A_492 : i32
      %convert_element_type3A_494 = arith.extui %lt3A_493 : i1 to i32
      %cond3A_495 = arith.constant 0 : i32
      %cond3A_496 = arith.cmpi ne, %convert_element_type3A_494, %cond3A_495 : i32
      scf.if %cond3A_496 {
        %add3A_497 = arith.constant 4 : i32
        %add3A_498 = arith.addi %add3A_475, %add3A_497 : i32
        %dma_start3A_499 = arith.constant 3 : i32
        %dma_start3A_500 = arith.constant 3 : i32
        %dma_start3A_501 = arith.constant 0 : i32
        %dma_start3A_502 = arith.constant 0 : i32
        %dma_start3A_503 = tpu.memref_slice %arg9[%dma_start3A_499, %dma_start3A_501, %dma_start3A_502] : memref<4x80x128xf32, #tpu.memory_space<vmem>> -> memref<1x80x128xf32, #tpu.memory_space<vmem>>
        %dma_start3A_504 = tpu.memref_squeeze %dma_start3A_503 : memref<1x80x128xf32, #tpu.memory_space<vmem>> -> memref<80x128xf32, #tpu.memory_space<vmem>>
        %dma_start3A_505 = arith.constant 0 : i32
        %dma_start3A_506 = tpu.memref_slice %arg7[%add3A_498, %dma_start3A_505] : memref<32x80xi32, #tpu.memory_space<vmem>> -> memref<1x80xi32, #tpu.memory_space<vmem>>
        %dma_start3A_507 = tpu.memref_squeeze %dma_start3A_506 : memref<1x80xi32, #tpu.memory_space<vmem>> -> memref<80xi32, #tpu.memory_space<vmem>>
        %dma_start3A_508 = arith.constant 0 : i32
        %dma_start3A_509 = arith.constant 0 : i32
        %dma_start3A_510 = tpu.memref_slice %arg2[%dma_start3A_508, %dma_start3A_509] : memref<10000x128xf32, #tpu.memory_space<hbm>> -> memref<10000x128xf32, #tpu.memory_space<hbm>>
        %dma_start3A_511 = tpu.memref_slice %arg11[%dma_start3A_500] : memref<4x!tpu.dma_semaphore, #tpu.memory_space<semaphore_mem>> -> memref<1x!tpu.dma_semaphore, #tpu.memory_space<semaphore_mem>>
        %dma_start3A_512 = tpu.memref_squeeze %dma_start3A_511 : memref<1x!tpu.dma_semaphore, #tpu.memory_space<semaphore_mem>> -> memref<!tpu.dma_semaphore, #tpu.memory_space<semaphore_mem>>
        tpu.enqueue_indirect_dma source(%dma_start3A_510 : memref<10000x128xf32, #tpu.memory_space<hbm>>) target(%dma_start3A_504 : memref<80x128xf32, #tpu.memory_space<vmem>>) offsets(%dma_start3A_507 : memref<80xi32, #tpu.memory_space<vmem>>) semaphore(%dma_start3A_512 : memref<!tpu.dma_semaphore, #tpu.memory_space<semaphore_mem>>)
      } else {
      }
    }
    %scan3A_200 = arith.constant 8 : i32
    "tpu.region"() ({
      %run_scoped3A = tpu.sem_alloc : memref<!tpu.dma_semaphore, #tpu.memory_space<semaphore_mem>>
      %dma_start3A_272 = arith.constant 96 : i32
      %dma_start3A_273 = arith.constant 0 : i32
      %dma_start3A_274 = tpu.memref_slice %arg3[%add3A, %dma_start3A_272, %dma_start3A_273] : memref<32x128x80xi32, #tpu.memory_space<hbm>> -> memref<1x32x80xi32, #tpu.memory_space<hbm>>
      %dma_start3A_275 = tpu.memref_squeeze %dma_start3A_274 : memref<1x32x80xi32, #tpu.memory_space<hbm>> -> memref<32x80xi32, #tpu.memory_space<hbm>>
      %dma_start3A_276 = arith.constant 96 : i32
      %dma_start3A_277 = arith.constant 0 : i32
      %dma_start3A_278 = tpu.memref_slice %arg3[%add3A, %dma_start3A_276, %dma_start3A_277] : memref<32x128x80xi32, #tpu.memory_space<hbm>> -> memref<1x32x80xi32, #tpu.memory_space<hbm>>
      %dma_start3A_279 = tpu.memref_squeeze %dma_start3A_278 : memref<1x32x80xi32, #tpu.memory_space<hbm>> -> memref<32x80xi32, #tpu.memory_space<hbm>>
      tpu.enqueue_dma source(%dma_start3A_279 : memref<32x80xi32, #tpu.memory_space<hbm>>) target(%arg7 : memref<32x80xi32, #tpu.memory_space<vmem>>) target_semaphore(%run_scoped3A : memref<!tpu.dma_semaphore, #tpu.memory_space<semaphore_mem>>)
      %dma_wait3A = arith.constant 96 : i32
      %dma_wait3A_280 = arith.constant 0 : i32
      %dma_wait3A_281 = tpu.memref_slice %arg3[%add3A, %dma_wait3A, %dma_wait3A_280] : memref<32x128x80xi32, #tpu.memory_space<hbm>> -> memref<1x32x80xi32, #tpu.memory_space<hbm>>
      %dma_wait3A_282 = tpu.memref_squeeze %dma_wait3A_281 : memref<1x32x80xi32, #tpu.memory_space<hbm>> -> memref<32x80xi32, #tpu.memory_space<hbm>>
      %dma_wait3A_283 = arith.constant 96 : i32
      %dma_wait3A_284 = arith.constant 0 : i32
      %dma_wait3A_285 = tpu.memref_slice %arg3[%add3A, %dma_wait3A_283, %dma_wait3A_284] : memref<32x128x80xi32, #tpu.memory_space<hbm>> -> memref<1x32x80xi32, #tpu.memory_space<hbm>>
      %dma_wait3A_286 = tpu.memref_squeeze %dma_wait3A_285 : memref<1x32x80xi32, #tpu.memory_space<hbm>> -> memref<32x80xi32, #tpu.memory_space<hbm>>
      tpu.wait_dma2 semaphore(%run_scoped3A : memref<!tpu.dma_semaphore, #tpu.memory_space<semaphore_mem>>) src(%dma_wait3A_286 : memref<32x80xi32, #tpu.memory_space<hbm>>) dst(%arg7 : memref<32x80xi32, #tpu.memory_space<vmem>>)
      tpu.yield
    }) : () -> ()
    "tpu.region"() ({
      %run_scoped3A = tpu.sem_alloc : memref<!tpu.dma_semaphore, #tpu.memory_space<semaphore_mem>>
      %dma_start3A_272 = arith.constant 96 : i32
      %dma_start3A_273 = arith.constant 0 : i32
      %dma_start3A_274 = tpu.memref_slice %arg4[%add3A, %dma_start3A_272, %dma_start3A_273] : memref<32x128x80xi32, #tpu.memory_space<hbm>> -> memref<1x32x80xi32, #tpu.memory_space<hbm>>
      %dma_start3A_275 = tpu.memref_squeeze %dma_start3A_274 : memref<1x32x80xi32, #tpu.memory_space<hbm>> -> memref<32x80xi32, #tpu.memory_space<hbm>>
      %dma_start3A_276 = arith.constant 96 : i32
      %dma_start3A_277 = arith.constant 0 : i32
      %dma_start3A_278 = tpu.memref_slice %arg4[%add3A, %dma_start3A_276, %dma_start3A_277] : memref<32x128x80xi32, #tpu.memory_space<hbm>> -> memref<1x32x80xi32, #tpu.memory_space<hbm>>
      %dma_start3A_279 = tpu.memref_squeeze %dma_start3A_278 : memref<1x32x80xi32, #tpu.memory_space<hbm>> -> memref<32x80xi32, #tpu.memory_space<hbm>>
      tpu.enqueue_dma source(%dma_start3A_279 : memref<32x80xi32, #tpu.memory_space<hbm>>) target(%arg8 : memref<32x80xi32, #tpu.memory_space<vmem>>) target_semaphore(%run_scoped3A : memref<!tpu.dma_semaphore, #tpu.memory_space<semaphore_mem>>)
      %dma_wait3A = arith.constant 96 : i32
      %dma_wait3A_280 = arith.constant 0 : i32
      %dma_wait3A_281 = tpu.memref_slice %arg4[%add3A, %dma_wait3A, %dma_wait3A_280] : memref<32x128x80xi32, #tpu.memory_space<hbm>> -> memref<1x32x80xi32, #tpu.memory_space<hbm>>
      %dma_wait3A_282 = tpu.memref_squeeze %dma_wait3A_281 : memref<1x32x80xi32, #tpu.memory_space<hbm>> -> memref<32x80xi32, #tpu.memory_space<hbm>>
      %dma_wait3A_283 = arith.constant 96 : i32
      %dma_wait3A_284 = arith.constant 0 : i32
      %dma_wait3A_285 = tpu.memref_slice %arg4[%add3A, %dma_wait3A_283, %dma_wait3A_284] : memref<32x128x80xi32, #tpu.memory_space<hbm>> -> memref<1x32x80xi32, #tpu.memory_space<hbm>>
      %dma_wait3A_286 = tpu.memref_squeeze %dma_wait3A_285 : memref<1x32x80xi32, #tpu.memory_space<hbm>> -> memref<32x80xi32, #tpu.memory_space<hbm>>
      tpu.wait_dma2 semaphore(%run_scoped3A : memref<!tpu.dma_semaphore, #tpu.memory_space<semaphore_mem>>) src(%dma_wait3A_286 : memref<32x80xi32, #tpu.memory_space<hbm>>) dst(%arg8 : memref<32x80xi32, #tpu.memory_space<vmem>>)
      tpu.yield
    }) : () -> ()
    %dma_start3A_201 = arith.constant 0 : i32
    %dma_start3A_202 = arith.constant 0 : i32
    %dma_start3A_203 = arith.constant 0 : i32
    %dma_start3A_204 = arith.constant 0 : i32
    %dma_start3A_205 = arith.constant 0 : i32
    %dma_start3A_206 = tpu.memref_slice %arg9[%dma_start3A_202, %dma_start3A_204, %dma_start3A_205] : memref<4x80x128xf32, #tpu.memory_space<vmem>> -> memref<1x80x128xf32, #tpu.memory_space<vmem>>
    %dma_start3A_207 = tpu.memref_squeeze %dma_start3A_206 : memref<1x80x128xf32, #tpu.memory_space<vmem>> -> memref<80x128xf32, #tpu.memory_space<vmem>>
    %dma_start3A_208 = arith.constant 0 : i32
    %dma_start3A_209 = tpu.memref_slice %arg7[%dma_start3A_201, %dma_start3A_208] : memref<32x80xi32, #tpu.memory_space<vmem>> -> memref<1x80xi32, #tpu.memory_space<vmem>>
    %dma_start3A_210 = tpu.memref_squeeze %dma_start3A_209 : memref<1x80xi32, #tpu.memory_space<vmem>> -> memref<80xi32, #tpu.memory_space<vmem>>
    %dma_start3A_211 = arith.constant 0 : i32
    %dma_start3A_212 = arith.constant 0 : i32
    %dma_start3A_213 = tpu.memref_slice %arg2[%dma_start3A_211, %dma_start3A_212] : memref<10000x128xf32, #tpu.memory_space<hbm>> -> memref<10000x128xf32, #tpu.memory_space<hbm>>
    %dma_start3A_214 = tpu.memref_slice %arg11[%dma_start3A_203] : memref<4x!tpu.dma_semaphore, #tpu.memory_space<semaphore_mem>> -> memref<1x!tpu.dma_semaphore, #tpu.memory_space<semaphore_mem>>
    %dma_start3A_215 = tpu.memref_squeeze %dma_start3A_214 : memref<1x!tpu.dma_semaphore, #tpu.memory_space<semaphore_mem>> -> memref<!tpu.dma_semaphore, #tpu.memory_space<semaphore_mem>>
    tpu.enqueue_indirect_dma source(%dma_start3A_213 : memref<10000x128xf32, #tpu.memory_space<hbm>>) target(%dma_start3A_207 : memref<80x128xf32, #tpu.memory_space<vmem>>) offsets(%dma_start3A_210 : memref<80xi32, #tpu.memory_space<vmem>>) semaphore(%dma_start3A_215 : memref<!tpu.dma_semaphore, #tpu.memory_space<semaphore_mem>>)
    %dma_start3A_216 = arith.constant 1 : i32
    %dma_start3A_217 = arith.constant 1 : i32
    %dma_start3A_218 = arith.constant 1 : i32
    %dma_start3A_219 = arith.constant 0 : i32
    %dma_start3A_220 = arith.constant 0 : i32
    %dma_start3A_221 = tpu.memref_slice %arg9[%dma_start3A_217, %dma_start3A_219, %dma_start3A_220] : memref<4x80x128xf32, #tpu.memory_space<vmem>> -> memref<1x80x128xf32, #tpu.memory_space<vmem>>
    %dma_start3A_222 = tpu.memref_squeeze %dma_start3A_221 : memref<1x80x128xf32, #tpu.memory_space<vmem>> -> memref<80x128xf32, #tpu.memory_space<vmem>>
    %dma_start3A_223 = arith.constant 0 : i32
    %dma_start3A_224 = tpu.memref_slice %arg7[%dma_start3A_216, %dma_start3A_223] : memref<32x80xi32, #tpu.memory_space<vmem>> -> memref<1x80xi32, #tpu.memory_space<vmem>>
    %dma_start3A_225 = tpu.memref_squeeze %dma_start3A_224 : memref<1x80xi32, #tpu.memory_space<vmem>> -> memref<80xi32, #tpu.memory_space<vmem>>
    %dma_start3A_226 = arith.constant 0 : i32
    %dma_start3A_227 = arith.constant 0 : i32
    %dma_start3A_228 = tpu.memref_slice %arg2[%dma_start3A_226, %dma_start3A_227] : memref<10000x128xf32, #tpu.memory_space<hbm>> -> memref<10000x128xf32, #tpu.memory_space<hbm>>
    %dma_start3A_229 = tpu.memref_slice %arg11[%dma_start3A_218] : memref<4x!tpu.dma_semaphore, #tpu.memory_space<semaphore_mem>> -> memref<1x!tpu.dma_semaphore, #tpu.memory_space<semaphore_mem>>
    %dma_start3A_230 = tpu.memref_squeeze %dma_start3A_229 : memref<1x!tpu.dma_semaphore, #tpu.memory_space<semaphore_mem>> -> memref<!tpu.dma_semaphore, #tpu.memory_space<semaphore_mem>>
    tpu.enqueue_indirect_dma source(%dma_start3A_228 : memref<10000x128xf32, #tpu.memory_space<hbm>>) target(%dma_start3A_222 : memref<80x128xf32, #tpu.memory_space<vmem>>) offsets(%dma_start3A_225 : memref<80xi32, #tpu.memory_space<vmem>>) semaphore(%dma_start3A_230 : memref<!tpu.dma_semaphore, #tpu.memory_space<semaphore_mem>>)
    %dma_start3A_231 = arith.constant 2 : i32
    %dma_start3A_232 = arith.constant 2 : i32
    %dma_start3A_233 = arith.constant 2 : i32
    %dma_start3A_234 = arith.constant 0 : i32
    %dma_start3A_235 = arith.constant 0 : i32
    %dma_start3A_236 = tpu.memref_slice %arg9[%dma_start3A_232, %dma_start3A_234, %dma_start3A_235] : memref<4x80x128xf32, #tpu.memory_space<vmem>> -> memref<1x80x128xf32, #tpu.memory_space<vmem>>
    %dma_start3A_237 = tpu.memref_squeeze %dma_start3A_236 : memref<1x80x128xf32, #tpu.memory_space<vmem>> -> memref<80x128xf32, #tpu.memory_space<vmem>>
    %dma_start3A_238 = arith.constant 0 : i32
    %dma_start3A_239 = tpu.memref_slice %arg7[%dma_start3A_231, %dma_start3A_238] : memref<32x80xi32, #tpu.memory_space<vmem>> -> memref<1x80xi32, #tpu.memory_space<vmem>>
    %dma_start3A_240 = tpu.memref_squeeze %dma_start3A_239 : memref<1x80xi32, #tpu.memory_space<vmem>> -> memref<80xi32, #tpu.memory_space<vmem>>
    %dma_start3A_241 = arith.constant 0 : i32
    %dma_start3A_242 = arith.constant 0 : i32
    %dma_start3A_243 = tpu.memref_slice %arg2[%dma_start3A_241, %dma_start3A_242] : memref<10000x128xf32, #tpu.memory_space<hbm>> -> memref<10000x128xf32, #tpu.memory_space<hbm>>
    %dma_start3A_244 = tpu.memref_slice %arg11[%dma_start3A_233] : memref<4x!tpu.dma_semaphore, #tpu.memory_space<semaphore_mem>> -> memref<1x!tpu.dma_semaphore, #tpu.memory_space<semaphore_mem>>
    %dma_start3A_245 = tpu.memref_squeeze %dma_start3A_244 : memref<1x!tpu.dma_semaphore, #tpu.memory_space<semaphore_mem>> -> memref<!tpu.dma_semaphore, #tpu.memory_space<semaphore_mem>>
    tpu.enqueue_indirect_dma source(%dma_start3A_243 : memref<10000x128xf32, #tpu.memory_space<hbm>>) target(%dma_start3A_237 : memref<80x128xf32, #tpu.memory_space<vmem>>) offsets(%dma_start3A_240 : memref<80xi32, #tpu.memory_space<vmem>>) semaphore(%dma_start3A_245 : memref<!tpu.dma_semaphore, #tpu.memory_space<semaphore_mem>>)
    %dma_start3A_246 = arith.constant 3 : i32
    %dma_start3A_247 = arith.constant 3 : i32
    %dma_start3A_248 = arith.constant 3 : i32
    %dma_start3A_249 = arith.constant 0 : i32
    %dma_start3A_250 = arith.constant 0 : i32
    %dma_start3A_251 = tpu.memref_slice %arg9[%dma_start3A_247, %dma_start3A_249, %dma_start3A_250] : memref<4x80x128xf32, #tpu.memory_space<vmem>> -> memref<1x80x128xf32, #tpu.memory_space<vmem>>
    %dma_start3A_252 = tpu.memref_squeeze %dma_start3A_251 : memref<1x80x128xf32, #tpu.memory_space<vmem>> -> memref<80x128xf32, #tpu.memory_space<vmem>>
    %dma_start3A_253 = arith.constant 0 : i32
    %dma_start3A_254 = tpu.memref_slice %arg7[%dma_start3A_246, %dma_start3A_253] : memref<32x80xi32, #tpu.memory_space<vmem>> -> memref<1x80xi32, #tpu.memory_space<vmem>>
    %dma_start3A_255 = tpu.memref_squeeze %dma_start3A_254 : memref<1x80xi32, #tpu.memory_space<vmem>> -> memref<80xi32, #tpu.memory_space<vmem>>
    %dma_start3A_256 = arith.constant 0 : i32
    %dma_start3A_257 = arith.constant 0 : i32
    %dma_start3A_258 = tpu.memref_slice %arg2[%dma_start3A_256, %dma_start3A_257] : memref<10000x128xf32, #tpu.memory_space<hbm>> -> memref<10000x128xf32, #tpu.memory_space<hbm>>
    %dma_start3A_259 = tpu.memref_slice %arg11[%dma_start3A_248] : memref<4x!tpu.dma_semaphore, #tpu.memory_space<semaphore_mem>> -> memref<1x!tpu.dma_semaphore, #tpu.memory_space<semaphore_mem>>
    %dma_start3A_260 = tpu.memref_squeeze %dma_start3A_259 : memref<1x!tpu.dma_semaphore, #tpu.memory_space<semaphore_mem>> -> memref<!tpu.dma_semaphore, #tpu.memory_space<semaphore_mem>>
    tpu.enqueue_indirect_dma source(%dma_start3A_258 : memref<10000x128xf32, #tpu.memory_space<hbm>>) target(%dma_start3A_252 : memref<80x128xf32, #tpu.memory_space<vmem>>) offsets(%dma_start3A_255 : memref<80xi32, #tpu.memory_space<vmem>>) semaphore(%dma_start3A_260 : memref<!tpu.dma_semaphore, #tpu.memory_space<semaphore_mem>>)
    %scan3A_261 = arith.constant 0 : i32
    %scan3A_262 = arith.constant 0 : i32
    %scan3A_263 = arith.constant 8 : i32
    %scan3A_264 = arith.addi %scan3A_262, %scan3A_263 : i32
    %scan3A_265 = arith.constant 1 : i32
    scf.for %scan3A_272 = %scan3A_262 to %scan3A_264 step %scan3A_265  : i32 {
      %mul3A_273 = arith.constant 4 : i32
      %mul3A_274 = arith.muli %mul3A_273, %scan3A_272 : i32
      %add3A_275 = arith.constant 0 : i32
      %add3A_276 = arith.addi %mul3A_274, %add3A_275 : i32
      %dma_wait3A = arith.constant 0 : i32
      %dma_wait3A_277 = arith.constant 0 : i32
      %dma_wait3A_278 = arith.constant 0 : i32
      %dma_wait3A_279 = arith.constant 0 : i32
      %dma_wait3A_280 = tpu.memref_slice %arg9[%dma_wait3A, %dma_wait3A_278, %dma_wait3A_279] : memref<4x80x128xf32, #tpu.memory_space<vmem>> -> memref<1x80x128xf32, #tpu.memory_space<vmem>>
      %dma_wait3A_281 = tpu.memref_squeeze %dma_wait3A_280 : memref<1x80x128xf32, #tpu.memory_space<vmem>> -> memref<80x128xf32, #tpu.memory_space<vmem>>
      %dma_wait3A_282 = arith.constant 0 : i32
      %dma_wait3A_283 = tpu.memref_slice %arg7[%add3A_276, %dma_wait3A_282] : memref<32x80xi32, #tpu.memory_space<vmem>> -> memref<1x80xi32, #tpu.memory_space<vmem>>
      %dma_wait3A_284 = tpu.memref_squeeze %dma_wait3A_283 : memref<1x80xi32, #tpu.memory_space<vmem>> -> memref<80xi32, #tpu.memory_space<vmem>>
      %dma_wait3A_285 = arith.constant 0 : i32
      %dma_wait3A_286 = arith.constant 0 : i32
      %dma_wait3A_287 = tpu.memref_slice %arg2[%dma_wait3A_285, %dma_wait3A_286] : memref<10000x128xf32, #tpu.memory_space<hbm>> -> memref<10000x128xf32, #tpu.memory_space<hbm>>
      %dma_wait3A_288 = tpu.memref_slice %arg11[%dma_wait3A_277] : memref<4x!tpu.dma_semaphore, #tpu.memory_space<semaphore_mem>> -> memref<1x!tpu.dma_semaphore, #tpu.memory_space<semaphore_mem>>
      %dma_wait3A_289 = tpu.memref_squeeze %dma_wait3A_288 : memref<1x!tpu.dma_semaphore, #tpu.memory_space<semaphore_mem>> -> memref<!tpu.dma_semaphore, #tpu.memory_space<semaphore_mem>>
      tpu.wait_indirect_dma semaphore(%dma_wait3A_289 : memref<!tpu.dma_semaphore, #tpu.memory_space<semaphore_mem>>) src(%dma_wait3A_287 : memref<10000x128xf32, #tpu.memory_space<hbm>>) dst(%dma_wait3A_281 : memref<80x128xf32, #tpu.memory_space<vmem>>)
      %dma_start3A_290 = arith.constant 0 : i32
      %dma_start3A_291 = arith.constant 0 : i32
      %dma_start3A_292 = arith.constant 0 : i32
      %dma_start3A_293 = arith.constant 0 : i32
      %dma_start3A_294 = tpu.memref_slice %arg9[%dma_start3A_290, %dma_start3A_292, %dma_start3A_293] : memref<4x80x128xf32, #tpu.memory_space<vmem>> -> memref<1x80x128xf32, #tpu.memory_space<vmem>>
      %dma_start3A_295 = tpu.memref_squeeze %dma_start3A_294 : memref<1x80x128xf32, #tpu.memory_space<vmem>> -> memref<80x128xf32, #tpu.memory_space<vmem>>
      %dma_start3A_296 = arith.constant 0 : i32
      %dma_start3A_297 = tpu.memref_slice %arg8[%add3A_276, %dma_start3A_296] : memref<32x80xi32, #tpu.memory_space<vmem>> -> memref<1x80xi32, #tpu.memory_space<vmem>>
      %dma_start3A_298 = tpu.memref_squeeze %dma_start3A_297 : memref<1x80xi32, #tpu.memory_space<vmem>> -> memref<80xi32, #tpu.memory_space<vmem>>
      %dma_start3A_299 = arith.constant 0 : i32
      %dma_start3A_300 = arith.constant 0 : i32
      %dma_start3A_301 = tpu.memref_slice %arg10[%dma_start3A_299, %dma_start3A_300] : memref<10240x128xf32, #tpu.memory_space<vmem_shared>> -> memref<10240x128xf32, #tpu.memory_space<vmem_shared>>
      %dma_start3A_302 = tpu.memref_slice %arg12[%dma_start3A_291] : memref<4x!tpu.dma_semaphore, #tpu.memory_space<semaphore_mem>> -> memref<1x!tpu.dma_semaphore, #tpu.memory_space<semaphore_mem>>
      %dma_start3A_303 = tpu.memref_squeeze %dma_start3A_302 : memref<1x!tpu.dma_semaphore, #tpu.memory_space<semaphore_mem>> -> memref<!tpu.dma_semaphore, #tpu.memory_space<semaphore_mem>>
      tpu.enqueue_indirect_dma source(%dma_start3A_295 : memref<80x128xf32, #tpu.memory_space<vmem>>) target(%dma_start3A_301 : memref<10240x128xf32, #tpu.memory_space<vmem_shared>>) offsets(%dma_start3A_298 : memref<80xi32, #tpu.memory_space<vmem>>) semaphore(%dma_start3A_303 : memref<!tpu.dma_semaphore, #tpu.memory_space<semaphore_mem>>) {add = true}
      %mul3A_304 = arith.constant 4 : i32
      %mul3A_305 = arith.muli %mul3A_304, %scan3A_272 : i32
      %add3A_306 = arith.constant 1 : i32
      %add3A_307 = arith.addi %mul3A_305, %add3A_306 : i32
      %dma_wait3A_308 = arith.constant 1 : i32
      %dma_wait3A_309 = arith.constant 1 : i32
      %dma_wait3A_310 = arith.constant 0 : i32
      %dma_wait3A_311 = arith.constant 0 : i32
      %dma_wait3A_312 = tpu.memref_slice %arg9[%dma_wait3A_308, %dma_wait3A_310, %dma_wait3A_311] : memref<4x80x128xf32, #tpu.memory_space<vmem>> -> memref<1x80x128xf32, #tpu.memory_space<vmem>>
      %dma_wait3A_313 = tpu.memref_squeeze %dma_wait3A_312 : memref<1x80x128xf32, #tpu.memory_space<vmem>> -> memref<80x128xf32, #tpu.memory_space<vmem>>
      %dma_wait3A_314 = arith.constant 0 : i32
      %dma_wait3A_315 = tpu.memref_slice %arg7[%add3A_307, %dma_wait3A_314] : memref<32x80xi32, #tpu.memory_space<vmem>> -> memref<1x80xi32, #tpu.memory_space<vmem>>
      %dma_wait3A_316 = tpu.memref_squeeze %dma_wait3A_315 : memref<1x80xi32, #tpu.memory_space<vmem>> -> memref<80xi32, #tpu.memory_space<vmem>>
      %dma_wait3A_317 = arith.constant 0 : i32
      %dma_wait3A_318 = arith.constant 0 : i32
      %dma_wait3A_319 = tpu.memref_slice %arg2[%dma_wait3A_317, %dma_wait3A_318] : memref<10000x128xf32, #tpu.memory_space<hbm>> -> memref<10000x128xf32, #tpu.memory_space<hbm>>
      %dma_wait3A_320 = tpu.memref_slice %arg11[%dma_wait3A_309] : memref<4x!tpu.dma_semaphore, #tpu.memory_space<semaphore_mem>> -> memref<1x!tpu.dma_semaphore, #tpu.memory_space<semaphore_mem>>
      %dma_wait3A_321 = tpu.memref_squeeze %dma_wait3A_320 : memref<1x!tpu.dma_semaphore, #tpu.memory_space<semaphore_mem>> -> memref<!tpu.dma_semaphore, #tpu.memory_space<semaphore_mem>>
      tpu.wait_indirect_dma semaphore(%dma_wait3A_321 : memref<!tpu.dma_semaphore, #tpu.memory_space<semaphore_mem>>) src(%dma_wait3A_319 : memref<10000x128xf32, #tpu.memory_space<hbm>>) dst(%dma_wait3A_313 : memref<80x128xf32, #tpu.memory_space<vmem>>)
      %dma_start3A_322 = arith.constant 1 : i32
      %dma_start3A_323 = arith.constant 1 : i32
      %dma_start3A_324 = arith.constant 0 : i32
      %dma_start3A_325 = arith.constant 0 : i32
      %dma_start3A_326 = tpu.memref_slice %arg9[%dma_start3A_322, %dma_start3A_324, %dma_start3A_325] : memref<4x80x128xf32, #tpu.memory_space<vmem>> -> memref<1x80x128xf32, #tpu.memory_space<vmem>>
      %dma_start3A_327 = tpu.memref_squeeze %dma_start3A_326 : memref<1x80x128xf32, #tpu.memory_space<vmem>> -> memref<80x128xf32, #tpu.memory_space<vmem>>
      %dma_start3A_328 = arith.constant 0 : i32
      %dma_start3A_329 = tpu.memref_slice %arg8[%add3A_307, %dma_start3A_328] : memref<32x80xi32, #tpu.memory_space<vmem>> -> memref<1x80xi32, #tpu.memory_space<vmem>>
      %dma_start3A_330 = tpu.memref_squeeze %dma_start3A_329 : memref<1x80xi32, #tpu.memory_space<vmem>> -> memref<80xi32, #tpu.memory_space<vmem>>
      %dma_start3A_331 = arith.constant 0 : i32
      %dma_start3A_332 = arith.constant 0 : i32
      %dma_start3A_333 = tpu.memref_slice %arg10[%dma_start3A_331, %dma_start3A_332] : memref<10240x128xf32, #tpu.memory_space<vmem_shared>> -> memref<10240x128xf32, #tpu.memory_space<vmem_shared>>
      %dma_start3A_334 = tpu.memref_slice %arg12[%dma_start3A_323] : memref<4x!tpu.dma_semaphore, #tpu.memory_space<semaphore_mem>> -> memref<1x!tpu.dma_semaphore, #tpu.memory_space<semaphore_mem>>
      %dma_start3A_335 = tpu.memref_squeeze %dma_start3A_334 : memref<1x!tpu.dma_semaphore, #tpu.memory_space<semaphore_mem>> -> memref<!tpu.dma_semaphore, #tpu.memory_space<semaphore_mem>>
      tpu.enqueue_indirect_dma source(%dma_start3A_327 : memref<80x128xf32, #tpu.memory_space<vmem>>) target(%dma_start3A_333 : memref<10240x128xf32, #tpu.memory_space<vmem_shared>>) offsets(%dma_start3A_330 : memref<80xi32, #tpu.memory_space<vmem>>) semaphore(%dma_start3A_335 : memref<!tpu.dma_semaphore, #tpu.memory_space<semaphore_mem>>) {add = true}
      %mul3A_336 = arith.constant 4 : i32
      %mul3A_337 = arith.muli %mul3A_336, %scan3A_272 : i32
      %add3A_338 = arith.constant 2 : i32
      %add3A_339 = arith.addi %mul3A_337, %add3A_338 : i32
      %dma_wait3A_340 = arith.constant 2 : i32
      %dma_wait3A_341 = arith.constant 2 : i32
      %dma_wait3A_342 = arith.constant 0 : i32
      %dma_wait3A_343 = arith.constant 0 : i32
      %dma_wait3A_344 = tpu.memref_slice %arg9[%dma_wait3A_340, %dma_wait3A_342, %dma_wait3A_343] : memref<4x80x128xf32, #tpu.memory_space<vmem>> -> memref<1x80x128xf32, #tpu.memory_space<vmem>>
      %dma_wait3A_345 = tpu.memref_squeeze %dma_wait3A_344 : memref<1x80x128xf32, #tpu.memory_space<vmem>> -> memref<80x128xf32, #tpu.memory_space<vmem>>
      %dma_wait3A_346 = arith.constant 0 : i32
      %dma_wait3A_347 = tpu.memref_slice %arg7[%add3A_339, %dma_wait3A_346] : memref<32x80xi32, #tpu.memory_space<vmem>> -> memref<1x80xi32, #tpu.memory_space<vmem>>
      %dma_wait3A_348 = tpu.memref_squeeze %dma_wait3A_347 : memref<1x80xi32, #tpu.memory_space<vmem>> -> memref<80xi32, #tpu.memory_space<vmem>>
      %dma_wait3A_349 = arith.constant 0 : i32
      %dma_wait3A_350 = arith.constant 0 : i32
      %dma_wait3A_351 = tpu.memref_slice %arg2[%dma_wait3A_349, %dma_wait3A_350] : memref<10000x128xf32, #tpu.memory_space<hbm>> -> memref<10000x128xf32, #tpu.memory_space<hbm>>
      %dma_wait3A_352 = tpu.memref_slice %arg11[%dma_wait3A_341] : memref<4x!tpu.dma_semaphore, #tpu.memory_space<semaphore_mem>> -> memref<1x!tpu.dma_semaphore, #tpu.memory_space<semaphore_mem>>
      %dma_wait3A_353 = tpu.memref_squeeze %dma_wait3A_352 : memref<1x!tpu.dma_semaphore, #tpu.memory_space<semaphore_mem>> -> memref<!tpu.dma_semaphore, #tpu.memory_space<semaphore_mem>>
      tpu.wait_indirect_dma semaphore(%dma_wait3A_353 : memref<!tpu.dma_semaphore, #tpu.memory_space<semaphore_mem>>) src(%dma_wait3A_351 : memref<10000x128xf32, #tpu.memory_space<hbm>>) dst(%dma_wait3A_345 : memref<80x128xf32, #tpu.memory_space<vmem>>)
      %dma_start3A_354 = arith.constant 2 : i32
      %dma_start3A_355 = arith.constant 2 : i32
      %dma_start3A_356 = arith.constant 0 : i32
      %dma_start3A_357 = arith.constant 0 : i32
      %dma_start3A_358 = tpu.memref_slice %arg9[%dma_start3A_354, %dma_start3A_356, %dma_start3A_357] : memref<4x80x128xf32, #tpu.memory_space<vmem>> -> memref<1x80x128xf32, #tpu.memory_space<vmem>>
      %dma_start3A_359 = tpu.memref_squeeze %dma_start3A_358 : memref<1x80x128xf32, #tpu.memory_space<vmem>> -> memref<80x128xf32, #tpu.memory_space<vmem>>
      %dma_start3A_360 = arith.constant 0 : i32
      %dma_start3A_361 = tpu.memref_slice %arg8[%add3A_339, %dma_start3A_360] : memref<32x80xi32, #tpu.memory_space<vmem>> -> memref<1x80xi32, #tpu.memory_space<vmem>>
      %dma_start3A_362 = tpu.memref_squeeze %dma_start3A_361 : memref<1x80xi32, #tpu.memory_space<vmem>> -> memref<80xi32, #tpu.memory_space<vmem>>
      %dma_start3A_363 = arith.constant 0 : i32
      %dma_start3A_364 = arith.constant 0 : i32
      %dma_start3A_365 = tpu.memref_slice %arg10[%dma_start3A_363, %dma_start3A_364] : memref<10240x128xf32, #tpu.memory_space<vmem_shared>> -> memref<10240x128xf32, #tpu.memory_space<vmem_shared>>
      %dma_start3A_366 = tpu.memref_slice %arg12[%dma_start3A_355] : memref<4x!tpu.dma_semaphore, #tpu.memory_space<semaphore_mem>> -> memref<1x!tpu.dma_semaphore, #tpu.memory_space<semaphore_mem>>
      %dma_start3A_367 = tpu.memref_squeeze %dma_start3A_366 : memref<1x!tpu.dma_semaphore, #tpu.memory_space<semaphore_mem>> -> memref<!tpu.dma_semaphore, #tpu.memory_space<semaphore_mem>>
      tpu.enqueue_indirect_dma source(%dma_start3A_359 : memref<80x128xf32, #tpu.memory_space<vmem>>) target(%dma_start3A_365 : memref<10240x128xf32, #tpu.memory_space<vmem_shared>>) offsets(%dma_start3A_362 : memref<80xi32, #tpu.memory_space<vmem>>) semaphore(%dma_start3A_367 : memref<!tpu.dma_semaphore, #tpu.memory_space<semaphore_mem>>) {add = true}
      %mul3A_368 = arith.constant 4 : i32
      %mul3A_369 = arith.muli %mul3A_368, %scan3A_272 : i32
      %add3A_370 = arith.constant 3 : i32
      %add3A_371 = arith.addi %mul3A_369, %add3A_370 : i32
      %dma_wait3A_372 = arith.constant 3 : i32
      %dma_wait3A_373 = arith.constant 3 : i32
      %dma_wait3A_374 = arith.constant 0 : i32
      %dma_wait3A_375 = arith.constant 0 : i32
      %dma_wait3A_376 = tpu.memref_slice %arg9[%dma_wait3A_372, %dma_wait3A_374, %dma_wait3A_375] : memref<4x80x128xf32, #tpu.memory_space<vmem>> -> memref<1x80x128xf32, #tpu.memory_space<vmem>>
      %dma_wait3A_377 = tpu.memref_squeeze %dma_wait3A_376 : memref<1x80x128xf32, #tpu.memory_space<vmem>> -> memref<80x128xf32, #tpu.memory_space<vmem>>
      %dma_wait3A_378 = arith.constant 0 : i32
      %dma_wait3A_379 = tpu.memref_slice %arg7[%add3A_371, %dma_wait3A_378] : memref<32x80xi32, #tpu.memory_space<vmem>> -> memref<1x80xi32, #tpu.memory_space<vmem>>
      %dma_wait3A_380 = tpu.memref_squeeze %dma_wait3A_379 : memref<1x80xi32, #tpu.memory_space<vmem>> -> memref<80xi32, #tpu.memory_space<vmem>>
      %dma_wait3A_381 = arith.constant 0 : i32
      %dma_wait3A_382 = arith.constant 0 : i32
      %dma_wait3A_383 = tpu.memref_slice %arg2[%dma_wait3A_381, %dma_wait3A_382] : memref<10000x128xf32, #tpu.memory_space<hbm>> -> memref<10000x128xf32, #tpu.memory_space<hbm>>
      %dma_wait3A_384 = tpu.memref_slice %arg11[%dma_wait3A_373] : memref<4x!tpu.dma_semaphore, #tpu.memory_space<semaphore_mem>> -> memref<1x!tpu.dma_semaphore, #tpu.memory_space<semaphore_mem>>
      %dma_wait3A_385 = tpu.memref_squeeze %dma_wait3A_384 : memref<1x!tpu.dma_semaphore, #tpu.memory_space<semaphore_mem>> -> memref<!tpu.dma_semaphore, #tpu.memory_space<semaphore_mem>>
      tpu.wait_indirect_dma semaphore(%dma_wait3A_385 : memref<!tpu.dma_semaphore, #tpu.memory_space<semaphore_mem>>) src(%dma_wait3A_383 : memref<10000x128xf32, #tpu.memory_space<hbm>>) dst(%dma_wait3A_377 : memref<80x128xf32, #tpu.memory_space<vmem>>)
      %dma_start3A_386 = arith.constant 3 : i32
      %dma_start3A_387 = arith.constant 3 : i32
      %dma_start3A_388 = arith.constant 0 : i32
      %dma_start3A_389 = arith.constant 0 : i32
      %dma_start3A_390 = tpu.memref_slice %arg9[%dma_start3A_386, %dma_start3A_388, %dma_start3A_389] : memref<4x80x128xf32, #tpu.memory_space<vmem>> -> memref<1x80x128xf32, #tpu.memory_space<vmem>>
      %dma_start3A_391 = tpu.memref_squeeze %dma_start3A_390 : memref<1x80x128xf32, #tpu.memory_space<vmem>> -> memref<80x128xf32, #tpu.memory_space<vmem>>
      %dma_start3A_392 = arith.constant 0 : i32
      %dma_start3A_393 = tpu.memref_slice %arg8[%add3A_371, %dma_start3A_392] : memref<32x80xi32, #tpu.memory_space<vmem>> -> memref<1x80xi32, #tpu.memory_space<vmem>>
      %dma_start3A_394 = tpu.memref_squeeze %dma_start3A_393 : memref<1x80xi32, #tpu.memory_space<vmem>> -> memref<80xi32, #tpu.memory_space<vmem>>
      %dma_start3A_395 = arith.constant 0 : i32
      %dma_start3A_396 = arith.constant 0 : i32
      %dma_start3A_397 = tpu.memref_slice %arg10[%dma_start3A_395, %dma_start3A_396] : memref<10240x128xf32, #tpu.memory_space<vmem_shared>> -> memref<10240x128xf32, #tpu.memory_space<vmem_shared>>
      %dma_start3A_398 = tpu.memref_slice %arg12[%dma_start3A_387] : memref<4x!tpu.dma_semaphore, #tpu.memory_space<semaphore_mem>> -> memref<1x!tpu.dma_semaphore, #tpu.memory_space<semaphore_mem>>
      %dma_start3A_399 = tpu.memref_squeeze %dma_start3A_398 : memref<1x!tpu.dma_semaphore, #tpu.memory_space<semaphore_mem>> -> memref<!tpu.dma_semaphore, #tpu.memory_space<semaphore_mem>>
      tpu.enqueue_indirect_dma source(%dma_start3A_391 : memref<80x128xf32, #tpu.memory_space<vmem>>) target(%dma_start3A_397 : memref<10240x128xf32, #tpu.memory_space<vmem_shared>>) offsets(%dma_start3A_394 : memref<80xi32, #tpu.memory_space<vmem>>) semaphore(%dma_start3A_399 : memref<!tpu.dma_semaphore, #tpu.memory_space<semaphore_mem>>) {add = true}
      %mul3A_400 = arith.constant 4 : i32
      %mul3A_401 = arith.muli %mul3A_400, %scan3A_272 : i32
      %add3A_402 = arith.constant 0 : i32
      %add3A_403 = arith.addi %mul3A_401, %add3A_402 : i32
      %dma_wait3A_404 = arith.constant 0 : i32
      %dma_wait3A_405 = arith.constant 0 : i32
      %dma_wait3A_406 = arith.constant 0 : i32
      %dma_wait3A_407 = arith.constant 0 : i32
      %dma_wait3A_408 = tpu.memref_slice %arg9[%dma_wait3A_404, %dma_wait3A_406, %dma_wait3A_407] : memref<4x80x128xf32, #tpu.memory_space<vmem>> -> memref<1x80x128xf32, #tpu.memory_space<vmem>>
      %dma_wait3A_409 = tpu.memref_squeeze %dma_wait3A_408 : memref<1x80x128xf32, #tpu.memory_space<vmem>> -> memref<80x128xf32, #tpu.memory_space<vmem>>
      %dma_wait3A_410 = arith.constant 0 : i32
      %dma_wait3A_411 = tpu.memref_slice %arg8[%add3A_403, %dma_wait3A_410] : memref<32x80xi32, #tpu.memory_space<vmem>> -> memref<1x80xi32, #tpu.memory_space<vmem>>
      %dma_wait3A_412 = tpu.memref_squeeze %dma_wait3A_411 : memref<1x80xi32, #tpu.memory_space<vmem>> -> memref<80xi32, #tpu.memory_space<vmem>>
      %dma_wait3A_413 = arith.constant 0 : i32
      %dma_wait3A_414 = arith.constant 0 : i32
      %dma_wait3A_415 = tpu.memref_slice %arg10[%dma_wait3A_413, %dma_wait3A_414] : memref<10240x128xf32, #tpu.memory_space<vmem_shared>> -> memref<10240x128xf32, #tpu.memory_space<vmem_shared>>
      %dma_wait3A_416 = tpu.memref_slice %arg12[%dma_wait3A_405] : memref<4x!tpu.dma_semaphore, #tpu.memory_space<semaphore_mem>> -> memref<1x!tpu.dma_semaphore, #tpu.memory_space<semaphore_mem>>
      %dma_wait3A_417 = tpu.memref_squeeze %dma_wait3A_416 : memref<1x!tpu.dma_semaphore, #tpu.memory_space<semaphore_mem>> -> memref<!tpu.dma_semaphore, #tpu.memory_space<semaphore_mem>>
      tpu.wait_indirect_dma semaphore(%dma_wait3A_417 : memref<!tpu.dma_semaphore, #tpu.memory_space<semaphore_mem>>) src(%dma_wait3A_409 : memref<80x128xf32, #tpu.memory_space<vmem>>) dst(%dma_wait3A_415 : memref<10240x128xf32, #tpu.memory_space<vmem_shared>>)
      %add3A_418 = arith.constant 1 : i32
      %add3A_419 = arith.addi %scan3A_272, %add3A_418 : i32
      %lt3A = arith.constant 8 : i32
      %lt3A_420 = arith.cmpi slt, %add3A_419, %lt3A : i32
      %convert_element_type3A = arith.extui %lt3A_420 : i1 to i32
      %cond3A = arith.constant 0 : i32
      %cond3A_421 = arith.cmpi ne, %convert_element_type3A, %cond3A : i32
      scf.if %cond3A_421 {
        %add3A_497 = arith.constant 4 : i32
        %add3A_498 = arith.addi %add3A_403, %add3A_497 : i32
        %dma_start3A_499 = arith.constant 0 : i32
        %dma_start3A_500 = arith.constant 0 : i32
        %dma_start3A_501 = arith.constant 0 : i32
        %dma_start3A_502 = arith.constant 0 : i32
        %dma_start3A_503 = tpu.memref_slice %arg9[%dma_start3A_499, %dma_start3A_501, %dma_start3A_502] : memref<4x80x128xf32, #tpu.memory_space<vmem>> -> memref<1x80x128xf32, #tpu.memory_space<vmem>>
        %dma_start3A_504 = tpu.memref_squeeze %dma_start3A_503 : memref<1x80x128xf32, #tpu.memory_space<vmem>> -> memref<80x128xf32, #tpu.memory_space<vmem>>
        %dma_start3A_505 = arith.constant 0 : i32
        %dma_start3A_506 = tpu.memref_slice %arg7[%add3A_498, %dma_start3A_505] : memref<32x80xi32, #tpu.memory_space<vmem>> -> memref<1x80xi32, #tpu.memory_space<vmem>>
        %dma_start3A_507 = tpu.memref_squeeze %dma_start3A_506 : memref<1x80xi32, #tpu.memory_space<vmem>> -> memref<80xi32, #tpu.memory_space<vmem>>
        %dma_start3A_508 = arith.constant 0 : i32
        %dma_start3A_509 = arith.constant 0 : i32
        %dma_start3A_510 = tpu.memref_slice %arg2[%dma_start3A_508, %dma_start3A_509] : memref<10000x128xf32, #tpu.memory_space<hbm>> -> memref<10000x128xf32, #tpu.memory_space<hbm>>
        %dma_start3A_511 = tpu.memref_slice %arg11[%dma_start3A_500] : memref<4x!tpu.dma_semaphore, #tpu.memory_space<semaphore_mem>> -> memref<1x!tpu.dma_semaphore, #tpu.memory_space<semaphore_mem>>
        %dma_start3A_512 = tpu.memref_squeeze %dma_start3A_511 : memref<1x!tpu.dma_semaphore, #tpu.memory_space<semaphore_mem>> -> memref<!tpu.dma_semaphore, #tpu.memory_space<semaphore_mem>>
        tpu.enqueue_indirect_dma source(%dma_start3A_510 : memref<10000x128xf32, #tpu.memory_space<hbm>>) target(%dma_start3A_504 : memref<80x128xf32, #tpu.memory_space<vmem>>) offsets(%dma_start3A_507 : memref<80xi32, #tpu.memory_space<vmem>>) semaphore(%dma_start3A_512 : memref<!tpu.dma_semaphore, #tpu.memory_space<semaphore_mem>>)
      } else {
      }
      %mul3A_422 = arith.constant 4 : i32
      %mul3A_423 = arith.muli %mul3A_422, %scan3A_272 : i32
      %add3A_424 = arith.constant 1 : i32
      %add3A_425 = arith.addi %mul3A_423, %add3A_424 : i32
      %dma_wait3A_426 = arith.constant 1 : i32
      %dma_wait3A_427 = arith.constant 1 : i32
      %dma_wait3A_428 = arith.constant 0 : i32
      %dma_wait3A_429 = arith.constant 0 : i32
      %dma_wait3A_430 = tpu.memref_slice %arg9[%dma_wait3A_426, %dma_wait3A_428, %dma_wait3A_429] : memref<4x80x128xf32, #tpu.memory_space<vmem>> -> memref<1x80x128xf32, #tpu.memory_space<vmem>>
      %dma_wait3A_431 = tpu.memref_squeeze %dma_wait3A_430 : memref<1x80x128xf32, #tpu.memory_space<vmem>> -> memref<80x128xf32, #tpu.memory_space<vmem>>
      %dma_wait3A_432 = arith.constant 0 : i32
      %dma_wait3A_433 = tpu.memref_slice %arg8[%add3A_425, %dma_wait3A_432] : memref<32x80xi32, #tpu.memory_space<vmem>> -> memref<1x80xi32, #tpu.memory_space<vmem>>
      %dma_wait3A_434 = tpu.memref_squeeze %dma_wait3A_433 : memref<1x80xi32, #tpu.memory_space<vmem>> -> memref<80xi32, #tpu.memory_space<vmem>>
      %dma_wait3A_435 = arith.constant 0 : i32
      %dma_wait3A_436 = arith.constant 0 : i32
      %dma_wait3A_437 = tpu.memref_slice %arg10[%dma_wait3A_435, %dma_wait3A_436] : memref<10240x128xf32, #tpu.memory_space<vmem_shared>> -> memref<10240x128xf32, #tpu.memory_space<vmem_shared>>
      %dma_wait3A_438 = tpu.memref_slice %arg12[%dma_wait3A_427] : memref<4x!tpu.dma_semaphore, #tpu.memory_space<semaphore_mem>> -> memref<1x!tpu.dma_semaphore, #tpu.memory_space<semaphore_mem>>
      %dma_wait3A_439 = tpu.memref_squeeze %dma_wait3A_438 : memref<1x!tpu.dma_semaphore, #tpu.memory_space<semaphore_mem>> -> memref<!tpu.dma_semaphore, #tpu.memory_space<semaphore_mem>>
      tpu.wait_indirect_dma semaphore(%dma_wait3A_439 : memref<!tpu.dma_semaphore, #tpu.memory_space<semaphore_mem>>) src(%dma_wait3A_431 : memref<80x128xf32, #tpu.memory_space<vmem>>) dst(%dma_wait3A_437 : memref<10240x128xf32, #tpu.memory_space<vmem_shared>>)
      %add3A_440 = arith.constant 1 : i32
      %add3A_441 = arith.addi %scan3A_272, %add3A_440 : i32
      %lt3A_442 = arith.constant 8 : i32
      %lt3A_443 = arith.cmpi slt, %add3A_441, %lt3A_442 : i32
      %convert_element_type3A_444 = arith.extui %lt3A_443 : i1 to i32
      %cond3A_445 = arith.constant 0 : i32
      %cond3A_446 = arith.cmpi ne, %convert_element_type3A_444, %cond3A_445 : i32
      scf.if %cond3A_446 {
        %add3A_497 = arith.constant 4 : i32
        %add3A_498 = arith.addi %add3A_425, %add3A_497 : i32
        %dma_start3A_499 = arith.constant 1 : i32
        %dma_start3A_500 = arith.constant 1 : i32
        %dma_start3A_501 = arith.constant 0 : i32
        %dma_start3A_502 = arith.constant 0 : i32
        %dma_start3A_503 = tpu.memref_slice %arg9[%dma_start3A_499, %dma_start3A_501, %dma_start3A_502] : memref<4x80x128xf32, #tpu.memory_space<vmem>> -> memref<1x80x128xf32, #tpu.memory_space<vmem>>
        %dma_start3A_504 = tpu.memref_squeeze %dma_start3A_503 : memref<1x80x128xf32, #tpu.memory_space<vmem>> -> memref<80x128xf32, #tpu.memory_space<vmem>>
        %dma_start3A_505 = arith.constant 0 : i32
        %dma_start3A_506 = tpu.memref_slice %arg7[%add3A_498, %dma_start3A_505] : memref<32x80xi32, #tpu.memory_space<vmem>> -> memref<1x80xi32, #tpu.memory_space<vmem>>
        %dma_start3A_507 = tpu.memref_squeeze %dma_start3A_506 : memref<1x80xi32, #tpu.memory_space<vmem>> -> memref<80xi32, #tpu.memory_space<vmem>>
        %dma_start3A_508 = arith.constant 0 : i32
        %dma_start3A_509 = arith.constant 0 : i32
        %dma_start3A_510 = tpu.memref_slice %arg2[%dma_start3A_508, %dma_start3A_509] : memref<10000x128xf32, #tpu.memory_space<hbm>> -> memref<10000x128xf32, #tpu.memory_space<hbm>>
        %dma_start3A_511 = tpu.memref_slice %arg11[%dma_start3A_500] : memref<4x!tpu.dma_semaphore, #tpu.memory_space<semaphore_mem>> -> memref<1x!tpu.dma_semaphore, #tpu.memory_space<semaphore_mem>>
        %dma_start3A_512 = tpu.memref_squeeze %dma_start3A_511 : memref<1x!tpu.dma_semaphore, #tpu.memory_space<semaphore_mem>> -> memref<!tpu.dma_semaphore, #tpu.memory_space<semaphore_mem>>
        tpu.enqueue_indirect_dma source(%dma_start3A_510 : memref<10000x128xf32, #tpu.memory_space<hbm>>) target(%dma_start3A_504 : memref<80x128xf32, #tpu.memory_space<vmem>>) offsets(%dma_start3A_507 : memref<80xi32, #tpu.memory_space<vmem>>) semaphore(%dma_start3A_512 : memref<!tpu.dma_semaphore, #tpu.memory_space<semaphore_mem>>)
      } else {
      }
      %mul3A_447 = arith.constant 4 : i32
      %mul3A_448 = arith.muli %mul3A_447, %scan3A_272 : i32
      %add3A_449 = arith.constant 2 : i32
      %add3A_450 = arith.addi %mul3A_448, %add3A_449 : i32
      %dma_wait3A_451 = arith.constant 2 : i32
      %dma_wait3A_452 = arith.constant 2 : i32
      %dma_wait3A_453 = arith.constant 0 : i32
      %dma_wait3A_454 = arith.constant 0 : i32
      %dma_wait3A_455 = tpu.memref_slice %arg9[%dma_wait3A_451, %dma_wait3A_453, %dma_wait3A_454] : memref<4x80x128xf32, #tpu.memory_space<vmem>> -> memref<1x80x128xf32, #tpu.memory_space<vmem>>
      %dma_wait3A_456 = tpu.memref_squeeze %dma_wait3A_455 : memref<1x80x128xf32, #tpu.memory_space<vmem>> -> memref<80x128xf32, #tpu.memory_space<vmem>>
      %dma_wait3A_457 = arith.constant 0 : i32
      %dma_wait3A_458 = tpu.memref_slice %arg8[%add3A_450, %dma_wait3A_457] : memref<32x80xi32, #tpu.memory_space<vmem>> -> memref<1x80xi32, #tpu.memory_space<vmem>>
      %dma_wait3A_459 = tpu.memref_squeeze %dma_wait3A_458 : memref<1x80xi32, #tpu.memory_space<vmem>> -> memref<80xi32, #tpu.memory_space<vmem>>
      %dma_wait3A_460 = arith.constant 0 : i32
      %dma_wait3A_461 = arith.constant 0 : i32
      %dma_wait3A_462 = tpu.memref_slice %arg10[%dma_wait3A_460, %dma_wait3A_461] : memref<10240x128xf32, #tpu.memory_space<vmem_shared>> -> memref<10240x128xf32, #tpu.memory_space<vmem_shared>>
      %dma_wait3A_463 = tpu.memref_slice %arg12[%dma_wait3A_452] : memref<4x!tpu.dma_semaphore, #tpu.memory_space<semaphore_mem>> -> memref<1x!tpu.dma_semaphore, #tpu.memory_space<semaphore_mem>>
      %dma_wait3A_464 = tpu.memref_squeeze %dma_wait3A_463 : memref<1x!tpu.dma_semaphore, #tpu.memory_space<semaphore_mem>> -> memref<!tpu.dma_semaphore, #tpu.memory_space<semaphore_mem>>
      tpu.wait_indirect_dma semaphore(%dma_wait3A_464 : memref<!tpu.dma_semaphore, #tpu.memory_space<semaphore_mem>>) src(%dma_wait3A_456 : memref<80x128xf32, #tpu.memory_space<vmem>>) dst(%dma_wait3A_462 : memref<10240x128xf32, #tpu.memory_space<vmem_shared>>)
      %add3A_465 = arith.constant 1 : i32
      %add3A_466 = arith.addi %scan3A_272, %add3A_465 : i32
      %lt3A_467 = arith.constant 8 : i32
      %lt3A_468 = arith.cmpi slt, %add3A_466, %lt3A_467 : i32
      %convert_element_type3A_469 = arith.extui %lt3A_468 : i1 to i32
      %cond3A_470 = arith.constant 0 : i32
      %cond3A_471 = arith.cmpi ne, %convert_element_type3A_469, %cond3A_470 : i32
      scf.if %cond3A_471 {
        %add3A_497 = arith.constant 4 : i32
        %add3A_498 = arith.addi %add3A_450, %add3A_497 : i32
        %dma_start3A_499 = arith.constant 2 : i32
        %dma_start3A_500 = arith.constant 2 : i32
        %dma_start3A_501 = arith.constant 0 : i32
        %dma_start3A_502 = arith.constant 0 : i32
        %dma_start3A_503 = tpu.memref_slice %arg9[%dma_start3A_499, %dma_start3A_501, %dma_start3A_502] : memref<4x80x128xf32, #tpu.memory_space<vmem>> -> memref<1x80x128xf32, #tpu.memory_space<vmem>>
        %dma_start3A_504 = tpu.memref_squeeze %dma_start3A_503 : memref<1x80x128xf32, #tpu.memory_space<vmem>> -> memref<80x128xf32, #tpu.memory_space<vmem>>
        %dma_start3A_505 = arith.constant 0 : i32
        %dma_start3A_506 = tpu.memref_slice %arg7[%add3A_498, %dma_start3A_505] : memref<32x80xi32, #tpu.memory_space<vmem>> -> memref<1x80xi32, #tpu.memory_space<vmem>>
        %dma_start3A_507 = tpu.memref_squeeze %dma_start3A_506 : memref<1x80xi32, #tpu.memory_space<vmem>> -> memref<80xi32, #tpu.memory_space<vmem>>
        %dma_start3A_508 = arith.constant 0 : i32
        %dma_start3A_509 = arith.constant 0 : i32
        %dma_start3A_510 = tpu.memref_slice %arg2[%dma_start3A_508, %dma_start3A_509] : memref<10000x128xf32, #tpu.memory_space<hbm>> -> memref<10000x128xf32, #tpu.memory_space<hbm>>
        %dma_start3A_511 = tpu.memref_slice %arg11[%dma_start3A_500] : memref<4x!tpu.dma_semaphore, #tpu.memory_space<semaphore_mem>> -> memref<1x!tpu.dma_semaphore, #tpu.memory_space<semaphore_mem>>
        %dma_start3A_512 = tpu.memref_squeeze %dma_start3A_511 : memref<1x!tpu.dma_semaphore, #tpu.memory_space<semaphore_mem>> -> memref<!tpu.dma_semaphore, #tpu.memory_space<semaphore_mem>>
        tpu.enqueue_indirect_dma source(%dma_start3A_510 : memref<10000x128xf32, #tpu.memory_space<hbm>>) target(%dma_start3A_504 : memref<80x128xf32, #tpu.memory_space<vmem>>) offsets(%dma_start3A_507 : memref<80xi32, #tpu.memory_space<vmem>>) semaphore(%dma_start3A_512 : memref<!tpu.dma_semaphore, #tpu.memory_space<semaphore_mem>>)
      } else {
      }
      %mul3A_472 = arith.constant 4 : i32
      %mul3A_473 = arith.muli %mul3A_472, %scan3A_272 : i32
      %add3A_474 = arith.constant 3 : i32
      %add3A_475 = arith.addi %mul3A_473, %add3A_474 : i32
      %dma_wait3A_476 = arith.constant 3 : i32
      %dma_wait3A_477 = arith.constant 3 : i32
      %dma_wait3A_478 = arith.constant 0 : i32
      %dma_wait3A_479 = arith.constant 0 : i32
      %dma_wait3A_480 = tpu.memref_slice %arg9[%dma_wait3A_476, %dma_wait3A_478, %dma_wait3A_479] : memref<4x80x128xf32, #tpu.memory_space<vmem>> -> memref<1x80x128xf32, #tpu.memory_space<vmem>>
      %dma_wait3A_481 = tpu.memref_squeeze %dma_wait3A_480 : memref<1x80x128xf32, #tpu.memory_space<vmem>> -> memref<80x128xf32, #tpu.memory_space<vmem>>
      %dma_wait3A_482 = arith.constant 0 : i32
      %dma_wait3A_483 = tpu.memref_slice %arg8[%add3A_475, %dma_wait3A_482] : memref<32x80xi32, #tpu.memory_space<vmem>> -> memref<1x80xi32, #tpu.memory_space<vmem>>
      %dma_wait3A_484 = tpu.memref_squeeze %dma_wait3A_483 : memref<1x80xi32, #tpu.memory_space<vmem>> -> memref<80xi32, #tpu.memory_space<vmem>>
      %dma_wait3A_485 = arith.constant 0 : i32
      %dma_wait3A_486 = arith.constant 0 : i32
      %dma_wait3A_487 = tpu.memref_slice %arg10[%dma_wait3A_485, %dma_wait3A_486] : memref<10240x128xf32, #tpu.memory_space<vmem_shared>> -> memref<10240x128xf32, #tpu.memory_space<vmem_shared>>
      %dma_wait3A_488 = tpu.memref_slice %arg12[%dma_wait3A_477] : memref<4x!tpu.dma_semaphore, #tpu.memory_space<semaphore_mem>> -> memref<1x!tpu.dma_semaphore, #tpu.memory_space<semaphore_mem>>
      %dma_wait3A_489 = tpu.memref_squeeze %dma_wait3A_488 : memref<1x!tpu.dma_semaphore, #tpu.memory_space<semaphore_mem>> -> memref<!tpu.dma_semaphore, #tpu.memory_space<semaphore_mem>>
      tpu.wait_indirect_dma semaphore(%dma_wait3A_489 : memref<!tpu.dma_semaphore, #tpu.memory_space<semaphore_mem>>) src(%dma_wait3A_481 : memref<80x128xf32, #tpu.memory_space<vmem>>) dst(%dma_wait3A_487 : memref<10240x128xf32, #tpu.memory_space<vmem_shared>>)
      %add3A_490 = arith.constant 1 : i32
      %add3A_491 = arith.addi %scan3A_272, %add3A_490 : i32
      %lt3A_492 = arith.constant 8 : i32
      %lt3A_493 = arith.cmpi slt, %add3A_491, %lt3A_492 : i32
      %convert_element_type3A_494 = arith.extui %lt3A_493 : i1 to i32
      %cond3A_495 = arith.constant 0 : i32
      %cond3A_496 = arith.cmpi ne, %convert_element_type3A_494, %cond3A_495 : i32
      scf.if %cond3A_496 {
        %add3A_497 = arith.constant 4 : i32
        %add3A_498 = arith.addi %add3A_475, %add3A_497 : i32
        %dma_start3A_499 = arith.constant 3 : i32
        %dma_start3A_500 = arith.constant 3 : i32
        %dma_start3A_501 = arith.constant 0 : i32
        %dma_start3A_502 = arith.constant 0 : i32
        %dma_start3A_503 = tpu.memref_slice %arg9[%dma_start3A_499, %dma_start3A_501, %dma_start3A_502] : memref<4x80x128xf32, #tpu.memory_space<vmem>> -> memref<1x80x128xf32, #tpu.memory_space<vmem>>
        %dma_start3A_504 = tpu.memref_squeeze %dma_start3A_503 : memref<1x80x128xf32, #tpu.memory_space<vmem>> -> memref<80x128xf32, #tpu.memory_space<vmem>>
        %dma_start3A_505 = arith.constant 0 : i32
        %dma_start3A_506 = tpu.memref_slice %arg7[%add3A_498, %dma_start3A_505] : memref<32x80xi32, #tpu.memory_space<vmem>> -> memref<1x80xi32, #tpu.memory_space<vmem>>
        %dma_start3A_507 = tpu.memref_squeeze %dma_start3A_506 : memref<1x80xi32, #tpu.memory_space<vmem>> -> memref<80xi32, #tpu.memory_space<vmem>>
        %dma_start3A_508 = arith.constant 0 : i32
        %dma_start3A_509 = arith.constant 0 : i32
        %dma_start3A_510 = tpu.memref_slice %arg2[%dma_start3A_508, %dma_start3A_509] : memref<10000x128xf32, #tpu.memory_space<hbm>> -> memref<10000x128xf32, #tpu.memory_space<hbm>>
        %dma_start3A_511 = tpu.memref_slice %arg11[%dma_start3A_500] : memref<4x!tpu.dma_semaphore, #tpu.memory_space<semaphore_mem>> -> memref<1x!tpu.dma_semaphore, #tpu.memory_space<semaphore_mem>>
        %dma_start3A_512 = tpu.memref_squeeze %dma_start3A_511 : memref<1x!tpu.dma_semaphore, #tpu.memory_space<semaphore_mem>> -> memref<!tpu.dma_semaphore, #tpu.memory_space<semaphore_mem>>
        tpu.enqueue_indirect_dma source(%dma_start3A_510 : memref<10000x128xf32, #tpu.memory_space<hbm>>) target(%dma_start3A_504 : memref<80x128xf32, #tpu.memory_space<vmem>>) offsets(%dma_start3A_507 : memref<80xi32, #tpu.memory_space<vmem>>) semaphore(%dma_start3A_512 : memref<!tpu.dma_semaphore, #tpu.memory_space<semaphore_mem>>)
      } else {
      }
    }
    %scan3A_266 = arith.constant 8 : i32
    %barrier3A_267 = arith.constant 0 : index
    tpu.barrier barrier_id(%barrier3A_267)
    %mul3A_268 = arith.constant 640 : i32
    %mul3A_269 = arith.muli %arg1, %mul3A_268 : i32
    %mul3A_270 = arith.constant 640 : i32
    %mul3A_271 = arith.muli %arg1, %mul3A_270 : i32
    "tpu.region"() ({
      %run_scoped3A = tpu.sem_alloc : memref<!tpu.dma_semaphore, #tpu.memory_space<semaphore_mem>>
      %dma_start3A_272 = arith.constant 0 : i32
      %dma_start3A_273 = tpu.memref_slice %arg6[%arg0, %mul3A_271, %dma_start3A_272] : memref<2x10240x128xf32, #tpu.memory_space<hbm>> -> memref<1x640x128xf32, #tpu.memory_space<hbm>>
      %dma_start3A_274 = tpu.memref_squeeze %dma_start3A_273 : memref<1x640x128xf32, #tpu.memory_space<hbm>> -> memref<640x128xf32, #tpu.memory_space<hbm>>
      %dma_start3A_275 = arith.constant 0 : i32
      %dma_start3A_276 = tpu.memref_slice %arg10[%mul3A_269, %dma_start3A_275] : memref<10240x128xf32, #tpu.memory_space<vmem_shared>> -> memref<640x128xf32, #tpu.memory_space<vmem_shared>>
      tpu.enqueue_dma source(%dma_start3A_276 : memref<640x128xf32, #tpu.memory_space<vmem_shared>>) target(%dma_start3A_274 : memref<640x128xf32, #tpu.memory_space<hbm>>) target_semaphore(%run_scoped3A : memref<!tpu.dma_semaphore, #tpu.memory_space<semaphore_mem>>)
      %dma_wait3A = arith.constant 0 : i32
      %dma_wait3A_277 = tpu.memref_slice %arg6[%arg0, %mul3A_271, %dma_wait3A] : memref<2x10240x128xf32, #tpu.memory_space<hbm>> -> memref<1x640x128xf32, #tpu.memory_space<hbm>>
      %dma_wait3A_278 = tpu.memref_squeeze %dma_wait3A_277 : memref<1x640x128xf32, #tpu.memory_space<hbm>> -> memref<640x128xf32, #tpu.memory_space<hbm>>
      %dma_wait3A_279 = arith.constant 0 : i32
      %dma_wait3A_280 = tpu.memref_slice %arg10[%mul3A_269, %dma_wait3A_279] : memref<10240x128xf32, #tpu.memory_space<vmem_shared>> -> memref<640x128xf32, #tpu.memory_space<vmem_shared>>
      tpu.wait_dma2 semaphore(%run_scoped3A : memref<!tpu.dma_semaphore, #tpu.memory_space<semaphore_mem>>) src(%dma_wait3A_280 : memref<640x128xf32, #tpu.memory_space<vmem_shared>>) dst(%dma_wait3A_278 : memref<640x128xf32, #tpu.memory_space<hbm>>)
      tpu.yield
    }) : () -> ()
    return
  }
}

#map = affine_map<(d0, d1) -> (0, 0)>
#map1 = affine_map<(d0, d1) -> (0, 0, 0)>
module attributes {stable_mosaic.version = 14 : i64} {
  func.func @_agg_body(%arg0: i32, %arg1: i32, %arg2: memref<10000x128xf32, #tpu.memory_space<hbm>>, %arg3: memref<32x128x80xi32, #tpu.memory_space<hbm>>, %arg4: memref<32x128x80xi32, #tpu.memory_space<hbm>>, %arg5: memref<10240x128xf32, #tpu.memory_space<hbm>>, %arg6: memref<2x10240x128xf32, #tpu.memory_space<hbm>>, %arg7: memref<32x80xi32, #tpu.memory_space<vmem>>, %arg8: memref<32x80xi32, #tpu.memory_space<vmem>>, %arg9: memref<4x80x128xf32, #tpu.memory_space<vmem>>, %arg10: memref<10240x128xf32, #tpu.memory_space<vmem_shared>>, %arg11: memref<4x!tpu.dma_semaphore, #tpu.memory_space<semaphore_mem>>, %arg12: memref<4x!tpu.dma_semaphore, #tpu.memory_space<semaphore_mem>>) attributes {dimension_semantics = [#tpu.dimension_semantics<core_parallel>, #tpu.dimension_semantics<subcore_parallel>], iteration_bounds = array<i64: 2, 16>, scalar_prefetch = 0 : i64, scratch_operands = 6 : i64, tpu.core_type = #tpu.core_type<sc_vector_subcore>, window_params = [{transform_indices = #map}, {transform_indices = #map1}, {transform_indices = #map1}, {transform_indices = #map}, {transform_indices = #map1}]} {
    %mul3A = arith.constant 16 : i32
    %mul3A_0 = arith.muli %arg0, %mul3A : i32
    %add3A = arith.addi %mul3A_0, %arg1 : i32
    %mul3A_1 = arith.constant 640 : i32
    %mul3A_2 = arith.muli %arg1, %mul3A_1 : i32
    %mul3A_3 = arith.constant 640 : i32
    %mul3A_4 = arith.muli %arg1, %mul3A_3 : i32
    "tpu.region"() ({
      %run_scoped3A = tpu.sem_alloc : memref<!tpu.dma_semaphore, #tpu.memory_space<semaphore_mem>>
      %dma_start3A_272 = arith.constant 0 : i32
      %dma_start3A_273 = tpu.memref_slice %arg10[%mul3A_4, %dma_start3A_272] : memref<10240x128xf32, #tpu.memory_space<vmem_shared>> -> memref<640x128xf32, #tpu.memory_space<vmem_shared>>
      %dma_start3A_274 = arith.constant 0 : i32
      %dma_start3A_275 = tpu.memref_slice %arg5[%mul3A_2, %dma_start3A_274] : memref<10240x128xf32, #tpu.memory_space<hbm>> -> memref<640x128xf32, #tpu.memory_space<hbm>>
      tpu.enqueue_dma source(%dma_start3A_275 : memref<640x128xf32, #tpu.memory_space<hbm>>) target(%dma_start3A_273 : memref<640x128xf32, #tpu.memory_space<vmem_shared>>) target_semaphore(%run_scoped3A : memref<!tpu.dma_semaphore, #tpu.memory_space<semaphore_mem>>)
      %dma_wait3A = arith.constant 0 : i32
      %dma_wait3A_276 = tpu.memref_slice %arg10[%mul3A_4, %dma_wait3A] : memref<10240x128xf32, #tpu.memory_space<vmem_shared>> -> memref<640x128xf32, #tpu.memory_space<vmem_shared>>
      %dma_wait3A_277 = arith.constant 0 : i32
      %dma_wait3A_278 = tpu.memref_slice %arg5[%mul3A_2, %dma_wait3A_277] : memref<10240x128xf32, #tpu.memory_space<hbm>> -> memref<640x128xf32, #tpu.memory_space<hbm>>
      tpu.wait_dma2 semaphore(%run_scoped3A : memref<!tpu.dma_semaphore, #tpu.memory_space<semaphore_mem>>) src(%dma_wait3A_278 : memref<640x128xf32, #tpu.memory_space<hbm>>) dst(%dma_wait3A_276 : memref<640x128xf32, #tpu.memory_space<vmem_shared>>)
      tpu.yield
    }) : () -> ()
    "tpu.region"() ({
      %run_scoped3A = tpu.sem_alloc : memref<!tpu.dma_semaphore, #tpu.memory_space<semaphore_mem>>
      %dma_start3A_272 = arith.constant 0 : i32
      %dma_start3A_273 = arith.constant 0 : i32
      %dma_start3A_274 = tpu.memref_slice %arg3[%add3A, %dma_start3A_272, %dma_start3A_273] : memref<32x128x80xi32, #tpu.memory_space<hbm>> -> memref<1x32x80xi32, #tpu.memory_space<hbm>>
      %dma_start3A_275 = tpu.memref_squeeze %dma_start3A_274 : memref<1x32x80xi32, #tpu.memory_space<hbm>> -> memref<32x80xi32, #tpu.memory_space<hbm>>
      %dma_start3A_276 = arith.constant 0 : i32
      %dma_start3A_277 = arith.constant 0 : i32
      %dma_start3A_278 = tpu.memref_slice %arg3[%add3A, %dma_start3A_276, %dma_start3A_277] : memref<32x128x80xi32, #tpu.memory_space<hbm>> -> memref<1x32x80xi32, #tpu.memory_space<hbm>>
      %dma_start3A_279 = tpu.memref_squeeze %dma_start3A_278 : memref<1x32x80xi32, #tpu.memory_space<hbm>> -> memref<32x80xi32, #tpu.memory_space<hbm>>
      tpu.enqueue_dma source(%dma_start3A_279 : memref<32x80xi32, #tpu.memory_space<hbm>>) target(%arg7 : memref<32x80xi32, #tpu.memory_space<vmem>>) target_semaphore(%run_scoped3A : memref<!tpu.dma_semaphore, #tpu.memory_space<semaphore_mem>>)
      %dma_wait3A = arith.constant 0 : i32
      %dma_wait3A_280 = arith.constant 0 : i32
      %dma_wait3A_281 = tpu.memref_slice %arg3[%add3A, %dma_wait3A, %dma_wait3A_280] : memref<32x128x80xi32, #tpu.memory_space<hbm>> -> memref<1x32x80xi32, #tpu.memory_space<hbm>>
      %dma_wait3A_282 = tpu.memref_squeeze %dma_wait3A_281 : memref<1x32x80xi32, #tpu.memory_space<hbm>> -> memref<32x80xi32, #tpu.memory_space<hbm>>
      %dma_wait3A_283 = arith.constant 0 : i32
      %dma_wait3A_284 = arith.constant 0 : i32
      %dma_wait3A_285 = tpu.memref_slice %arg3[%add3A, %dma_wait3A_283, %dma_wait3A_284] : memref<32x128x80xi32, #tpu.memory_space<hbm>> -> memref<1x32x80xi32, #tpu.memory_space<hbm>>
      %dma_wait3A_286 = tpu.memref_squeeze %dma_wait3A_285 : memref<1x32x80xi32, #tpu.memory_space<hbm>> -> memref<32x80xi32, #tpu.memory_space<hbm>>
      tpu.wait_dma2 semaphore(%run_scoped3A : memref<!tpu.dma_semaphore, #tpu.memory_space<semaphore_mem>>) src(%dma_wait3A_286 : memref<32x80xi32, #tpu.memory_space<hbm>>) dst(%arg7 : memref<32x80xi32, #tpu.memory_space<vmem>>)
      tpu.yield
    }) : () -> ()
    "tpu.region"() ({
      %run_scoped3A = tpu.sem_alloc : memref<!tpu.dma_semaphore, #tpu.memory_space<semaphore_mem>>
      %dma_start3A_272 = arith.constant 0 : i32
      %dma_start3A_273 = arith.constant 0 : i32
      %dma_start3A_274 = tpu.memref_slice %arg4[%add3A, %dma_start3A_272, %dma_start3A_273] : memref<32x128x80xi32, #tpu.memory_space<hbm>> -> memref<1x32x80xi32, #tpu.memory_space<hbm>>
      %dma_start3A_275 = tpu.memref_squeeze %dma_start3A_274 : memref<1x32x80xi32, #tpu.memory_space<hbm>> -> memref<32x80xi32, #tpu.memory_space<hbm>>
      %dma_start3A_276 = arith.constant 0 : i32
      %dma_start3A_277 = arith.constant 0 : i32
      %dma_start3A_278 = tpu.memref_slice %arg4[%add3A, %dma_start3A_276, %dma_start3A_277] : memref<32x128x80xi32, #tpu.memory_space<hbm>> -> memref<1x32x80xi32, #tpu.memory_space<hbm>>
      %dma_start3A_279 = tpu.memref_squeeze %dma_start3A_278 : memref<1x32x80xi32, #tpu.memory_space<hbm>> -> memref<32x80xi32, #tpu.memory_space<hbm>>
      tpu.enqueue_dma source(%dma_start3A_279 : memref<32x80xi32, #tpu.memory_space<hbm>>) target(%arg8 : memref<32x80xi32, #tpu.memory_space<vmem>>) target_semaphore(%run_scoped3A : memref<!tpu.dma_semaphore, #tpu.memory_space<semaphore_mem>>)
      %dma_wait3A = arith.constant 0 : i32
      %dma_wait3A_280 = arith.constant 0 : i32
      %dma_wait3A_281 = tpu.memref_slice %arg4[%add3A, %dma_wait3A, %dma_wait3A_280] : memref<32x128x80xi32, #tpu.memory_space<hbm>> -> memref<1x32x80xi32, #tpu.memory_space<hbm>>
      %dma_wait3A_282 = tpu.memref_squeeze %dma_wait3A_281 : memref<1x32x80xi32, #tpu.memory_space<hbm>> -> memref<32x80xi32, #tpu.memory_space<hbm>>
      %dma_wait3A_283 = arith.constant 0 : i32
      %dma_wait3A_284 = arith.constant 0 : i32
      %dma_wait3A_285 = tpu.memref_slice %arg4[%add3A, %dma_wait3A_283, %dma_wait3A_284] : memref<32x128x80xi32, #tpu.memory_space<hbm>> -> memref<1x32x80xi32, #tpu.memory_space<hbm>>
      %dma_wait3A_286 = tpu.memref_squeeze %dma_wait3A_285 : memref<1x32x80xi32, #tpu.memory_space<hbm>> -> memref<32x80xi32, #tpu.memory_space<hbm>>
      tpu.wait_dma2 semaphore(%run_scoped3A : memref<!tpu.dma_semaphore, #tpu.memory_space<semaphore_mem>>) src(%dma_wait3A_286 : memref<32x80xi32, #tpu.memory_space<hbm>>) dst(%arg8 : memref<32x80xi32, #tpu.memory_space<vmem>>)
      tpu.yield
    }) : () -> ()
    %dma_start3A = arith.constant 0 : i32
    %dma_start3A_5 = arith.constant 0 : i32
    %dma_start3A_6 = arith.constant 0 : i32
    %dma_start3A_7 = arith.constant 0 : i32
    %dma_start3A_8 = arith.constant 0 : i32
    %dma_start3A_9 = tpu.memref_slice %arg9[%dma_start3A_5, %dma_start3A_7, %dma_start3A_8] : memref<4x80x128xf32, #tpu.memory_space<vmem>> -> memref<1x80x128xf32, #tpu.memory_space<vmem>>
    %dma_start3A_10 = tpu.memref_squeeze %dma_start3A_9 : memref<1x80x128xf32, #tpu.memory_space<vmem>> -> memref<80x128xf32, #tpu.memory_space<vmem>>
    %dma_start3A_11 = arith.constant 0 : i32
    %dma_start3A_12 = tpu.memref_slice %arg7[%dma_start3A, %dma_start3A_11] : memref<32x80xi32, #tpu.memory_space<vmem>> -> memref<1x80xi32, #tpu.memory_space<vmem>>
    %dma_start3A_13 = tpu.memref_squeeze %dma_start3A_12 : memref<1x80xi32, #tpu.memory_space<vmem>> -> memref<80xi32, #tpu.memory_space<vmem>>
    %dma_start3A_14 = arith.constant 0 : i32
    %dma_start3A_15 = arith.constant 0 : i32
    %dma_start3A_16 = tpu.memref_slice %arg2[%dma_start3A_14, %dma_start3A_15] : memref<10000x128xf32, #tpu.memory_space<hbm>> -> memref<10000x128xf32, #tpu.memory_space<hbm>>
    %dma_start3A_17 = tpu.memref_slice %arg11[%dma_start3A_6] : memref<4x!tpu.dma_semaphore, #tpu.memory_space<semaphore_mem>> -> memref<1x!tpu.dma_semaphore, #tpu.memory_space<semaphore_mem>>
    %dma_start3A_18 = tpu.memref_squeeze %dma_start3A_17 : memref<1x!tpu.dma_semaphore, #tpu.memory_space<semaphore_mem>> -> memref<!tpu.dma_semaphore, #tpu.memory_space<semaphore_mem>>
    tpu.enqueue_indirect_dma source(%dma_start3A_16 : memref<10000x128xf32, #tpu.memory_space<hbm>>) target(%dma_start3A_10 : memref<80x128xf32, #tpu.memory_space<vmem>>) offsets(%dma_start3A_13 : memref<80xi32, #tpu.memory_space<vmem>>) semaphore(%dma_start3A_18 : memref<!tpu.dma_semaphore, #tpu.memory_space<semaphore_mem>>)
    %dma_start3A_19 = arith.constant 1 : i32
    %dma_start3A_20 = arith.constant 1 : i32
    %dma_start3A_21 = arith.constant 1 : i32
    %dma_start3A_22 = arith.constant 0 : i32
    %dma_start3A_23 = arith.constant 0 : i32
    %dma_start3A_24 = tpu.memref_slice %arg9[%dma_start3A_20, %dma_start3A_22, %dma_start3A_23] : memref<4x80x128xf32, #tpu.memory_space<vmem>> -> memref<1x80x128xf32, #tpu.memory_space<vmem>>
    %dma_start3A_25 = tpu.memref_squeeze %dma_start3A_24 : memref<1x80x128xf32, #tpu.memory_space<vmem>> -> memref<80x128xf32, #tpu.memory_space<vmem>>
    %dma_start3A_26 = arith.constant 0 : i32
    %dma_start3A_27 = tpu.memref_slice %arg7[%dma_start3A_19, %dma_start3A_26] : memref<32x80xi32, #tpu.memory_space<vmem>> -> memref<1x80xi32, #tpu.memory_space<vmem>>
    %dma_start3A_28 = tpu.memref_squeeze %dma_start3A_27 : memref<1x80xi32, #tpu.memory_space<vmem>> -> memref<80xi32, #tpu.memory_space<vmem>>
    %dma_start3A_29 = arith.constant 0 : i32
    %dma_start3A_30 = arith.constant 0 : i32
    %dma_start3A_31 = tpu.memref_slice %arg2[%dma_start3A_29, %dma_start3A_30] : memref<10000x128xf32, #tpu.memory_space<hbm>> -> memref<10000x128xf32, #tpu.memory_space<hbm>>
    %dma_start3A_32 = tpu.memref_slice %arg11[%dma_start3A_21] : memref<4x!tpu.dma_semaphore, #tpu.memory_space<semaphore_mem>> -> memref<1x!tpu.dma_semaphore, #tpu.memory_space<semaphore_mem>>
    %dma_start3A_33 = tpu.memref_squeeze %dma_start3A_32 : memref<1x!tpu.dma_semaphore, #tpu.memory_space<semaphore_mem>> -> memref<!tpu.dma_semaphore, #tpu.memory_space<semaphore_mem>>
    tpu.enqueue_indirect_dma source(%dma_start3A_31 : memref<10000x128xf32, #tpu.memory_space<hbm>>) target(%dma_start3A_25 : memref<80x128xf32, #tpu.memory_space<vmem>>) offsets(%dma_start3A_28 : memref<80xi32, #tpu.memory_space<vmem>>) semaphore(%dma_start3A_33 : memref<!tpu.dma_semaphore, #tpu.memory_space<semaphore_mem>>)
    %dma_start3A_34 = arith.constant 2 : i32
    %dma_start3A_35 = arith.constant 2 : i32
    %dma_start3A_36 = arith.constant 2 : i32
    %dma_start3A_37 = arith.constant 0 : i32
    %dma_start3A_38 = arith.constant 0 : i32
    %dma_start3A_39 = tpu.memref_slice %arg9[%dma_start3A_35, %dma_start3A_37, %dma_start3A_38] : memref<4x80x128xf32, #tpu.memory_space<vmem>> -> memref<1x80x128xf32, #tpu.memory_space<vmem>>
    %dma_start3A_40 = tpu.memref_squeeze %dma_start3A_39 : memref<1x80x128xf32, #tpu.memory_space<vmem>> -> memref<80x128xf32, #tpu.memory_space<vmem>>
    %dma_start3A_41 = arith.constant 0 : i32
    %dma_start3A_42 = tpu.memref_slice %arg7[%dma_start3A_34, %dma_start3A_41] : memref<32x80xi32, #tpu.memory_space<vmem>> -> memref<1x80xi32, #tpu.memory_space<vmem>>
    %dma_start3A_43 = tpu.memref_squeeze %dma_start3A_42 : memref<1x80xi32, #tpu.memory_space<vmem>> -> memref<80xi32, #tpu.memory_space<vmem>>
    %dma_start3A_44 = arith.constant 0 : i32
    %dma_start3A_45 = arith.constant 0 : i32
    %dma_start3A_46 = tpu.memref_slice %arg2[%dma_start3A_44, %dma_start3A_45] : memref<10000x128xf32, #tpu.memory_space<hbm>> -> memref<10000x128xf32, #tpu.memory_space<hbm>>
    %dma_start3A_47 = tpu.memref_slice %arg11[%dma_start3A_36] : memref<4x!tpu.dma_semaphore, #tpu.memory_space<semaphore_mem>> -> memref<1x!tpu.dma_semaphore, #tpu.memory_space<semaphore_mem>>
    %dma_start3A_48 = tpu.memref_squeeze %dma_start3A_47 : memref<1x!tpu.dma_semaphore, #tpu.memory_space<semaphore_mem>> -> memref<!tpu.dma_semaphore, #tpu.memory_space<semaphore_mem>>
    tpu.enqueue_indirect_dma source(%dma_start3A_46 : memref<10000x128xf32, #tpu.memory_space<hbm>>) target(%dma_start3A_40 : memref<80x128xf32, #tpu.memory_space<vmem>>) offsets(%dma_start3A_43 : memref<80xi32, #tpu.memory_space<vmem>>) semaphore(%dma_start3A_48 : memref<!tpu.dma_semaphore, #tpu.memory_space<semaphore_mem>>)
    %dma_start3A_49 = arith.constant 3 : i32
    %dma_start3A_50 = arith.constant 3 : i32
    %dma_start3A_51 = arith.constant 3 : i32
    %dma_start3A_52 = arith.constant 0 : i32
    %dma_start3A_53 = arith.constant 0 : i32
    %dma_start3A_54 = tpu.memref_slice %arg9[%dma_start3A_50, %dma_start3A_52, %dma_start3A_53] : memref<4x80x128xf32, #tpu.memory_space<vmem>> -> memref<1x80x128xf32, #tpu.memory_space<vmem>>
    %dma_start3A_55 = tpu.memref_squeeze %dma_start3A_54 : memref<1x80x128xf32, #tpu.memory_space<vmem>> -> memref<80x128xf32, #tpu.memory_space<vmem>>
    %dma_start3A_56 = arith.constant 0 : i32
    %dma_start3A_57 = tpu.memref_slice %arg7[%dma_start3A_49, %dma_start3A_56] : memref<32x80xi32, #tpu.memory_space<vmem>> -> memref<1x80xi32, #tpu.memory_space<vmem>>
    %dma_start3A_58 = tpu.memref_squeeze %dma_start3A_57 : memref<1x80xi32, #tpu.memory_space<vmem>> -> memref<80xi32, #tpu.memory_space<vmem>>
    %dma_start3A_59 = arith.constant 0 : i32
    %dma_start3A_60 = arith.constant 0 : i32
    %dma_start3A_61 = tpu.memref_slice %arg2[%dma_start3A_59, %dma_start3A_60] : memref<10000x128xf32, #tpu.memory_space<hbm>> -> memref<10000x128xf32, #tpu.memory_space<hbm>>
    %dma_start3A_62 = tpu.memref_slice %arg11[%dma_start3A_51] : memref<4x!tpu.dma_semaphore, #tpu.memory_space<semaphore_mem>> -> memref<1x!tpu.dma_semaphore, #tpu.memory_space<semaphore_mem>>
    %dma_start3A_63 = tpu.memref_squeeze %dma_start3A_62 : memref<1x!tpu.dma_semaphore, #tpu.memory_space<semaphore_mem>> -> memref<!tpu.dma_semaphore, #tpu.memory_space<semaphore_mem>>
    tpu.enqueue_indirect_dma source(%dma_start3A_61 : memref<10000x128xf32, #tpu.memory_space<hbm>>) target(%dma_start3A_55 : memref<80x128xf32, #tpu.memory_space<vmem>>) offsets(%dma_start3A_58 : memref<80xi32, #tpu.memory_space<vmem>>) semaphore(%dma_start3A_63 : memref<!tpu.dma_semaphore, #tpu.memory_space<semaphore_mem>>)
    %barrier3A = arith.constant 0 : index
    tpu.barrier barrier_id(%barrier3A)
    %scan3A = arith.constant 0 : i32
    %scan3A_64 = arith.constant 0 : i32
    %scan3A_65 = arith.constant 8 : i32
    %scan3A_66 = arith.addi %scan3A_64, %scan3A_65 : i32
    %scan3A_67 = arith.constant 1 : i32
    scf.for %scan3A_272 = %scan3A_64 to %scan3A_66 step %scan3A_67  : i32 {
      %mul3A_273 = arith.constant 4 : i32
      %mul3A_274 = arith.muli %mul3A_273, %scan3A_272 : i32
      %add3A_275 = arith.constant 0 : i32
      %add3A_276 = arith.addi %mul3A_274, %add3A_275 : i32
      %dma_wait3A = arith.constant 0 : i32
      %dma_wait3A_277 = arith.constant 0 : i32
      %dma_wait3A_278 = arith.constant 0 : i32
      %dma_wait3A_279 = arith.constant 0 : i32
      %dma_wait3A_280 = tpu.memref_slice %arg9[%dma_wait3A, %dma_wait3A_278, %dma_wait3A_279] : memref<4x80x128xf32, #tpu.memory_space<vmem>> -> memref<1x80x128xf32, #tpu.memory_space<vmem>>
      %dma_wait3A_281 = tpu.memref_squeeze %dma_wait3A_280 : memref<1x80x128xf32, #tpu.memory_space<vmem>> -> memref<80x128xf32, #tpu.memory_space<vmem>>
      %dma_wait3A_282 = arith.constant 0 : i32
      %dma_wait3A_283 = tpu.memref_slice %arg7[%add3A_276, %dma_wait3A_282] : memref<32x80xi32, #tpu.memory_space<vmem>> -> memref<1x80xi32, #tpu.memory_space<vmem>>
      %dma_wait3A_284 = tpu.memref_squeeze %dma_wait3A_283 : memref<1x80xi32, #tpu.memory_space<vmem>> -> memref<80xi32, #tpu.memory_space<vmem>>
      %dma_wait3A_285 = arith.constant 0 : i32
      %dma_wait3A_286 = arith.constant 0 : i32
      %dma_wait3A_287 = tpu.memref_slice %arg2[%dma_wait3A_285, %dma_wait3A_286] : memref<10000x128xf32, #tpu.memory_space<hbm>> -> memref<10000x128xf32, #tpu.memory_space<hbm>>
      %dma_wait3A_288 = tpu.memref_slice %arg11[%dma_wait3A_277] : memref<4x!tpu.dma_semaphore, #tpu.memory_space<semaphore_mem>> -> memref<1x!tpu.dma_semaphore, #tpu.memory_space<semaphore_mem>>
      %dma_wait3A_289 = tpu.memref_squeeze %dma_wait3A_288 : memref<1x!tpu.dma_semaphore, #tpu.memory_space<semaphore_mem>> -> memref<!tpu.dma_semaphore, #tpu.memory_space<semaphore_mem>>
      tpu.wait_indirect_dma semaphore(%dma_wait3A_289 : memref<!tpu.dma_semaphore, #tpu.memory_space<semaphore_mem>>) src(%dma_wait3A_287 : memref<10000x128xf32, #tpu.memory_space<hbm>>) dst(%dma_wait3A_281 : memref<80x128xf32, #tpu.memory_space<vmem>>)
      %dma_start3A_290 = arith.constant 0 : i32
      %dma_start3A_291 = arith.constant 0 : i32
      %dma_start3A_292 = arith.constant 0 : i32
      %dma_start3A_293 = arith.constant 0 : i32
      %dma_start3A_294 = tpu.memref_slice %arg9[%dma_start3A_290, %dma_start3A_292, %dma_start3A_293] : memref<4x80x128xf32, #tpu.memory_space<vmem>> -> memref<1x80x128xf32, #tpu.memory_space<vmem>>
      %dma_start3A_295 = tpu.memref_squeeze %dma_start3A_294 : memref<1x80x128xf32, #tpu.memory_space<vmem>> -> memref<80x128xf32, #tpu.memory_space<vmem>>
      %dma_start3A_296 = arith.constant 0 : i32
      %dma_start3A_297 = tpu.memref_slice %arg8[%add3A_276, %dma_start3A_296] : memref<32x80xi32, #tpu.memory_space<vmem>> -> memref<1x80xi32, #tpu.memory_space<vmem>>
      %dma_start3A_298 = tpu.memref_squeeze %dma_start3A_297 : memref<1x80xi32, #tpu.memory_space<vmem>> -> memref<80xi32, #tpu.memory_space<vmem>>
      %dma_start3A_299 = arith.constant 0 : i32
      %dma_start3A_300 = arith.constant 0 : i32
      %dma_start3A_301 = tpu.memref_slice %arg10[%dma_start3A_299, %dma_start3A_300] : memref<10240x128xf32, #tpu.memory_space<vmem_shared>> -> memref<10240x128xf32, #tpu.memory_space<vmem_shared>>
      %dma_start3A_302 = tpu.memref_slice %arg12[%dma_start3A_291] : memref<4x!tpu.dma_semaphore, #tpu.memory_space<semaphore_mem>> -> memref<1x!tpu.dma_semaphore, #tpu.memory_space<semaphore_mem>>
      %dma_start3A_303 = tpu.memref_squeeze %dma_start3A_302 : memref<1x!tpu.dma_semaphore, #tpu.memory_space<semaphore_mem>> -> memref<!tpu.dma_semaphore, #tpu.memory_space<semaphore_mem>>
      tpu.enqueue_indirect_dma source(%dma_start3A_295 : memref<80x128xf32, #tpu.memory_space<vmem>>) target(%dma_start3A_301 : memref<10240x128xf32, #tpu.memory_space<vmem_shared>>) offsets(%dma_start3A_298 : memref<80xi32, #tpu.memory_space<vmem>>) semaphore(%dma_start3A_303 : memref<!tpu.dma_semaphore, #tpu.memory_space<semaphore_mem>>) {add = true}
      %mul3A_304 = arith.constant 4 : i32
      %mul3A_305 = arith.muli %mul3A_304, %scan3A_272 : i32
      %add3A_306 = arith.constant 1 : i32
      %add3A_307 = arith.addi %mul3A_305, %add3A_306 : i32
      %dma_wait3A_308 = arith.constant 1 : i32
      %dma_wait3A_309 = arith.constant 1 : i32
      %dma_wait3A_310 = arith.constant 0 : i32
      %dma_wait3A_311 = arith.constant 0 : i32
      %dma_wait3A_312 = tpu.memref_slice %arg9[%dma_wait3A_308, %dma_wait3A_310, %dma_wait3A_311] : memref<4x80x128xf32, #tpu.memory_space<vmem>> -> memref<1x80x128xf32, #tpu.memory_space<vmem>>
      %dma_wait3A_313 = tpu.memref_squeeze %dma_wait3A_312 : memref<1x80x128xf32, #tpu.memory_space<vmem>> -> memref<80x128xf32, #tpu.memory_space<vmem>>
      %dma_wait3A_314 = arith.constant 0 : i32
      %dma_wait3A_315 = tpu.memref_slice %arg7[%add3A_307, %dma_wait3A_314] : memref<32x80xi32, #tpu.memory_space<vmem>> -> memref<1x80xi32, #tpu.memory_space<vmem>>
      %dma_wait3A_316 = tpu.memref_squeeze %dma_wait3A_315 : memref<1x80xi32, #tpu.memory_space<vmem>> -> memref<80xi32, #tpu.memory_space<vmem>>
      %dma_wait3A_317 = arith.constant 0 : i32
      %dma_wait3A_318 = arith.constant 0 : i32
      %dma_wait3A_319 = tpu.memref_slice %arg2[%dma_wait3A_317, %dma_wait3A_318] : memref<10000x128xf32, #tpu.memory_space<hbm>> -> memref<10000x128xf32, #tpu.memory_space<hbm>>
      %dma_wait3A_320 = tpu.memref_slice %arg11[%dma_wait3A_309] : memref<4x!tpu.dma_semaphore, #tpu.memory_space<semaphore_mem>> -> memref<1x!tpu.dma_semaphore, #tpu.memory_space<semaphore_mem>>
      %dma_wait3A_321 = tpu.memref_squeeze %dma_wait3A_320 : memref<1x!tpu.dma_semaphore, #tpu.memory_space<semaphore_mem>> -> memref<!tpu.dma_semaphore, #tpu.memory_space<semaphore_mem>>
      tpu.wait_indirect_dma semaphore(%dma_wait3A_321 : memref<!tpu.dma_semaphore, #tpu.memory_space<semaphore_mem>>) src(%dma_wait3A_319 : memref<10000x128xf32, #tpu.memory_space<hbm>>) dst(%dma_wait3A_313 : memref<80x128xf32, #tpu.memory_space<vmem>>)
      %dma_start3A_322 = arith.constant 1 : i32
      %dma_start3A_323 = arith.constant 1 : i32
      %dma_start3A_324 = arith.constant 0 : i32
      %dma_start3A_325 = arith.constant 0 : i32
      %dma_start3A_326 = tpu.memref_slice %arg9[%dma_start3A_322, %dma_start3A_324, %dma_start3A_325] : memref<4x80x128xf32, #tpu.memory_space<vmem>> -> memref<1x80x128xf32, #tpu.memory_space<vmem>>
      %dma_start3A_327 = tpu.memref_squeeze %dma_start3A_326 : memref<1x80x128xf32, #tpu.memory_space<vmem>> -> memref<80x128xf32, #tpu.memory_space<vmem>>
      %dma_start3A_328 = arith.constant 0 : i32
      %dma_start3A_329 = tpu.memref_slice %arg8[%add3A_307, %dma_start3A_328] : memref<32x80xi32, #tpu.memory_space<vmem>> -> memref<1x80xi32, #tpu.memory_space<vmem>>
      %dma_start3A_330 = tpu.memref_squeeze %dma_start3A_329 : memref<1x80xi32, #tpu.memory_space<vmem>> -> memref<80xi32, #tpu.memory_space<vmem>>
      %dma_start3A_331 = arith.constant 0 : i32
      %dma_start3A_332 = arith.constant 0 : i32
      %dma_start3A_333 = tpu.memref_slice %arg10[%dma_start3A_331, %dma_start3A_332] : memref<10240x128xf32, #tpu.memory_space<vmem_shared>> -> memref<10240x128xf32, #tpu.memory_space<vmem_shared>>
      %dma_start3A_334 = tpu.memref_slice %arg12[%dma_start3A_323] : memref<4x!tpu.dma_semaphore, #tpu.memory_space<semaphore_mem>> -> memref<1x!tpu.dma_semaphore, #tpu.memory_space<semaphore_mem>>
      %dma_start3A_335 = tpu.memref_squeeze %dma_start3A_334 : memref<1x!tpu.dma_semaphore, #tpu.memory_space<semaphore_mem>> -> memref<!tpu.dma_semaphore, #tpu.memory_space<semaphore_mem>>
      tpu.enqueue_indirect_dma source(%dma_start3A_327 : memref<80x128xf32, #tpu.memory_space<vmem>>) target(%dma_start3A_333 : memref<10240x128xf32, #tpu.memory_space<vmem_shared>>) offsets(%dma_start3A_330 : memref<80xi32, #tpu.memory_space<vmem>>) semaphore(%dma_start3A_335 : memref<!tpu.dma_semaphore, #tpu.memory_space<semaphore_mem>>) {add = true}
      %mul3A_336 = arith.constant 4 : i32
      %mul3A_337 = arith.muli %mul3A_336, %scan3A_272 : i32
      %add3A_338 = arith.constant 2 : i32
      %add3A_339 = arith.addi %mul3A_337, %add3A_338 : i32
      %dma_wait3A_340 = arith.constant 2 : i32
      %dma_wait3A_341 = arith.constant 2 : i32
      %dma_wait3A_342 = arith.constant 0 : i32
      %dma_wait3A_343 = arith.constant 0 : i32
      %dma_wait3A_344 = tpu.memref_slice %arg9[%dma_wait3A_340, %dma_wait3A_342, %dma_wait3A_343] : memref<4x80x128xf32, #tpu.memory_space<vmem>> -> memref<1x80x128xf32, #tpu.memory_space<vmem>>
      %dma_wait3A_345 = tpu.memref_squeeze %dma_wait3A_344 : memref<1x80x128xf32, #tpu.memory_space<vmem>> -> memref<80x128xf32, #tpu.memory_space<vmem>>
      %dma_wait3A_346 = arith.constant 0 : i32
      %dma_wait3A_347 = tpu.memref_slice %arg7[%add3A_339, %dma_wait3A_346] : memref<32x80xi32, #tpu.memory_space<vmem>> -> memref<1x80xi32, #tpu.memory_space<vmem>>
      %dma_wait3A_348 = tpu.memref_squeeze %dma_wait3A_347 : memref<1x80xi32, #tpu.memory_space<vmem>> -> memref<80xi32, #tpu.memory_space<vmem>>
      %dma_wait3A_349 = arith.constant 0 : i32
      %dma_wait3A_350 = arith.constant 0 : i32
      %dma_wait3A_351 = tpu.memref_slice %arg2[%dma_wait3A_349, %dma_wait3A_350] : memref<10000x128xf32, #tpu.memory_space<hbm>> -> memref<10000x128xf32, #tpu.memory_space<hbm>>
      %dma_wait3A_352 = tpu.memref_slice %arg11[%dma_wait3A_341] : memref<4x!tpu.dma_semaphore, #tpu.memory_space<semaphore_mem>> -> memref<1x!tpu.dma_semaphore, #tpu.memory_space<semaphore_mem>>
      %dma_wait3A_353 = tpu.memref_squeeze %dma_wait3A_352 : memref<1x!tpu.dma_semaphore, #tpu.memory_space<semaphore_mem>> -> memref<!tpu.dma_semaphore, #tpu.memory_space<semaphore_mem>>
      tpu.wait_indirect_dma semaphore(%dma_wait3A_353 : memref<!tpu.dma_semaphore, #tpu.memory_space<semaphore_mem>>) src(%dma_wait3A_351 : memref<10000x128xf32, #tpu.memory_space<hbm>>) dst(%dma_wait3A_345 : memref<80x128xf32, #tpu.memory_space<vmem>>)
      %dma_start3A_354 = arith.constant 2 : i32
      %dma_start3A_355 = arith.constant 2 : i32
      %dma_start3A_356 = arith.constant 0 : i32
      %dma_start3A_357 = arith.constant 0 : i32
      %dma_start3A_358 = tpu.memref_slice %arg9[%dma_start3A_354, %dma_start3A_356, %dma_start3A_357] : memref<4x80x128xf32, #tpu.memory_space<vmem>> -> memref<1x80x128xf32, #tpu.memory_space<vmem>>
      %dma_start3A_359 = tpu.memref_squeeze %dma_start3A_358 : memref<1x80x128xf32, #tpu.memory_space<vmem>> -> memref<80x128xf32, #tpu.memory_space<vmem>>
      %dma_start3A_360 = arith.constant 0 : i32
      %dma_start3A_361 = tpu.memref_slice %arg8[%add3A_339, %dma_start3A_360] : memref<32x80xi32, #tpu.memory_space<vmem>> -> memref<1x80xi32, #tpu.memory_space<vmem>>
      %dma_start3A_362 = tpu.memref_squeeze %dma_start3A_361 : memref<1x80xi32, #tpu.memory_space<vmem>> -> memref<80xi32, #tpu.memory_space<vmem>>
      %dma_start3A_363 = arith.constant 0 : i32
      %dma_start3A_364 = arith.constant 0 : i32
      %dma_start3A_365 = tpu.memref_slice %arg10[%dma_start3A_363, %dma_start3A_364] : memref<10240x128xf32, #tpu.memory_space<vmem_shared>> -> memref<10240x128xf32, #tpu.memory_space<vmem_shared>>
      %dma_start3A_366 = tpu.memref_slice %arg12[%dma_start3A_355] : memref<4x!tpu.dma_semaphore, #tpu.memory_space<semaphore_mem>> -> memref<1x!tpu.dma_semaphore, #tpu.memory_space<semaphore_mem>>
      %dma_start3A_367 = tpu.memref_squeeze %dma_start3A_366 : memref<1x!tpu.dma_semaphore, #tpu.memory_space<semaphore_mem>> -> memref<!tpu.dma_semaphore, #tpu.memory_space<semaphore_mem>>
      tpu.enqueue_indirect_dma source(%dma_start3A_359 : memref<80x128xf32, #tpu.memory_space<vmem>>) target(%dma_start3A_365 : memref<10240x128xf32, #tpu.memory_space<vmem_shared>>) offsets(%dma_start3A_362 : memref<80xi32, #tpu.memory_space<vmem>>) semaphore(%dma_start3A_367 : memref<!tpu.dma_semaphore, #tpu.memory_space<semaphore_mem>>) {add = true}
      %mul3A_368 = arith.constant 4 : i32
      %mul3A_369 = arith.muli %mul3A_368, %scan3A_272 : i32
      %add3A_370 = arith.constant 3 : i32
      %add3A_371 = arith.addi %mul3A_369, %add3A_370 : i32
      %dma_wait3A_372 = arith.constant 3 : i32
      %dma_wait3A_373 = arith.constant 3 : i32
      %dma_wait3A_374 = arith.constant 0 : i32
      %dma_wait3A_375 = arith.constant 0 : i32
      %dma_wait3A_376 = tpu.memref_slice %arg9[%dma_wait3A_372, %dma_wait3A_374, %dma_wait3A_375] : memref<4x80x128xf32, #tpu.memory_space<vmem>> -> memref<1x80x128xf32, #tpu.memory_space<vmem>>
      %dma_wait3A_377 = tpu.memref_squeeze %dma_wait3A_376 : memref<1x80x128xf32, #tpu.memory_space<vmem>> -> memref<80x128xf32, #tpu.memory_space<vmem>>
      %dma_wait3A_378 = arith.constant 0 : i32
      %dma_wait3A_379 = tpu.memref_slice %arg7[%add3A_371, %dma_wait3A_378] : memref<32x80xi32, #tpu.memory_space<vmem>> -> memref<1x80xi32, #tpu.memory_space<vmem>>
      %dma_wait3A_380 = tpu.memref_squeeze %dma_wait3A_379 : memref<1x80xi32, #tpu.memory_space<vmem>> -> memref<80xi32, #tpu.memory_space<vmem>>
      %dma_wait3A_381 = arith.constant 0 : i32
      %dma_wait3A_382 = arith.constant 0 : i32
      %dma_wait3A_383 = tpu.memref_slice %arg2[%dma_wait3A_381, %dma_wait3A_382] : memref<10000x128xf32, #tpu.memory_space<hbm>> -> memref<10000x128xf32, #tpu.memory_space<hbm>>
      %dma_wait3A_384 = tpu.memref_slice %arg11[%dma_wait3A_373] : memref<4x!tpu.dma_semaphore, #tpu.memory_space<semaphore_mem>> -> memref<1x!tpu.dma_semaphore, #tpu.memory_space<semaphore_mem>>
      %dma_wait3A_385 = tpu.memref_squeeze %dma_wait3A_384 : memref<1x!tpu.dma_semaphore, #tpu.memory_space<semaphore_mem>> -> memref<!tpu.dma_semaphore, #tpu.memory_space<semaphore_mem>>
      tpu.wait_indirect_dma semaphore(%dma_wait3A_385 : memref<!tpu.dma_semaphore, #tpu.memory_space<semaphore_mem>>) src(%dma_wait3A_383 : memref<10000x128xf32, #tpu.memory_space<hbm>>) dst(%dma_wait3A_377 : memref<80x128xf32, #tpu.memory_space<vmem>>)
      %dma_start3A_386 = arith.constant 3 : i32
      %dma_start3A_387 = arith.constant 3 : i32
      %dma_start3A_388 = arith.constant 0 : i32
      %dma_start3A_389 = arith.constant 0 : i32
      %dma_start3A_390 = tpu.memref_slice %arg9[%dma_start3A_386, %dma_start3A_388, %dma_start3A_389] : memref<4x80x128xf32, #tpu.memory_space<vmem>> -> memref<1x80x128xf32, #tpu.memory_space<vmem>>
      %dma_start3A_391 = tpu.memref_squeeze %dma_start3A_390 : memref<1x80x128xf32, #tpu.memory_space<vmem>> -> memref<80x128xf32, #tpu.memory_space<vmem>>
      %dma_start3A_392 = arith.constant 0 : i32
      %dma_start3A_393 = tpu.memref_slice %arg8[%add3A_371, %dma_start3A_392] : memref<32x80xi32, #tpu.memory_space<vmem>> -> memref<1x80xi32, #tpu.memory_space<vmem>>
      %dma_start3A_394 = tpu.memref_squeeze %dma_start3A_393 : memref<1x80xi32, #tpu.memory_space<vmem>> -> memref<80xi32, #tpu.memory_space<vmem>>
      %dma_start3A_395 = arith.constant 0 : i32
      %dma_start3A_396 = arith.constant 0 : i32
      %dma_start3A_397 = tpu.memref_slice %arg10[%dma_start3A_395, %dma_start3A_396] : memref<10240x128xf32, #tpu.memory_space<vmem_shared>> -> memref<10240x128xf32, #tpu.memory_space<vmem_shared>>
      %dma_start3A_398 = tpu.memref_slice %arg12[%dma_start3A_387] : memref<4x!tpu.dma_semaphore, #tpu.memory_space<semaphore_mem>> -> memref<1x!tpu.dma_semaphore, #tpu.memory_space<semaphore_mem>>
      %dma_start3A_399 = tpu.memref_squeeze %dma_start3A_398 : memref<1x!tpu.dma_semaphore, #tpu.memory_space<semaphore_mem>> -> memref<!tpu.dma_semaphore, #tpu.memory_space<semaphore_mem>>
      tpu.enqueue_indirect_dma source(%dma_start3A_391 : memref<80x128xf32, #tpu.memory_space<vmem>>) target(%dma_start3A_397 : memref<10240x128xf32, #tpu.memory_space<vmem_shared>>) offsets(%dma_start3A_394 : memref<80xi32, #tpu.memory_space<vmem>>) semaphore(%dma_start3A_399 : memref<!tpu.dma_semaphore, #tpu.memory_space<semaphore_mem>>) {add = true}
      %mul3A_400 = arith.constant 4 : i32
      %mul3A_401 = arith.muli %mul3A_400, %scan3A_272 : i32
      %add3A_402 = arith.constant 0 : i32
      %add3A_403 = arith.addi %mul3A_401, %add3A_402 : i32
      %dma_wait3A_404 = arith.constant 0 : i32
      %dma_wait3A_405 = arith.constant 0 : i32
      %dma_wait3A_406 = arith.constant 0 : i32
      %dma_wait3A_407 = arith.constant 0 : i32
      %dma_wait3A_408 = tpu.memref_slice %arg9[%dma_wait3A_404, %dma_wait3A_406, %dma_wait3A_407] : memref<4x80x128xf32, #tpu.memory_space<vmem>> -> memref<1x80x128xf32, #tpu.memory_space<vmem>>
      %dma_wait3A_409 = tpu.memref_squeeze %dma_wait3A_408 : memref<1x80x128xf32, #tpu.memory_space<vmem>> -> memref<80x128xf32, #tpu.memory_space<vmem>>
      %dma_wait3A_410 = arith.constant 0 : i32
      %dma_wait3A_411 = tpu.memref_slice %arg8[%add3A_403, %dma_wait3A_410] : memref<32x80xi32, #tpu.memory_space<vmem>> -> memref<1x80xi32, #tpu.memory_space<vmem>>
      %dma_wait3A_412 = tpu.memref_squeeze %dma_wait3A_411 : memref<1x80xi32, #tpu.memory_space<vmem>> -> memref<80xi32, #tpu.memory_space<vmem>>
      %dma_wait3A_413 = arith.constant 0 : i32
      %dma_wait3A_414 = arith.constant 0 : i32
      %dma_wait3A_415 = tpu.memref_slice %arg10[%dma_wait3A_413, %dma_wait3A_414] : memref<10240x128xf32, #tpu.memory_space<vmem_shared>> -> memref<10240x128xf32, #tpu.memory_space<vmem_shared>>
      %dma_wait3A_416 = tpu.memref_slice %arg12[%dma_wait3A_405] : memref<4x!tpu.dma_semaphore, #tpu.memory_space<semaphore_mem>> -> memref<1x!tpu.dma_semaphore, #tpu.memory_space<semaphore_mem>>
      %dma_wait3A_417 = tpu.memref_squeeze %dma_wait3A_416 : memref<1x!tpu.dma_semaphore, #tpu.memory_space<semaphore_mem>> -> memref<!tpu.dma_semaphore, #tpu.memory_space<semaphore_mem>>
      tpu.wait_indirect_dma semaphore(%dma_wait3A_417 : memref<!tpu.dma_semaphore, #tpu.memory_space<semaphore_mem>>) src(%dma_wait3A_409 : memref<80x128xf32, #tpu.memory_space<vmem>>) dst(%dma_wait3A_415 : memref<10240x128xf32, #tpu.memory_space<vmem_shared>>)
      %add3A_418 = arith.constant 1 : i32
      %add3A_419 = arith.addi %scan3A_272, %add3A_418 : i32
      %lt3A = arith.constant 8 : i32
      %lt3A_420 = arith.cmpi slt, %add3A_419, %lt3A : i32
      %convert_element_type3A = arith.extui %lt3A_420 : i1 to i32
      %cond3A = arith.constant 0 : i32
      %cond3A_421 = arith.cmpi ne, %convert_element_type3A, %cond3A : i32
      scf.if %cond3A_421 {
        %add3A_497 = arith.constant 4 : i32
        %add3A_498 = arith.addi %add3A_403, %add3A_497 : i32
        %dma_start3A_499 = arith.constant 0 : i32
        %dma_start3A_500 = arith.constant 0 : i32
        %dma_start3A_501 = arith.constant 0 : i32
        %dma_start3A_502 = arith.constant 0 : i32
        %dma_start3A_503 = tpu.memref_slice %arg9[%dma_start3A_499, %dma_start3A_501, %dma_start3A_502] : memref<4x80x128xf32, #tpu.memory_space<vmem>> -> memref<1x80x128xf32, #tpu.memory_space<vmem>>
        %dma_start3A_504 = tpu.memref_squeeze %dma_start3A_503 : memref<1x80x128xf32, #tpu.memory_space<vmem>> -> memref<80x128xf32, #tpu.memory_space<vmem>>
        %dma_start3A_505 = arith.constant 0 : i32
        %dma_start3A_506 = tpu.memref_slice %arg7[%add3A_498, %dma_start3A_505] : memref<32x80xi32, #tpu.memory_space<vmem>> -> memref<1x80xi32, #tpu.memory_space<vmem>>
        %dma_start3A_507 = tpu.memref_squeeze %dma_start3A_506 : memref<1x80xi32, #tpu.memory_space<vmem>> -> memref<80xi32, #tpu.memory_space<vmem>>
        %dma_start3A_508 = arith.constant 0 : i32
        %dma_start3A_509 = arith.constant 0 : i32
        %dma_start3A_510 = tpu.memref_slice %arg2[%dma_start3A_508, %dma_start3A_509] : memref<10000x128xf32, #tpu.memory_space<hbm>> -> memref<10000x128xf32, #tpu.memory_space<hbm>>
        %dma_start3A_511 = tpu.memref_slice %arg11[%dma_start3A_500] : memref<4x!tpu.dma_semaphore, #tpu.memory_space<semaphore_mem>> -> memref<1x!tpu.dma_semaphore, #tpu.memory_space<semaphore_mem>>
        %dma_start3A_512 = tpu.memref_squeeze %dma_start3A_511 : memref<1x!tpu.dma_semaphore, #tpu.memory_space<semaphore_mem>> -> memref<!tpu.dma_semaphore, #tpu.memory_space<semaphore_mem>>
        tpu.enqueue_indirect_dma source(%dma_start3A_510 : memref<10000x128xf32, #tpu.memory_space<hbm>>) target(%dma_start3A_504 : memref<80x128xf32, #tpu.memory_space<vmem>>) offsets(%dma_start3A_507 : memref<80xi32, #tpu.memory_space<vmem>>) semaphore(%dma_start3A_512 : memref<!tpu.dma_semaphore, #tpu.memory_space<semaphore_mem>>)
      } else {
      }
      %mul3A_422 = arith.constant 4 : i32
      %mul3A_423 = arith.muli %mul3A_422, %scan3A_272 : i32
      %add3A_424 = arith.constant 1 : i32
      %add3A_425 = arith.addi %mul3A_423, %add3A_424 : i32
      %dma_wait3A_426 = arith.constant 1 : i32
      %dma_wait3A_427 = arith.constant 1 : i32
      %dma_wait3A_428 = arith.constant 0 : i32
      %dma_wait3A_429 = arith.constant 0 : i32
      %dma_wait3A_430 = tpu.memref_slice %arg9[%dma_wait3A_426, %dma_wait3A_428, %dma_wait3A_429] : memref<4x80x128xf32, #tpu.memory_space<vmem>> -> memref<1x80x128xf32, #tpu.memory_space<vmem>>
      %dma_wait3A_431 = tpu.memref_squeeze %dma_wait3A_430 : memref<1x80x128xf32, #tpu.memory_space<vmem>> -> memref<80x128xf32, #tpu.memory_space<vmem>>
      %dma_wait3A_432 = arith.constant 0 : i32
      %dma_wait3A_433 = tpu.memref_slice %arg8[%add3A_425, %dma_wait3A_432] : memref<32x80xi32, #tpu.memory_space<vmem>> -> memref<1x80xi32, #tpu.memory_space<vmem>>
      %dma_wait3A_434 = tpu.memref_squeeze %dma_wait3A_433 : memref<1x80xi32, #tpu.memory_space<vmem>> -> memref<80xi32, #tpu.memory_space<vmem>>
      %dma_wait3A_435 = arith.constant 0 : i32
      %dma_wait3A_436 = arith.constant 0 : i32
      %dma_wait3A_437 = tpu.memref_slice %arg10[%dma_wait3A_435, %dma_wait3A_436] : memref<10240x128xf32, #tpu.memory_space<vmem_shared>> -> memref<10240x128xf32, #tpu.memory_space<vmem_shared>>
      %dma_wait3A_438 = tpu.memref_slice %arg12[%dma_wait3A_427] : memref<4x!tpu.dma_semaphore, #tpu.memory_space<semaphore_mem>> -> memref<1x!tpu.dma_semaphore, #tpu.memory_space<semaphore_mem>>
      %dma_wait3A_439 = tpu.memref_squeeze %dma_wait3A_438 : memref<1x!tpu.dma_semaphore, #tpu.memory_space<semaphore_mem>> -> memref<!tpu.dma_semaphore, #tpu.memory_space<semaphore_mem>>
      tpu.wait_indirect_dma semaphore(%dma_wait3A_439 : memref<!tpu.dma_semaphore, #tpu.memory_space<semaphore_mem>>) src(%dma_wait3A_431 : memref<80x128xf32, #tpu.memory_space<vmem>>) dst(%dma_wait3A_437 : memref<10240x128xf32, #tpu.memory_space<vmem_shared>>)
      %add3A_440 = arith.constant 1 : i32
      %add3A_441 = arith.addi %scan3A_272, %add3A_440 : i32
      %lt3A_442 = arith.constant 8 : i32
      %lt3A_443 = arith.cmpi slt, %add3A_441, %lt3A_442 : i32
      %convert_element_type3A_444 = arith.extui %lt3A_443 : i1 to i32
      %cond3A_445 = arith.constant 0 : i32
      %cond3A_446 = arith.cmpi ne, %convert_element_type3A_444, %cond3A_445 : i32
      scf.if %cond3A_446 {
        %add3A_497 = arith.constant 4 : i32
        %add3A_498 = arith.addi %add3A_425, %add3A_497 : i32
        %dma_start3A_499 = arith.constant 1 : i32
        %dma_start3A_500 = arith.constant 1 : i32
        %dma_start3A_501 = arith.constant 0 : i32
        %dma_start3A_502 = arith.constant 0 : i32
        %dma_start3A_503 = tpu.memref_slice %arg9[%dma_start3A_499, %dma_start3A_501, %dma_start3A_502] : memref<4x80x128xf32, #tpu.memory_space<vmem>> -> memref<1x80x128xf32, #tpu.memory_space<vmem>>
        %dma_start3A_504 = tpu.memref_squeeze %dma_start3A_503 : memref<1x80x128xf32, #tpu.memory_space<vmem>> -> memref<80x128xf32, #tpu.memory_space<vmem>>
        %dma_start3A_505 = arith.constant 0 : i32
        %dma_start3A_506 = tpu.memref_slice %arg7[%add3A_498, %dma_start3A_505] : memref<32x80xi32, #tpu.memory_space<vmem>> -> memref<1x80xi32, #tpu.memory_space<vmem>>
        %dma_start3A_507 = tpu.memref_squeeze %dma_start3A_506 : memref<1x80xi32, #tpu.memory_space<vmem>> -> memref<80xi32, #tpu.memory_space<vmem>>
        %dma_start3A_508 = arith.constant 0 : i32
        %dma_start3A_509 = arith.constant 0 : i32
        %dma_start3A_510 = tpu.memref_slice %arg2[%dma_start3A_508, %dma_start3A_509] : memref<10000x128xf32, #tpu.memory_space<hbm>> -> memref<10000x128xf32, #tpu.memory_space<hbm>>
        %dma_start3A_511 = tpu.memref_slice %arg11[%dma_start3A_500] : memref<4x!tpu.dma_semaphore, #tpu.memory_space<semaphore_mem>> -> memref<1x!tpu.dma_semaphore, #tpu.memory_space<semaphore_mem>>
        %dma_start3A_512 = tpu.memref_squeeze %dma_start3A_511 : memref<1x!tpu.dma_semaphore, #tpu.memory_space<semaphore_mem>> -> memref<!tpu.dma_semaphore, #tpu.memory_space<semaphore_mem>>
        tpu.enqueue_indirect_dma source(%dma_start3A_510 : memref<10000x128xf32, #tpu.memory_space<hbm>>) target(%dma_start3A_504 : memref<80x128xf32, #tpu.memory_space<vmem>>) offsets(%dma_start3A_507 : memref<80xi32, #tpu.memory_space<vmem>>) semaphore(%dma_start3A_512 : memref<!tpu.dma_semaphore, #tpu.memory_space<semaphore_mem>>)
      } else {
      }
      %mul3A_447 = arith.constant 4 : i32
      %mul3A_448 = arith.muli %mul3A_447, %scan3A_272 : i32
      %add3A_449 = arith.constant 2 : i32
      %add3A_450 = arith.addi %mul3A_448, %add3A_449 : i32
      %dma_wait3A_451 = arith.constant 2 : i32
      %dma_wait3A_452 = arith.constant 2 : i32
      %dma_wait3A_453 = arith.constant 0 : i32
      %dma_wait3A_454 = arith.constant 0 : i32
      %dma_wait3A_455 = tpu.memref_slice %arg9[%dma_wait3A_451, %dma_wait3A_453, %dma_wait3A_454] : memref<4x80x128xf32, #tpu.memory_space<vmem>> -> memref<1x80x128xf32, #tpu.memory_space<vmem>>
      %dma_wait3A_456 = tpu.memref_squeeze %dma_wait3A_455 : memref<1x80x128xf32, #tpu.memory_space<vmem>> -> memref<80x128xf32, #tpu.memory_space<vmem>>
      %dma_wait3A_457 = arith.constant 0 : i32
      %dma_wait3A_458 = tpu.memref_slice %arg8[%add3A_450, %dma_wait3A_457] : memref<32x80xi32, #tpu.memory_space<vmem>> -> memref<1x80xi32, #tpu.memory_space<vmem>>
      %dma_wait3A_459 = tpu.memref_squeeze %dma_wait3A_458 : memref<1x80xi32, #tpu.memory_space<vmem>> -> memref<80xi32, #tpu.memory_space<vmem>>
      %dma_wait3A_460 = arith.constant 0 : i32
      %dma_wait3A_461 = arith.constant 0 : i32
      %dma_wait3A_462 = tpu.memref_slice %arg10[%dma_wait3A_460, %dma_wait3A_461] : memref<10240x128xf32, #tpu.memory_space<vmem_shared>> -> memref<10240x128xf32, #tpu.memory_space<vmem_shared>>
      %dma_wait3A_463 = tpu.memref_slice %arg12[%dma_wait3A_452] : memref<4x!tpu.dma_semaphore, #tpu.memory_space<semaphore_mem>> -> memref<1x!tpu.dma_semaphore, #tpu.memory_space<semaphore_mem>>
      %dma_wait3A_464 = tpu.memref_squeeze %dma_wait3A_463 : memref<1x!tpu.dma_semaphore, #tpu.memory_space<semaphore_mem>> -> memref<!tpu.dma_semaphore, #tpu.memory_space<semaphore_mem>>
      tpu.wait_indirect_dma semaphore(%dma_wait3A_464 : memref<!tpu.dma_semaphore, #tpu.memory_space<semaphore_mem>>) src(%dma_wait3A_456 : memref<80x128xf32, #tpu.memory_space<vmem>>) dst(%dma_wait3A_462 : memref<10240x128xf32, #tpu.memory_space<vmem_shared>>)
      %add3A_465 = arith.constant 1 : i32
      %add3A_466 = arith.addi %scan3A_272, %add3A_465 : i32
      %lt3A_467 = arith.constant 8 : i32
      %lt3A_468 = arith.cmpi slt, %add3A_466, %lt3A_467 : i32
      %convert_element_type3A_469 = arith.extui %lt3A_468 : i1 to i32
      %cond3A_470 = arith.constant 0 : i32
      %cond3A_471 = arith.cmpi ne, %convert_element_type3A_469, %cond3A_470 : i32
      scf.if %cond3A_471 {
        %add3A_497 = arith.constant 4 : i32
        %add3A_498 = arith.addi %add3A_450, %add3A_497 : i32
        %dma_start3A_499 = arith.constant 2 : i32
        %dma_start3A_500 = arith.constant 2 : i32
        %dma_start3A_501 = arith.constant 0 : i32
        %dma_start3A_502 = arith.constant 0 : i32
        %dma_start3A_503 = tpu.memref_slice %arg9[%dma_start3A_499, %dma_start3A_501, %dma_start3A_502] : memref<4x80x128xf32, #tpu.memory_space<vmem>> -> memref<1x80x128xf32, #tpu.memory_space<vmem>>
        %dma_start3A_504 = tpu.memref_squeeze %dma_start3A_503 : memref<1x80x128xf32, #tpu.memory_space<vmem>> -> memref<80x128xf32, #tpu.memory_space<vmem>>
        %dma_start3A_505 = arith.constant 0 : i32
        %dma_start3A_506 = tpu.memref_slice %arg7[%add3A_498, %dma_start3A_505] : memref<32x80xi32, #tpu.memory_space<vmem>> -> memref<1x80xi32, #tpu.memory_space<vmem>>
        %dma_start3A_507 = tpu.memref_squeeze %dma_start3A_506 : memref<1x80xi32, #tpu.memory_space<vmem>> -> memref<80xi32, #tpu.memory_space<vmem>>
        %dma_start3A_508 = arith.constant 0 : i32
        %dma_start3A_509 = arith.constant 0 : i32
        %dma_start3A_510 = tpu.memref_slice %arg2[%dma_start3A_508, %dma_start3A_509] : memref<10000x128xf32, #tpu.memory_space<hbm>> -> memref<10000x128xf32, #tpu.memory_space<hbm>>
        %dma_start3A_511 = tpu.memref_slice %arg11[%dma_start3A_500] : memref<4x!tpu.dma_semaphore, #tpu.memory_space<semaphore_mem>> -> memref<1x!tpu.dma_semaphore, #tpu.memory_space<semaphore_mem>>
        %dma_start3A_512 = tpu.memref_squeeze %dma_start3A_511 : memref<1x!tpu.dma_semaphore, #tpu.memory_space<semaphore_mem>> -> memref<!tpu.dma_semaphore, #tpu.memory_space<semaphore_mem>>
        tpu.enqueue_indirect_dma source(%dma_start3A_510 : memref<10000x128xf32, #tpu.memory_space<hbm>>) target(%dma_start3A_504 : memref<80x128xf32, #tpu.memory_space<vmem>>) offsets(%dma_start3A_507 : memref<80xi32, #tpu.memory_space<vmem>>) semaphore(%dma_start3A_512 : memref<!tpu.dma_semaphore, #tpu.memory_space<semaphore_mem>>)
      } else {
      }
      %mul3A_472 = arith.constant 4 : i32
      %mul3A_473 = arith.muli %mul3A_472, %scan3A_272 : i32
      %add3A_474 = arith.constant 3 : i32
      %add3A_475 = arith.addi %mul3A_473, %add3A_474 : i32
      %dma_wait3A_476 = arith.constant 3 : i32
      %dma_wait3A_477 = arith.constant 3 : i32
      %dma_wait3A_478 = arith.constant 0 : i32
      %dma_wait3A_479 = arith.constant 0 : i32
      %dma_wait3A_480 = tpu.memref_slice %arg9[%dma_wait3A_476, %dma_wait3A_478, %dma_wait3A_479] : memref<4x80x128xf32, #tpu.memory_space<vmem>> -> memref<1x80x128xf32, #tpu.memory_space<vmem>>
      %dma_wait3A_481 = tpu.memref_squeeze %dma_wait3A_480 : memref<1x80x128xf32, #tpu.memory_space<vmem>> -> memref<80x128xf32, #tpu.memory_space<vmem>>
      %dma_wait3A_482 = arith.constant 0 : i32
      %dma_wait3A_483 = tpu.memref_slice %arg8[%add3A_475, %dma_wait3A_482] : memref<32x80xi32, #tpu.memory_space<vmem>> -> memref<1x80xi32, #tpu.memory_space<vmem>>
      %dma_wait3A_484 = tpu.memref_squeeze %dma_wait3A_483 : memref<1x80xi32, #tpu.memory_space<vmem>> -> memref<80xi32, #tpu.memory_space<vmem>>
      %dma_wait3A_485 = arith.constant 0 : i32
      %dma_wait3A_486 = arith.constant 0 : i32
      %dma_wait3A_487 = tpu.memref_slice %arg10[%dma_wait3A_485, %dma_wait3A_486] : memref<10240x128xf32, #tpu.memory_space<vmem_shared>> -> memref<10240x128xf32, #tpu.memory_space<vmem_shared>>
      %dma_wait3A_488 = tpu.memref_slice %arg12[%dma_wait3A_477] : memref<4x!tpu.dma_semaphore, #tpu.memory_space<semaphore_mem>> -> memref<1x!tpu.dma_semaphore, #tpu.memory_space<semaphore_mem>>
      %dma_wait3A_489 = tpu.memref_squeeze %dma_wait3A_488 : memref<1x!tpu.dma_semaphore, #tpu.memory_space<semaphore_mem>> -> memref<!tpu.dma_semaphore, #tpu.memory_space<semaphore_mem>>
      tpu.wait_indirect_dma semaphore(%dma_wait3A_489 : memref<!tpu.dma_semaphore, #tpu.memory_space<semaphore_mem>>) src(%dma_wait3A_481 : memref<80x128xf32, #tpu.memory_space<vmem>>) dst(%dma_wait3A_487 : memref<10240x128xf32, #tpu.memory_space<vmem_shared>>)
      %add3A_490 = arith.constant 1 : i32
      %add3A_491 = arith.addi %scan3A_272, %add3A_490 : i32
      %lt3A_492 = arith.constant 8 : i32
      %lt3A_493 = arith.cmpi slt, %add3A_491, %lt3A_492 : i32
      %convert_element_type3A_494 = arith.extui %lt3A_493 : i1 to i32
      %cond3A_495 = arith.constant 0 : i32
      %cond3A_496 = arith.cmpi ne, %convert_element_type3A_494, %cond3A_495 : i32
      scf.if %cond3A_496 {
        %add3A_497 = arith.constant 4 : i32
        %add3A_498 = arith.addi %add3A_475, %add3A_497 : i32
        %dma_start3A_499 = arith.constant 3 : i32
        %dma_start3A_500 = arith.constant 3 : i32
        %dma_start3A_501 = arith.constant 0 : i32
        %dma_start3A_502 = arith.constant 0 : i32
        %dma_start3A_503 = tpu.memref_slice %arg9[%dma_start3A_499, %dma_start3A_501, %dma_start3A_502] : memref<4x80x128xf32, #tpu.memory_space<vmem>> -> memref<1x80x128xf32, #tpu.memory_space<vmem>>
        %dma_start3A_504 = tpu.memref_squeeze %dma_start3A_503 : memref<1x80x128xf32, #tpu.memory_space<vmem>> -> memref<80x128xf32, #tpu.memory_space<vmem>>
        %dma_start3A_505 = arith.constant 0 : i32
        %dma_start3A_506 = tpu.memref_slice %arg7[%add3A_498, %dma_start3A_505] : memref<32x80xi32, #tpu.memory_space<vmem>> -> memref<1x80xi32, #tpu.memory_space<vmem>>
        %dma_start3A_507 = tpu.memref_squeeze %dma_start3A_506 : memref<1x80xi32, #tpu.memory_space<vmem>> -> memref<80xi32, #tpu.memory_space<vmem>>
        %dma_start3A_508 = arith.constant 0 : i32
        %dma_start3A_509 = arith.constant 0 : i32
        %dma_start3A_510 = tpu.memref_slice %arg2[%dma_start3A_508, %dma_start3A_509] : memref<10000x128xf32, #tpu.memory_space<hbm>> -> memref<10000x128xf32, #tpu.memory_space<hbm>>
        %dma_start3A_511 = tpu.memref_slice %arg11[%dma_start3A_500] : memref<4x!tpu.dma_semaphore, #tpu.memory_space<semaphore_mem>> -> memref<1x!tpu.dma_semaphore, #tpu.memory_space<semaphore_mem>>
        %dma_start3A_512 = tpu.memref_squeeze %dma_start3A_511 : memref<1x!tpu.dma_semaphore, #tpu.memory_space<semaphore_mem>> -> memref<!tpu.dma_semaphore, #tpu.memory_space<semaphore_mem>>
        tpu.enqueue_indirect_dma source(%dma_start3A_510 : memref<10000x128xf32, #tpu.memory_space<hbm>>) target(%dma_start3A_504 : memref<80x128xf32, #tpu.memory_space<vmem>>) offsets(%dma_start3A_507 : memref<80xi32, #tpu.memory_space<vmem>>) semaphore(%dma_start3A_512 : memref<!tpu.dma_semaphore, #tpu.memory_space<semaphore_mem>>)
      } else {
      }
    }
    %scan3A_68 = arith.constant 8 : i32
    "tpu.region"() ({
      %run_scoped3A = tpu.sem_alloc : memref<!tpu.dma_semaphore, #tpu.memory_space<semaphore_mem>>
      %dma_start3A_272 = arith.constant 32 : i32
      %dma_start3A_273 = arith.constant 0 : i32
      %dma_start3A_274 = tpu.memref_slice %arg3[%add3A, %dma_start3A_272, %dma_start3A_273] : memref<32x128x80xi32, #tpu.memory_space<hbm>> -> memref<1x32x80xi32, #tpu.memory_space<hbm>>
      %dma_start3A_275 = tpu.memref_squeeze %dma_start3A_274 : memref<1x32x80xi32, #tpu.memory_space<hbm>> -> memref<32x80xi32, #tpu.memory_space<hbm>>
      %dma_start3A_276 = arith.constant 32 : i32
      %dma_start3A_277 = arith.constant 0 : i32
      %dma_start3A_278 = tpu.memref_slice %arg3[%add3A, %dma_start3A_276, %dma_start3A_277] : memref<32x128x80xi32, #tpu.memory_space<hbm>> -> memref<1x32x80xi32, #tpu.memory_space<hbm>>
      %dma_start3A_279 = tpu.memref_squeeze %dma_start3A_278 : memref<1x32x80xi32, #tpu.memory_space<hbm>> -> memref<32x80xi32, #tpu.memory_space<hbm>>
      tpu.enqueue_dma source(%dma_start3A_279 : memref<32x80xi32, #tpu.memory_space<hbm>>) target(%arg7 : memref<32x80xi32, #tpu.memory_space<vmem>>) target_semaphore(%run_scoped3A : memref<!tpu.dma_semaphore, #tpu.memory_space<semaphore_mem>>)
      %dma_wait3A = arith.constant 32 : i32
      %dma_wait3A_280 = arith.constant 0 : i32
      %dma_wait3A_281 = tpu.memref_slice %arg3[%add3A, %dma_wait3A, %dma_wait3A_280] : memref<32x128x80xi32, #tpu.memory_space<hbm>> -> memref<1x32x80xi32, #tpu.memory_space<hbm>>
      %dma_wait3A_282 = tpu.memref_squeeze %dma_wait3A_281 : memref<1x32x80xi32, #tpu.memory_space<hbm>> -> memref<32x80xi32, #tpu.memory_space<hbm>>
      %dma_wait3A_283 = arith.constant 32 : i32
      %dma_wait3A_284 = arith.constant 0 : i32
      %dma_wait3A_285 = tpu.memref_slice %arg3[%add3A, %dma_wait3A_283, %dma_wait3A_284] : memref<32x128x80xi32, #tpu.memory_space<hbm>> -> memref<1x32x80xi32, #tpu.memory_space<hbm>>
      %dma_wait3A_286 = tpu.memref_squeeze %dma_wait3A_285 : memref<1x32x80xi32, #tpu.memory_space<hbm>> -> memref<32x80xi32, #tpu.memory_space<hbm>>
      tpu.wait_dma2 semaphore(%run_scoped3A : memref<!tpu.dma_semaphore, #tpu.memory_space<semaphore_mem>>) src(%dma_wait3A_286 : memref<32x80xi32, #tpu.memory_space<hbm>>) dst(%arg7 : memref<32x80xi32, #tpu.memory_space<vmem>>)
      tpu.yield
    }) : () -> ()
    "tpu.region"() ({
      %run_scoped3A = tpu.sem_alloc : memref<!tpu.dma_semaphore, #tpu.memory_space<semaphore_mem>>
      %dma_start3A_272 = arith.constant 32 : i32
      %dma_start3A_273 = arith.constant 0 : i32
      %dma_start3A_274 = tpu.memref_slice %arg4[%add3A, %dma_start3A_272, %dma_start3A_273] : memref<32x128x80xi32, #tpu.memory_space<hbm>> -> memref<1x32x80xi32, #tpu.memory_space<hbm>>
      %dma_start3A_275 = tpu.memref_squeeze %dma_start3A_274 : memref<1x32x80xi32, #tpu.memory_space<hbm>> -> memref<32x80xi32, #tpu.memory_space<hbm>>
      %dma_start3A_276 = arith.constant 32 : i32
      %dma_start3A_277 = arith.constant 0 : i32
      %dma_start3A_278 = tpu.memref_slice %arg4[%add3A, %dma_start3A_276, %dma_start3A_277] : memref<32x128x80xi32, #tpu.memory_space<hbm>> -> memref<1x32x80xi32, #tpu.memory_space<hbm>>
      %dma_start3A_279 = tpu.memref_squeeze %dma_start3A_278 : memref<1x32x80xi32, #tpu.memory_space<hbm>> -> memref<32x80xi32, #tpu.memory_space<hbm>>
      tpu.enqueue_dma source(%dma_start3A_279 : memref<32x80xi32, #tpu.memory_space<hbm>>) target(%arg8 : memref<32x80xi32, #tpu.memory_space<vmem>>) target_semaphore(%run_scoped3A : memref<!tpu.dma_semaphore, #tpu.memory_space<semaphore_mem>>)
      %dma_wait3A = arith.constant 32 : i32
      %dma_wait3A_280 = arith.constant 0 : i32
      %dma_wait3A_281 = tpu.memref_slice %arg4[%add3A, %dma_wait3A, %dma_wait3A_280] : memref<32x128x80xi32, #tpu.memory_space<hbm>> -> memref<1x32x80xi32, #tpu.memory_space<hbm>>
      %dma_wait3A_282 = tpu.memref_squeeze %dma_wait3A_281 : memref<1x32x80xi32, #tpu.memory_space<hbm>> -> memref<32x80xi32, #tpu.memory_space<hbm>>
      %dma_wait3A_283 = arith.constant 32 : i32
      %dma_wait3A_284 = arith.constant 0 : i32
      %dma_wait3A_285 = tpu.memref_slice %arg4[%add3A, %dma_wait3A_283, %dma_wait3A_284] : memref<32x128x80xi32, #tpu.memory_space<hbm>> -> memref<1x32x80xi32, #tpu.memory_space<hbm>>
      %dma_wait3A_286 = tpu.memref_squeeze %dma_wait3A_285 : memref<1x32x80xi32, #tpu.memory_space<hbm>> -> memref<32x80xi32, #tpu.memory_space<hbm>>
      tpu.wait_dma2 semaphore(%run_scoped3A : memref<!tpu.dma_semaphore, #tpu.memory_space<semaphore_mem>>) src(%dma_wait3A_286 : memref<32x80xi32, #tpu.memory_space<hbm>>) dst(%arg8 : memref<32x80xi32, #tpu.memory_space<vmem>>)
      tpu.yield
    }) : () -> ()
    %dma_start3A_69 = arith.constant 0 : i32
    %dma_start3A_70 = arith.constant 0 : i32
    %dma_start3A_71 = arith.constant 0 : i32
    %dma_start3A_72 = arith.constant 0 : i32
    %dma_start3A_73 = arith.constant 0 : i32
    %dma_start3A_74 = tpu.memref_slice %arg9[%dma_start3A_70, %dma_start3A_72, %dma_start3A_73] : memref<4x80x128xf32, #tpu.memory_space<vmem>> -> memref<1x80x128xf32, #tpu.memory_space<vmem>>
    %dma_start3A_75 = tpu.memref_squeeze %dma_start3A_74 : memref<1x80x128xf32, #tpu.memory_space<vmem>> -> memref<80x128xf32, #tpu.memory_space<vmem>>
    %dma_start3A_76 = arith.constant 0 : i32
    %dma_start3A_77 = tpu.memref_slice %arg7[%dma_start3A_69, %dma_start3A_76] : memref<32x80xi32, #tpu.memory_space<vmem>> -> memref<1x80xi32, #tpu.memory_space<vmem>>
    %dma_start3A_78 = tpu.memref_squeeze %dma_start3A_77 : memref<1x80xi32, #tpu.memory_space<vmem>> -> memref<80xi32, #tpu.memory_space<vmem>>
    %dma_start3A_79 = arith.constant 0 : i32
    %dma_start3A_80 = arith.constant 0 : i32
    %dma_start3A_81 = tpu.memref_slice %arg2[%dma_start3A_79, %dma_start3A_80] : memref<10000x128xf32, #tpu.memory_space<hbm>> -> memref<10000x128xf32, #tpu.memory_space<hbm>>
    %dma_start3A_82 = tpu.memref_slice %arg11[%dma_start3A_71] : memref<4x!tpu.dma_semaphore, #tpu.memory_space<semaphore_mem>> -> memref<1x!tpu.dma_semaphore, #tpu.memory_space<semaphore_mem>>
    %dma_start3A_83 = tpu.memref_squeeze %dma_start3A_82 : memref<1x!tpu.dma_semaphore, #tpu.memory_space<semaphore_mem>> -> memref<!tpu.dma_semaphore, #tpu.memory_space<semaphore_mem>>
    tpu.enqueue_indirect_dma source(%dma_start3A_81 : memref<10000x128xf32, #tpu.memory_space<hbm>>) target(%dma_start3A_75 : memref<80x128xf32, #tpu.memory_space<vmem>>) offsets(%dma_start3A_78 : memref<80xi32, #tpu.memory_space<vmem>>) semaphore(%dma_start3A_83 : memref<!tpu.dma_semaphore, #tpu.memory_space<semaphore_mem>>)
    %dma_start3A_84 = arith.constant 1 : i32
    %dma_start3A_85 = arith.constant 1 : i32
    %dma_start3A_86 = arith.constant 1 : i32
    %dma_start3A_87 = arith.constant 0 : i32
    %dma_start3A_88 = arith.constant 0 : i32
    %dma_start3A_89 = tpu.memref_slice %arg9[%dma_start3A_85, %dma_start3A_87, %dma_start3A_88] : memref<4x80x128xf32, #tpu.memory_space<vmem>> -> memref<1x80x128xf32, #tpu.memory_space<vmem>>
    %dma_start3A_90 = tpu.memref_squeeze %dma_start3A_89 : memref<1x80x128xf32, #tpu.memory_space<vmem>> -> memref<80x128xf32, #tpu.memory_space<vmem>>
    %dma_start3A_91 = arith.constant 0 : i32
    %dma_start3A_92 = tpu.memref_slice %arg7[%dma_start3A_84, %dma_start3A_91] : memref<32x80xi32, #tpu.memory_space<vmem>> -> memref<1x80xi32, #tpu.memory_space<vmem>>
    %dma_start3A_93 = tpu.memref_squeeze %dma_start3A_92 : memref<1x80xi32, #tpu.memory_space<vmem>> -> memref<80xi32, #tpu.memory_space<vmem>>
    %dma_start3A_94 = arith.constant 0 : i32
    %dma_start3A_95 = arith.constant 0 : i32
    %dma_start3A_96 = tpu.memref_slice %arg2[%dma_start3A_94, %dma_start3A_95] : memref<10000x128xf32, #tpu.memory_space<hbm>> -> memref<10000x128xf32, #tpu.memory_space<hbm>>
    %dma_start3A_97 = tpu.memref_slice %arg11[%dma_start3A_86] : memref<4x!tpu.dma_semaphore, #tpu.memory_space<semaphore_mem>> -> memref<1x!tpu.dma_semaphore, #tpu.memory_space<semaphore_mem>>
    %dma_start3A_98 = tpu.memref_squeeze %dma_start3A_97 : memref<1x!tpu.dma_semaphore, #tpu.memory_space<semaphore_mem>> -> memref<!tpu.dma_semaphore, #tpu.memory_space<semaphore_mem>>
    tpu.enqueue_indirect_dma source(%dma_start3A_96 : memref<10000x128xf32, #tpu.memory_space<hbm>>) target(%dma_start3A_90 : memref<80x128xf32, #tpu.memory_space<vmem>>) offsets(%dma_start3A_93 : memref<80xi32, #tpu.memory_space<vmem>>) semaphore(%dma_start3A_98 : memref<!tpu.dma_semaphore, #tpu.memory_space<semaphore_mem>>)
    %dma_start3A_99 = arith.constant 2 : i32
    %dma_start3A_100 = arith.constant 2 : i32
    %dma_start3A_101 = arith.constant 2 : i32
    %dma_start3A_102 = arith.constant 0 : i32
    %dma_start3A_103 = arith.constant 0 : i32
    %dma_start3A_104 = tpu.memref_slice %arg9[%dma_start3A_100, %dma_start3A_102, %dma_start3A_103] : memref<4x80x128xf32, #tpu.memory_space<vmem>> -> memref<1x80x128xf32, #tpu.memory_space<vmem>>
    %dma_start3A_105 = tpu.memref_squeeze %dma_start3A_104 : memref<1x80x128xf32, #tpu.memory_space<vmem>> -> memref<80x128xf32, #tpu.memory_space<vmem>>
    %dma_start3A_106 = arith.constant 0 : i32
    %dma_start3A_107 = tpu.memref_slice %arg7[%dma_start3A_99, %dma_start3A_106] : memref<32x80xi32, #tpu.memory_space<vmem>> -> memref<1x80xi32, #tpu.memory_space<vmem>>
    %dma_start3A_108 = tpu.memref_squeeze %dma_start3A_107 : memref<1x80xi32, #tpu.memory_space<vmem>> -> memref<80xi32, #tpu.memory_space<vmem>>
    %dma_start3A_109 = arith.constant 0 : i32
    %dma_start3A_110 = arith.constant 0 : i32
    %dma_start3A_111 = tpu.memref_slice %arg2[%dma_start3A_109, %dma_start3A_110] : memref<10000x128xf32, #tpu.memory_space<hbm>> -> memref<10000x128xf32, #tpu.memory_space<hbm>>
    %dma_start3A_112 = tpu.memref_slice %arg11[%dma_start3A_101] : memref<4x!tpu.dma_semaphore, #tpu.memory_space<semaphore_mem>> -> memref<1x!tpu.dma_semaphore, #tpu.memory_space<semaphore_mem>>
    %dma_start3A_113 = tpu.memref_squeeze %dma_start3A_112 : memref<1x!tpu.dma_semaphore, #tpu.memory_space<semaphore_mem>> -> memref<!tpu.dma_semaphore, #tpu.memory_space<semaphore_mem>>
    tpu.enqueue_indirect_dma source(%dma_start3A_111 : memref<10000x128xf32, #tpu.memory_space<hbm>>) target(%dma_start3A_105 : memref<80x128xf32, #tpu.memory_space<vmem>>) offsets(%dma_start3A_108 : memref<80xi32, #tpu.memory_space<vmem>>) semaphore(%dma_start3A_113 : memref<!tpu.dma_semaphore, #tpu.memory_space<semaphore_mem>>)
    %dma_start3A_114 = arith.constant 3 : i32
    %dma_start3A_115 = arith.constant 3 : i32
    %dma_start3A_116 = arith.constant 3 : i32
    %dma_start3A_117 = arith.constant 0 : i32
    %dma_start3A_118 = arith.constant 0 : i32
    %dma_start3A_119 = tpu.memref_slice %arg9[%dma_start3A_115, %dma_start3A_117, %dma_start3A_118] : memref<4x80x128xf32, #tpu.memory_space<vmem>> -> memref<1x80x128xf32, #tpu.memory_space<vmem>>
    %dma_start3A_120 = tpu.memref_squeeze %dma_start3A_119 : memref<1x80x128xf32, #tpu.memory_space<vmem>> -> memref<80x128xf32, #tpu.memory_space<vmem>>
    %dma_start3A_121 = arith.constant 0 : i32
    %dma_start3A_122 = tpu.memref_slice %arg7[%dma_start3A_114, %dma_start3A_121] : memref<32x80xi32, #tpu.memory_space<vmem>> -> memref<1x80xi32, #tpu.memory_space<vmem>>
    %dma_start3A_123 = tpu.memref_squeeze %dma_start3A_122 : memref<1x80xi32, #tpu.memory_space<vmem>> -> memref<80xi32, #tpu.memory_space<vmem>>
    %dma_start3A_124 = arith.constant 0 : i32
    %dma_start3A_125 = arith.constant 0 : i32
    %dma_start3A_126 = tpu.memref_slice %arg2[%dma_start3A_124, %dma_start3A_125] : memref<10000x128xf32, #tpu.memory_space<hbm>> -> memref<10000x128xf32, #tpu.memory_space<hbm>>
    %dma_start3A_127 = tpu.memref_slice %arg11[%dma_start3A_116] : memref<4x!tpu.dma_semaphore, #tpu.memory_space<semaphore_mem>> -> memref<1x!tpu.dma_semaphore, #tpu.memory_space<semaphore_mem>>
    %dma_start3A_128 = tpu.memref_squeeze %dma_start3A_127 : memref<1x!tpu.dma_semaphore, #tpu.memory_space<semaphore_mem>> -> memref<!tpu.dma_semaphore, #tpu.memory_space<semaphore_mem>>
    tpu.enqueue_indirect_dma source(%dma_start3A_126 : memref<10000x128xf32, #tpu.memory_space<hbm>>) target(%dma_start3A_120 : memref<80x128xf32, #tpu.memory_space<vmem>>) offsets(%dma_start3A_123 : memref<80xi32, #tpu.memory_space<vmem>>) semaphore(%dma_start3A_128 : memref<!tpu.dma_semaphore, #tpu.memory_space<semaphore_mem>>)
    %scan3A_129 = arith.constant 0 : i32
    %scan3A_130 = arith.constant 0 : i32
    %scan3A_131 = arith.constant 8 : i32
    %scan3A_132 = arith.addi %scan3A_130, %scan3A_131 : i32
    %scan3A_133 = arith.constant 1 : i32
    scf.for %scan3A_272 = %scan3A_130 to %scan3A_132 step %scan3A_133  : i32 {
      %mul3A_273 = arith.constant 4 : i32
      %mul3A_274 = arith.muli %mul3A_273, %scan3A_272 : i32
      %add3A_275 = arith.constant 0 : i32
      %add3A_276 = arith.addi %mul3A_274, %add3A_275 : i32
      %dma_wait3A = arith.constant 0 : i32
      %dma_wait3A_277 = arith.constant 0 : i32
      %dma_wait3A_278 = arith.constant 0 : i32
      %dma_wait3A_279 = arith.constant 0 : i32
      %dma_wait3A_280 = tpu.memref_slice %arg9[%dma_wait3A, %dma_wait3A_278, %dma_wait3A_279] : memref<4x80x128xf32, #tpu.memory_space<vmem>> -> memref<1x80x128xf32, #tpu.memory_space<vmem>>
      %dma_wait3A_281 = tpu.memref_squeeze %dma_wait3A_280 : memref<1x80x128xf32, #tpu.memory_space<vmem>> -> memref<80x128xf32, #tpu.memory_space<vmem>>
      %dma_wait3A_282 = arith.constant 0 : i32
      %dma_wait3A_283 = tpu.memref_slice %arg7[%add3A_276, %dma_wait3A_282] : memref<32x80xi32, #tpu.memory_space<vmem>> -> memref<1x80xi32, #tpu.memory_space<vmem>>
      %dma_wait3A_284 = tpu.memref_squeeze %dma_wait3A_283 : memref<1x80xi32, #tpu.memory_space<vmem>> -> memref<80xi32, #tpu.memory_space<vmem>>
      %dma_wait3A_285 = arith.constant 0 : i32
      %dma_wait3A_286 = arith.constant 0 : i32
      %dma_wait3A_287 = tpu.memref_slice %arg2[%dma_wait3A_285, %dma_wait3A_286] : memref<10000x128xf32, #tpu.memory_space<hbm>> -> memref<10000x128xf32, #tpu.memory_space<hbm>>
      %dma_wait3A_288 = tpu.memref_slice %arg11[%dma_wait3A_277] : memref<4x!tpu.dma_semaphore, #tpu.memory_space<semaphore_mem>> -> memref<1x!tpu.dma_semaphore, #tpu.memory_space<semaphore_mem>>
      %dma_wait3A_289 = tpu.memref_squeeze %dma_wait3A_288 : memref<1x!tpu.dma_semaphore, #tpu.memory_space<semaphore_mem>> -> memref<!tpu.dma_semaphore, #tpu.memory_space<semaphore_mem>>
      tpu.wait_indirect_dma semaphore(%dma_wait3A_289 : memref<!tpu.dma_semaphore, #tpu.memory_space<semaphore_mem>>) src(%dma_wait3A_287 : memref<10000x128xf32, #tpu.memory_space<hbm>>) dst(%dma_wait3A_281 : memref<80x128xf32, #tpu.memory_space<vmem>>)
      %dma_start3A_290 = arith.constant 0 : i32
      %dma_start3A_291 = arith.constant 0 : i32
      %dma_start3A_292 = arith.constant 0 : i32
      %dma_start3A_293 = arith.constant 0 : i32
      %dma_start3A_294 = tpu.memref_slice %arg9[%dma_start3A_290, %dma_start3A_292, %dma_start3A_293] : memref<4x80x128xf32, #tpu.memory_space<vmem>> -> memref<1x80x128xf32, #tpu.memory_space<vmem>>
      %dma_start3A_295 = tpu.memref_squeeze %dma_start3A_294 : memref<1x80x128xf32, #tpu.memory_space<vmem>> -> memref<80x128xf32, #tpu.memory_space<vmem>>
      %dma_start3A_296 = arith.constant 0 : i32
      %dma_start3A_297 = tpu.memref_slice %arg8[%add3A_276, %dma_start3A_296] : memref<32x80xi32, #tpu.memory_space<vmem>> -> memref<1x80xi32, #tpu.memory_space<vmem>>
      %dma_start3A_298 = tpu.memref_squeeze %dma_start3A_297 : memref<1x80xi32, #tpu.memory_space<vmem>> -> memref<80xi32, #tpu.memory_space<vmem>>
      %dma_start3A_299 = arith.constant 0 : i32
      %dma_start3A_300 = arith.constant 0 : i32
      %dma_start3A_301 = tpu.memref_slice %arg10[%dma_start3A_299, %dma_start3A_300] : memref<10240x128xf32, #tpu.memory_space<vmem_shared>> -> memref<10240x128xf32, #tpu.memory_space<vmem_shared>>
      %dma_start3A_302 = tpu.memref_slice %arg12[%dma_start3A_291] : memref<4x!tpu.dma_semaphore, #tpu.memory_space<semaphore_mem>> -> memref<1x!tpu.dma_semaphore, #tpu.memory_space<semaphore_mem>>
      %dma_start3A_303 = tpu.memref_squeeze %dma_start3A_302 : memref<1x!tpu.dma_semaphore, #tpu.memory_space<semaphore_mem>> -> memref<!tpu.dma_semaphore, #tpu.memory_space<semaphore_mem>>
      tpu.enqueue_indirect_dma source(%dma_start3A_295 : memref<80x128xf32, #tpu.memory_space<vmem>>) target(%dma_start3A_301 : memref<10240x128xf32, #tpu.memory_space<vmem_shared>>) offsets(%dma_start3A_298 : memref<80xi32, #tpu.memory_space<vmem>>) semaphore(%dma_start3A_303 : memref<!tpu.dma_semaphore, #tpu.memory_space<semaphore_mem>>) {add = true}
      %mul3A_304 = arith.constant 4 : i32
      %mul3A_305 = arith.muli %mul3A_304, %scan3A_272 : i32
      %add3A_306 = arith.constant 1 : i32
      %add3A_307 = arith.addi %mul3A_305, %add3A_306 : i32
      %dma_wait3A_308 = arith.constant 1 : i32
      %dma_wait3A_309 = arith.constant 1 : i32
      %dma_wait3A_310 = arith.constant 0 : i32
      %dma_wait3A_311 = arith.constant 0 : i32
      %dma_wait3A_312 = tpu.memref_slice %arg9[%dma_wait3A_308, %dma_wait3A_310, %dma_wait3A_311] : memref<4x80x128xf32, #tpu.memory_space<vmem>> -> memref<1x80x128xf32, #tpu.memory_space<vmem>>
      %dma_wait3A_313 = tpu.memref_squeeze %dma_wait3A_312 : memref<1x80x128xf32, #tpu.memory_space<vmem>> -> memref<80x128xf32, #tpu.memory_space<vmem>>
      %dma_wait3A_314 = arith.constant 0 : i32
      %dma_wait3A_315 = tpu.memref_slice %arg7[%add3A_307, %dma_wait3A_314] : memref<32x80xi32, #tpu.memory_space<vmem>> -> memref<1x80xi32, #tpu.memory_space<vmem>>
      %dma_wait3A_316 = tpu.memref_squeeze %dma_wait3A_315 : memref<1x80xi32, #tpu.memory_space<vmem>> -> memref<80xi32, #tpu.memory_space<vmem>>
      %dma_wait3A_317 = arith.constant 0 : i32
      %dma_wait3A_318 = arith.constant 0 : i32
      %dma_wait3A_319 = tpu.memref_slice %arg2[%dma_wait3A_317, %dma_wait3A_318] : memref<10000x128xf32, #tpu.memory_space<hbm>> -> memref<10000x128xf32, #tpu.memory_space<hbm>>
      %dma_wait3A_320 = tpu.memref_slice %arg11[%dma_wait3A_309] : memref<4x!tpu.dma_semaphore, #tpu.memory_space<semaphore_mem>> -> memref<1x!tpu.dma_semaphore, #tpu.memory_space<semaphore_mem>>
      %dma_wait3A_321 = tpu.memref_squeeze %dma_wait3A_320 : memref<1x!tpu.dma_semaphore, #tpu.memory_space<semaphore_mem>> -> memref<!tpu.dma_semaphore, #tpu.memory_space<semaphore_mem>>
      tpu.wait_indirect_dma semaphore(%dma_wait3A_321 : memref<!tpu.dma_semaphore, #tpu.memory_space<semaphore_mem>>) src(%dma_wait3A_319 : memref<10000x128xf32, #tpu.memory_space<hbm>>) dst(%dma_wait3A_313 : memref<80x128xf32, #tpu.memory_space<vmem>>)
      %dma_start3A_322 = arith.constant 1 : i32
      %dma_start3A_323 = arith.constant 1 : i32
      %dma_start3A_324 = arith.constant 0 : i32
      %dma_start3A_325 = arith.constant 0 : i32
      %dma_start3A_326 = tpu.memref_slice %arg9[%dma_start3A_322, %dma_start3A_324, %dma_start3A_325] : memref<4x80x128xf32, #tpu.memory_space<vmem>> -> memref<1x80x128xf32, #tpu.memory_space<vmem>>
      %dma_start3A_327 = tpu.memref_squeeze %dma_start3A_326 : memref<1x80x128xf32, #tpu.memory_space<vmem>> -> memref<80x128xf32, #tpu.memory_space<vmem>>
      %dma_start3A_328 = arith.constant 0 : i32
      %dma_start3A_329 = tpu.memref_slice %arg8[%add3A_307, %dma_start3A_328] : memref<32x80xi32, #tpu.memory_space<vmem>> -> memref<1x80xi32, #tpu.memory_space<vmem>>
      %dma_start3A_330 = tpu.memref_squeeze %dma_start3A_329 : memref<1x80xi32, #tpu.memory_space<vmem>> -> memref<80xi32, #tpu.memory_space<vmem>>
      %dma_start3A_331 = arith.constant 0 : i32
      %dma_start3A_332 = arith.constant 0 : i32
      %dma_start3A_333 = tpu.memref_slice %arg10[%dma_start3A_331, %dma_start3A_332] : memref<10240x128xf32, #tpu.memory_space<vmem_shared>> -> memref<10240x128xf32, #tpu.memory_space<vmem_shared>>
      %dma_start3A_334 = tpu.memref_slice %arg12[%dma_start3A_323] : memref<4x!tpu.dma_semaphore, #tpu.memory_space<semaphore_mem>> -> memref<1x!tpu.dma_semaphore, #tpu.memory_space<semaphore_mem>>
      %dma_start3A_335 = tpu.memref_squeeze %dma_start3A_334 : memref<1x!tpu.dma_semaphore, #tpu.memory_space<semaphore_mem>> -> memref<!tpu.dma_semaphore, #tpu.memory_space<semaphore_mem>>
      tpu.enqueue_indirect_dma source(%dma_start3A_327 : memref<80x128xf32, #tpu.memory_space<vmem>>) target(%dma_start3A_333 : memref<10240x128xf32, #tpu.memory_space<vmem_shared>>) offsets(%dma_start3A_330 : memref<80xi32, #tpu.memory_space<vmem>>) semaphore(%dma_start3A_335 : memref<!tpu.dma_semaphore, #tpu.memory_space<semaphore_mem>>) {add = true}
      %mul3A_336 = arith.constant 4 : i32
      %mul3A_337 = arith.muli %mul3A_336, %scan3A_272 : i32
      %add3A_338 = arith.constant 2 : i32
      %add3A_339 = arith.addi %mul3A_337, %add3A_338 : i32
      %dma_wait3A_340 = arith.constant 2 : i32
      %dma_wait3A_341 = arith.constant 2 : i32
      %dma_wait3A_342 = arith.constant 0 : i32
      %dma_wait3A_343 = arith.constant 0 : i32
      %dma_wait3A_344 = tpu.memref_slice %arg9[%dma_wait3A_340, %dma_wait3A_342, %dma_wait3A_343] : memref<4x80x128xf32, #tpu.memory_space<vmem>> -> memref<1x80x128xf32, #tpu.memory_space<vmem>>
      %dma_wait3A_345 = tpu.memref_squeeze %dma_wait3A_344 : memref<1x80x128xf32, #tpu.memory_space<vmem>> -> memref<80x128xf32, #tpu.memory_space<vmem>>
      %dma_wait3A_346 = arith.constant 0 : i32
      %dma_wait3A_347 = tpu.memref_slice %arg7[%add3A_339, %dma_wait3A_346] : memref<32x80xi32, #tpu.memory_space<vmem>> -> memref<1x80xi32, #tpu.memory_space<vmem>>
      %dma_wait3A_348 = tpu.memref_squeeze %dma_wait3A_347 : memref<1x80xi32, #tpu.memory_space<vmem>> -> memref<80xi32, #tpu.memory_space<vmem>>
      %dma_wait3A_349 = arith.constant 0 : i32
      %dma_wait3A_350 = arith.constant 0 : i32
      %dma_wait3A_351 = tpu.memref_slice %arg2[%dma_wait3A_349, %dma_wait3A_350] : memref<10000x128xf32, #tpu.memory_space<hbm>> -> memref<10000x128xf32, #tpu.memory_space<hbm>>
      %dma_wait3A_352 = tpu.memref_slice %arg11[%dma_wait3A_341] : memref<4x!tpu.dma_semaphore, #tpu.memory_space<semaphore_mem>> -> memref<1x!tpu.dma_semaphore, #tpu.memory_space<semaphore_mem>>
      %dma_wait3A_353 = tpu.memref_squeeze %dma_wait3A_352 : memref<1x!tpu.dma_semaphore, #tpu.memory_space<semaphore_mem>> -> memref<!tpu.dma_semaphore, #tpu.memory_space<semaphore_mem>>
      tpu.wait_indirect_dma semaphore(%dma_wait3A_353 : memref<!tpu.dma_semaphore, #tpu.memory_space<semaphore_mem>>) src(%dma_wait3A_351 : memref<10000x128xf32, #tpu.memory_space<hbm>>) dst(%dma_wait3A_345 : memref<80x128xf32, #tpu.memory_space<vmem>>)
      %dma_start3A_354 = arith.constant 2 : i32
      %dma_start3A_355 = arith.constant 2 : i32
      %dma_start3A_356 = arith.constant 0 : i32
      %dma_start3A_357 = arith.constant 0 : i32
      %dma_start3A_358 = tpu.memref_slice %arg9[%dma_start3A_354, %dma_start3A_356, %dma_start3A_357] : memref<4x80x128xf32, #tpu.memory_space<vmem>> -> memref<1x80x128xf32, #tpu.memory_space<vmem>>
      %dma_start3A_359 = tpu.memref_squeeze %dma_start3A_358 : memref<1x80x128xf32, #tpu.memory_space<vmem>> -> memref<80x128xf32, #tpu.memory_space<vmem>>
      %dma_start3A_360 = arith.constant 0 : i32
      %dma_start3A_361 = tpu.memref_slice %arg8[%add3A_339, %dma_start3A_360] : memref<32x80xi32, #tpu.memory_space<vmem>> -> memref<1x80xi32, #tpu.memory_space<vmem>>
      %dma_start3A_362 = tpu.memref_squeeze %dma_start3A_361 : memref<1x80xi32, #tpu.memory_space<vmem>> -> memref<80xi32, #tpu.memory_space<vmem>>
      %dma_start3A_363 = arith.constant 0 : i32
      %dma_start3A_364 = arith.constant 0 : i32
      %dma_start3A_365 = tpu.memref_slice %arg10[%dma_start3A_363, %dma_start3A_364] : memref<10240x128xf32, #tpu.memory_space<vmem_shared>> -> memref<10240x128xf32, #tpu.memory_space<vmem_shared>>
      %dma_start3A_366 = tpu.memref_slice %arg12[%dma_start3A_355] : memref<4x!tpu.dma_semaphore, #tpu.memory_space<semaphore_mem>> -> memref<1x!tpu.dma_semaphore, #tpu.memory_space<semaphore_mem>>
      %dma_start3A_367 = tpu.memref_squeeze %dma_start3A_366 : memref<1x!tpu.dma_semaphore, #tpu.memory_space<semaphore_mem>> -> memref<!tpu.dma_semaphore, #tpu.memory_space<semaphore_mem>>
      tpu.enqueue_indirect_dma source(%dma_start3A_359 : memref<80x128xf32, #tpu.memory_space<vmem>>) target(%dma_start3A_365 : memref<10240x128xf32, #tpu.memory_space<vmem_shared>>) offsets(%dma_start3A_362 : memref<80xi32, #tpu.memory_space<vmem>>) semaphore(%dma_start3A_367 : memref<!tpu.dma_semaphore, #tpu.memory_space<semaphore_mem>>) {add = true}
      %mul3A_368 = arith.constant 4 : i32
      %mul3A_369 = arith.muli %mul3A_368, %scan3A_272 : i32
      %add3A_370 = arith.constant 3 : i32
      %add3A_371 = arith.addi %mul3A_369, %add3A_370 : i32
      %dma_wait3A_372 = arith.constant 3 : i32
      %dma_wait3A_373 = arith.constant 3 : i32
      %dma_wait3A_374 = arith.constant 0 : i32
      %dma_wait3A_375 = arith.constant 0 : i32
      %dma_wait3A_376 = tpu.memref_slice %arg9[%dma_wait3A_372, %dma_wait3A_374, %dma_wait3A_375] : memref<4x80x128xf32, #tpu.memory_space<vmem>> -> memref<1x80x128xf32, #tpu.memory_space<vmem>>
      %dma_wait3A_377 = tpu.memref_squeeze %dma_wait3A_376 : memref<1x80x128xf32, #tpu.memory_space<vmem>> -> memref<80x128xf32, #tpu.memory_space<vmem>>
      %dma_wait3A_378 = arith.constant 0 : i32
      %dma_wait3A_379 = tpu.memref_slice %arg7[%add3A_371, %dma_wait3A_378] : memref<32x80xi32, #tpu.memory_space<vmem>> -> memref<1x80xi32, #tpu.memory_space<vmem>>
      %dma_wait3A_380 = tpu.memref_squeeze %dma_wait3A_379 : memref<1x80xi32, #tpu.memory_space<vmem>> -> memref<80xi32, #tpu.memory_space<vmem>>
      %dma_wait3A_381 = arith.constant 0 : i32
      %dma_wait3A_382 = arith.constant 0 : i32
      %dma_wait3A_383 = tpu.memref_slice %arg2[%dma_wait3A_381, %dma_wait3A_382] : memref<10000x128xf32, #tpu.memory_space<hbm>> -> memref<10000x128xf32, #tpu.memory_space<hbm>>
      %dma_wait3A_384 = tpu.memref_slice %arg11[%dma_wait3A_373] : memref<4x!tpu.dma_semaphore, #tpu.memory_space<semaphore_mem>> -> memref<1x!tpu.dma_semaphore, #tpu.memory_space<semaphore_mem>>
      %dma_wait3A_385 = tpu.memref_squeeze %dma_wait3A_384 : memref<1x!tpu.dma_semaphore, #tpu.memory_space<semaphore_mem>> -> memref<!tpu.dma_semaphore, #tpu.memory_space<semaphore_mem>>
      tpu.wait_indirect_dma semaphore(%dma_wait3A_385 : memref<!tpu.dma_semaphore, #tpu.memory_space<semaphore_mem>>) src(%dma_wait3A_383 : memref<10000x128xf32, #tpu.memory_space<hbm>>) dst(%dma_wait3A_377 : memref<80x128xf32, #tpu.memory_space<vmem>>)
      %dma_start3A_386 = arith.constant 3 : i32
      %dma_start3A_387 = arith.constant 3 : i32
      %dma_start3A_388 = arith.constant 0 : i32
      %dma_start3A_389 = arith.constant 0 : i32
      %dma_start3A_390 = tpu.memref_slice %arg9[%dma_start3A_386, %dma_start3A_388, %dma_start3A_389] : memref<4x80x128xf32, #tpu.memory_space<vmem>> -> memref<1x80x128xf32, #tpu.memory_space<vmem>>
      %dma_start3A_391 = tpu.memref_squeeze %dma_start3A_390 : memref<1x80x128xf32, #tpu.memory_space<vmem>> -> memref<80x128xf32, #tpu.memory_space<vmem>>
      %dma_start3A_392 = arith.constant 0 : i32
      %dma_start3A_393 = tpu.memref_slice %arg8[%add3A_371, %dma_start3A_392] : memref<32x80xi32, #tpu.memory_space<vmem>> -> memref<1x80xi32, #tpu.memory_space<vmem>>
      %dma_start3A_394 = tpu.memref_squeeze %dma_start3A_393 : memref<1x80xi32, #tpu.memory_space<vmem>> -> memref<80xi32, #tpu.memory_space<vmem>>
      %dma_start3A_395 = arith.constant 0 : i32
      %dma_start3A_396 = arith.constant 0 : i32
      %dma_start3A_397 = tpu.memref_slice %arg10[%dma_start3A_395, %dma_start3A_396] : memref<10240x128xf32, #tpu.memory_space<vmem_shared>> -> memref<10240x128xf32, #tpu.memory_space<vmem_shared>>
      %dma_start3A_398 = tpu.memref_slice %arg12[%dma_start3A_387] : memref<4x!tpu.dma_semaphore, #tpu.memory_space<semaphore_mem>> -> memref<1x!tpu.dma_semaphore, #tpu.memory_space<semaphore_mem>>
      %dma_start3A_399 = tpu.memref_squeeze %dma_start3A_398 : memref<1x!tpu.dma_semaphore, #tpu.memory_space<semaphore_mem>> -> memref<!tpu.dma_semaphore, #tpu.memory_space<semaphore_mem>>
      tpu.enqueue_indirect_dma source(%dma_start3A_391 : memref<80x128xf32, #tpu.memory_space<vmem>>) target(%dma_start3A_397 : memref<10240x128xf32, #tpu.memory_space<vmem_shared>>) offsets(%dma_start3A_394 : memref<80xi32, #tpu.memory_space<vmem>>) semaphore(%dma_start3A_399 : memref<!tpu.dma_semaphore, #tpu.memory_space<semaphore_mem>>) {add = true}
      %mul3A_400 = arith.constant 4 : i32
      %mul3A_401 = arith.muli %mul3A_400, %scan3A_272 : i32
      %add3A_402 = arith.constant 0 : i32
      %add3A_403 = arith.addi %mul3A_401, %add3A_402 : i32
      %dma_wait3A_404 = arith.constant 0 : i32
      %dma_wait3A_405 = arith.constant 0 : i32
      %dma_wait3A_406 = arith.constant 0 : i32
      %dma_wait3A_407 = arith.constant 0 : i32
      %dma_wait3A_408 = tpu.memref_slice %arg9[%dma_wait3A_404, %dma_wait3A_406, %dma_wait3A_407] : memref<4x80x128xf32, #tpu.memory_space<vmem>> -> memref<1x80x128xf32, #tpu.memory_space<vmem>>
      %dma_wait3A_409 = tpu.memref_squeeze %dma_wait3A_408 : memref<1x80x128xf32, #tpu.memory_space<vmem>> -> memref<80x128xf32, #tpu.memory_space<vmem>>
      %dma_wait3A_410 = arith.constant 0 : i32
      %dma_wait3A_411 = tpu.memref_slice %arg8[%add3A_403, %dma_wait3A_410] : memref<32x80xi32, #tpu.memory_space<vmem>> -> memref<1x80xi32, #tpu.memory_space<vmem>>
      %dma_wait3A_412 = tpu.memref_squeeze %dma_wait3A_411 : memref<1x80xi32, #tpu.memory_space<vmem>> -> memref<80xi32, #tpu.memory_space<vmem>>
      %dma_wait3A_413 = arith.constant 0 : i32
      %dma_wait3A_414 = arith.constant 0 : i32
      %dma_wait3A_415 = tpu.memref_slice %arg10[%dma_wait3A_413, %dma_wait3A_414] : memref<10240x128xf32, #tpu.memory_space<vmem_shared>> -> memref<10240x128xf32, #tpu.memory_space<vmem_shared>>
      %dma_wait3A_416 = tpu.memref_slice %arg12[%dma_wait3A_405] : memref<4x!tpu.dma_semaphore, #tpu.memory_space<semaphore_mem>> -> memref<1x!tpu.dma_semaphore, #tpu.memory_space<semaphore_mem>>
      %dma_wait3A_417 = tpu.memref_squeeze %dma_wait3A_416 : memref<1x!tpu.dma_semaphore, #tpu.memory_space<semaphore_mem>> -> memref<!tpu.dma_semaphore, #tpu.memory_space<semaphore_mem>>
      tpu.wait_indirect_dma semaphore(%dma_wait3A_417 : memref<!tpu.dma_semaphore, #tpu.memory_space<semaphore_mem>>) src(%dma_wait3A_409 : memref<80x128xf32, #tpu.memory_space<vmem>>) dst(%dma_wait3A_415 : memref<10240x128xf32, #tpu.memory_space<vmem_shared>>)
      %add3A_418 = arith.constant 1 : i32
      %add3A_419 = arith.addi %scan3A_272, %add3A_418 : i32
      %lt3A = arith.constant 8 : i32
      %lt3A_420 = arith.cmpi slt, %add3A_419, %lt3A : i32
      %convert_element_type3A = arith.extui %lt3A_420 : i1 to i32
      %cond3A = arith.constant 0 : i32
      %cond3A_421 = arith.cmpi ne, %convert_element_type3A, %cond3A : i32
      scf.if %cond3A_421 {
        %add3A_497 = arith.constant 4 : i32
        %add3A_498 = arith.addi %add3A_403, %add3A_497 : i32
        %dma_start3A_499 = arith.constant 0 : i32
        %dma_start3A_500 = arith.constant 0 : i32
        %dma_start3A_501 = arith.constant 0 : i32
        %dma_start3A_502 = arith.constant 0 : i32
        %dma_start3A_503 = tpu.memref_slice %arg9[%dma_start3A_499, %dma_start3A_501, %dma_start3A_502] : memref<4x80x128xf32, #tpu.memory_space<vmem>> -> memref<1x80x128xf32, #tpu.memory_space<vmem>>
        %dma_start3A_504 = tpu.memref_squeeze %dma_start3A_503 : memref<1x80x128xf32, #tpu.memory_space<vmem>> -> memref<80x128xf32, #tpu.memory_space<vmem>>
        %dma_start3A_505 = arith.constant 0 : i32
        %dma_start3A_506 = tpu.memref_slice %arg7[%add3A_498, %dma_start3A_505] : memref<32x80xi32, #tpu.memory_space<vmem>> -> memref<1x80xi32, #tpu.memory_space<vmem>>
        %dma_start3A_507 = tpu.memref_squeeze %dma_start3A_506 : memref<1x80xi32, #tpu.memory_space<vmem>> -> memref<80xi32, #tpu.memory_space<vmem>>
        %dma_start3A_508 = arith.constant 0 : i32
        %dma_start3A_509 = arith.constant 0 : i32
        %dma_start3A_510 = tpu.memref_slice %arg2[%dma_start3A_508, %dma_start3A_509] : memref<10000x128xf32, #tpu.memory_space<hbm>> -> memref<10000x128xf32, #tpu.memory_space<hbm>>
        %dma_start3A_511 = tpu.memref_slice %arg11[%dma_start3A_500] : memref<4x!tpu.dma_semaphore, #tpu.memory_space<semaphore_mem>> -> memref<1x!tpu.dma_semaphore, #tpu.memory_space<semaphore_mem>>
        %dma_start3A_512 = tpu.memref_squeeze %dma_start3A_511 : memref<1x!tpu.dma_semaphore, #tpu.memory_space<semaphore_mem>> -> memref<!tpu.dma_semaphore, #tpu.memory_space<semaphore_mem>>
        tpu.enqueue_indirect_dma source(%dma_start3A_510 : memref<10000x128xf32, #tpu.memory_space<hbm>>) target(%dma_start3A_504 : memref<80x128xf32, #tpu.memory_space<vmem>>) offsets(%dma_start3A_507 : memref<80xi32, #tpu.memory_space<vmem>>) semaphore(%dma_start3A_512 : memref<!tpu.dma_semaphore, #tpu.memory_space<semaphore_mem>>)
      } else {
      }
      %mul3A_422 = arith.constant 4 : i32
      %mul3A_423 = arith.muli %mul3A_422, %scan3A_272 : i32
      %add3A_424 = arith.constant 1 : i32
      %add3A_425 = arith.addi %mul3A_423, %add3A_424 : i32
      %dma_wait3A_426 = arith.constant 1 : i32
      %dma_wait3A_427 = arith.constant 1 : i32
      %dma_wait3A_428 = arith.constant 0 : i32
      %dma_wait3A_429 = arith.constant 0 : i32
      %dma_wait3A_430 = tpu.memref_slice %arg9[%dma_wait3A_426, %dma_wait3A_428, %dma_wait3A_429] : memref<4x80x128xf32, #tpu.memory_space<vmem>> -> memref<1x80x128xf32, #tpu.memory_space<vmem>>
      %dma_wait3A_431 = tpu.memref_squeeze %dma_wait3A_430 : memref<1x80x128xf32, #tpu.memory_space<vmem>> -> memref<80x128xf32, #tpu.memory_space<vmem>>
      %dma_wait3A_432 = arith.constant 0 : i32
      %dma_wait3A_433 = tpu.memref_slice %arg8[%add3A_425, %dma_wait3A_432] : memref<32x80xi32, #tpu.memory_space<vmem>> -> memref<1x80xi32, #tpu.memory_space<vmem>>
      %dma_wait3A_434 = tpu.memref_squeeze %dma_wait3A_433 : memref<1x80xi32, #tpu.memory_space<vmem>> -> memref<80xi32, #tpu.memory_space<vmem>>
      %dma_wait3A_435 = arith.constant 0 : i32
      %dma_wait3A_436 = arith.constant 0 : i32
      %dma_wait3A_437 = tpu.memref_slice %arg10[%dma_wait3A_435, %dma_wait3A_436] : memref<10240x128xf32, #tpu.memory_space<vmem_shared>> -> memref<10240x128xf32, #tpu.memory_space<vmem_shared>>
      %dma_wait3A_438 = tpu.memref_slice %arg12[%dma_wait3A_427] : memref<4x!tpu.dma_semaphore, #tpu.memory_space<semaphore_mem>> -> memref<1x!tpu.dma_semaphore, #tpu.memory_space<semaphore_mem>>
      %dma_wait3A_439 = tpu.memref_squeeze %dma_wait3A_438 : memref<1x!tpu.dma_semaphore, #tpu.memory_space<semaphore_mem>> -> memref<!tpu.dma_semaphore, #tpu.memory_space<semaphore_mem>>
      tpu.wait_indirect_dma semaphore(%dma_wait3A_439 : memref<!tpu.dma_semaphore, #tpu.memory_space<semaphore_mem>>) src(%dma_wait3A_431 : memref<80x128xf32, #tpu.memory_space<vmem>>) dst(%dma_wait3A_437 : memref<10240x128xf32, #tpu.memory_space<vmem_shared>>)
      %add3A_440 = arith.constant 1 : i32
      %add3A_441 = arith.addi %scan3A_272, %add3A_440 : i32
      %lt3A_442 = arith.constant 8 : i32
      %lt3A_443 = arith.cmpi slt, %add3A_441, %lt3A_442 : i32
      %convert_element_type3A_444 = arith.extui %lt3A_443 : i1 to i32
      %cond3A_445 = arith.constant 0 : i32
      %cond3A_446 = arith.cmpi ne, %convert_element_type3A_444, %cond3A_445 : i32
      scf.if %cond3A_446 {
        %add3A_497 = arith.constant 4 : i32
        %add3A_498 = arith.addi %add3A_425, %add3A_497 : i32
        %dma_start3A_499 = arith.constant 1 : i32
        %dma_start3A_500 = arith.constant 1 : i32
        %dma_start3A_501 = arith.constant 0 : i32
        %dma_start3A_502 = arith.constant 0 : i32
        %dma_start3A_503 = tpu.memref_slice %arg9[%dma_start3A_499, %dma_start3A_501, %dma_start3A_502] : memref<4x80x128xf32, #tpu.memory_space<vmem>> -> memref<1x80x128xf32, #tpu.memory_space<vmem>>
        %dma_start3A_504 = tpu.memref_squeeze %dma_start3A_503 : memref<1x80x128xf32, #tpu.memory_space<vmem>> -> memref<80x128xf32, #tpu.memory_space<vmem>>
        %dma_start3A_505 = arith.constant 0 : i32
        %dma_start3A_506 = tpu.memref_slice %arg7[%add3A_498, %dma_start3A_505] : memref<32x80xi32, #tpu.memory_space<vmem>> -> memref<1x80xi32, #tpu.memory_space<vmem>>
        %dma_start3A_507 = tpu.memref_squeeze %dma_start3A_506 : memref<1x80xi32, #tpu.memory_space<vmem>> -> memref<80xi32, #tpu.memory_space<vmem>>
        %dma_start3A_508 = arith.constant 0 : i32
        %dma_start3A_509 = arith.constant 0 : i32
        %dma_start3A_510 = tpu.memref_slice %arg2[%dma_start3A_508, %dma_start3A_509] : memref<10000x128xf32, #tpu.memory_space<hbm>> -> memref<10000x128xf32, #tpu.memory_space<hbm>>
        %dma_start3A_511 = tpu.memref_slice %arg11[%dma_start3A_500] : memref<4x!tpu.dma_semaphore, #tpu.memory_space<semaphore_mem>> -> memref<1x!tpu.dma_semaphore, #tpu.memory_space<semaphore_mem>>
        %dma_start3A_512 = tpu.memref_squeeze %dma_start3A_511 : memref<1x!tpu.dma_semaphore, #tpu.memory_space<semaphore_mem>> -> memref<!tpu.dma_semaphore, #tpu.memory_space<semaphore_mem>>
        tpu.enqueue_indirect_dma source(%dma_start3A_510 : memref<10000x128xf32, #tpu.memory_space<hbm>>) target(%dma_start3A_504 : memref<80x128xf32, #tpu.memory_space<vmem>>) offsets(%dma_start3A_507 : memref<80xi32, #tpu.memory_space<vmem>>) semaphore(%dma_start3A_512 : memref<!tpu.dma_semaphore, #tpu.memory_space<semaphore_mem>>)
      } else {
      }
      %mul3A_447 = arith.constant 4 : i32
      %mul3A_448 = arith.muli %mul3A_447, %scan3A_272 : i32
      %add3A_449 = arith.constant 2 : i32
      %add3A_450 = arith.addi %mul3A_448, %add3A_449 : i32
      %dma_wait3A_451 = arith.constant 2 : i32
      %dma_wait3A_452 = arith.constant 2 : i32
      %dma_wait3A_453 = arith.constant 0 : i32
      %dma_wait3A_454 = arith.constant 0 : i32
      %dma_wait3A_455 = tpu.memref_slice %arg9[%dma_wait3A_451, %dma_wait3A_453, %dma_wait3A_454] : memref<4x80x128xf32, #tpu.memory_space<vmem>> -> memref<1x80x128xf32, #tpu.memory_space<vmem>>
      %dma_wait3A_456 = tpu.memref_squeeze %dma_wait3A_455 : memref<1x80x128xf32, #tpu.memory_space<vmem>> -> memref<80x128xf32, #tpu.memory_space<vmem>>
      %dma_wait3A_457 = arith.constant 0 : i32
      %dma_wait3A_458 = tpu.memref_slice %arg8[%add3A_450, %dma_wait3A_457] : memref<32x80xi32, #tpu.memory_space<vmem>> -> memref<1x80xi32, #tpu.memory_space<vmem>>
      %dma_wait3A_459 = tpu.memref_squeeze %dma_wait3A_458 : memref<1x80xi32, #tpu.memory_space<vmem>> -> memref<80xi32, #tpu.memory_space<vmem>>
      %dma_wait3A_460 = arith.constant 0 : i32
      %dma_wait3A_461 = arith.constant 0 : i32
      %dma_wait3A_462 = tpu.memref_slice %arg10[%dma_wait3A_460, %dma_wait3A_461] : memref<10240x128xf32, #tpu.memory_space<vmem_shared>> -> memref<10240x128xf32, #tpu.memory_space<vmem_shared>>
      %dma_wait3A_463 = tpu.memref_slice %arg12[%dma_wait3A_452] : memref<4x!tpu.dma_semaphore, #tpu.memory_space<semaphore_mem>> -> memref<1x!tpu.dma_semaphore, #tpu.memory_space<semaphore_mem>>
      %dma_wait3A_464 = tpu.memref_squeeze %dma_wait3A_463 : memref<1x!tpu.dma_semaphore, #tpu.memory_space<semaphore_mem>> -> memref<!tpu.dma_semaphore, #tpu.memory_space<semaphore_mem>>
      tpu.wait_indirect_dma semaphore(%dma_wait3A_464 : memref<!tpu.dma_semaphore, #tpu.memory_space<semaphore_mem>>) src(%dma_wait3A_456 : memref<80x128xf32, #tpu.memory_space<vmem>>) dst(%dma_wait3A_462 : memref<10240x128xf32, #tpu.memory_space<vmem_shared>>)
      %add3A_465 = arith.constant 1 : i32
      %add3A_466 = arith.addi %scan3A_272, %add3A_465 : i32
      %lt3A_467 = arith.constant 8 : i32
      %lt3A_468 = arith.cmpi slt, %add3A_466, %lt3A_467 : i32
      %convert_element_type3A_469 = arith.extui %lt3A_468 : i1 to i32
      %cond3A_470 = arith.constant 0 : i32
      %cond3A_471 = arith.cmpi ne, %convert_element_type3A_469, %cond3A_470 : i32
      scf.if %cond3A_471 {
        %add3A_497 = arith.constant 4 : i32
        %add3A_498 = arith.addi %add3A_450, %add3A_497 : i32
        %dma_start3A_499 = arith.constant 2 : i32
        %dma_start3A_500 = arith.constant 2 : i32
        %dma_start3A_501 = arith.constant 0 : i32
        %dma_start3A_502 = arith.constant 0 : i32
        %dma_start3A_503 = tpu.memref_slice %arg9[%dma_start3A_499, %dma_start3A_501, %dma_start3A_502] : memref<4x80x128xf32, #tpu.memory_space<vmem>> -> memref<1x80x128xf32, #tpu.memory_space<vmem>>
        %dma_start3A_504 = tpu.memref_squeeze %dma_start3A_503 : memref<1x80x128xf32, #tpu.memory_space<vmem>> -> memref<80x128xf32, #tpu.memory_space<vmem>>
        %dma_start3A_505 = arith.constant 0 : i32
        %dma_start3A_506 = tpu.memref_slice %arg7[%add3A_498, %dma_start3A_505] : memref<32x80xi32, #tpu.memory_space<vmem>> -> memref<1x80xi32, #tpu.memory_space<vmem>>
        %dma_start3A_507 = tpu.memref_squeeze %dma_start3A_506 : memref<1x80xi32, #tpu.memory_space<vmem>> -> memref<80xi32, #tpu.memory_space<vmem>>
        %dma_start3A_508 = arith.constant 0 : i32
        %dma_start3A_509 = arith.constant 0 : i32
        %dma_start3A_510 = tpu.memref_slice %arg2[%dma_start3A_508, %dma_start3A_509] : memref<10000x128xf32, #tpu.memory_space<hbm>> -> memref<10000x128xf32, #tpu.memory_space<hbm>>
        %dma_start3A_511 = tpu.memref_slice %arg11[%dma_start3A_500] : memref<4x!tpu.dma_semaphore, #tpu.memory_space<semaphore_mem>> -> memref<1x!tpu.dma_semaphore, #tpu.memory_space<semaphore_mem>>
        %dma_start3A_512 = tpu.memref_squeeze %dma_start3A_511 : memref<1x!tpu.dma_semaphore, #tpu.memory_space<semaphore_mem>> -> memref<!tpu.dma_semaphore, #tpu.memory_space<semaphore_mem>>
        tpu.enqueue_indirect_dma source(%dma_start3A_510 : memref<10000x128xf32, #tpu.memory_space<hbm>>) target(%dma_start3A_504 : memref<80x128xf32, #tpu.memory_space<vmem>>) offsets(%dma_start3A_507 : memref<80xi32, #tpu.memory_space<vmem>>) semaphore(%dma_start3A_512 : memref<!tpu.dma_semaphore, #tpu.memory_space<semaphore_mem>>)
      } else {
      }
      %mul3A_472 = arith.constant 4 : i32
      %mul3A_473 = arith.muli %mul3A_472, %scan3A_272 : i32
      %add3A_474 = arith.constant 3 : i32
      %add3A_475 = arith.addi %mul3A_473, %add3A_474 : i32
      %dma_wait3A_476 = arith.constant 3 : i32
      %dma_wait3A_477 = arith.constant 3 : i32
      %dma_wait3A_478 = arith.constant 0 : i32
      %dma_wait3A_479 = arith.constant 0 : i32
      %dma_wait3A_480 = tpu.memref_slice %arg9[%dma_wait3A_476, %dma_wait3A_478, %dma_wait3A_479] : memref<4x80x128xf32, #tpu.memory_space<vmem>> -> memref<1x80x128xf32, #tpu.memory_space<vmem>>
      %dma_wait3A_481 = tpu.memref_squeeze %dma_wait3A_480 : memref<1x80x128xf32, #tpu.memory_space<vmem>> -> memref<80x128xf32, #tpu.memory_space<vmem>>
      %dma_wait3A_482 = arith.constant 0 : i32
      %dma_wait3A_483 = tpu.memref_slice %arg8[%add3A_475, %dma_wait3A_482] : memref<32x80xi32, #tpu.memory_space<vmem>> -> memref<1x80xi32, #tpu.memory_space<vmem>>
      %dma_wait3A_484 = tpu.memref_squeeze %dma_wait3A_483 : memref<1x80xi32, #tpu.memory_space<vmem>> -> memref<80xi32, #tpu.memory_space<vmem>>
      %dma_wait3A_485 = arith.constant 0 : i32
      %dma_wait3A_486 = arith.constant 0 : i32
      %dma_wait3A_487 = tpu.memref_slice %arg10[%dma_wait3A_485, %dma_wait3A_486] : memref<10240x128xf32, #tpu.memory_space<vmem_shared>> -> memref<10240x128xf32, #tpu.memory_space<vmem_shared>>
      %dma_wait3A_488 = tpu.memref_slice %arg12[%dma_wait3A_477] : memref<4x!tpu.dma_semaphore, #tpu.memory_space<semaphore_mem>> -> memref<1x!tpu.dma_semaphore, #tpu.memory_space<semaphore_mem>>
      %dma_wait3A_489 = tpu.memref_squeeze %dma_wait3A_488 : memref<1x!tpu.dma_semaphore, #tpu.memory_space<semaphore_mem>> -> memref<!tpu.dma_semaphore, #tpu.memory_space<semaphore_mem>>
      tpu.wait_indirect_dma semaphore(%dma_wait3A_489 : memref<!tpu.dma_semaphore, #tpu.memory_space<semaphore_mem>>) src(%dma_wait3A_481 : memref<80x128xf32, #tpu.memory_space<vmem>>) dst(%dma_wait3A_487 : memref<10240x128xf32, #tpu.memory_space<vmem_shared>>)
      %add3A_490 = arith.constant 1 : i32
      %add3A_491 = arith.addi %scan3A_272, %add3A_490 : i32
      %lt3A_492 = arith.constant 8 : i32
      %lt3A_493 = arith.cmpi slt, %add3A_491, %lt3A_492 : i32
      %convert_element_type3A_494 = arith.extui %lt3A_493 : i1 to i32
      %cond3A_495 = arith.constant 0 : i32
      %cond3A_496 = arith.cmpi ne, %convert_element_type3A_494, %cond3A_495 : i32
      scf.if %cond3A_496 {
        %add3A_497 = arith.constant 4 : i32
        %add3A_498 = arith.addi %add3A_475, %add3A_497 : i32
        %dma_start3A_499 = arith.constant 3 : i32
        %dma_start3A_500 = arith.constant 3 : i32
        %dma_start3A_501 = arith.constant 0 : i32
        %dma_start3A_502 = arith.constant 0 : i32
        %dma_start3A_503 = tpu.memref_slice %arg9[%dma_start3A_499, %dma_start3A_501, %dma_start3A_502] : memref<4x80x128xf32, #tpu.memory_space<vmem>> -> memref<1x80x128xf32, #tpu.memory_space<vmem>>
        %dma_start3A_504 = tpu.memref_squeeze %dma_start3A_503 : memref<1x80x128xf32, #tpu.memory_space<vmem>> -> memref<80x128xf32, #tpu.memory_space<vmem>>
        %dma_start3A_505 = arith.constant 0 : i32
        %dma_start3A_506 = tpu.memref_slice %arg7[%add3A_498, %dma_start3A_505] : memref<32x80xi32, #tpu.memory_space<vmem>> -> memref<1x80xi32, #tpu.memory_space<vmem>>
        %dma_start3A_507 = tpu.memref_squeeze %dma_start3A_506 : memref<1x80xi32, #tpu.memory_space<vmem>> -> memref<80xi32, #tpu.memory_space<vmem>>
        %dma_start3A_508 = arith.constant 0 : i32
        %dma_start3A_509 = arith.constant 0 : i32
        %dma_start3A_510 = tpu.memref_slice %arg2[%dma_start3A_508, %dma_start3A_509] : memref<10000x128xf32, #tpu.memory_space<hbm>> -> memref<10000x128xf32, #tpu.memory_space<hbm>>
        %dma_start3A_511 = tpu.memref_slice %arg11[%dma_start3A_500] : memref<4x!tpu.dma_semaphore, #tpu.memory_space<semaphore_mem>> -> memref<1x!tpu.dma_semaphore, #tpu.memory_space<semaphore_mem>>
        %dma_start3A_512 = tpu.memref_squeeze %dma_start3A_511 : memref<1x!tpu.dma_semaphore, #tpu.memory_space<semaphore_mem>> -> memref<!tpu.dma_semaphore, #tpu.memory_space<semaphore_mem>>
        tpu.enqueue_indirect_dma source(%dma_start3A_510 : memref<10000x128xf32, #tpu.memory_space<hbm>>) target(%dma_start3A_504 : memref<80x128xf32, #tpu.memory_space<vmem>>) offsets(%dma_start3A_507 : memref<80xi32, #tpu.memory_space<vmem>>) semaphore(%dma_start3A_512 : memref<!tpu.dma_semaphore, #tpu.memory_space<semaphore_mem>>)
      } else {
      }
    }
    %scan3A_134 = arith.constant 8 : i32
    "tpu.region"() ({
      %run_scoped3A = tpu.sem_alloc : memref<!tpu.dma_semaphore, #tpu.memory_space<semaphore_mem>>
      %dma_start3A_272 = arith.constant 64 : i32
      %dma_start3A_273 = arith.constant 0 : i32
      %dma_start3A_274 = tpu.memref_slice %arg3[%add3A, %dma_start3A_272, %dma_start3A_273] : memref<32x128x80xi32, #tpu.memory_space<hbm>> -> memref<1x32x80xi32, #tpu.memory_space<hbm>>
      %dma_start3A_275 = tpu.memref_squeeze %dma_start3A_274 : memref<1x32x80xi32, #tpu.memory_space<hbm>> -> memref<32x80xi32, #tpu.memory_space<hbm>>
      %dma_start3A_276 = arith.constant 64 : i32
      %dma_start3A_277 = arith.constant 0 : i32
      %dma_start3A_278 = tpu.memref_slice %arg3[%add3A, %dma_start3A_276, %dma_start3A_277] : memref<32x128x80xi32, #tpu.memory_space<hbm>> -> memref<1x32x80xi32, #tpu.memory_space<hbm>>
      %dma_start3A_279 = tpu.memref_squeeze %dma_start3A_278 : memref<1x32x80xi32, #tpu.memory_space<hbm>> -> memref<32x80xi32, #tpu.memory_space<hbm>>
      tpu.enqueue_dma source(%dma_start3A_279 : memref<32x80xi32, #tpu.memory_space<hbm>>) target(%arg7 : memref<32x80xi32, #tpu.memory_space<vmem>>) target_semaphore(%run_scoped3A : memref<!tpu.dma_semaphore, #tpu.memory_space<semaphore_mem>>)
      %dma_wait3A = arith.constant 64 : i32
      %dma_wait3A_280 = arith.constant 0 : i32
      %dma_wait3A_281 = tpu.memref_slice %arg3[%add3A, %dma_wait3A, %dma_wait3A_280] : memref<32x128x80xi32, #tpu.memory_space<hbm>> -> memref<1x32x80xi32, #tpu.memory_space<hbm>>
      %dma_wait3A_282 = tpu.memref_squeeze %dma_wait3A_281 : memref<1x32x80xi32, #tpu.memory_space<hbm>> -> memref<32x80xi32, #tpu.memory_space<hbm>>
      %dma_wait3A_283 = arith.constant 64 : i32
      %dma_wait3A_284 = arith.constant 0 : i32
      %dma_wait3A_285 = tpu.memref_slice %arg3[%add3A, %dma_wait3A_283, %dma_wait3A_284] : memref<32x128x80xi32, #tpu.memory_space<hbm>> -> memref<1x32x80xi32, #tpu.memory_space<hbm>>
      %dma_wait3A_286 = tpu.memref_squeeze %dma_wait3A_285 : memref<1x32x80xi32, #tpu.memory_space<hbm>> -> memref<32x80xi32, #tpu.memory_space<hbm>>
      tpu.wait_dma2 semaphore(%run_scoped3A : memref<!tpu.dma_semaphore, #tpu.memory_space<semaphore_mem>>) src(%dma_wait3A_286 : memref<32x80xi32, #tpu.memory_space<hbm>>) dst(%arg7 : memref<32x80xi32, #tpu.memory_space<vmem>>)
      tpu.yield
    }) : () -> ()
    "tpu.region"() ({
      %run_scoped3A = tpu.sem_alloc : memref<!tpu.dma_semaphore, #tpu.memory_space<semaphore_mem>>
      %dma_start3A_272 = arith.constant 64 : i32
      %dma_start3A_273 = arith.constant 0 : i32
      %dma_start3A_274 = tpu.memref_slice %arg4[%add3A, %dma_start3A_272, %dma_start3A_273] : memref<32x128x80xi32, #tpu.memory_space<hbm>> -> memref<1x32x80xi32, #tpu.memory_space<hbm>>
      %dma_start3A_275 = tpu.memref_squeeze %dma_start3A_274 : memref<1x32x80xi32, #tpu.memory_space<hbm>> -> memref<32x80xi32, #tpu.memory_space<hbm>>
      %dma_start3A_276 = arith.constant 64 : i32
      %dma_start3A_277 = arith.constant 0 : i32
      %dma_start3A_278 = tpu.memref_slice %arg4[%add3A, %dma_start3A_276, %dma_start3A_277] : memref<32x128x80xi32, #tpu.memory_space<hbm>> -> memref<1x32x80xi32, #tpu.memory_space<hbm>>
      %dma_start3A_279 = tpu.memref_squeeze %dma_start3A_278 : memref<1x32x80xi32, #tpu.memory_space<hbm>> -> memref<32x80xi32, #tpu.memory_space<hbm>>
      tpu.enqueue_dma source(%dma_start3A_279 : memref<32x80xi32, #tpu.memory_space<hbm>>) target(%arg8 : memref<32x80xi32, #tpu.memory_space<vmem>>) target_semaphore(%run_scoped3A : memref<!tpu.dma_semaphore, #tpu.memory_space<semaphore_mem>>)
      %dma_wait3A = arith.constant 64 : i32
      %dma_wait3A_280 = arith.constant 0 : i32
      %dma_wait3A_281 = tpu.memref_slice %arg4[%add3A, %dma_wait3A, %dma_wait3A_280] : memref<32x128x80xi32, #tpu.memory_space<hbm>> -> memref<1x32x80xi32, #tpu.memory_space<hbm>>
      %dma_wait3A_282 = tpu.memref_squeeze %dma_wait3A_281 : memref<1x32x80xi32, #tpu.memory_space<hbm>> -> memref<32x80xi32, #tpu.memory_space<hbm>>
      %dma_wait3A_283 = arith.constant 64 : i32
      %dma_wait3A_284 = arith.constant 0 : i32
      %dma_wait3A_285 = tpu.memref_slice %arg4[%add3A, %dma_wait3A_283, %dma_wait3A_284] : memref<32x128x80xi32, #tpu.memory_space<hbm>> -> memref<1x32x80xi32, #tpu.memory_space<hbm>>
      %dma_wait3A_286 = tpu.memref_squeeze %dma_wait3A_285 : memref<1x32x80xi32, #tpu.memory_space<hbm>> -> memref<32x80xi32, #tpu.memory_space<hbm>>
      tpu.wait_dma2 semaphore(%run_scoped3A : memref<!tpu.dma_semaphore, #tpu.memory_space<semaphore_mem>>) src(%dma_wait3A_286 : memref<32x80xi32, #tpu.memory_space<hbm>>) dst(%arg8 : memref<32x80xi32, #tpu.memory_space<vmem>>)
      tpu.yield
    }) : () -> ()
    %dma_start3A_135 = arith.constant 0 : i32
    %dma_start3A_136 = arith.constant 0 : i32
    %dma_start3A_137 = arith.constant 0 : i32
    %dma_start3A_138 = arith.constant 0 : i32
    %dma_start3A_139 = arith.constant 0 : i32
    %dma_start3A_140 = tpu.memref_slice %arg9[%dma_start3A_136, %dma_start3A_138, %dma_start3A_139] : memref<4x80x128xf32, #tpu.memory_space<vmem>> -> memref<1x80x128xf32, #tpu.memory_space<vmem>>
    %dma_start3A_141 = tpu.memref_squeeze %dma_start3A_140 : memref<1x80x128xf32, #tpu.memory_space<vmem>> -> memref<80x128xf32, #tpu.memory_space<vmem>>
    %dma_start3A_142 = arith.constant 0 : i32
    %dma_start3A_143 = tpu.memref_slice %arg7[%dma_start3A_135, %dma_start3A_142] : memref<32x80xi32, #tpu.memory_space<vmem>> -> memref<1x80xi32, #tpu.memory_space<vmem>>
    %dma_start3A_144 = tpu.memref_squeeze %dma_start3A_143 : memref<1x80xi32, #tpu.memory_space<vmem>> -> memref<80xi32, #tpu.memory_space<vmem>>
    %dma_start3A_145 = arith.constant 0 : i32
    %dma_start3A_146 = arith.constant 0 : i32
    %dma_start3A_147 = tpu.memref_slice %arg2[%dma_start3A_145, %dma_start3A_146] : memref<10000x128xf32, #tpu.memory_space<hbm>> -> memref<10000x128xf32, #tpu.memory_space<hbm>>
    %dma_start3A_148 = tpu.memref_slice %arg11[%dma_start3A_137] : memref<4x!tpu.dma_semaphore, #tpu.memory_space<semaphore_mem>> -> memref<1x!tpu.dma_semaphore, #tpu.memory_space<semaphore_mem>>
    %dma_start3A_149 = tpu.memref_squeeze %dma_start3A_148 : memref<1x!tpu.dma_semaphore, #tpu.memory_space<semaphore_mem>> -> memref<!tpu.dma_semaphore, #tpu.memory_space<semaphore_mem>>
    tpu.enqueue_indirect_dma source(%dma_start3A_147 : memref<10000x128xf32, #tpu.memory_space<hbm>>) target(%dma_start3A_141 : memref<80x128xf32, #tpu.memory_space<vmem>>) offsets(%dma_start3A_144 : memref<80xi32, #tpu.memory_space<vmem>>) semaphore(%dma_start3A_149 : memref<!tpu.dma_semaphore, #tpu.memory_space<semaphore_mem>>)
    %dma_start3A_150 = arith.constant 1 : i32
    %dma_start3A_151 = arith.constant 1 : i32
    %dma_start3A_152 = arith.constant 1 : i32
    %dma_start3A_153 = arith.constant 0 : i32
    %dma_start3A_154 = arith.constant 0 : i32
    %dma_start3A_155 = tpu.memref_slice %arg9[%dma_start3A_151, %dma_start3A_153, %dma_start3A_154] : memref<4x80x128xf32, #tpu.memory_space<vmem>> -> memref<1x80x128xf32, #tpu.memory_space<vmem>>
    %dma_start3A_156 = tpu.memref_squeeze %dma_start3A_155 : memref<1x80x128xf32, #tpu.memory_space<vmem>> -> memref<80x128xf32, #tpu.memory_space<vmem>>
    %dma_start3A_157 = arith.constant 0 : i32
    %dma_start3A_158 = tpu.memref_slice %arg7[%dma_start3A_150, %dma_start3A_157] : memref<32x80xi32, #tpu.memory_space<vmem>> -> memref<1x80xi32, #tpu.memory_space<vmem>>
    %dma_start3A_159 = tpu.memref_squeeze %dma_start3A_158 : memref<1x80xi32, #tpu.memory_space<vmem>> -> memref<80xi32, #tpu.memory_space<vmem>>
    %dma_start3A_160 = arith.constant 0 : i32
    %dma_start3A_161 = arith.constant 0 : i32
    %dma_start3A_162 = tpu.memref_slice %arg2[%dma_start3A_160, %dma_start3A_161] : memref<10000x128xf32, #tpu.memory_space<hbm>> -> memref<10000x128xf32, #tpu.memory_space<hbm>>
    %dma_start3A_163 = tpu.memref_slice %arg11[%dma_start3A_152] : memref<4x!tpu.dma_semaphore, #tpu.memory_space<semaphore_mem>> -> memref<1x!tpu.dma_semaphore, #tpu.memory_space<semaphore_mem>>
    %dma_start3A_164 = tpu.memref_squeeze %dma_start3A_163 : memref<1x!tpu.dma_semaphore, #tpu.memory_space<semaphore_mem>> -> memref<!tpu.dma_semaphore, #tpu.memory_space<semaphore_mem>>
    tpu.enqueue_indirect_dma source(%dma_start3A_162 : memref<10000x128xf32, #tpu.memory_space<hbm>>) target(%dma_start3A_156 : memref<80x128xf32, #tpu.memory_space<vmem>>) offsets(%dma_start3A_159 : memref<80xi32, #tpu.memory_space<vmem>>) semaphore(%dma_start3A_164 : memref<!tpu.dma_semaphore, #tpu.memory_space<semaphore_mem>>)
    %dma_start3A_165 = arith.constant 2 : i32
    %dma_start3A_166 = arith.constant 2 : i32
    %dma_start3A_167 = arith.constant 2 : i32
    %dma_start3A_168 = arith.constant 0 : i32
    %dma_start3A_169 = arith.constant 0 : i32
    %dma_start3A_170 = tpu.memref_slice %arg9[%dma_start3A_166, %dma_start3A_168, %dma_start3A_169] : memref<4x80x128xf32, #tpu.memory_space<vmem>> -> memref<1x80x128xf32, #tpu.memory_space<vmem>>
    %dma_start3A_171 = tpu.memref_squeeze %dma_start3A_170 : memref<1x80x128xf32, #tpu.memory_space<vmem>> -> memref<80x128xf32, #tpu.memory_space<vmem>>
    %dma_start3A_172 = arith.constant 0 : i32
    %dma_start3A_173 = tpu.memref_slice %arg7[%dma_start3A_165, %dma_start3A_172] : memref<32x80xi32, #tpu.memory_space<vmem>> -> memref<1x80xi32, #tpu.memory_space<vmem>>
    %dma_start3A_174 = tpu.memref_squeeze %dma_start3A_173 : memref<1x80xi32, #tpu.memory_space<vmem>> -> memref<80xi32, #tpu.memory_space<vmem>>
    %dma_start3A_175 = arith.constant 0 : i32
    %dma_start3A_176 = arith.constant 0 : i32
    %dma_start3A_177 = tpu.memref_slice %arg2[%dma_start3A_175, %dma_start3A_176] : memref<10000x128xf32, #tpu.memory_space<hbm>> -> memref<10000x128xf32, #tpu.memory_space<hbm>>
    %dma_start3A_178 = tpu.memref_slice %arg11[%dma_start3A_167] : memref<4x!tpu.dma_semaphore, #tpu.memory_space<semaphore_mem>> -> memref<1x!tpu.dma_semaphore, #tpu.memory_space<semaphore_mem>>
    %dma_start3A_179 = tpu.memref_squeeze %dma_start3A_178 : memref<1x!tpu.dma_semaphore, #tpu.memory_space<semaphore_mem>> -> memref<!tpu.dma_semaphore, #tpu.memory_space<semaphore_mem>>
    tpu.enqueue_indirect_dma source(%dma_start3A_177 : memref<10000x128xf32, #tpu.memory_space<hbm>>) target(%dma_start3A_171 : memref<80x128xf32, #tpu.memory_space<vmem>>) offsets(%dma_start3A_174 : memref<80xi32, #tpu.memory_space<vmem>>) semaphore(%dma_start3A_179 : memref<!tpu.dma_semaphore, #tpu.memory_space<semaphore_mem>>)
    %dma_start3A_180 = arith.constant 3 : i32
    %dma_start3A_181 = arith.constant 3 : i32
    %dma_start3A_182 = arith.constant 3 : i32
    %dma_start3A_183 = arith.constant 0 : i32
    %dma_start3A_184 = arith.constant 0 : i32
    %dma_start3A_185 = tpu.memref_slice %arg9[%dma_start3A_181, %dma_start3A_183, %dma_start3A_184] : memref<4x80x128xf32, #tpu.memory_space<vmem>> -> memref<1x80x128xf32, #tpu.memory_space<vmem>>
    %dma_start3A_186 = tpu.memref_squeeze %dma_start3A_185 : memref<1x80x128xf32, #tpu.memory_space<vmem>> -> memref<80x128xf32, #tpu.memory_space<vmem>>
    %dma_start3A_187 = arith.constant 0 : i32
    %dma_start3A_188 = tpu.memref_slice %arg7[%dma_start3A_180, %dma_start3A_187] : memref<32x80xi32, #tpu.memory_space<vmem>> -> memref<1x80xi32, #tpu.memory_space<vmem>>
    %dma_start3A_189 = tpu.memref_squeeze %dma_start3A_188 : memref<1x80xi32, #tpu.memory_space<vmem>> -> memref<80xi32, #tpu.memory_space<vmem>>
    %dma_start3A_190 = arith.constant 0 : i32
    %dma_start3A_191 = arith.constant 0 : i32
    %dma_start3A_192 = tpu.memref_slice %arg2[%dma_start3A_190, %dma_start3A_191] : memref<10000x128xf32, #tpu.memory_space<hbm>> -> memref<10000x128xf32, #tpu.memory_space<hbm>>
    %dma_start3A_193 = tpu.memref_slice %arg11[%dma_start3A_182] : memref<4x!tpu.dma_semaphore, #tpu.memory_space<semaphore_mem>> -> memref<1x!tpu.dma_semaphore, #tpu.memory_space<semaphore_mem>>
    %dma_start3A_194 = tpu.memref_squeeze %dma_start3A_193 : memref<1x!tpu.dma_semaphore, #tpu.memory_space<semaphore_mem>> -> memref<!tpu.dma_semaphore, #tpu.memory_space<semaphore_mem>>
    tpu.enqueue_indirect_dma source(%dma_start3A_192 : memref<10000x128xf32, #tpu.memory_space<hbm>>) target(%dma_start3A_186 : memref<80x128xf32, #tpu.memory_space<vmem>>) offsets(%dma_start3A_189 : memref<80xi32, #tpu.memory_space<vmem>>) semaphore(%dma_start3A_194 : memref<!tpu.dma_semaphore, #tpu.memory_space<semaphore_mem>>)
    %scan3A_195 = arith.constant 0 : i32
    %scan3A_196 = arith.constant 0 : i32
    %scan3A_197 = arith.constant 8 : i32
    %scan3A_198 = arith.addi %scan3A_196, %scan3A_197 : i32
    %scan3A_199 = arith.constant 1 : i32
    scf.for %scan3A_272 = %scan3A_196 to %scan3A_198 step %scan3A_199  : i32 {
      %mul3A_273 = arith.constant 4 : i32
      %mul3A_274 = arith.muli %mul3A_273, %scan3A_272 : i32
      %add3A_275 = arith.constant 0 : i32
      %add3A_276 = arith.addi %mul3A_274, %add3A_275 : i32
      %dma_wait3A = arith.constant 0 : i32
      %dma_wait3A_277 = arith.constant 0 : i32
      %dma_wait3A_278 = arith.constant 0 : i32
      %dma_wait3A_279 = arith.constant 0 : i32
      %dma_wait3A_280 = tpu.memref_slice %arg9[%dma_wait3A, %dma_wait3A_278, %dma_wait3A_279] : memref<4x80x128xf32, #tpu.memory_space<vmem>> -> memref<1x80x128xf32, #tpu.memory_space<vmem>>
      %dma_wait3A_281 = tpu.memref_squeeze %dma_wait3A_280 : memref<1x80x128xf32, #tpu.memory_space<vmem>> -> memref<80x128xf32, #tpu.memory_space<vmem>>
      %dma_wait3A_282 = arith.constant 0 : i32
      %dma_wait3A_283 = tpu.memref_slice %arg7[%add3A_276, %dma_wait3A_282] : memref<32x80xi32, #tpu.memory_space<vmem>> -> memref<1x80xi32, #tpu.memory_space<vmem>>
      %dma_wait3A_284 = tpu.memref_squeeze %dma_wait3A_283 : memref<1x80xi32, #tpu.memory_space<vmem>> -> memref<80xi32, #tpu.memory_space<vmem>>
      %dma_wait3A_285 = arith.constant 0 : i32
      %dma_wait3A_286 = arith.constant 0 : i32
      %dma_wait3A_287 = tpu.memref_slice %arg2[%dma_wait3A_285, %dma_wait3A_286] : memref<10000x128xf32, #tpu.memory_space<hbm>> -> memref<10000x128xf32, #tpu.memory_space<hbm>>
      %dma_wait3A_288 = tpu.memref_slice %arg11[%dma_wait3A_277] : memref<4x!tpu.dma_semaphore, #tpu.memory_space<semaphore_mem>> -> memref<1x!tpu.dma_semaphore, #tpu.memory_space<semaphore_mem>>
      %dma_wait3A_289 = tpu.memref_squeeze %dma_wait3A_288 : memref<1x!tpu.dma_semaphore, #tpu.memory_space<semaphore_mem>> -> memref<!tpu.dma_semaphore, #tpu.memory_space<semaphore_mem>>
      tpu.wait_indirect_dma semaphore(%dma_wait3A_289 : memref<!tpu.dma_semaphore, #tpu.memory_space<semaphore_mem>>) src(%dma_wait3A_287 : memref<10000x128xf32, #tpu.memory_space<hbm>>) dst(%dma_wait3A_281 : memref<80x128xf32, #tpu.memory_space<vmem>>)
      %dma_start3A_290 = arith.constant 0 : i32
      %dma_start3A_291 = arith.constant 0 : i32
      %dma_start3A_292 = arith.constant 0 : i32
      %dma_start3A_293 = arith.constant 0 : i32
      %dma_start3A_294 = tpu.memref_slice %arg9[%dma_start3A_290, %dma_start3A_292, %dma_start3A_293] : memref<4x80x128xf32, #tpu.memory_space<vmem>> -> memref<1x80x128xf32, #tpu.memory_space<vmem>>
      %dma_start3A_295 = tpu.memref_squeeze %dma_start3A_294 : memref<1x80x128xf32, #tpu.memory_space<vmem>> -> memref<80x128xf32, #tpu.memory_space<vmem>>
      %dma_start3A_296 = arith.constant 0 : i32
      %dma_start3A_297 = tpu.memref_slice %arg8[%add3A_276, %dma_start3A_296] : memref<32x80xi32, #tpu.memory_space<vmem>> -> memref<1x80xi32, #tpu.memory_space<vmem>>
      %dma_start3A_298 = tpu.memref_squeeze %dma_start3A_297 : memref<1x80xi32, #tpu.memory_space<vmem>> -> memref<80xi32, #tpu.memory_space<vmem>>
      %dma_start3A_299 = arith.constant 0 : i32
      %dma_start3A_300 = arith.constant 0 : i32
      %dma_start3A_301 = tpu.memref_slice %arg10[%dma_start3A_299, %dma_start3A_300] : memref<10240x128xf32, #tpu.memory_space<vmem_shared>> -> memref<10240x128xf32, #tpu.memory_space<vmem_shared>>
      %dma_start3A_302 = tpu.memref_slice %arg12[%dma_start3A_291] : memref<4x!tpu.dma_semaphore, #tpu.memory_space<semaphore_mem>> -> memref<1x!tpu.dma_semaphore, #tpu.memory_space<semaphore_mem>>
      %dma_start3A_303 = tpu.memref_squeeze %dma_start3A_302 : memref<1x!tpu.dma_semaphore, #tpu.memory_space<semaphore_mem>> -> memref<!tpu.dma_semaphore, #tpu.memory_space<semaphore_mem>>
      tpu.enqueue_indirect_dma source(%dma_start3A_295 : memref<80x128xf32, #tpu.memory_space<vmem>>) target(%dma_start3A_301 : memref<10240x128xf32, #tpu.memory_space<vmem_shared>>) offsets(%dma_start3A_298 : memref<80xi32, #tpu.memory_space<vmem>>) semaphore(%dma_start3A_303 : memref<!tpu.dma_semaphore, #tpu.memory_space<semaphore_mem>>) {add = true}
      %mul3A_304 = arith.constant 4 : i32
      %mul3A_305 = arith.muli %mul3A_304, %scan3A_272 : i32
      %add3A_306 = arith.constant 1 : i32
      %add3A_307 = arith.addi %mul3A_305, %add3A_306 : i32
      %dma_wait3A_308 = arith.constant 1 : i32
      %dma_wait3A_309 = arith.constant 1 : i32
      %dma_wait3A_310 = arith.constant 0 : i32
      %dma_wait3A_311 = arith.constant 0 : i32
      %dma_wait3A_312 = tpu.memref_slice %arg9[%dma_wait3A_308, %dma_wait3A_310, %dma_wait3A_311] : memref<4x80x128xf32, #tpu.memory_space<vmem>> -> memref<1x80x128xf32, #tpu.memory_space<vmem>>
      %dma_wait3A_313 = tpu.memref_squeeze %dma_wait3A_312 : memref<1x80x128xf32, #tpu.memory_space<vmem>> -> memref<80x128xf32, #tpu.memory_space<vmem>>
      %dma_wait3A_314 = arith.constant 0 : i32
      %dma_wait3A_315 = tpu.memref_slice %arg7[%add3A_307, %dma_wait3A_314] : memref<32x80xi32, #tpu.memory_space<vmem>> -> memref<1x80xi32, #tpu.memory_space<vmem>>
      %dma_wait3A_316 = tpu.memref_squeeze %dma_wait3A_315 : memref<1x80xi32, #tpu.memory_space<vmem>> -> memref<80xi32, #tpu.memory_space<vmem>>
      %dma_wait3A_317 = arith.constant 0 : i32
      %dma_wait3A_318 = arith.constant 0 : i32
      %dma_wait3A_319 = tpu.memref_slice %arg2[%dma_wait3A_317, %dma_wait3A_318] : memref<10000x128xf32, #tpu.memory_space<hbm>> -> memref<10000x128xf32, #tpu.memory_space<hbm>>
      %dma_wait3A_320 = tpu.memref_slice %arg11[%dma_wait3A_309] : memref<4x!tpu.dma_semaphore, #tpu.memory_space<semaphore_mem>> -> memref<1x!tpu.dma_semaphore, #tpu.memory_space<semaphore_mem>>
      %dma_wait3A_321 = tpu.memref_squeeze %dma_wait3A_320 : memref<1x!tpu.dma_semaphore, #tpu.memory_space<semaphore_mem>> -> memref<!tpu.dma_semaphore, #tpu.memory_space<semaphore_mem>>
      tpu.wait_indirect_dma semaphore(%dma_wait3A_321 : memref<!tpu.dma_semaphore, #tpu.memory_space<semaphore_mem>>) src(%dma_wait3A_319 : memref<10000x128xf32, #tpu.memory_space<hbm>>) dst(%dma_wait3A_313 : memref<80x128xf32, #tpu.memory_space<vmem>>)
      %dma_start3A_322 = arith.constant 1 : i32
      %dma_start3A_323 = arith.constant 1 : i32
      %dma_start3A_324 = arith.constant 0 : i32
      %dma_start3A_325 = arith.constant 0 : i32
      %dma_start3A_326 = tpu.memref_slice %arg9[%dma_start3A_322, %dma_start3A_324, %dma_start3A_325] : memref<4x80x128xf32, #tpu.memory_space<vmem>> -> memref<1x80x128xf32, #tpu.memory_space<vmem>>
      %dma_start3A_327 = tpu.memref_squeeze %dma_start3A_326 : memref<1x80x128xf32, #tpu.memory_space<vmem>> -> memref<80x128xf32, #tpu.memory_space<vmem>>
      %dma_start3A_328 = arith.constant 0 : i32
      %dma_start3A_329 = tpu.memref_slice %arg8[%add3A_307, %dma_start3A_328] : memref<32x80xi32, #tpu.memory_space<vmem>> -> memref<1x80xi32, #tpu.memory_space<vmem>>
      %dma_start3A_330 = tpu.memref_squeeze %dma_start3A_329 : memref<1x80xi32, #tpu.memory_space<vmem>> -> memref<80xi32, #tpu.memory_space<vmem>>
      %dma_start3A_331 = arith.constant 0 : i32
      %dma_start3A_332 = arith.constant 0 : i32
      %dma_start3A_333 = tpu.memref_slice %arg10[%dma_start3A_331, %dma_start3A_332] : memref<10240x128xf32, #tpu.memory_space<vmem_shared>> -> memref<10240x128xf32, #tpu.memory_space<vmem_shared>>
      %dma_start3A_334 = tpu.memref_slice %arg12[%dma_start3A_323] : memref<4x!tpu.dma_semaphore, #tpu.memory_space<semaphore_mem>> -> memref<1x!tpu.dma_semaphore, #tpu.memory_space<semaphore_mem>>
      %dma_start3A_335 = tpu.memref_squeeze %dma_start3A_334 : memref<1x!tpu.dma_semaphore, #tpu.memory_space<semaphore_mem>> -> memref<!tpu.dma_semaphore, #tpu.memory_space<semaphore_mem>>
      tpu.enqueue_indirect_dma source(%dma_start3A_327 : memref<80x128xf32, #tpu.memory_space<vmem>>) target(%dma_start3A_333 : memref<10240x128xf32, #tpu.memory_space<vmem_shared>>) offsets(%dma_start3A_330 : memref<80xi32, #tpu.memory_space<vmem>>) semaphore(%dma_start3A_335 : memref<!tpu.dma_semaphore, #tpu.memory_space<semaphore_mem>>) {add = true}
      %mul3A_336 = arith.constant 4 : i32
      %mul3A_337 = arith.muli %mul3A_336, %scan3A_272 : i32
      %add3A_338 = arith.constant 2 : i32
      %add3A_339 = arith.addi %mul3A_337, %add3A_338 : i32
      %dma_wait3A_340 = arith.constant 2 : i32
      %dma_wait3A_341 = arith.constant 2 : i32
      %dma_wait3A_342 = arith.constant 0 : i32
      %dma_wait3A_343 = arith.constant 0 : i32
      %dma_wait3A_344 = tpu.memref_slice %arg9[%dma_wait3A_340, %dma_wait3A_342, %dma_wait3A_343] : memref<4x80x128xf32, #tpu.memory_space<vmem>> -> memref<1x80x128xf32, #tpu.memory_space<vmem>>
      %dma_wait3A_345 = tpu.memref_squeeze %dma_wait3A_344 : memref<1x80x128xf32, #tpu.memory_space<vmem>> -> memref<80x128xf32, #tpu.memory_space<vmem>>
      %dma_wait3A_346 = arith.constant 0 : i32
      %dma_wait3A_347 = tpu.memref_slice %arg7[%add3A_339, %dma_wait3A_346] : memref<32x80xi32, #tpu.memory_space<vmem>> -> memref<1x80xi32, #tpu.memory_space<vmem>>
      %dma_wait3A_348 = tpu.memref_squeeze %dma_wait3A_347 : memref<1x80xi32, #tpu.memory_space<vmem>> -> memref<80xi32, #tpu.memory_space<vmem>>
      %dma_wait3A_349 = arith.constant 0 : i32
      %dma_wait3A_350 = arith.constant 0 : i32
      %dma_wait3A_351 = tpu.memref_slice %arg2[%dma_wait3A_349, %dma_wait3A_350] : memref<10000x128xf32, #tpu.memory_space<hbm>> -> memref<10000x128xf32, #tpu.memory_space<hbm>>
      %dma_wait3A_352 = tpu.memref_slice %arg11[%dma_wait3A_341] : memref<4x!tpu.dma_semaphore, #tpu.memory_space<semaphore_mem>> -> memref<1x!tpu.dma_semaphore, #tpu.memory_space<semaphore_mem>>
      %dma_wait3A_353 = tpu.memref_squeeze %dma_wait3A_352 : memref<1x!tpu.dma_semaphore, #tpu.memory_space<semaphore_mem>> -> memref<!tpu.dma_semaphore, #tpu.memory_space<semaphore_mem>>
      tpu.wait_indirect_dma semaphore(%dma_wait3A_353 : memref<!tpu.dma_semaphore, #tpu.memory_space<semaphore_mem>>) src(%dma_wait3A_351 : memref<10000x128xf32, #tpu.memory_space<hbm>>) dst(%dma_wait3A_345 : memref<80x128xf32, #tpu.memory_space<vmem>>)
      %dma_start3A_354 = arith.constant 2 : i32
      %dma_start3A_355 = arith.constant 2 : i32
      %dma_start3A_356 = arith.constant 0 : i32
      %dma_start3A_357 = arith.constant 0 : i32
      %dma_start3A_358 = tpu.memref_slice %arg9[%dma_start3A_354, %dma_start3A_356, %dma_start3A_357] : memref<4x80x128xf32, #tpu.memory_space<vmem>> -> memref<1x80x128xf32, #tpu.memory_space<vmem>>
      %dma_start3A_359 = tpu.memref_squeeze %dma_start3A_358 : memref<1x80x128xf32, #tpu.memory_space<vmem>> -> memref<80x128xf32, #tpu.memory_space<vmem>>
      %dma_start3A_360 = arith.constant 0 : i32
      %dma_start3A_361 = tpu.memref_slice %arg8[%add3A_339, %dma_start3A_360] : memref<32x80xi32, #tpu.memory_space<vmem>> -> memref<1x80xi32, #tpu.memory_space<vmem>>
      %dma_start3A_362 = tpu.memref_squeeze %dma_start3A_361 : memref<1x80xi32, #tpu.memory_space<vmem>> -> memref<80xi32, #tpu.memory_space<vmem>>
      %dma_start3A_363 = arith.constant 0 : i32
      %dma_start3A_364 = arith.constant 0 : i32
      %dma_start3A_365 = tpu.memref_slice %arg10[%dma_start3A_363, %dma_start3A_364] : memref<10240x128xf32, #tpu.memory_space<vmem_shared>> -> memref<10240x128xf32, #tpu.memory_space<vmem_shared>>
      %dma_start3A_366 = tpu.memref_slice %arg12[%dma_start3A_355] : memref<4x!tpu.dma_semaphore, #tpu.memory_space<semaphore_mem>> -> memref<1x!tpu.dma_semaphore, #tpu.memory_space<semaphore_mem>>
      %dma_start3A_367 = tpu.memref_squeeze %dma_start3A_366 : memref<1x!tpu.dma_semaphore, #tpu.memory_space<semaphore_mem>> -> memref<!tpu.dma_semaphore, #tpu.memory_space<semaphore_mem>>
      tpu.enqueue_indirect_dma source(%dma_start3A_359 : memref<80x128xf32, #tpu.memory_space<vmem>>) target(%dma_start3A_365 : memref<10240x128xf32, #tpu.memory_space<vmem_shared>>) offsets(%dma_start3A_362 : memref<80xi32, #tpu.memory_space<vmem>>) semaphore(%dma_start3A_367 : memref<!tpu.dma_semaphore, #tpu.memory_space<semaphore_mem>>) {add = true}
      %mul3A_368 = arith.constant 4 : i32
      %mul3A_369 = arith.muli %mul3A_368, %scan3A_272 : i32
      %add3A_370 = arith.constant 3 : i32
      %add3A_371 = arith.addi %mul3A_369, %add3A_370 : i32
      %dma_wait3A_372 = arith.constant 3 : i32
      %dma_wait3A_373 = arith.constant 3 : i32
      %dma_wait3A_374 = arith.constant 0 : i32
      %dma_wait3A_375 = arith.constant 0 : i32
      %dma_wait3A_376 = tpu.memref_slice %arg9[%dma_wait3A_372, %dma_wait3A_374, %dma_wait3A_375] : memref<4x80x128xf32, #tpu.memory_space<vmem>> -> memref<1x80x128xf32, #tpu.memory_space<vmem>>
      %dma_wait3A_377 = tpu.memref_squeeze %dma_wait3A_376 : memref<1x80x128xf32, #tpu.memory_space<vmem>> -> memref<80x128xf32, #tpu.memory_space<vmem>>
      %dma_wait3A_378 = arith.constant 0 : i32
      %dma_wait3A_379 = tpu.memref_slice %arg7[%add3A_371, %dma_wait3A_378] : memref<32x80xi32, #tpu.memory_space<vmem>> -> memref<1x80xi32, #tpu.memory_space<vmem>>
      %dma_wait3A_380 = tpu.memref_squeeze %dma_wait3A_379 : memref<1x80xi32, #tpu.memory_space<vmem>> -> memref<80xi32, #tpu.memory_space<vmem>>
      %dma_wait3A_381 = arith.constant 0 : i32
      %dma_wait3A_382 = arith.constant 0 : i32
      %dma_wait3A_383 = tpu.memref_slice %arg2[%dma_wait3A_381, %dma_wait3A_382] : memref<10000x128xf32, #tpu.memory_space<hbm>> -> memref<10000x128xf32, #tpu.memory_space<hbm>>
      %dma_wait3A_384 = tpu.memref_slice %arg11[%dma_wait3A_373] : memref<4x!tpu.dma_semaphore, #tpu.memory_space<semaphore_mem>> -> memref<1x!tpu.dma_semaphore, #tpu.memory_space<semaphore_mem>>
      %dma_wait3A_385 = tpu.memref_squeeze %dma_wait3A_384 : memref<1x!tpu.dma_semaphore, #tpu.memory_space<semaphore_mem>> -> memref<!tpu.dma_semaphore, #tpu.memory_space<semaphore_mem>>
      tpu.wait_indirect_dma semaphore(%dma_wait3A_385 : memref<!tpu.dma_semaphore, #tpu.memory_space<semaphore_mem>>) src(%dma_wait3A_383 : memref<10000x128xf32, #tpu.memory_space<hbm>>) dst(%dma_wait3A_377 : memref<80x128xf32, #tpu.memory_space<vmem>>)
      %dma_start3A_386 = arith.constant 3 : i32
      %dma_start3A_387 = arith.constant 3 : i32
      %dma_start3A_388 = arith.constant 0 : i32
      %dma_start3A_389 = arith.constant 0 : i32
      %dma_start3A_390 = tpu.memref_slice %arg9[%dma_start3A_386, %dma_start3A_388, %dma_start3A_389] : memref<4x80x128xf32, #tpu.memory_space<vmem>> -> memref<1x80x128xf32, #tpu.memory_space<vmem>>
      %dma_start3A_391 = tpu.memref_squeeze %dma_start3A_390 : memref<1x80x128xf32, #tpu.memory_space<vmem>> -> memref<80x128xf32, #tpu.memory_space<vmem>>
      %dma_start3A_392 = arith.constant 0 : i32
      %dma_start3A_393 = tpu.memref_slice %arg8[%add3A_371, %dma_start3A_392] : memref<32x80xi32, #tpu.memory_space<vmem>> -> memref<1x80xi32, #tpu.memory_space<vmem>>
      %dma_start3A_394 = tpu.memref_squeeze %dma_start3A_393 : memref<1x80xi32, #tpu.memory_space<vmem>> -> memref<80xi32, #tpu.memory_space<vmem>>
      %dma_start3A_395 = arith.constant 0 : i32
      %dma_start3A_396 = arith.constant 0 : i32
      %dma_start3A_397 = tpu.memref_slice %arg10[%dma_start3A_395, %dma_start3A_396] : memref<10240x128xf32, #tpu.memory_space<vmem_shared>> -> memref<10240x128xf32, #tpu.memory_space<vmem_shared>>
      %dma_start3A_398 = tpu.memref_slice %arg12[%dma_start3A_387] : memref<4x!tpu.dma_semaphore, #tpu.memory_space<semaphore_mem>> -> memref<1x!tpu.dma_semaphore, #tpu.memory_space<semaphore_mem>>
      %dma_start3A_399 = tpu.memref_squeeze %dma_start3A_398 : memref<1x!tpu.dma_semaphore, #tpu.memory_space<semaphore_mem>> -> memref<!tpu.dma_semaphore, #tpu.memory_space<semaphore_mem>>
      tpu.enqueue_indirect_dma source(%dma_start3A_391 : memref<80x128xf32, #tpu.memory_space<vmem>>) target(%dma_start3A_397 : memref<10240x128xf32, #tpu.memory_space<vmem_shared>>) offsets(%dma_start3A_394 : memref<80xi32, #tpu.memory_space<vmem>>) semaphore(%dma_start3A_399 : memref<!tpu.dma_semaphore, #tpu.memory_space<semaphore_mem>>) {add = true}
      %mul3A_400 = arith.constant 4 : i32
      %mul3A_401 = arith.muli %mul3A_400, %scan3A_272 : i32
      %add3A_402 = arith.constant 0 : i32
      %add3A_403 = arith.addi %mul3A_401, %add3A_402 : i32
      %dma_wait3A_404 = arith.constant 0 : i32
      %dma_wait3A_405 = arith.constant 0 : i32
      %dma_wait3A_406 = arith.constant 0 : i32
      %dma_wait3A_407 = arith.constant 0 : i32
      %dma_wait3A_408 = tpu.memref_slice %arg9[%dma_wait3A_404, %dma_wait3A_406, %dma_wait3A_407] : memref<4x80x128xf32, #tpu.memory_space<vmem>> -> memref<1x80x128xf32, #tpu.memory_space<vmem>>
      %dma_wait3A_409 = tpu.memref_squeeze %dma_wait3A_408 : memref<1x80x128xf32, #tpu.memory_space<vmem>> -> memref<80x128xf32, #tpu.memory_space<vmem>>
      %dma_wait3A_410 = arith.constant 0 : i32
      %dma_wait3A_411 = tpu.memref_slice %arg8[%add3A_403, %dma_wait3A_410] : memref<32x80xi32, #tpu.memory_space<vmem>> -> memref<1x80xi32, #tpu.memory_space<vmem>>
      %dma_wait3A_412 = tpu.memref_squeeze %dma_wait3A_411 : memref<1x80xi32, #tpu.memory_space<vmem>> -> memref<80xi32, #tpu.memory_space<vmem>>
      %dma_wait3A_413 = arith.constant 0 : i32
      %dma_wait3A_414 = arith.constant 0 : i32
      %dma_wait3A_415 = tpu.memref_slice %arg10[%dma_wait3A_413, %dma_wait3A_414] : memref<10240x128xf32, #tpu.memory_space<vmem_shared>> -> memref<10240x128xf32, #tpu.memory_space<vmem_shared>>
      %dma_wait3A_416 = tpu.memref_slice %arg12[%dma_wait3A_405] : memref<4x!tpu.dma_semaphore, #tpu.memory_space<semaphore_mem>> -> memref<1x!tpu.dma_semaphore, #tpu.memory_space<semaphore_mem>>
      %dma_wait3A_417 = tpu.memref_squeeze %dma_wait3A_416 : memref<1x!tpu.dma_semaphore, #tpu.memory_space<semaphore_mem>> -> memref<!tpu.dma_semaphore, #tpu.memory_space<semaphore_mem>>
      tpu.wait_indirect_dma semaphore(%dma_wait3A_417 : memref<!tpu.dma_semaphore, #tpu.memory_space<semaphore_mem>>) src(%dma_wait3A_409 : memref<80x128xf32, #tpu.memory_space<vmem>>) dst(%dma_wait3A_415 : memref<10240x128xf32, #tpu.memory_space<vmem_shared>>)
      %add3A_418 = arith.constant 1 : i32
      %add3A_419 = arith.addi %scan3A_272, %add3A_418 : i32
      %lt3A = arith.constant 8 : i32
      %lt3A_420 = arith.cmpi slt, %add3A_419, %lt3A : i32
      %convert_element_type3A = arith.extui %lt3A_420 : i1 to i32
      %cond3A = arith.constant 0 : i32
      %cond3A_421 = arith.cmpi ne, %convert_element_type3A, %cond3A : i32
      scf.if %cond3A_421 {
        %add3A_497 = arith.constant 4 : i32
        %add3A_498 = arith.addi %add3A_403, %add3A_497 : i32
        %dma_start3A_499 = arith.constant 0 : i32
        %dma_start3A_500 = arith.constant 0 : i32
        %dma_start3A_501 = arith.constant 0 : i32
        %dma_start3A_502 = arith.constant 0 : i32
        %dma_start3A_503 = tpu.memref_slice %arg9[%dma_start3A_499, %dma_start3A_501, %dma_start3A_502] : memref<4x80x128xf32, #tpu.memory_space<vmem>> -> memref<1x80x128xf32, #tpu.memory_space<vmem>>
        %dma_start3A_504 = tpu.memref_squeeze %dma_start3A_503 : memref<1x80x128xf32, #tpu.memory_space<vmem>> -> memref<80x128xf32, #tpu.memory_space<vmem>>
        %dma_start3A_505 = arith.constant 0 : i32
        %dma_start3A_506 = tpu.memref_slice %arg7[%add3A_498, %dma_start3A_505] : memref<32x80xi32, #tpu.memory_space<vmem>> -> memref<1x80xi32, #tpu.memory_space<vmem>>
        %dma_start3A_507 = tpu.memref_squeeze %dma_start3A_506 : memref<1x80xi32, #tpu.memory_space<vmem>> -> memref<80xi32, #tpu.memory_space<vmem>>
        %dma_start3A_508 = arith.constant 0 : i32
        %dma_start3A_509 = arith.constant 0 : i32
        %dma_start3A_510 = tpu.memref_slice %arg2[%dma_start3A_508, %dma_start3A_509] : memref<10000x128xf32, #tpu.memory_space<hbm>> -> memref<10000x128xf32, #tpu.memory_space<hbm>>
        %dma_start3A_511 = tpu.memref_slice %arg11[%dma_start3A_500] : memref<4x!tpu.dma_semaphore, #tpu.memory_space<semaphore_mem>> -> memref<1x!tpu.dma_semaphore, #tpu.memory_space<semaphore_mem>>
        %dma_start3A_512 = tpu.memref_squeeze %dma_start3A_511 : memref<1x!tpu.dma_semaphore, #tpu.memory_space<semaphore_mem>> -> memref<!tpu.dma_semaphore, #tpu.memory_space<semaphore_mem>>
        tpu.enqueue_indirect_dma source(%dma_start3A_510 : memref<10000x128xf32, #tpu.memory_space<hbm>>) target(%dma_start3A_504 : memref<80x128xf32, #tpu.memory_space<vmem>>) offsets(%dma_start3A_507 : memref<80xi32, #tpu.memory_space<vmem>>) semaphore(%dma_start3A_512 : memref<!tpu.dma_semaphore, #tpu.memory_space<semaphore_mem>>)
      } else {
      }
      %mul3A_422 = arith.constant 4 : i32
      %mul3A_423 = arith.muli %mul3A_422, %scan3A_272 : i32
      %add3A_424 = arith.constant 1 : i32
      %add3A_425 = arith.addi %mul3A_423, %add3A_424 : i32
      %dma_wait3A_426 = arith.constant 1 : i32
      %dma_wait3A_427 = arith.constant 1 : i32
      %dma_wait3A_428 = arith.constant 0 : i32
      %dma_wait3A_429 = arith.constant 0 : i32
      %dma_wait3A_430 = tpu.memref_slice %arg9[%dma_wait3A_426, %dma_wait3A_428, %dma_wait3A_429] : memref<4x80x128xf32, #tpu.memory_space<vmem>> -> memref<1x80x128xf32, #tpu.memory_space<vmem>>
      %dma_wait3A_431 = tpu.memref_squeeze %dma_wait3A_430 : memref<1x80x128xf32, #tpu.memory_space<vmem>> -> memref<80x128xf32, #tpu.memory_space<vmem>>
      %dma_wait3A_432 = arith.constant 0 : i32
      %dma_wait3A_433 = tpu.memref_slice %arg8[%add3A_425, %dma_wait3A_432] : memref<32x80xi32, #tpu.memory_space<vmem>> -> memref<1x80xi32, #tpu.memory_space<vmem>>
      %dma_wait3A_434 = tpu.memref_squeeze %dma_wait3A_433 : memref<1x80xi32, #tpu.memory_space<vmem>> -> memref<80xi32, #tpu.memory_space<vmem>>
      %dma_wait3A_435 = arith.constant 0 : i32
      %dma_wait3A_436 = arith.constant 0 : i32
      %dma_wait3A_437 = tpu.memref_slice %arg10[%dma_wait3A_435, %dma_wait3A_436] : memref<10240x128xf32, #tpu.memory_space<vmem_shared>> -> memref<10240x128xf32, #tpu.memory_space<vmem_shared>>
      %dma_wait3A_438 = tpu.memref_slice %arg12[%dma_wait3A_427] : memref<4x!tpu.dma_semaphore, #tpu.memory_space<semaphore_mem>> -> memref<1x!tpu.dma_semaphore, #tpu.memory_space<semaphore_mem>>
      %dma_wait3A_439 = tpu.memref_squeeze %dma_wait3A_438 : memref<1x!tpu.dma_semaphore, #tpu.memory_space<semaphore_mem>> -> memref<!tpu.dma_semaphore, #tpu.memory_space<semaphore_mem>>
      tpu.wait_indirect_dma semaphore(%dma_wait3A_439 : memref<!tpu.dma_semaphore, #tpu.memory_space<semaphore_mem>>) src(%dma_wait3A_431 : memref<80x128xf32, #tpu.memory_space<vmem>>) dst(%dma_wait3A_437 : memref<10240x128xf32, #tpu.memory_space<vmem_shared>>)
      %add3A_440 = arith.constant 1 : i32
      %add3A_441 = arith.addi %scan3A_272, %add3A_440 : i32
      %lt3A_442 = arith.constant 8 : i32
      %lt3A_443 = arith.cmpi slt, %add3A_441, %lt3A_442 : i32
      %convert_element_type3A_444 = arith.extui %lt3A_443 : i1 to i32
      %cond3A_445 = arith.constant 0 : i32
      %cond3A_446 = arith.cmpi ne, %convert_element_type3A_444, %cond3A_445 : i32
      scf.if %cond3A_446 {
        %add3A_497 = arith.constant 4 : i32
        %add3A_498 = arith.addi %add3A_425, %add3A_497 : i32
        %dma_start3A_499 = arith.constant 1 : i32
        %dma_start3A_500 = arith.constant 1 : i32
        %dma_start3A_501 = arith.constant 0 : i32
        %dma_start3A_502 = arith.constant 0 : i32
        %dma_start3A_503 = tpu.memref_slice %arg9[%dma_start3A_499, %dma_start3A_501, %dma_start3A_502] : memref<4x80x128xf32, #tpu.memory_space<vmem>> -> memref<1x80x128xf32, #tpu.memory_space<vmem>>
        %dma_start3A_504 = tpu.memref_squeeze %dma_start3A_503 : memref<1x80x128xf32, #tpu.memory_space<vmem>> -> memref<80x128xf32, #tpu.memory_space<vmem>>
        %dma_start3A_505 = arith.constant 0 : i32
        %dma_start3A_506 = tpu.memref_slice %arg7[%add3A_498, %dma_start3A_505] : memref<32x80xi32, #tpu.memory_space<vmem>> -> memref<1x80xi32, #tpu.memory_space<vmem>>
        %dma_start3A_507 = tpu.memref_squeeze %dma_start3A_506 : memref<1x80xi32, #tpu.memory_space<vmem>> -> memref<80xi32, #tpu.memory_space<vmem>>
        %dma_start3A_508 = arith.constant 0 : i32
        %dma_start3A_509 = arith.constant 0 : i32
        %dma_start3A_510 = tpu.memref_slice %arg2[%dma_start3A_508, %dma_start3A_509] : memref<10000x128xf32, #tpu.memory_space<hbm>> -> memref<10000x128xf32, #tpu.memory_space<hbm>>
        %dma_start3A_511 = tpu.memref_slice %arg11[%dma_start3A_500] : memref<4x!tpu.dma_semaphore, #tpu.memory_space<semaphore_mem>> -> memref<1x!tpu.dma_semaphore, #tpu.memory_space<semaphore_mem>>
        %dma_start3A_512 = tpu.memref_squeeze %dma_start3A_511 : memref<1x!tpu.dma_semaphore, #tpu.memory_space<semaphore_mem>> -> memref<!tpu.dma_semaphore, #tpu.memory_space<semaphore_mem>>
        tpu.enqueue_indirect_dma source(%dma_start3A_510 : memref<10000x128xf32, #tpu.memory_space<hbm>>) target(%dma_start3A_504 : memref<80x128xf32, #tpu.memory_space<vmem>>) offsets(%dma_start3A_507 : memref<80xi32, #tpu.memory_space<vmem>>) semaphore(%dma_start3A_512 : memref<!tpu.dma_semaphore, #tpu.memory_space<semaphore_mem>>)
      } else {
      }
      %mul3A_447 = arith.constant 4 : i32
      %mul3A_448 = arith.muli %mul3A_447, %scan3A_272 : i32
      %add3A_449 = arith.constant 2 : i32
      %add3A_450 = arith.addi %mul3A_448, %add3A_449 : i32
      %dma_wait3A_451 = arith.constant 2 : i32
      %dma_wait3A_452 = arith.constant 2 : i32
      %dma_wait3A_453 = arith.constant 0 : i32
      %dma_wait3A_454 = arith.constant 0 : i32
      %dma_wait3A_455 = tpu.memref_slice %arg9[%dma_wait3A_451, %dma_wait3A_453, %dma_wait3A_454] : memref<4x80x128xf32, #tpu.memory_space<vmem>> -> memref<1x80x128xf32, #tpu.memory_space<vmem>>
      %dma_wait3A_456 = tpu.memref_squeeze %dma_wait3A_455 : memref<1x80x128xf32, #tpu.memory_space<vmem>> -> memref<80x128xf32, #tpu.memory_space<vmem>>
      %dma_wait3A_457 = arith.constant 0 : i32
      %dma_wait3A_458 = tpu.memref_slice %arg8[%add3A_450, %dma_wait3A_457] : memref<32x80xi32, #tpu.memory_space<vmem>> -> memref<1x80xi32, #tpu.memory_space<vmem>>
      %dma_wait3A_459 = tpu.memref_squeeze %dma_wait3A_458 : memref<1x80xi32, #tpu.memory_space<vmem>> -> memref<80xi32, #tpu.memory_space<vmem>>
      %dma_wait3A_460 = arith.constant 0 : i32
      %dma_wait3A_461 = arith.constant 0 : i32
      %dma_wait3A_462 = tpu.memref_slice %arg10[%dma_wait3A_460, %dma_wait3A_461] : memref<10240x128xf32, #tpu.memory_space<vmem_shared>> -> memref<10240x128xf32, #tpu.memory_space<vmem_shared>>
      %dma_wait3A_463 = tpu.memref_slice %arg12[%dma_wait3A_452] : memref<4x!tpu.dma_semaphore, #tpu.memory_space<semaphore_mem>> -> memref<1x!tpu.dma_semaphore, #tpu.memory_space<semaphore_mem>>
      %dma_wait3A_464 = tpu.memref_squeeze %dma_wait3A_463 : memref<1x!tpu.dma_semaphore, #tpu.memory_space<semaphore_mem>> -> memref<!tpu.dma_semaphore, #tpu.memory_space<semaphore_mem>>
      tpu.wait_indirect_dma semaphore(%dma_wait3A_464 : memref<!tpu.dma_semaphore, #tpu.memory_space<semaphore_mem>>) src(%dma_wait3A_456 : memref<80x128xf32, #tpu.memory_space<vmem>>) dst(%dma_wait3A_462 : memref<10240x128xf32, #tpu.memory_space<vmem_shared>>)
      %add3A_465 = arith.constant 1 : i32
      %add3A_466 = arith.addi %scan3A_272, %add3A_465 : i32
      %lt3A_467 = arith.constant 8 : i32
      %lt3A_468 = arith.cmpi slt, %add3A_466, %lt3A_467 : i32
      %convert_element_type3A_469 = arith.extui %lt3A_468 : i1 to i32
      %cond3A_470 = arith.constant 0 : i32
      %cond3A_471 = arith.cmpi ne, %convert_element_type3A_469, %cond3A_470 : i32
      scf.if %cond3A_471 {
        %add3A_497 = arith.constant 4 : i32
        %add3A_498 = arith.addi %add3A_450, %add3A_497 : i32
        %dma_start3A_499 = arith.constant 2 : i32
        %dma_start3A_500 = arith.constant 2 : i32
        %dma_start3A_501 = arith.constant 0 : i32
        %dma_start3A_502 = arith.constant 0 : i32
        %dma_start3A_503 = tpu.memref_slice %arg9[%dma_start3A_499, %dma_start3A_501, %dma_start3A_502] : memref<4x80x128xf32, #tpu.memory_space<vmem>> -> memref<1x80x128xf32, #tpu.memory_space<vmem>>
        %dma_start3A_504 = tpu.memref_squeeze %dma_start3A_503 : memref<1x80x128xf32, #tpu.memory_space<vmem>> -> memref<80x128xf32, #tpu.memory_space<vmem>>
        %dma_start3A_505 = arith.constant 0 : i32
        %dma_start3A_506 = tpu.memref_slice %arg7[%add3A_498, %dma_start3A_505] : memref<32x80xi32, #tpu.memory_space<vmem>> -> memref<1x80xi32, #tpu.memory_space<vmem>>
        %dma_start3A_507 = tpu.memref_squeeze %dma_start3A_506 : memref<1x80xi32, #tpu.memory_space<vmem>> -> memref<80xi32, #tpu.memory_space<vmem>>
        %dma_start3A_508 = arith.constant 0 : i32
        %dma_start3A_509 = arith.constant 0 : i32
        %dma_start3A_510 = tpu.memref_slice %arg2[%dma_start3A_508, %dma_start3A_509] : memref<10000x128xf32, #tpu.memory_space<hbm>> -> memref<10000x128xf32, #tpu.memory_space<hbm>>
        %dma_start3A_511 = tpu.memref_slice %arg11[%dma_start3A_500] : memref<4x!tpu.dma_semaphore, #tpu.memory_space<semaphore_mem>> -> memref<1x!tpu.dma_semaphore, #tpu.memory_space<semaphore_mem>>
        %dma_start3A_512 = tpu.memref_squeeze %dma_start3A_511 : memref<1x!tpu.dma_semaphore, #tpu.memory_space<semaphore_mem>> -> memref<!tpu.dma_semaphore, #tpu.memory_space<semaphore_mem>>
        tpu.enqueue_indirect_dma source(%dma_start3A_510 : memref<10000x128xf32, #tpu.memory_space<hbm>>) target(%dma_start3A_504 : memref<80x128xf32, #tpu.memory_space<vmem>>) offsets(%dma_start3A_507 : memref<80xi32, #tpu.memory_space<vmem>>) semaphore(%dma_start3A_512 : memref<!tpu.dma_semaphore, #tpu.memory_space<semaphore_mem>>)
      } else {
      }
      %mul3A_472 = arith.constant 4 : i32
      %mul3A_473 = arith.muli %mul3A_472, %scan3A_272 : i32
      %add3A_474 = arith.constant 3 : i32
      %add3A_475 = arith.addi %mul3A_473, %add3A_474 : i32
      %dma_wait3A_476 = arith.constant 3 : i32
      %dma_wait3A_477 = arith.constant 3 : i32
      %dma_wait3A_478 = arith.constant 0 : i32
      %dma_wait3A_479 = arith.constant 0 : i32
      %dma_wait3A_480 = tpu.memref_slice %arg9[%dma_wait3A_476, %dma_wait3A_478, %dma_wait3A_479] : memref<4x80x128xf32, #tpu.memory_space<vmem>> -> memref<1x80x128xf32, #tpu.memory_space<vmem>>
      %dma_wait3A_481 = tpu.memref_squeeze %dma_wait3A_480 : memref<1x80x128xf32, #tpu.memory_space<vmem>> -> memref<80x128xf32, #tpu.memory_space<vmem>>
      %dma_wait3A_482 = arith.constant 0 : i32
      %dma_wait3A_483 = tpu.memref_slice %arg8[%add3A_475, %dma_wait3A_482] : memref<32x80xi32, #tpu.memory_space<vmem>> -> memref<1x80xi32, #tpu.memory_space<vmem>>
      %dma_wait3A_484 = tpu.memref_squeeze %dma_wait3A_483 : memref<1x80xi32, #tpu.memory_space<vmem>> -> memref<80xi32, #tpu.memory_space<vmem>>
      %dma_wait3A_485 = arith.constant 0 : i32
      %dma_wait3A_486 = arith.constant 0 : i32
      %dma_wait3A_487 = tpu.memref_slice %arg10[%dma_wait3A_485, %dma_wait3A_486] : memref<10240x128xf32, #tpu.memory_space<vmem_shared>> -> memref<10240x128xf32, #tpu.memory_space<vmem_shared>>
      %dma_wait3A_488 = tpu.memref_slice %arg12[%dma_wait3A_477] : memref<4x!tpu.dma_semaphore, #tpu.memory_space<semaphore_mem>> -> memref<1x!tpu.dma_semaphore, #tpu.memory_space<semaphore_mem>>
      %dma_wait3A_489 = tpu.memref_squeeze %dma_wait3A_488 : memref<1x!tpu.dma_semaphore, #tpu.memory_space<semaphore_mem>> -> memref<!tpu.dma_semaphore, #tpu.memory_space<semaphore_mem>>
      tpu.wait_indirect_dma semaphore(%dma_wait3A_489 : memref<!tpu.dma_semaphore, #tpu.memory_space<semaphore_mem>>) src(%dma_wait3A_481 : memref<80x128xf32, #tpu.memory_space<vmem>>) dst(%dma_wait3A_487 : memref<10240x128xf32, #tpu.memory_space<vmem_shared>>)
      %add3A_490 = arith.constant 1 : i32
      %add3A_491 = arith.addi %scan3A_272, %add3A_490 : i32
      %lt3A_492 = arith.constant 8 : i32
      %lt3A_493 = arith.cmpi slt, %add3A_491, %lt3A_492 : i32
      %convert_element_type3A_494 = arith.extui %lt3A_493 : i1 to i32
      %cond3A_495 = arith.constant 0 : i32
      %cond3A_496 = arith.cmpi ne, %convert_element_type3A_494, %cond3A_495 : i32
      scf.if %cond3A_496 {
        %add3A_497 = arith.constant 4 : i32
        %add3A_498 = arith.addi %add3A_475, %add3A_497 : i32
        %dma_start3A_499 = arith.constant 3 : i32
        %dma_start3A_500 = arith.constant 3 : i32
        %dma_start3A_501 = arith.constant 0 : i32
        %dma_start3A_502 = arith.constant 0 : i32
        %dma_start3A_503 = tpu.memref_slice %arg9[%dma_start3A_499, %dma_start3A_501, %dma_start3A_502] : memref<4x80x128xf32, #tpu.memory_space<vmem>> -> memref<1x80x128xf32, #tpu.memory_space<vmem>>
        %dma_start3A_504 = tpu.memref_squeeze %dma_start3A_503 : memref<1x80x128xf32, #tpu.memory_space<vmem>> -> memref<80x128xf32, #tpu.memory_space<vmem>>
        %dma_start3A_505 = arith.constant 0 : i32
        %dma_start3A_506 = tpu.memref_slice %arg7[%add3A_498, %dma_start3A_505] : memref<32x80xi32, #tpu.memory_space<vmem>> -> memref<1x80xi32, #tpu.memory_space<vmem>>
        %dma_start3A_507 = tpu.memref_squeeze %dma_start3A_506 : memref<1x80xi32, #tpu.memory_space<vmem>> -> memref<80xi32, #tpu.memory_space<vmem>>
        %dma_start3A_508 = arith.constant 0 : i32
        %dma_start3A_509 = arith.constant 0 : i32
        %dma_start3A_510 = tpu.memref_slice %arg2[%dma_start3A_508, %dma_start3A_509] : memref<10000x128xf32, #tpu.memory_space<hbm>> -> memref<10000x128xf32, #tpu.memory_space<hbm>>
        %dma_start3A_511 = tpu.memref_slice %arg11[%dma_start3A_500] : memref<4x!tpu.dma_semaphore, #tpu.memory_space<semaphore_mem>> -> memref<1x!tpu.dma_semaphore, #tpu.memory_space<semaphore_mem>>
        %dma_start3A_512 = tpu.memref_squeeze %dma_start3A_511 : memref<1x!tpu.dma_semaphore, #tpu.memory_space<semaphore_mem>> -> memref<!tpu.dma_semaphore, #tpu.memory_space<semaphore_mem>>
        tpu.enqueue_indirect_dma source(%dma_start3A_510 : memref<10000x128xf32, #tpu.memory_space<hbm>>) target(%dma_start3A_504 : memref<80x128xf32, #tpu.memory_space<vmem>>) offsets(%dma_start3A_507 : memref<80xi32, #tpu.memory_space<vmem>>) semaphore(%dma_start3A_512 : memref<!tpu.dma_semaphore, #tpu.memory_space<semaphore_mem>>)
      } else {
      }
    }
    %scan3A_200 = arith.constant 8 : i32
    "tpu.region"() ({
      %run_scoped3A = tpu.sem_alloc : memref<!tpu.dma_semaphore, #tpu.memory_space<semaphore_mem>>
      %dma_start3A_272 = arith.constant 96 : i32
      %dma_start3A_273 = arith.constant 0 : i32
      %dma_start3A_274 = tpu.memref_slice %arg3[%add3A, %dma_start3A_272, %dma_start3A_273] : memref<32x128x80xi32, #tpu.memory_space<hbm>> -> memref<1x32x80xi32, #tpu.memory_space<hbm>>
      %dma_start3A_275 = tpu.memref_squeeze %dma_start3A_274 : memref<1x32x80xi32, #tpu.memory_space<hbm>> -> memref<32x80xi32, #tpu.memory_space<hbm>>
      %dma_start3A_276 = arith.constant 96 : i32
      %dma_start3A_277 = arith.constant 0 : i32
      %dma_start3A_278 = tpu.memref_slice %arg3[%add3A, %dma_start3A_276, %dma_start3A_277] : memref<32x128x80xi32, #tpu.memory_space<hbm>> -> memref<1x32x80xi32, #tpu.memory_space<hbm>>
      %dma_start3A_279 = tpu.memref_squeeze %dma_start3A_278 : memref<1x32x80xi32, #tpu.memory_space<hbm>> -> memref<32x80xi32, #tpu.memory_space<hbm>>
      tpu.enqueue_dma source(%dma_start3A_279 : memref<32x80xi32, #tpu.memory_space<hbm>>) target(%arg7 : memref<32x80xi32, #tpu.memory_space<vmem>>) target_semaphore(%run_scoped3A : memref<!tpu.dma_semaphore, #tpu.memory_space<semaphore_mem>>)
      %dma_wait3A = arith.constant 96 : i32
      %dma_wait3A_280 = arith.constant 0 : i32
      %dma_wait3A_281 = tpu.memref_slice %arg3[%add3A, %dma_wait3A, %dma_wait3A_280] : memref<32x128x80xi32, #tpu.memory_space<hbm>> -> memref<1x32x80xi32, #tpu.memory_space<hbm>>
      %dma_wait3A_282 = tpu.memref_squeeze %dma_wait3A_281 : memref<1x32x80xi32, #tpu.memory_space<hbm>> -> memref<32x80xi32, #tpu.memory_space<hbm>>
      %dma_wait3A_283 = arith.constant 96 : i32
      %dma_wait3A_284 = arith.constant 0 : i32
      %dma_wait3A_285 = tpu.memref_slice %arg3[%add3A, %dma_wait3A_283, %dma_wait3A_284] : memref<32x128x80xi32, #tpu.memory_space<hbm>> -> memref<1x32x80xi32, #tpu.memory_space<hbm>>
      %dma_wait3A_286 = tpu.memref_squeeze %dma_wait3A_285 : memref<1x32x80xi32, #tpu.memory_space<hbm>> -> memref<32x80xi32, #tpu.memory_space<hbm>>
      tpu.wait_dma2 semaphore(%run_scoped3A : memref<!tpu.dma_semaphore, #tpu.memory_space<semaphore_mem>>) src(%dma_wait3A_286 : memref<32x80xi32, #tpu.memory_space<hbm>>) dst(%arg7 : memref<32x80xi32, #tpu.memory_space<vmem>>)
      tpu.yield
    }) : () -> ()
    "tpu.region"() ({
      %run_scoped3A = tpu.sem_alloc : memref<!tpu.dma_semaphore, #tpu.memory_space<semaphore_mem>>
      %dma_start3A_272 = arith.constant 96 : i32
      %dma_start3A_273 = arith.constant 0 : i32
      %dma_start3A_274 = tpu.memref_slice %arg4[%add3A, %dma_start3A_272, %dma_start3A_273] : memref<32x128x80xi32, #tpu.memory_space<hbm>> -> memref<1x32x80xi32, #tpu.memory_space<hbm>>
      %dma_start3A_275 = tpu.memref_squeeze %dma_start3A_274 : memref<1x32x80xi32, #tpu.memory_space<hbm>> -> memref<32x80xi32, #tpu.memory_space<hbm>>
      %dma_start3A_276 = arith.constant 96 : i32
      %dma_start3A_277 = arith.constant 0 : i32
      %dma_start3A_278 = tpu.memref_slice %arg4[%add3A, %dma_start3A_276, %dma_start3A_277] : memref<32x128x80xi32, #tpu.memory_space<hbm>> -> memref<1x32x80xi32, #tpu.memory_space<hbm>>
      %dma_start3A_279 = tpu.memref_squeeze %dma_start3A_278 : memref<1x32x80xi32, #tpu.memory_space<hbm>> -> memref<32x80xi32, #tpu.memory_space<hbm>>
      tpu.enqueue_dma source(%dma_start3A_279 : memref<32x80xi32, #tpu.memory_space<hbm>>) target(%arg8 : memref<32x80xi32, #tpu.memory_space<vmem>>) target_semaphore(%run_scoped3A : memref<!tpu.dma_semaphore, #tpu.memory_space<semaphore_mem>>)
      %dma_wait3A = arith.constant 96 : i32
      %dma_wait3A_280 = arith.constant 0 : i32
      %dma_wait3A_281 = tpu.memref_slice %arg4[%add3A, %dma_wait3A, %dma_wait3A_280] : memref<32x128x80xi32, #tpu.memory_space<hbm>> -> memref<1x32x80xi32, #tpu.memory_space<hbm>>
      %dma_wait3A_282 = tpu.memref_squeeze %dma_wait3A_281 : memref<1x32x80xi32, #tpu.memory_space<hbm>> -> memref<32x80xi32, #tpu.memory_space<hbm>>
      %dma_wait3A_283 = arith.constant 96 : i32
      %dma_wait3A_284 = arith.constant 0 : i32
      %dma_wait3A_285 = tpu.memref_slice %arg4[%add3A, %dma_wait3A_283, %dma_wait3A_284] : memref<32x128x80xi32, #tpu.memory_space<hbm>> -> memref<1x32x80xi32, #tpu.memory_space<hbm>>
      %dma_wait3A_286 = tpu.memref_squeeze %dma_wait3A_285 : memref<1x32x80xi32, #tpu.memory_space<hbm>> -> memref<32x80xi32, #tpu.memory_space<hbm>>
      tpu.wait_dma2 semaphore(%run_scoped3A : memref<!tpu.dma_semaphore, #tpu.memory_space<semaphore_mem>>) src(%dma_wait3A_286 : memref<32x80xi32, #tpu.memory_space<hbm>>) dst(%arg8 : memref<32x80xi32, #tpu.memory_space<vmem>>)
      tpu.yield
    }) : () -> ()
    %dma_start3A_201 = arith.constant 0 : i32
    %dma_start3A_202 = arith.constant 0 : i32
    %dma_start3A_203 = arith.constant 0 : i32
    %dma_start3A_204 = arith.constant 0 : i32
    %dma_start3A_205 = arith.constant 0 : i32
    %dma_start3A_206 = tpu.memref_slice %arg9[%dma_start3A_202, %dma_start3A_204, %dma_start3A_205] : memref<4x80x128xf32, #tpu.memory_space<vmem>> -> memref<1x80x128xf32, #tpu.memory_space<vmem>>
    %dma_start3A_207 = tpu.memref_squeeze %dma_start3A_206 : memref<1x80x128xf32, #tpu.memory_space<vmem>> -> memref<80x128xf32, #tpu.memory_space<vmem>>
    %dma_start3A_208 = arith.constant 0 : i32
    %dma_start3A_209 = tpu.memref_slice %arg7[%dma_start3A_201, %dma_start3A_208] : memref<32x80xi32, #tpu.memory_space<vmem>> -> memref<1x80xi32, #tpu.memory_space<vmem>>
    %dma_start3A_210 = tpu.memref_squeeze %dma_start3A_209 : memref<1x80xi32, #tpu.memory_space<vmem>> -> memref<80xi32, #tpu.memory_space<vmem>>
    %dma_start3A_211 = arith.constant 0 : i32
    %dma_start3A_212 = arith.constant 0 : i32
    %dma_start3A_213 = tpu.memref_slice %arg2[%dma_start3A_211, %dma_start3A_212] : memref<10000x128xf32, #tpu.memory_space<hbm>> -> memref<10000x128xf32, #tpu.memory_space<hbm>>
    %dma_start3A_214 = tpu.memref_slice %arg11[%dma_start3A_203] : memref<4x!tpu.dma_semaphore, #tpu.memory_space<semaphore_mem>> -> memref<1x!tpu.dma_semaphore, #tpu.memory_space<semaphore_mem>>
    %dma_start3A_215 = tpu.memref_squeeze %dma_start3A_214 : memref<1x!tpu.dma_semaphore, #tpu.memory_space<semaphore_mem>> -> memref<!tpu.dma_semaphore, #tpu.memory_space<semaphore_mem>>
    tpu.enqueue_indirect_dma source(%dma_start3A_213 : memref<10000x128xf32, #tpu.memory_space<hbm>>) target(%dma_start3A_207 : memref<80x128xf32, #tpu.memory_space<vmem>>) offsets(%dma_start3A_210 : memref<80xi32, #tpu.memory_space<vmem>>) semaphore(%dma_start3A_215 : memref<!tpu.dma_semaphore, #tpu.memory_space<semaphore_mem>>)
    %dma_start3A_216 = arith.constant 1 : i32
    %dma_start3A_217 = arith.constant 1 : i32
    %dma_start3A_218 = arith.constant 1 : i32
    %dma_start3A_219 = arith.constant 0 : i32
    %dma_start3A_220 = arith.constant 0 : i32
    %dma_start3A_221 = tpu.memref_slice %arg9[%dma_start3A_217, %dma_start3A_219, %dma_start3A_220] : memref<4x80x128xf32, #tpu.memory_space<vmem>> -> memref<1x80x128xf32, #tpu.memory_space<vmem>>
    %dma_start3A_222 = tpu.memref_squeeze %dma_start3A_221 : memref<1x80x128xf32, #tpu.memory_space<vmem>> -> memref<80x128xf32, #tpu.memory_space<vmem>>
    %dma_start3A_223 = arith.constant 0 : i32
    %dma_start3A_224 = tpu.memref_slice %arg7[%dma_start3A_216, %dma_start3A_223] : memref<32x80xi32, #tpu.memory_space<vmem>> -> memref<1x80xi32, #tpu.memory_space<vmem>>
    %dma_start3A_225 = tpu.memref_squeeze %dma_start3A_224 : memref<1x80xi32, #tpu.memory_space<vmem>> -> memref<80xi32, #tpu.memory_space<vmem>>
    %dma_start3A_226 = arith.constant 0 : i32
    %dma_start3A_227 = arith.constant 0 : i32
    %dma_start3A_228 = tpu.memref_slice %arg2[%dma_start3A_226, %dma_start3A_227] : memref<10000x128xf32, #tpu.memory_space<hbm>> -> memref<10000x128xf32, #tpu.memory_space<hbm>>
    %dma_start3A_229 = tpu.memref_slice %arg11[%dma_start3A_218] : memref<4x!tpu.dma_semaphore, #tpu.memory_space<semaphore_mem>> -> memref<1x!tpu.dma_semaphore, #tpu.memory_space<semaphore_mem>>
    %dma_start3A_230 = tpu.memref_squeeze %dma_start3A_229 : memref<1x!tpu.dma_semaphore, #tpu.memory_space<semaphore_mem>> -> memref<!tpu.dma_semaphore, #tpu.memory_space<semaphore_mem>>
    tpu.enqueue_indirect_dma source(%dma_start3A_228 : memref<10000x128xf32, #tpu.memory_space<hbm>>) target(%dma_start3A_222 : memref<80x128xf32, #tpu.memory_space<vmem>>) offsets(%dma_start3A_225 : memref<80xi32, #tpu.memory_space<vmem>>) semaphore(%dma_start3A_230 : memref<!tpu.dma_semaphore, #tpu.memory_space<semaphore_mem>>)
    %dma_start3A_231 = arith.constant 2 : i32
    %dma_start3A_232 = arith.constant 2 : i32
    %dma_start3A_233 = arith.constant 2 : i32
    %dma_start3A_234 = arith.constant 0 : i32
    %dma_start3A_235 = arith.constant 0 : i32
    %dma_start3A_236 = tpu.memref_slice %arg9[%dma_start3A_232, %dma_start3A_234, %dma_start3A_235] : memref<4x80x128xf32, #tpu.memory_space<vmem>> -> memref<1x80x128xf32, #tpu.memory_space<vmem>>
    %dma_start3A_237 = tpu.memref_squeeze %dma_start3A_236 : memref<1x80x128xf32, #tpu.memory_space<vmem>> -> memref<80x128xf32, #tpu.memory_space<vmem>>
    %dma_start3A_238 = arith.constant 0 : i32
    %dma_start3A_239 = tpu.memref_slice %arg7[%dma_start3A_231, %dma_start3A_238] : memref<32x80xi32, #tpu.memory_space<vmem>> -> memref<1x80xi32, #tpu.memory_space<vmem>>
    %dma_start3A_240 = tpu.memref_squeeze %dma_start3A_239 : memref<1x80xi32, #tpu.memory_space<vmem>> -> memref<80xi32, #tpu.memory_space<vmem>>
    %dma_start3A_241 = arith.constant 0 : i32
    %dma_start3A_242 = arith.constant 0 : i32
    %dma_start3A_243 = tpu.memref_slice %arg2[%dma_start3A_241, %dma_start3A_242] : memref<10000x128xf32, #tpu.memory_space<hbm>> -> memref<10000x128xf32, #tpu.memory_space<hbm>>
    %dma_start3A_244 = tpu.memref_slice %arg11[%dma_start3A_233] : memref<4x!tpu.dma_semaphore, #tpu.memory_space<semaphore_mem>> -> memref<1x!tpu.dma_semaphore, #tpu.memory_space<semaphore_mem>>
    %dma_start3A_245 = tpu.memref_squeeze %dma_start3A_244 : memref<1x!tpu.dma_semaphore, #tpu.memory_space<semaphore_mem>> -> memref<!tpu.dma_semaphore, #tpu.memory_space<semaphore_mem>>
    tpu.enqueue_indirect_dma source(%dma_start3A_243 : memref<10000x128xf32, #tpu.memory_space<hbm>>) target(%dma_start3A_237 : memref<80x128xf32, #tpu.memory_space<vmem>>) offsets(%dma_start3A_240 : memref<80xi32, #tpu.memory_space<vmem>>) semaphore(%dma_start3A_245 : memref<!tpu.dma_semaphore, #tpu.memory_space<semaphore_mem>>)
    %dma_start3A_246 = arith.constant 3 : i32
    %dma_start3A_247 = arith.constant 3 : i32
    %dma_start3A_248 = arith.constant 3 : i32
    %dma_start3A_249 = arith.constant 0 : i32
    %dma_start3A_250 = arith.constant 0 : i32
    %dma_start3A_251 = tpu.memref_slice %arg9[%dma_start3A_247, %dma_start3A_249, %dma_start3A_250] : memref<4x80x128xf32, #tpu.memory_space<vmem>> -> memref<1x80x128xf32, #tpu.memory_space<vmem>>
    %dma_start3A_252 = tpu.memref_squeeze %dma_start3A_251 : memref<1x80x128xf32, #tpu.memory_space<vmem>> -> memref<80x128xf32, #tpu.memory_space<vmem>>
    %dma_start3A_253 = arith.constant 0 : i32
    %dma_start3A_254 = tpu.memref_slice %arg7[%dma_start3A_246, %dma_start3A_253] : memref<32x80xi32, #tpu.memory_space<vmem>> -> memref<1x80xi32, #tpu.memory_space<vmem>>
    %dma_start3A_255 = tpu.memref_squeeze %dma_start3A_254 : memref<1x80xi32, #tpu.memory_space<vmem>> -> memref<80xi32, #tpu.memory_space<vmem>>
    %dma_start3A_256 = arith.constant 0 : i32
    %dma_start3A_257 = arith.constant 0 : i32
    %dma_start3A_258 = tpu.memref_slice %arg2[%dma_start3A_256, %dma_start3A_257] : memref<10000x128xf32, #tpu.memory_space<hbm>> -> memref<10000x128xf32, #tpu.memory_space<hbm>>
    %dma_start3A_259 = tpu.memref_slice %arg11[%dma_start3A_248] : memref<4x!tpu.dma_semaphore, #tpu.memory_space<semaphore_mem>> -> memref<1x!tpu.dma_semaphore, #tpu.memory_space<semaphore_mem>>
    %dma_start3A_260 = tpu.memref_squeeze %dma_start3A_259 : memref<1x!tpu.dma_semaphore, #tpu.memory_space<semaphore_mem>> -> memref<!tpu.dma_semaphore, #tpu.memory_space<semaphore_mem>>
    tpu.enqueue_indirect_dma source(%dma_start3A_258 : memref<10000x128xf32, #tpu.memory_space<hbm>>) target(%dma_start3A_252 : memref<80x128xf32, #tpu.memory_space<vmem>>) offsets(%dma_start3A_255 : memref<80xi32, #tpu.memory_space<vmem>>) semaphore(%dma_start3A_260 : memref<!tpu.dma_semaphore, #tpu.memory_space<semaphore_mem>>)
    %scan3A_261 = arith.constant 0 : i32
    %scan3A_262 = arith.constant 0 : i32
    %scan3A_263 = arith.constant 8 : i32
    %scan3A_264 = arith.addi %scan3A_262, %scan3A_263 : i32
    %scan3A_265 = arith.constant 1 : i32
    scf.for %scan3A_272 = %scan3A_262 to %scan3A_264 step %scan3A_265  : i32 {
      %mul3A_273 = arith.constant 4 : i32
      %mul3A_274 = arith.muli %mul3A_273, %scan3A_272 : i32
      %add3A_275 = arith.constant 0 : i32
      %add3A_276 = arith.addi %mul3A_274, %add3A_275 : i32
      %dma_wait3A = arith.constant 0 : i32
      %dma_wait3A_277 = arith.constant 0 : i32
      %dma_wait3A_278 = arith.constant 0 : i32
      %dma_wait3A_279 = arith.constant 0 : i32
      %dma_wait3A_280 = tpu.memref_slice %arg9[%dma_wait3A, %dma_wait3A_278, %dma_wait3A_279] : memref<4x80x128xf32, #tpu.memory_space<vmem>> -> memref<1x80x128xf32, #tpu.memory_space<vmem>>
      %dma_wait3A_281 = tpu.memref_squeeze %dma_wait3A_280 : memref<1x80x128xf32, #tpu.memory_space<vmem>> -> memref<80x128xf32, #tpu.memory_space<vmem>>
      %dma_wait3A_282 = arith.constant 0 : i32
      %dma_wait3A_283 = tpu.memref_slice %arg7[%add3A_276, %dma_wait3A_282] : memref<32x80xi32, #tpu.memory_space<vmem>> -> memref<1x80xi32, #tpu.memory_space<vmem>>
      %dma_wait3A_284 = tpu.memref_squeeze %dma_wait3A_283 : memref<1x80xi32, #tpu.memory_space<vmem>> -> memref<80xi32, #tpu.memory_space<vmem>>
      %dma_wait3A_285 = arith.constant 0 : i32
      %dma_wait3A_286 = arith.constant 0 : i32
      %dma_wait3A_287 = tpu.memref_slice %arg2[%dma_wait3A_285, %dma_wait3A_286] : memref<10000x128xf32, #tpu.memory_space<hbm>> -> memref<10000x128xf32, #tpu.memory_space<hbm>>
      %dma_wait3A_288 = tpu.memref_slice %arg11[%dma_wait3A_277] : memref<4x!tpu.dma_semaphore, #tpu.memory_space<semaphore_mem>> -> memref<1x!tpu.dma_semaphore, #tpu.memory_space<semaphore_mem>>
      %dma_wait3A_289 = tpu.memref_squeeze %dma_wait3A_288 : memref<1x!tpu.dma_semaphore, #tpu.memory_space<semaphore_mem>> -> memref<!tpu.dma_semaphore, #tpu.memory_space<semaphore_mem>>
      tpu.wait_indirect_dma semaphore(%dma_wait3A_289 : memref<!tpu.dma_semaphore, #tpu.memory_space<semaphore_mem>>) src(%dma_wait3A_287 : memref<10000x128xf32, #tpu.memory_space<hbm>>) dst(%dma_wait3A_281 : memref<80x128xf32, #tpu.memory_space<vmem>>)
      %dma_start3A_290 = arith.constant 0 : i32
      %dma_start3A_291 = arith.constant 0 : i32
      %dma_start3A_292 = arith.constant 0 : i32
      %dma_start3A_293 = arith.constant 0 : i32
      %dma_start3A_294 = tpu.memref_slice %arg9[%dma_start3A_290, %dma_start3A_292, %dma_start3A_293] : memref<4x80x128xf32, #tpu.memory_space<vmem>> -> memref<1x80x128xf32, #tpu.memory_space<vmem>>
      %dma_start3A_295 = tpu.memref_squeeze %dma_start3A_294 : memref<1x80x128xf32, #tpu.memory_space<vmem>> -> memref<80x128xf32, #tpu.memory_space<vmem>>
      %dma_start3A_296 = arith.constant 0 : i32
      %dma_start3A_297 = tpu.memref_slice %arg8[%add3A_276, %dma_start3A_296] : memref<32x80xi32, #tpu.memory_space<vmem>> -> memref<1x80xi32, #tpu.memory_space<vmem>>
      %dma_start3A_298 = tpu.memref_squeeze %dma_start3A_297 : memref<1x80xi32, #tpu.memory_space<vmem>> -> memref<80xi32, #tpu.memory_space<vmem>>
      %dma_start3A_299 = arith.constant 0 : i32
      %dma_start3A_300 = arith.constant 0 : i32
      %dma_start3A_301 = tpu.memref_slice %arg10[%dma_start3A_299, %dma_start3A_300] : memref<10240x128xf32, #tpu.memory_space<vmem_shared>> -> memref<10240x128xf32, #tpu.memory_space<vmem_shared>>
      %dma_start3A_302 = tpu.memref_slice %arg12[%dma_start3A_291] : memref<4x!tpu.dma_semaphore, #tpu.memory_space<semaphore_mem>> -> memref<1x!tpu.dma_semaphore, #tpu.memory_space<semaphore_mem>>
      %dma_start3A_303 = tpu.memref_squeeze %dma_start3A_302 : memref<1x!tpu.dma_semaphore, #tpu.memory_space<semaphore_mem>> -> memref<!tpu.dma_semaphore, #tpu.memory_space<semaphore_mem>>
      tpu.enqueue_indirect_dma source(%dma_start3A_295 : memref<80x128xf32, #tpu.memory_space<vmem>>) target(%dma_start3A_301 : memref<10240x128xf32, #tpu.memory_space<vmem_shared>>) offsets(%dma_start3A_298 : memref<80xi32, #tpu.memory_space<vmem>>) semaphore(%dma_start3A_303 : memref<!tpu.dma_semaphore, #tpu.memory_space<semaphore_mem>>) {add = true}
      %mul3A_304 = arith.constant 4 : i32
      %mul3A_305 = arith.muli %mul3A_304, %scan3A_272 : i32
      %add3A_306 = arith.constant 1 : i32
      %add3A_307 = arith.addi %mul3A_305, %add3A_306 : i32
      %dma_wait3A_308 = arith.constant 1 : i32
      %dma_wait3A_309 = arith.constant 1 : i32
      %dma_wait3A_310 = arith.constant 0 : i32
      %dma_wait3A_311 = arith.constant 0 : i32
      %dma_wait3A_312 = tpu.memref_slice %arg9[%dma_wait3A_308, %dma_wait3A_310, %dma_wait3A_311] : memref<4x80x128xf32, #tpu.memory_space<vmem>> -> memref<1x80x128xf32, #tpu.memory_space<vmem>>
      %dma_wait3A_313 = tpu.memref_squeeze %dma_wait3A_312 : memref<1x80x128xf32, #tpu.memory_space<vmem>> -> memref<80x128xf32, #tpu.memory_space<vmem>>
      %dma_wait3A_314 = arith.constant 0 : i32
      %dma_wait3A_315 = tpu.memref_slice %arg7[%add3A_307, %dma_wait3A_314] : memref<32x80xi32, #tpu.memory_space<vmem>> -> memref<1x80xi32, #tpu.memory_space<vmem>>
      %dma_wait3A_316 = tpu.memref_squeeze %dma_wait3A_315 : memref<1x80xi32, #tpu.memory_space<vmem>> -> memref<80xi32, #tpu.memory_space<vmem>>
      %dma_wait3A_317 = arith.constant 0 : i32
      %dma_wait3A_318 = arith.constant 0 : i32
      %dma_wait3A_319 = tpu.memref_slice %arg2[%dma_wait3A_317, %dma_wait3A_318] : memref<10000x128xf32, #tpu.memory_space<hbm>> -> memref<10000x128xf32, #tpu.memory_space<hbm>>
      %dma_wait3A_320 = tpu.memref_slice %arg11[%dma_wait3A_309] : memref<4x!tpu.dma_semaphore, #tpu.memory_space<semaphore_mem>> -> memref<1x!tpu.dma_semaphore, #tpu.memory_space<semaphore_mem>>
      %dma_wait3A_321 = tpu.memref_squeeze %dma_wait3A_320 : memref<1x!tpu.dma_semaphore, #tpu.memory_space<semaphore_mem>> -> memref<!tpu.dma_semaphore, #tpu.memory_space<semaphore_mem>>
      tpu.wait_indirect_dma semaphore(%dma_wait3A_321 : memref<!tpu.dma_semaphore, #tpu.memory_space<semaphore_mem>>) src(%dma_wait3A_319 : memref<10000x128xf32, #tpu.memory_space<hbm>>) dst(%dma_wait3A_313 : memref<80x128xf32, #tpu.memory_space<vmem>>)
      %dma_start3A_322 = arith.constant 1 : i32
      %dma_start3A_323 = arith.constant 1 : i32
      %dma_start3A_324 = arith.constant 0 : i32
      %dma_start3A_325 = arith.constant 0 : i32
      %dma_start3A_326 = tpu.memref_slice %arg9[%dma_start3A_322, %dma_start3A_324, %dma_start3A_325] : memref<4x80x128xf32, #tpu.memory_space<vmem>> -> memref<1x80x128xf32, #tpu.memory_space<vmem>>
      %dma_start3A_327 = tpu.memref_squeeze %dma_start3A_326 : memref<1x80x128xf32, #tpu.memory_space<vmem>> -> memref<80x128xf32, #tpu.memory_space<vmem>>
      %dma_start3A_328 = arith.constant 0 : i32
      %dma_start3A_329 = tpu.memref_slice %arg8[%add3A_307, %dma_start3A_328] : memref<32x80xi32, #tpu.memory_space<vmem>> -> memref<1x80xi32, #tpu.memory_space<vmem>>
      %dma_start3A_330 = tpu.memref_squeeze %dma_start3A_329 : memref<1x80xi32, #tpu.memory_space<vmem>> -> memref<80xi32, #tpu.memory_space<vmem>>
      %dma_start3A_331 = arith.constant 0 : i32
      %dma_start3A_332 = arith.constant 0 : i32
      %dma_start3A_333 = tpu.memref_slice %arg10[%dma_start3A_331, %dma_start3A_332] : memref<10240x128xf32, #tpu.memory_space<vmem_shared>> -> memref<10240x128xf32, #tpu.memory_space<vmem_shared>>
      %dma_start3A_334 = tpu.memref_slice %arg12[%dma_start3A_323] : memref<4x!tpu.dma_semaphore, #tpu.memory_space<semaphore_mem>> -> memref<1x!tpu.dma_semaphore, #tpu.memory_space<semaphore_mem>>
      %dma_start3A_335 = tpu.memref_squeeze %dma_start3A_334 : memref<1x!tpu.dma_semaphore, #tpu.memory_space<semaphore_mem>> -> memref<!tpu.dma_semaphore, #tpu.memory_space<semaphore_mem>>
      tpu.enqueue_indirect_dma source(%dma_start3A_327 : memref<80x128xf32, #tpu.memory_space<vmem>>) target(%dma_start3A_333 : memref<10240x128xf32, #tpu.memory_space<vmem_shared>>) offsets(%dma_start3A_330 : memref<80xi32, #tpu.memory_space<vmem>>) semaphore(%dma_start3A_335 : memref<!tpu.dma_semaphore, #tpu.memory_space<semaphore_mem>>) {add = true}
      %mul3A_336 = arith.constant 4 : i32
      %mul3A_337 = arith.muli %mul3A_336, %scan3A_272 : i32
      %add3A_338 = arith.constant 2 : i32
      %add3A_339 = arith.addi %mul3A_337, %add3A_338 : i32
      %dma_wait3A_340 = arith.constant 2 : i32
      %dma_wait3A_341 = arith.constant 2 : i32
      %dma_wait3A_342 = arith.constant 0 : i32
      %dma_wait3A_343 = arith.constant 0 : i32
      %dma_wait3A_344 = tpu.memref_slice %arg9[%dma_wait3A_340, %dma_wait3A_342, %dma_wait3A_343] : memref<4x80x128xf32, #tpu.memory_space<vmem>> -> memref<1x80x128xf32, #tpu.memory_space<vmem>>
      %dma_wait3A_345 = tpu.memref_squeeze %dma_wait3A_344 : memref<1x80x128xf32, #tpu.memory_space<vmem>> -> memref<80x128xf32, #tpu.memory_space<vmem>>
      %dma_wait3A_346 = arith.constant 0 : i32
      %dma_wait3A_347 = tpu.memref_slice %arg7[%add3A_339, %dma_wait3A_346] : memref<32x80xi32, #tpu.memory_space<vmem>> -> memref<1x80xi32, #tpu.memory_space<vmem>>
      %dma_wait3A_348 = tpu.memref_squeeze %dma_wait3A_347 : memref<1x80xi32, #tpu.memory_space<vmem>> -> memref<80xi32, #tpu.memory_space<vmem>>
      %dma_wait3A_349 = arith.constant 0 : i32
      %dma_wait3A_350 = arith.constant 0 : i32
      %dma_wait3A_351 = tpu.memref_slice %arg2[%dma_wait3A_349, %dma_wait3A_350] : memref<10000x128xf32, #tpu.memory_space<hbm>> -> memref<10000x128xf32, #tpu.memory_space<hbm>>
      %dma_wait3A_352 = tpu.memref_slice %arg11[%dma_wait3A_341] : memref<4x!tpu.dma_semaphore, #tpu.memory_space<semaphore_mem>> -> memref<1x!tpu.dma_semaphore, #tpu.memory_space<semaphore_mem>>
      %dma_wait3A_353 = tpu.memref_squeeze %dma_wait3A_352 : memref<1x!tpu.dma_semaphore, #tpu.memory_space<semaphore_mem>> -> memref<!tpu.dma_semaphore, #tpu.memory_space<semaphore_mem>>
      tpu.wait_indirect_dma semaphore(%dma_wait3A_353 : memref<!tpu.dma_semaphore, #tpu.memory_space<semaphore_mem>>) src(%dma_wait3A_351 : memref<10000x128xf32, #tpu.memory_space<hbm>>) dst(%dma_wait3A_345 : memref<80x128xf32, #tpu.memory_space<vmem>>)
      %dma_start3A_354 = arith.constant 2 : i32
      %dma_start3A_355 = arith.constant 2 : i32
      %dma_start3A_356 = arith.constant 0 : i32
      %dma_start3A_357 = arith.constant 0 : i32
      %dma_start3A_358 = tpu.memref_slice %arg9[%dma_start3A_354, %dma_start3A_356, %dma_start3A_357] : memref<4x80x128xf32, #tpu.memory_space<vmem>> -> memref<1x80x128xf32, #tpu.memory_space<vmem>>
      %dma_start3A_359 = tpu.memref_squeeze %dma_start3A_358 : memref<1x80x128xf32, #tpu.memory_space<vmem>> -> memref<80x128xf32, #tpu.memory_space<vmem>>
      %dma_start3A_360 = arith.constant 0 : i32
      %dma_start3A_361 = tpu.memref_slice %arg8[%add3A_339, %dma_start3A_360] : memref<32x80xi32, #tpu.memory_space<vmem>> -> memref<1x80xi32, #tpu.memory_space<vmem>>
      %dma_start3A_362 = tpu.memref_squeeze %dma_start3A_361 : memref<1x80xi32, #tpu.memory_space<vmem>> -> memref<80xi32, #tpu.memory_space<vmem>>
      %dma_start3A_363 = arith.constant 0 : i32
      %dma_start3A_364 = arith.constant 0 : i32
      %dma_start3A_365 = tpu.memref_slice %arg10[%dma_start3A_363, %dma_start3A_364] : memref<10240x128xf32, #tpu.memory_space<vmem_shared>> -> memref<10240x128xf32, #tpu.memory_space<vmem_shared>>
      %dma_start3A_366 = tpu.memref_slice %arg12[%dma_start3A_355] : memref<4x!tpu.dma_semaphore, #tpu.memory_space<semaphore_mem>> -> memref<1x!tpu.dma_semaphore, #tpu.memory_space<semaphore_mem>>
      %dma_start3A_367 = tpu.memref_squeeze %dma_start3A_366 : memref<1x!tpu.dma_semaphore, #tpu.memory_space<semaphore_mem>> -> memref<!tpu.dma_semaphore, #tpu.memory_space<semaphore_mem>>
      tpu.enqueue_indirect_dma source(%dma_start3A_359 : memref<80x128xf32, #tpu.memory_space<vmem>>) target(%dma_start3A_365 : memref<10240x128xf32, #tpu.memory_space<vmem_shared>>) offsets(%dma_start3A_362 : memref<80xi32, #tpu.memory_space<vmem>>) semaphore(%dma_start3A_367 : memref<!tpu.dma_semaphore, #tpu.memory_space<semaphore_mem>>) {add = true}
      %mul3A_368 = arith.constant 4 : i32
      %mul3A_369 = arith.muli %mul3A_368, %scan3A_272 : i32
      %add3A_370 = arith.constant 3 : i32
      %add3A_371 = arith.addi %mul3A_369, %add3A_370 : i32
      %dma_wait3A_372 = arith.constant 3 : i32
      %dma_wait3A_373 = arith.constant 3 : i32
      %dma_wait3A_374 = arith.constant 0 : i32
      %dma_wait3A_375 = arith.constant 0 : i32
      %dma_wait3A_376 = tpu.memref_slice %arg9[%dma_wait3A_372, %dma_wait3A_374, %dma_wait3A_375] : memref<4x80x128xf32, #tpu.memory_space<vmem>> -> memref<1x80x128xf32, #tpu.memory_space<vmem>>
      %dma_wait3A_377 = tpu.memref_squeeze %dma_wait3A_376 : memref<1x80x128xf32, #tpu.memory_space<vmem>> -> memref<80x128xf32, #tpu.memory_space<vmem>>
      %dma_wait3A_378 = arith.constant 0 : i32
      %dma_wait3A_379 = tpu.memref_slice %arg7[%add3A_371, %dma_wait3A_378] : memref<32x80xi32, #tpu.memory_space<vmem>> -> memref<1x80xi32, #tpu.memory_space<vmem>>
      %dma_wait3A_380 = tpu.memref_squeeze %dma_wait3A_379 : memref<1x80xi32, #tpu.memory_space<vmem>> -> memref<80xi32, #tpu.memory_space<vmem>>
      %dma_wait3A_381 = arith.constant 0 : i32
      %dma_wait3A_382 = arith.constant 0 : i32
      %dma_wait3A_383 = tpu.memref_slice %arg2[%dma_wait3A_381, %dma_wait3A_382] : memref<10000x128xf32, #tpu.memory_space<hbm>> -> memref<10000x128xf32, #tpu.memory_space<hbm>>
      %dma_wait3A_384 = tpu.memref_slice %arg11[%dma_wait3A_373] : memref<4x!tpu.dma_semaphore, #tpu.memory_space<semaphore_mem>> -> memref<1x!tpu.dma_semaphore, #tpu.memory_space<semaphore_mem>>
      %dma_wait3A_385 = tpu.memref_squeeze %dma_wait3A_384 : memref<1x!tpu.dma_semaphore, #tpu.memory_space<semaphore_mem>> -> memref<!tpu.dma_semaphore, #tpu.memory_space<semaphore_mem>>
      tpu.wait_indirect_dma semaphore(%dma_wait3A_385 : memref<!tpu.dma_semaphore, #tpu.memory_space<semaphore_mem>>) src(%dma_wait3A_383 : memref<10000x128xf32, #tpu.memory_space<hbm>>) dst(%dma_wait3A_377 : memref<80x128xf32, #tpu.memory_space<vmem>>)
      %dma_start3A_386 = arith.constant 3 : i32
      %dma_start3A_387 = arith.constant 3 : i32
      %dma_start3A_388 = arith.constant 0 : i32
      %dma_start3A_389 = arith.constant 0 : i32
      %dma_start3A_390 = tpu.memref_slice %arg9[%dma_start3A_386, %dma_start3A_388, %dma_start3A_389] : memref<4x80x128xf32, #tpu.memory_space<vmem>> -> memref<1x80x128xf32, #tpu.memory_space<vmem>>
      %dma_start3A_391 = tpu.memref_squeeze %dma_start3A_390 : memref<1x80x128xf32, #tpu.memory_space<vmem>> -> memref<80x128xf32, #tpu.memory_space<vmem>>
      %dma_start3A_392 = arith.constant 0 : i32
      %dma_start3A_393 = tpu.memref_slice %arg8[%add3A_371, %dma_start3A_392] : memref<32x80xi32, #tpu.memory_space<vmem>> -> memref<1x80xi32, #tpu.memory_space<vmem>>
      %dma_start3A_394 = tpu.memref_squeeze %dma_start3A_393 : memref<1x80xi32, #tpu.memory_space<vmem>> -> memref<80xi32, #tpu.memory_space<vmem>>
      %dma_start3A_395 = arith.constant 0 : i32
      %dma_start3A_396 = arith.constant 0 : i32
      %dma_start3A_397 = tpu.memref_slice %arg10[%dma_start3A_395, %dma_start3A_396] : memref<10240x128xf32, #tpu.memory_space<vmem_shared>> -> memref<10240x128xf32, #tpu.memory_space<vmem_shared>>
      %dma_start3A_398 = tpu.memref_slice %arg12[%dma_start3A_387] : memref<4x!tpu.dma_semaphore, #tpu.memory_space<semaphore_mem>> -> memref<1x!tpu.dma_semaphore, #tpu.memory_space<semaphore_mem>>
      %dma_start3A_399 = tpu.memref_squeeze %dma_start3A_398 : memref<1x!tpu.dma_semaphore, #tpu.memory_space<semaphore_mem>> -> memref<!tpu.dma_semaphore, #tpu.memory_space<semaphore_mem>>
      tpu.enqueue_indirect_dma source(%dma_start3A_391 : memref<80x128xf32, #tpu.memory_space<vmem>>) target(%dma_start3A_397 : memref<10240x128xf32, #tpu.memory_space<vmem_shared>>) offsets(%dma_start3A_394 : memref<80xi32, #tpu.memory_space<vmem>>) semaphore(%dma_start3A_399 : memref<!tpu.dma_semaphore, #tpu.memory_space<semaphore_mem>>) {add = true}
      %mul3A_400 = arith.constant 4 : i32
      %mul3A_401 = arith.muli %mul3A_400, %scan3A_272 : i32
      %add3A_402 = arith.constant 0 : i32
      %add3A_403 = arith.addi %mul3A_401, %add3A_402 : i32
      %dma_wait3A_404 = arith.constant 0 : i32
      %dma_wait3A_405 = arith.constant 0 : i32
      %dma_wait3A_406 = arith.constant 0 : i32
      %dma_wait3A_407 = arith.constant 0 : i32
      %dma_wait3A_408 = tpu.memref_slice %arg9[%dma_wait3A_404, %dma_wait3A_406, %dma_wait3A_407] : memref<4x80x128xf32, #tpu.memory_space<vmem>> -> memref<1x80x128xf32, #tpu.memory_space<vmem>>
      %dma_wait3A_409 = tpu.memref_squeeze %dma_wait3A_408 : memref<1x80x128xf32, #tpu.memory_space<vmem>> -> memref<80x128xf32, #tpu.memory_space<vmem>>
      %dma_wait3A_410 = arith.constant 0 : i32
      %dma_wait3A_411 = tpu.memref_slice %arg8[%add3A_403, %dma_wait3A_410] : memref<32x80xi32, #tpu.memory_space<vmem>> -> memref<1x80xi32, #tpu.memory_space<vmem>>
      %dma_wait3A_412 = tpu.memref_squeeze %dma_wait3A_411 : memref<1x80xi32, #tpu.memory_space<vmem>> -> memref<80xi32, #tpu.memory_space<vmem>>
      %dma_wait3A_413 = arith.constant 0 : i32
      %dma_wait3A_414 = arith.constant 0 : i32
      %dma_wait3A_415 = tpu.memref_slice %arg10[%dma_wait3A_413, %dma_wait3A_414] : memref<10240x128xf32, #tpu.memory_space<vmem_shared>> -> memref<10240x128xf32, #tpu.memory_space<vmem_shared>>
      %dma_wait3A_416 = tpu.memref_slice %arg12[%dma_wait3A_405] : memref<4x!tpu.dma_semaphore, #tpu.memory_space<semaphore_mem>> -> memref<1x!tpu.dma_semaphore, #tpu.memory_space<semaphore_mem>>
      %dma_wait3A_417 = tpu.memref_squeeze %dma_wait3A_416 : memref<1x!tpu.dma_semaphore, #tpu.memory_space<semaphore_mem>> -> memref<!tpu.dma_semaphore, #tpu.memory_space<semaphore_mem>>
      tpu.wait_indirect_dma semaphore(%dma_wait3A_417 : memref<!tpu.dma_semaphore, #tpu.memory_space<semaphore_mem>>) src(%dma_wait3A_409 : memref<80x128xf32, #tpu.memory_space<vmem>>) dst(%dma_wait3A_415 : memref<10240x128xf32, #tpu.memory_space<vmem_shared>>)
      %add3A_418 = arith.constant 1 : i32
      %add3A_419 = arith.addi %scan3A_272, %add3A_418 : i32
      %lt3A = arith.constant 8 : i32
      %lt3A_420 = arith.cmpi slt, %add3A_419, %lt3A : i32
      %convert_element_type3A = arith.extui %lt3A_420 : i1 to i32
      %cond3A = arith.constant 0 : i32
      %cond3A_421 = arith.cmpi ne, %convert_element_type3A, %cond3A : i32
      scf.if %cond3A_421 {
        %add3A_497 = arith.constant 4 : i32
        %add3A_498 = arith.addi %add3A_403, %add3A_497 : i32
        %dma_start3A_499 = arith.constant 0 : i32
        %dma_start3A_500 = arith.constant 0 : i32
        %dma_start3A_501 = arith.constant 0 : i32
        %dma_start3A_502 = arith.constant 0 : i32
        %dma_start3A_503 = tpu.memref_slice %arg9[%dma_start3A_499, %dma_start3A_501, %dma_start3A_502] : memref<4x80x128xf32, #tpu.memory_space<vmem>> -> memref<1x80x128xf32, #tpu.memory_space<vmem>>
        %dma_start3A_504 = tpu.memref_squeeze %dma_start3A_503 : memref<1x80x128xf32, #tpu.memory_space<vmem>> -> memref<80x128xf32, #tpu.memory_space<vmem>>
        %dma_start3A_505 = arith.constant 0 : i32
        %dma_start3A_506 = tpu.memref_slice %arg7[%add3A_498, %dma_start3A_505] : memref<32x80xi32, #tpu.memory_space<vmem>> -> memref<1x80xi32, #tpu.memory_space<vmem>>
        %dma_start3A_507 = tpu.memref_squeeze %dma_start3A_506 : memref<1x80xi32, #tpu.memory_space<vmem>> -> memref<80xi32, #tpu.memory_space<vmem>>
        %dma_start3A_508 = arith.constant 0 : i32
        %dma_start3A_509 = arith.constant 0 : i32
        %dma_start3A_510 = tpu.memref_slice %arg2[%dma_start3A_508, %dma_start3A_509] : memref<10000x128xf32, #tpu.memory_space<hbm>> -> memref<10000x128xf32, #tpu.memory_space<hbm>>
        %dma_start3A_511 = tpu.memref_slice %arg11[%dma_start3A_500] : memref<4x!tpu.dma_semaphore, #tpu.memory_space<semaphore_mem>> -> memref<1x!tpu.dma_semaphore, #tpu.memory_space<semaphore_mem>>
        %dma_start3A_512 = tpu.memref_squeeze %dma_start3A_511 : memref<1x!tpu.dma_semaphore, #tpu.memory_space<semaphore_mem>> -> memref<!tpu.dma_semaphore, #tpu.memory_space<semaphore_mem>>
        tpu.enqueue_indirect_dma source(%dma_start3A_510 : memref<10000x128xf32, #tpu.memory_space<hbm>>) target(%dma_start3A_504 : memref<80x128xf32, #tpu.memory_space<vmem>>) offsets(%dma_start3A_507 : memref<80xi32, #tpu.memory_space<vmem>>) semaphore(%dma_start3A_512 : memref<!tpu.dma_semaphore, #tpu.memory_space<semaphore_mem>>)
      } else {
      }
      %mul3A_422 = arith.constant 4 : i32
      %mul3A_423 = arith.muli %mul3A_422, %scan3A_272 : i32
      %add3A_424 = arith.constant 1 : i32
      %add3A_425 = arith.addi %mul3A_423, %add3A_424 : i32
      %dma_wait3A_426 = arith.constant 1 : i32
      %dma_wait3A_427 = arith.constant 1 : i32
      %dma_wait3A_428 = arith.constant 0 : i32
      %dma_wait3A_429 = arith.constant 0 : i32
      %dma_wait3A_430 = tpu.memref_slice %arg9[%dma_wait3A_426, %dma_wait3A_428, %dma_wait3A_429] : memref<4x80x128xf32, #tpu.memory_space<vmem>> -> memref<1x80x128xf32, #tpu.memory_space<vmem>>
      %dma_wait3A_431 = tpu.memref_squeeze %dma_wait3A_430 : memref<1x80x128xf32, #tpu.memory_space<vmem>> -> memref<80x128xf32, #tpu.memory_space<vmem>>
      %dma_wait3A_432 = arith.constant 0 : i32
      %dma_wait3A_433 = tpu.memref_slice %arg8[%add3A_425, %dma_wait3A_432] : memref<32x80xi32, #tpu.memory_space<vmem>> -> memref<1x80xi32, #tpu.memory_space<vmem>>
      %dma_wait3A_434 = tpu.memref_squeeze %dma_wait3A_433 : memref<1x80xi32, #tpu.memory_space<vmem>> -> memref<80xi32, #tpu.memory_space<vmem>>
      %dma_wait3A_435 = arith.constant 0 : i32
      %dma_wait3A_436 = arith.constant 0 : i32
      %dma_wait3A_437 = tpu.memref_slice %arg10[%dma_wait3A_435, %dma_wait3A_436] : memref<10240x128xf32, #tpu.memory_space<vmem_shared>> -> memref<10240x128xf32, #tpu.memory_space<vmem_shared>>
      %dma_wait3A_438 = tpu.memref_slice %arg12[%dma_wait3A_427] : memref<4x!tpu.dma_semaphore, #tpu.memory_space<semaphore_mem>> -> memref<1x!tpu.dma_semaphore, #tpu.memory_space<semaphore_mem>>
      %dma_wait3A_439 = tpu.memref_squeeze %dma_wait3A_438 : memref<1x!tpu.dma_semaphore, #tpu.memory_space<semaphore_mem>> -> memref<!tpu.dma_semaphore, #tpu.memory_space<semaphore_mem>>
      tpu.wait_indirect_dma semaphore(%dma_wait3A_439 : memref<!tpu.dma_semaphore, #tpu.memory_space<semaphore_mem>>) src(%dma_wait3A_431 : memref<80x128xf32, #tpu.memory_space<vmem>>) dst(%dma_wait3A_437 : memref<10240x128xf32, #tpu.memory_space<vmem_shared>>)
      %add3A_440 = arith.constant 1 : i32
      %add3A_441 = arith.addi %scan3A_272, %add3A_440 : i32
      %lt3A_442 = arith.constant 8 : i32
      %lt3A_443 = arith.cmpi slt, %add3A_441, %lt3A_442 : i32
      %convert_element_type3A_444 = arith.extui %lt3A_443 : i1 to i32
      %cond3A_445 = arith.constant 0 : i32
      %cond3A_446 = arith.cmpi ne, %convert_element_type3A_444, %cond3A_445 : i32
      scf.if %cond3A_446 {
        %add3A_497 = arith.constant 4 : i32
        %add3A_498 = arith.addi %add3A_425, %add3A_497 : i32
        %dma_start3A_499 = arith.constant 1 : i32
        %dma_start3A_500 = arith.constant 1 : i32
        %dma_start3A_501 = arith.constant 0 : i32
        %dma_start3A_502 = arith.constant 0 : i32
        %dma_start3A_503 = tpu.memref_slice %arg9[%dma_start3A_499, %dma_start3A_501, %dma_start3A_502] : memref<4x80x128xf32, #tpu.memory_space<vmem>> -> memref<1x80x128xf32, #tpu.memory_space<vmem>>
        %dma_start3A_504 = tpu.memref_squeeze %dma_start3A_503 : memref<1x80x128xf32, #tpu.memory_space<vmem>> -> memref<80x128xf32, #tpu.memory_space<vmem>>
        %dma_start3A_505 = arith.constant 0 : i32
        %dma_start3A_506 = tpu.memref_slice %arg7[%add3A_498, %dma_start3A_505] : memref<32x80xi32, #tpu.memory_space<vmem>> -> memref<1x80xi32, #tpu.memory_space<vmem>>
        %dma_start3A_507 = tpu.memref_squeeze %dma_start3A_506 : memref<1x80xi32, #tpu.memory_space<vmem>> -> memref<80xi32, #tpu.memory_space<vmem>>
        %dma_start3A_508 = arith.constant 0 : i32
        %dma_start3A_509 = arith.constant 0 : i32
        %dma_start3A_510 = tpu.memref_slice %arg2[%dma_start3A_508, %dma_start3A_509] : memref<10000x128xf32, #tpu.memory_space<hbm>> -> memref<10000x128xf32, #tpu.memory_space<hbm>>
        %dma_start3A_511 = tpu.memref_slice %arg11[%dma_start3A_500] : memref<4x!tpu.dma_semaphore, #tpu.memory_space<semaphore_mem>> -> memref<1x!tpu.dma_semaphore, #tpu.memory_space<semaphore_mem>>
        %dma_start3A_512 = tpu.memref_squeeze %dma_start3A_511 : memref<1x!tpu.dma_semaphore, #tpu.memory_space<semaphore_mem>> -> memref<!tpu.dma_semaphore, #tpu.memory_space<semaphore_mem>>
        tpu.enqueue_indirect_dma source(%dma_start3A_510 : memref<10000x128xf32, #tpu.memory_space<hbm>>) target(%dma_start3A_504 : memref<80x128xf32, #tpu.memory_space<vmem>>) offsets(%dma_start3A_507 : memref<80xi32, #tpu.memory_space<vmem>>) semaphore(%dma_start3A_512 : memref<!tpu.dma_semaphore, #tpu.memory_space<semaphore_mem>>)
      } else {
      }
      %mul3A_447 = arith.constant 4 : i32
      %mul3A_448 = arith.muli %mul3A_447, %scan3A_272 : i32
      %add3A_449 = arith.constant 2 : i32
      %add3A_450 = arith.addi %mul3A_448, %add3A_449 : i32
      %dma_wait3A_451 = arith.constant 2 : i32
      %dma_wait3A_452 = arith.constant 2 : i32
      %dma_wait3A_453 = arith.constant 0 : i32
      %dma_wait3A_454 = arith.constant 0 : i32
      %dma_wait3A_455 = tpu.memref_slice %arg9[%dma_wait3A_451, %dma_wait3A_453, %dma_wait3A_454] : memref<4x80x128xf32, #tpu.memory_space<vmem>> -> memref<1x80x128xf32, #tpu.memory_space<vmem>>
      %dma_wait3A_456 = tpu.memref_squeeze %dma_wait3A_455 : memref<1x80x128xf32, #tpu.memory_space<vmem>> -> memref<80x128xf32, #tpu.memory_space<vmem>>
      %dma_wait3A_457 = arith.constant 0 : i32
      %dma_wait3A_458 = tpu.memref_slice %arg8[%add3A_450, %dma_wait3A_457] : memref<32x80xi32, #tpu.memory_space<vmem>> -> memref<1x80xi32, #tpu.memory_space<vmem>>
      %dma_wait3A_459 = tpu.memref_squeeze %dma_wait3A_458 : memref<1x80xi32, #tpu.memory_space<vmem>> -> memref<80xi32, #tpu.memory_space<vmem>>
      %dma_wait3A_460 = arith.constant 0 : i32
      %dma_wait3A_461 = arith.constant 0 : i32
      %dma_wait3A_462 = tpu.memref_slice %arg10[%dma_wait3A_460, %dma_wait3A_461] : memref<10240x128xf32, #tpu.memory_space<vmem_shared>> -> memref<10240x128xf32, #tpu.memory_space<vmem_shared>>
      %dma_wait3A_463 = tpu.memref_slice %arg12[%dma_wait3A_452] : memref<4x!tpu.dma_semaphore, #tpu.memory_space<semaphore_mem>> -> memref<1x!tpu.dma_semaphore, #tpu.memory_space<semaphore_mem>>
      %dma_wait3A_464 = tpu.memref_squeeze %dma_wait3A_463 : memref<1x!tpu.dma_semaphore, #tpu.memory_space<semaphore_mem>> -> memref<!tpu.dma_semaphore, #tpu.memory_space<semaphore_mem>>
      tpu.wait_indirect_dma semaphore(%dma_wait3A_464 : memref<!tpu.dma_semaphore, #tpu.memory_space<semaphore_mem>>) src(%dma_wait3A_456 : memref<80x128xf32, #tpu.memory_space<vmem>>) dst(%dma_wait3A_462 : memref<10240x128xf32, #tpu.memory_space<vmem_shared>>)
      %add3A_465 = arith.constant 1 : i32
      %add3A_466 = arith.addi %scan3A_272, %add3A_465 : i32
      %lt3A_467 = arith.constant 8 : i32
      %lt3A_468 = arith.cmpi slt, %add3A_466, %lt3A_467 : i32
      %convert_element_type3A_469 = arith.extui %lt3A_468 : i1 to i32
      %cond3A_470 = arith.constant 0 : i32
      %cond3A_471 = arith.cmpi ne, %convert_element_type3A_469, %cond3A_470 : i32
      scf.if %cond3A_471 {
        %add3A_497 = arith.constant 4 : i32
        %add3A_498 = arith.addi %add3A_450, %add3A_497 : i32
        %dma_start3A_499 = arith.constant 2 : i32
        %dma_start3A_500 = arith.constant 2 : i32
        %dma_start3A_501 = arith.constant 0 : i32
        %dma_start3A_502 = arith.constant 0 : i32
        %dma_start3A_503 = tpu.memref_slice %arg9[%dma_start3A_499, %dma_start3A_501, %dma_start3A_502] : memref<4x80x128xf32, #tpu.memory_space<vmem>> -> memref<1x80x128xf32, #tpu.memory_space<vmem>>
        %dma_start3A_504 = tpu.memref_squeeze %dma_start3A_503 : memref<1x80x128xf32, #tpu.memory_space<vmem>> -> memref<80x128xf32, #tpu.memory_space<vmem>>
        %dma_start3A_505 = arith.constant 0 : i32
        %dma_start3A_506 = tpu.memref_slice %arg7[%add3A_498, %dma_start3A_505] : memref<32x80xi32, #tpu.memory_space<vmem>> -> memref<1x80xi32, #tpu.memory_space<vmem>>
        %dma_start3A_507 = tpu.memref_squeeze %dma_start3A_506 : memref<1x80xi32, #tpu.memory_space<vmem>> -> memref<80xi32, #tpu.memory_space<vmem>>
        %dma_start3A_508 = arith.constant 0 : i32
        %dma_start3A_509 = arith.constant 0 : i32
        %dma_start3A_510 = tpu.memref_slice %arg2[%dma_start3A_508, %dma_start3A_509] : memref<10000x128xf32, #tpu.memory_space<hbm>> -> memref<10000x128xf32, #tpu.memory_space<hbm>>
        %dma_start3A_511 = tpu.memref_slice %arg11[%dma_start3A_500] : memref<4x!tpu.dma_semaphore, #tpu.memory_space<semaphore_mem>> -> memref<1x!tpu.dma_semaphore, #tpu.memory_space<semaphore_mem>>
        %dma_start3A_512 = tpu.memref_squeeze %dma_start3A_511 : memref<1x!tpu.dma_semaphore, #tpu.memory_space<semaphore_mem>> -> memref<!tpu.dma_semaphore, #tpu.memory_space<semaphore_mem>>
        tpu.enqueue_indirect_dma source(%dma_start3A_510 : memref<10000x128xf32, #tpu.memory_space<hbm>>) target(%dma_start3A_504 : memref<80x128xf32, #tpu.memory_space<vmem>>) offsets(%dma_start3A_507 : memref<80xi32, #tpu.memory_space<vmem>>) semaphore(%dma_start3A_512 : memref<!tpu.dma_semaphore, #tpu.memory_space<semaphore_mem>>)
      } else {
      }
      %mul3A_472 = arith.constant 4 : i32
      %mul3A_473 = arith.muli %mul3A_472, %scan3A_272 : i32
      %add3A_474 = arith.constant 3 : i32
      %add3A_475 = arith.addi %mul3A_473, %add3A_474 : i32
      %dma_wait3A_476 = arith.constant 3 : i32
      %dma_wait3A_477 = arith.constant 3 : i32
      %dma_wait3A_478 = arith.constant 0 : i32
      %dma_wait3A_479 = arith.constant 0 : i32
      %dma_wait3A_480 = tpu.memref_slice %arg9[%dma_wait3A_476, %dma_wait3A_478, %dma_wait3A_479] : memref<4x80x128xf32, #tpu.memory_space<vmem>> -> memref<1x80x128xf32, #tpu.memory_space<vmem>>
      %dma_wait3A_481 = tpu.memref_squeeze %dma_wait3A_480 : memref<1x80x128xf32, #tpu.memory_space<vmem>> -> memref<80x128xf32, #tpu.memory_space<vmem>>
      %dma_wait3A_482 = arith.constant 0 : i32
      %dma_wait3A_483 = tpu.memref_slice %arg8[%add3A_475, %dma_wait3A_482] : memref<32x80xi32, #tpu.memory_space<vmem>> -> memref<1x80xi32, #tpu.memory_space<vmem>>
      %dma_wait3A_484 = tpu.memref_squeeze %dma_wait3A_483 : memref<1x80xi32, #tpu.memory_space<vmem>> -> memref<80xi32, #tpu.memory_space<vmem>>
      %dma_wait3A_485 = arith.constant 0 : i32
      %dma_wait3A_486 = arith.constant 0 : i32
      %dma_wait3A_487 = tpu.memref_slice %arg10[%dma_wait3A_485, %dma_wait3A_486] : memref<10240x128xf32, #tpu.memory_space<vmem_shared>> -> memref<10240x128xf32, #tpu.memory_space<vmem_shared>>
      %dma_wait3A_488 = tpu.memref_slice %arg12[%dma_wait3A_477] : memref<4x!tpu.dma_semaphore, #tpu.memory_space<semaphore_mem>> -> memref<1x!tpu.dma_semaphore, #tpu.memory_space<semaphore_mem>>
      %dma_wait3A_489 = tpu.memref_squeeze %dma_wait3A_488 : memref<1x!tpu.dma_semaphore, #tpu.memory_space<semaphore_mem>> -> memref<!tpu.dma_semaphore, #tpu.memory_space<semaphore_mem>>
      tpu.wait_indirect_dma semaphore(%dma_wait3A_489 : memref<!tpu.dma_semaphore, #tpu.memory_space<semaphore_mem>>) src(%dma_wait3A_481 : memref<80x128xf32, #tpu.memory_space<vmem>>) dst(%dma_wait3A_487 : memref<10240x128xf32, #tpu.memory_space<vmem_shared>>)
      %add3A_490 = arith.constant 1 : i32
      %add3A_491 = arith.addi %scan3A_272, %add3A_490 : i32
      %lt3A_492 = arith.constant 8 : i32
      %lt3A_493 = arith.cmpi slt, %add3A_491, %lt3A_492 : i32
      %convert_element_type3A_494 = arith.extui %lt3A_493 : i1 to i32
      %cond3A_495 = arith.constant 0 : i32
      %cond3A_496 = arith.cmpi ne, %convert_element_type3A_494, %cond3A_495 : i32
      scf.if %cond3A_496 {
        %add3A_497 = arith.constant 4 : i32
        %add3A_498 = arith.addi %add3A_475, %add3A_497 : i32
        %dma_start3A_499 = arith.constant 3 : i32
        %dma_start3A_500 = arith.constant 3 : i32
        %dma_start3A_501 = arith.constant 0 : i32
        %dma_start3A_502 = arith.constant 0 : i32
        %dma_start3A_503 = tpu.memref_slice %arg9[%dma_start3A_499, %dma_start3A_501, %dma_start3A_502] : memref<4x80x128xf32, #tpu.memory_space<vmem>> -> memref<1x80x128xf32, #tpu.memory_space<vmem>>
        %dma_start3A_504 = tpu.memref_squeeze %dma_start3A_503 : memref<1x80x128xf32, #tpu.memory_space<vmem>> -> memref<80x128xf32, #tpu.memory_space<vmem>>
        %dma_start3A_505 = arith.constant 0 : i32
        %dma_start3A_506 = tpu.memref_slice %arg7[%add3A_498, %dma_start3A_505] : memref<32x80xi32, #tpu.memory_space<vmem>> -> memref<1x80xi32, #tpu.memory_space<vmem>>
        %dma_start3A_507 = tpu.memref_squeeze %dma_start3A_506 : memref<1x80xi32, #tpu.memory_space<vmem>> -> memref<80xi32, #tpu.memory_space<vmem>>
        %dma_start3A_508 = arith.constant 0 : i32
        %dma_start3A_509 = arith.constant 0 : i32
        %dma_start3A_510 = tpu.memref_slice %arg2[%dma_start3A_508, %dma_start3A_509] : memref<10000x128xf32, #tpu.memory_space<hbm>> -> memref<10000x128xf32, #tpu.memory_space<hbm>>
        %dma_start3A_511 = tpu.memref_slice %arg11[%dma_start3A_500] : memref<4x!tpu.dma_semaphore, #tpu.memory_space<semaphore_mem>> -> memref<1x!tpu.dma_semaphore, #tpu.memory_space<semaphore_mem>>
        %dma_start3A_512 = tpu.memref_squeeze %dma_start3A_511 : memref<1x!tpu.dma_semaphore, #tpu.memory_space<semaphore_mem>> -> memref<!tpu.dma_semaphore, #tpu.memory_space<semaphore_mem>>
        tpu.enqueue_indirect_dma source(%dma_start3A_510 : memref<10000x128xf32, #tpu.memory_space<hbm>>) target(%dma_start3A_504 : memref<80x128xf32, #tpu.memory_space<vmem>>) offsets(%dma_start3A_507 : memref<80xi32, #tpu.memory_space<vmem>>) semaphore(%dma_start3A_512 : memref<!tpu.dma_semaphore, #tpu.memory_space<semaphore_mem>>)
      } else {
      }
    }
    %scan3A_266 = arith.constant 8 : i32
    %barrier3A_267 = arith.constant 0 : index
    tpu.barrier barrier_id(%barrier3A_267)
    %mul3A_268 = arith.constant 640 : i32
    %mul3A_269 = arith.muli %arg1, %mul3A_268 : i32
    %mul3A_270 = arith.constant 640 : i32
    %mul3A_271 = arith.muli %arg1, %mul3A_270 : i32
    "tpu.region"() ({
      %run_scoped3A = tpu.sem_alloc : memref<!tpu.dma_semaphore, #tpu.memory_space<semaphore_mem>>
      %dma_start3A_272 = arith.constant 0 : i32
      %dma_start3A_273 = tpu.memref_slice %arg6[%arg0, %mul3A_271, %dma_start3A_272] : memref<2x10240x128xf32, #tpu.memory_space<hbm>> -> memref<1x640x128xf32, #tpu.memory_space<hbm>>
      %dma_start3A_274 = tpu.memref_squeeze %dma_start3A_273 : memref<1x640x128xf32, #tpu.memory_space<hbm>> -> memref<640x128xf32, #tpu.memory_space<hbm>>
      %dma_start3A_275 = arith.constant 0 : i32
      %dma_start3A_276 = tpu.memref_slice %arg10[%mul3A_269, %dma_start3A_275] : memref<10240x128xf32, #tpu.memory_space<vmem_shared>> -> memref<640x128xf32, #tpu.memory_space<vmem_shared>>
      tpu.enqueue_dma source(%dma_start3A_276 : memref<640x128xf32, #tpu.memory_space<vmem_shared>>) target(%dma_start3A_274 : memref<640x128xf32, #tpu.memory_space<hbm>>) target_semaphore(%run_scoped3A : memref<!tpu.dma_semaphore, #tpu.memory_space<semaphore_mem>>)
      %dma_wait3A = arith.constant 0 : i32
      %dma_wait3A_277 = tpu.memref_slice %arg6[%arg0, %mul3A_271, %dma_wait3A] : memref<2x10240x128xf32, #tpu.memory_space<hbm>> -> memref<1x640x128xf32, #tpu.memory_space<hbm>>
      %dma_wait3A_278 = tpu.memref_squeeze %dma_wait3A_277 : memref<1x640x128xf32, #tpu.memory_space<hbm>> -> memref<640x128xf32, #tpu.memory_space<hbm>>
      %dma_wait3A_279 = arith.constant 0 : i32
      %dma_wait3A_280 = tpu.memref_slice %arg10[%mul3A_269, %dma_wait3A_279] : memref<10240x128xf32, #tpu.memory_space<vmem_shared>> -> memref<640x128xf32, #tpu.memory_space<vmem_shared>>
      tpu.wait_dma2 semaphore(%run_scoped3A : memref<!tpu.dma_semaphore, #tpu.memory_space<semaphore_mem>>) src(%dma_wait3A_280 : memref<640x128xf32, #tpu.memory_space<vmem_shared>>) dst(%dma_wait3A_278 : memref<640x128xf32, #tpu.memory_space<hbm>>)
      tpu.yield
    }) : () -> ()
    return
  }
}

module attributes {stable_mosaic.version = 14 : i64} {
  func.func @_tc0_body(%arg0: memref<2x80x128xf32, #tpu.memory_space<vmem>>, %arg1: memref<80x128xf32, #tpu.memory_space<vmem>>) attributes {dimension_semantics = [], scalar_prefetch = 0 : i64, scratch_operands = 0 : i64, tpu.core_type = #tpu.core_type<tc>} {
    %get3A = arith.constant 0 : index
    %get3A_0 = arith.constant 0 : index
    %get3A_1 = arith.constant 0 : index
    %get3A_2 = vector.load %arg0[%get3A, %get3A_0, %get3A_1] : memref<2x80x128xf32, #tpu.memory_space<vmem>>, vector<2x80x128xf32>
    %slice3A = vector.extract_strided_slice %get3A_2 {offsets = [0, 0, 0], sizes = [1, 80, 128], strides = [1, 1, 1]} : vector<2x80x128xf32> to vector<1x80x128xf32>
    %squeeze3A = vector.shape_cast %slice3A : vector<1x80x128xf32> to vector<80x128xf32>
    %slice3A_3 = vector.extract_strided_slice %get3A_2 {offsets = [1, 0, 0], sizes = [1, 80, 128], strides = [1, 1, 1]} : vector<2x80x128xf32> to vector<1x80x128xf32>
    %squeeze3A_4 = vector.shape_cast %slice3A_3 : vector<1x80x128xf32> to vector<80x128xf32>
    %add3A = arith.addf %squeeze3A, %squeeze3A_4 : vector<80x128xf32>
    %add3A_5 = arith.constant 1.000000e+00 : f32
    %add3A_6 = vector.broadcast %add3A_5 : f32 to vector<80x128xf32>
    %add3A_7 = arith.addf %add3A, %add3A_6 : vector<80x128xf32>
    %rsqrt3A = math.rsqrt %add3A_7 : vector<80x128xf32>
    %swap3A = arith.constant 0 : index
    %swap3A_8 = arith.constant 0 : index
    %swap3A_9 = vector.load %arg1[%swap3A, %swap3A_8] : memref<80x128xf32, #tpu.memory_space<vmem>>, vector<80x128xf32>
    tpu.vector_store %arg1[%swap3A, %swap3A_8], %rsqrt3A {strides = array<i32>} : memref<80x128xf32, #tpu.memory_space<vmem>>, vector<80x128xf32>,
    return
  }
}

module attributes {stable_mosaic.version = 14 : i64} {
  func.func @_tc1_body(%arg0: i32, %arg1: memref<2000x128xf32, #tpu.memory_space<vmem>>, %arg2: memref<128x128xf32, #tpu.memory_space<vmem>>, %arg3: memref<2000x1xf32, #tpu.memory_space<vmem>>, %arg4: memref<2000x128xf32, #tpu.memory_space<vmem>>) attributes {dimension_semantics = [#tpu.dimension_semantics<arbitrary>], iteration_bounds = array<i64: 5>, scalar_prefetch = 0 : i64, scratch_operands = 0 : i64, tpu.core_type = #tpu.core_type<tc>, window_params = [{transform_indices = @transform_0, window_bounds = array<i64: 2000, 128>}, {pipeline_mode = #tpu.pipeline_mode<synchronous>, transform_indices = @transform_1, window_bounds = array<i64: 128, 128>}, {transform_indices = @transform_2, window_bounds = array<i64: 2000, 1>}, {transform_indices = @transform_3, window_bounds = array<i64: 2000, 128>}]} {
    %get3A = arith.constant 0 : index
    %get3A_0 = arith.constant 0 : index
    %get3A_1 = vector.load %arg1[%get3A, %get3A_0] : memref<2000x128xf32, #tpu.memory_space<vmem>>, vector<2000x128xf32>
    %get3A_2 = arith.constant 0 : index
    %get3A_3 = arith.constant 0 : index
    %get3A_4 = vector.load %arg2[%get3A_2, %get3A_3] : memref<128x128xf32, #tpu.memory_space<vmem>>, vector<128x128xf32>
    %dot_general3A = arith.constant dense<0.000000e+00> : vector<2000x128xf32>
    %dot_general3A_5 = tpu.matmul %get3A_1, %get3A_4, %dot_general3A {dimension_numbers = #tpu.dot_dimension_numbers<[1], [0], [0], [1], [0, 0, 1, 1], [], []>, transpose_lhs_hint = false} : vector<2000x128xf32>, vector<128x128xf32>, vector<2000x128xf32> -> vector<2000x128xf32>
    %get3A_6 = arith.constant 0 : index
    %get3A_7 = arith.constant 0 : index
    %get3A_8 = vector.load %arg3[%get3A_6, %get3A_7] : memref<2000x1xf32, #tpu.memory_space<vmem>>, vector<2000x1xf32>
    %mul3A = vector.broadcast %get3A_8 : vector<2000x1xf32> to vector<2000x128xf32>
    %mul3A_9 = arith.mulf %dot_general3A_5, %mul3A : vector<2000x128xf32>
    %swap3A = arith.constant 0 : index
    %swap3A_10 = arith.constant 0 : index
    %swap3A_11 = vector.load %arg4[%swap3A, %swap3A_10] : memref<2000x128xf32, #tpu.memory_space<vmem>>, vector<2000x128xf32>
    tpu.vector_store %arg4[%swap3A, %swap3A_10], %mul3A_9 {strides = array<i32>} : memref<2000x128xf32, #tpu.memory_space<vmem>>, vector<2000x128xf32>,
    return
  }
  func.func @transform_0(%arg0: i32) -> (i32, i32) {
    %c0_i32 = arith.constant 0 : i32
    %c0_i32_0 = arith.constant 0 : i32
    return %arg0, %c0_i32 : i32, i32
  }
  func.func @transform_1(%arg0: i32) -> (i32, i32) {
    %c0_i32 = arith.constant 0 : i32
    %c0_i32_0 = arith.constant 0 : i32
    %c0_i32_1 = arith.constant 0 : i32
    return %c0_i32, %c0_i32_0 : i32, i32
  }
  func.func @transform_2(%arg0: i32) -> (i32, i32) {
    %c0_i32 = arith.constant 0 : i32
    %c0_i32_0 = arith.constant 0 : i32
    return %arg0, %c0_i32 : i32, i32
  }
  func.func @transform_3(%arg0: i32) -> (i32, i32) {
    %c0_i32 = arith.constant 0 : i32
    %c0_i32_0 = arith.constant 0 : i32
    return %arg0, %c0_i32 : i32, i32
  }
}

module attributes {stable_mosaic.version = 14 : i64} {
  func.func @_tc2_body(%arg0: i32, %arg1: memref<2x2000x128xf32, #tpu.memory_space<vmem>>, %arg2: memref<2000x128xf32, #tpu.memory_space<vmem>>, %arg3: memref<2000x1xf32, #tpu.memory_space<vmem>>, %arg4: memref<128x128xf32, #tpu.memory_space<vmem>>, %arg5: memref<2000x128xf32, #tpu.memory_space<vmem>>) attributes {dimension_semantics = [#tpu.dimension_semantics<arbitrary>], iteration_bounds = array<i64: 5>, scalar_prefetch = 0 : i64, scratch_operands = 0 : i64, tpu.core_type = #tpu.core_type<tc>, window_params = [{transform_indices = @transform_0, window_bounds = array<i64: 2, 2000, 128>}, {transform_indices = @transform_1, window_bounds = array<i64: 2000, 128>}, {transform_indices = @transform_2, window_bounds = array<i64: 2000, 1>}, {pipeline_mode = #tpu.pipeline_mode<synchronous>, transform_indices = @transform_3, window_bounds = array<i64: 128, 128>}, {transform_indices = @transform_4, window_bounds = array<i64: 2000, 128>}]} {
    %get3A = arith.constant 0 : index
    %get3A_0 = arith.constant 0 : index
    %get3A_1 = arith.constant 0 : index
    %get3A_2 = vector.load %arg1[%get3A, %get3A_0, %get3A_1] : memref<2x2000x128xf32, #tpu.memory_space<vmem>>, vector<2x2000x128xf32>
    %get3A_3 = arith.constant 0 : index
    %get3A_4 = arith.constant 0 : index
    %get3A_5 = vector.load %arg3[%get3A_3, %get3A_4] : memref<2000x1xf32, #tpu.memory_space<vmem>>, vector<2000x1xf32>
    %slice3A = vector.extract_strided_slice %get3A_2 {offsets = [0, 0, 0], sizes = [1, 2000, 128], strides = [1, 1, 1]} : vector<2x2000x128xf32> to vector<1x2000x128xf32>
    %squeeze3A = vector.shape_cast %slice3A : vector<1x2000x128xf32> to vector<2000x128xf32>
    %slice3A_6 = vector.extract_strided_slice %get3A_2 {offsets = [1, 0, 0], sizes = [1, 2000, 128], strides = [1, 1, 1]} : vector<2x2000x128xf32> to vector<1x2000x128xf32>
    %squeeze3A_7 = vector.shape_cast %slice3A_6 : vector<1x2000x128xf32> to vector<2000x128xf32>
    %add3A = arith.addf %squeeze3A, %squeeze3A_7 : vector<2000x128xf32>
    %get3A_8 = arith.constant 0 : index
    %get3A_9 = arith.constant 0 : index
    %get3A_10 = vector.load %arg2[%get3A_8, %get3A_9] : memref<2000x128xf32, #tpu.memory_space<vmem>>, vector<2000x128xf32>
    %add3A_11 = arith.addf %add3A, %get3A_10 : vector<2000x128xf32>
    %mul3A = vector.broadcast %get3A_5 : vector<2000x1xf32> to vector<2000x128xf32>
    %mul3A_12 = arith.mulf %add3A_11, %mul3A : vector<2000x128xf32>
    %max3A = arith.constant 0.000000e+00 : f32
    %max3A_13 = vector.broadcast %max3A : f32 to vector<2000x128xf32>
    %max3A_14 = arith.maximumf %mul3A_12, %max3A_13 : vector<2000x128xf32>
    %get3A_15 = arith.constant 0 : index
    %get3A_16 = arith.constant 0 : index
    %get3A_17 = vector.load %arg4[%get3A_15, %get3A_16] : memref<128x128xf32, #tpu.memory_space<vmem>>, vector<128x128xf32>
    %dot_general3A = arith.constant dense<0.000000e+00> : vector<2000x128xf32>
    %dot_general3A_18 = tpu.matmul %max3A_14, %get3A_17, %dot_general3A {dimension_numbers = #tpu.dot_dimension_numbers<[1], [0], [0], [1], [0, 0, 1, 1], [], []>, transpose_lhs_hint = false} : vector<2000x128xf32>, vector<128x128xf32>, vector<2000x128xf32> -> vector<2000x128xf32>
    %mul3A_19 = vector.broadcast %get3A_5 : vector<2000x1xf32> to vector<2000x128xf32>
    %mul3A_20 = arith.mulf %dot_general3A_18, %mul3A_19 : vector<2000x128xf32>
    %swap3A = arith.constant 0 : index
    %swap3A_21 = arith.constant 0 : index
    %swap3A_22 = vector.load %arg5[%swap3A, %swap3A_21] : memref<2000x128xf32, #tpu.memory_space<vmem>>, vector<2000x128xf32>
    tpu.vector_store %arg5[%swap3A, %swap3A_21], %mul3A_20 {strides = array<i32>} : memref<2000x128xf32, #tpu.memory_space<vmem>>, vector<2000x128xf32>,
    return
  }
  func.func @transform_0(%arg0: i32) -> (i32, i32, i32) {
    %c0_i32 = arith.constant 0 : i32
    %c0_i32_0 = arith.constant 0 : i32
    %c0_i32_1 = arith.constant 0 : i32
    return %c0_i32, %arg0, %c0_i32_0 : i32, i32, i32
  }
  func.func @transform_1(%arg0: i32) -> (i32, i32) {
    %c0_i32 = arith.constant 0 : i32
    %c0_i32_0 = arith.constant 0 : i32
    return %arg0, %c0_i32 : i32, i32
  }
  func.func @transform_2(%arg0: i32) -> (i32, i32) {
    %c0_i32 = arith.constant 0 : i32
    %c0_i32_0 = arith.constant 0 : i32
    return %arg0, %c0_i32 : i32, i32
  }
  func.func @transform_3(%arg0: i32) -> (i32, i32) {
    %c0_i32 = arith.constant 0 : i32
    %c0_i32_0 = arith.constant 0 : i32
    %c0_i32_1 = arith.constant 0 : i32
    return %c0_i32, %c0_i32_0 : i32, i32
  }
  func.func @transform_4(%arg0: i32) -> (i32, i32) {
    %c0_i32 = arith.constant 0 : i32
    %c0_i32_0 = arith.constant 0 : i32
    return %arg0, %c0_i32 : i32, i32
  }
}

module attributes {stable_mosaic.version = 14 : i64} {
  func.func @_tc3_body(%arg0: i32, %arg1: memref<2x2000x128xf32, #tpu.memory_space<vmem>>, %arg2: memref<2000x128xf32, #tpu.memory_space<vmem>>, %arg3: memref<2000x1xf32, #tpu.memory_space<vmem>>, %arg4: memref<2000x128xf32, #tpu.memory_space<vmem>>) attributes {dimension_semantics = [#tpu.dimension_semantics<arbitrary>], iteration_bounds = array<i64: 5>, scalar_prefetch = 0 : i64, scratch_operands = 0 : i64, tpu.core_type = #tpu.core_type<tc>, window_params = [{transform_indices = @transform_0, window_bounds = array<i64: 2, 2000, 128>}, {transform_indices = @transform_1, window_bounds = array<i64: 2000, 128>}, {transform_indices = @transform_2, window_bounds = array<i64: 2000, 1>}, {transform_indices = @transform_3, window_bounds = array<i64: 2000, 128>}]} {
    %get3A = arith.constant 0 : index
    %get3A_0 = arith.constant 0 : index
    %get3A_1 = arith.constant 0 : index
    %get3A_2 = vector.load %arg1[%get3A, %get3A_0, %get3A_1] : memref<2x2000x128xf32, #tpu.memory_space<vmem>>, vector<2x2000x128xf32>
    %slice3A = vector.extract_strided_slice %get3A_2 {offsets = [0, 0, 0], sizes = [1, 2000, 128], strides = [1, 1, 1]} : vector<2x2000x128xf32> to vector<1x2000x128xf32>
    %squeeze3A = vector.shape_cast %slice3A : vector<1x2000x128xf32> to vector<2000x128xf32>
    %slice3A_3 = vector.extract_strided_slice %get3A_2 {offsets = [1, 0, 0], sizes = [1, 2000, 128], strides = [1, 1, 1]} : vector<2x2000x128xf32> to vector<1x2000x128xf32>
    %squeeze3A_4 = vector.shape_cast %slice3A_3 : vector<1x2000x128xf32> to vector<2000x128xf32>
    %add3A = arith.addf %squeeze3A, %squeeze3A_4 : vector<2000x128xf32>
    %get3A_5 = arith.constant 0 : index
    %get3A_6 = arith.constant 0 : index
    %get3A_7 = vector.load %arg2[%get3A_5, %get3A_6] : memref<2000x128xf32, #tpu.memory_space<vmem>>, vector<2000x128xf32>
    %add3A_8 = arith.addf %add3A, %get3A_7 : vector<2000x128xf32>
    %get3A_9 = arith.constant 0 : index
    %get3A_10 = arith.constant 0 : index
    %get3A_11 = vector.load %arg3[%get3A_9, %get3A_10] : memref<2000x1xf32, #tpu.memory_space<vmem>>, vector<2000x1xf32>
    %mul3A = vector.broadcast %get3A_11 : vector<2000x1xf32> to vector<2000x128xf32>
    %mul3A_12 = arith.mulf %add3A_8, %mul3A : vector<2000x128xf32>
    %swap3A = arith.constant 0 : index
    %swap3A_13 = arith.constant 0 : index
    %swap3A_14 = vector.load %arg4[%swap3A, %swap3A_13] : memref<2000x128xf32, #tpu.memory_space<vmem>>, vector<2000x128xf32>
    tpu.vector_store %arg4[%swap3A, %swap3A_13], %mul3A_12 {strides = array<i32>} : memref<2000x128xf32, #tpu.memory_space<vmem>>, vector<2000x128xf32>,
    return
  }
  func.func @transform_0(%arg0: i32) -> (i32, i32, i32) {
    %c0_i32 = arith.constant 0 : i32
    %c0_i32_0 = arith.constant 0 : i32
    %c0_i32_1 = arith.constant 0 : i32
    return %c0_i32, %arg0, %c0_i32_0 : i32, i32, i32
  }
  func.func @transform_1(%arg0: i32) -> (i32, i32) {
    %c0_i32 = arith.constant 0 : i32
    %c0_i32_0 = arith.constant 0 : i32
    return %arg0, %c0_i32 : i32, i32
  }
  func.func @transform_2(%arg0: i32) -> (i32, i32) {
    %c0_i32 = arith.constant 0 : i32
    %c0_i32_0 = arith.constant 0 : i32
    return %arg0, %c0_i32 : i32, i32
  }
  func.func @transform_3(%arg0: i32) -> (i32, i32) {
    %c0_i32 = arith.constant 0 : i32
    %c0_i32_0 = arith.constant 0 : i32
    return %arg0, %c0_i32 : i32, i32
  }
}

</mosaic_0001>

<sc_bundles>
// kernel: kernel.12.cloned.1.call-start
scs
__scs_entry_jumppad:
0x0: {  	(pc) =	sbr.rel $0x88, $3  }
0x1: {  	(tag) =	ssettag $0x0;
	lr =	simm.s32 $0x1  }
0x2: {  	[smem:$0x3F9D] =	sst lr;
	_ =	strace $0xD0000000  }
0x3: {  	_ = 	snop  }
0x4: {  	_ = 	snop  }
0x5: {  	_ = 	snop  }
0x6: {  	_ = 	snop  }
0x7: {  	_ = 	snop  }
__scs_overlays_trampoline_lowered:
0x8: {  	[smem:$0x3FAC] =	sst s0  }
0x9: {  	[smem:$0x3FAD] =	sst s1  }
0xa: {  	[smem:$0x3FAE] =	sst s2  }
0xb: {  	[smem:$0x3FAF] =	sst s3  }
0xc: {  	[smem:$0x3FB0] =	sst s4  }
0xd: {  	[smem:$0x3FB1] =	sst s5  }
0xe: {  	[smem:$0x3FB2] =	sst s6  }
0xf: {  	[smem:$0x3FB3] =	sst s7  }
0x10: {  	[smem:$0x3FB4] =	sst s8  }
0x11: {  	[smem:$0x3FB5] =	sst s9;
	s0 =	simm.s32 @!p0 $0x0  }
0x12: {  	s1 =	sld [smem:$0x3F9B];
	s0 =	simm.s32 @p0 $0x1  }
0x13: {  	[smem:$0x3FB6] =	sst s0;
	s0 =	simm.s32 @!p1 $0x0  }
0x14: {  	s2 =	sld [smem:$0x3F9A];
	s0 =	simm.s32 @p1 $0x1  }
0x15: {  	[smem:$0x3FB7] =	sst s0;
	s0 =	simm.s32 @!p2 $0x0  }
0x16: {  	s3 =	sld [smem:$0x3FDB];
	s0 =	simm.s32 @p2 $0x1  }
0x17: {  	s4 =	simm.s32 $0x1BF5;
	[smem:$0x3FB9] =	sst s0  }
0x18: {  	s0 =	sld [smem:$0x3F9C];
	_ =	swait.ge [sflag:s4], $0x0  }
0x19: {  	s7 =	sld [smem:$0x3F9D]  }
0x1a: {  	s8 =	sadd.s32 $0xFFFFE003, lr  }
0x1b: {  	s9 =	sadd.s32 $0xFFFFFEF7, lr;
	s5 =	simm.s32 $0xFFFFFFFF;
	p2 =	slt.u32 s8, $0xFFFFF086  }
0x1c: {  	p1 =	slt.u32 s9, $0xF7A;
	s5 =	simm.s32 @!p2 $0x0  }
0x1d: {  	s5 =	simm.s32 @p1 $0x1;
	p0 =	seq.s32 s7, s2  }
0x1e: {  	s7 =	smul.u32 @!p0 $0xF7A, s2;
	p2 =	seq.s32 @!p0 s5, $0x0  }
0x1f: {  	s9 =	smul.u32 $0xF7A, s1;
	s8 =	simm.s32 @!p0 $0x1BF5;
	p2 =	por !p2, p0  }
0x20: {  	[sflag:s8] =	ssyncset.s32 @!p0 $0xFFFFF086;
	s6 =	sadd.s32 @!p0 s3, s7;
	s7 =	simm.s32 @!p0 $0x108  }
0x21: {  	s3 =	sadd.s32 s3, s9;
	s6 =	sadd.s32 @!p0 $0x88, s6;
	s7 =	simm.s32 @p2 $0x1082  }
0x22: {  	[simem:s7], [sflag:s8] =	dma.local @!p0 [hbm:s6], $0xF7A  }
0x23: {  	s9 =	sor.u32 $0xD0000000, s2;
	s6 =	simm.s32 $0x108;
	_ =	swait.ge @!p0 [sflag:s8], $0x0  }
0x24: {  	s3 =	sadd.s32 $0x88, s3;
	s6 =	simm.s32 @!p1 $0x1082;
	[sflag:s4] =	ssyncset.s32 $0xFFFFF086  }
0x25: {  	[simem:s6], [sflag:s4] =	dma.local [hbm:s3], $0xF7A  }
0x26: {  	[smem:$0x3F9D] =	sst s1;
	(tag) =	ssettag s2;
	_ =	strace s9  }
0x27: {  	s1 =	sld [smem:$0x3FAD]  }
0x28: {  	s2 =	sld [smem:$0x3FAE]  }
0x29: {  	s4 =	sld [smem:$0x3FB0]  }
0x2a: {  	p0 =	seq.s32 s5, $0x0;
	s5 =	sld [smem:$0x3FB1]  }
0x2b: {  	s6 =	sld [smem:$0x3FB2]  }
0x2c: {  	s7 =	sld [smem:$0x3FB3]  }
0x2d: {  	s3 =	simm.s32 $0x108;
	s8 =	sld [smem:$0x3FB4]  }
0x2e: {  	s3 =	simm.s32 @!p0 $0x1082;
	s9 =	sld [smem:$0x3FB5]  }
0x2f: {  	lr =	sadd.s32 s0, s3;
	s0 =	sld [smem:$0x3FAC]  }
0x30: {  	s3 =	sld [smem:$0x3FAF]  }
0x31: {  	[smem:$0x3FB8] =	sst s10  }
0x32: {  	s10 =	sld [smem:$0x3FB6];
	_ =	sdelay $0x3  }
0x33: {  	p0 =	seq.s32 s10, $0x1;
	s10 =	sld [smem:$0x3FB8];
	_ =	sdelay $0x3  }
0x34: {  	[smem:$0x3FB8] =	sst s10  }
0x35: {  	s10 =	sld [smem:$0x3FB7];
	_ =	sdelay $0x3  }
0x36: {  	p1 =	seq.s32 s10, $0x1;
	s10 =	sld [smem:$0x3FB8];
	_ =	sdelay $0x3  }
0x37: {  	[smem:$0x3FB8] =	sst s10  }
0x38: {  	s10 =	sld [smem:$0x3FB9]  }
0x39: {  	_ = 	snop;
	(pc) =	sbr.ind lr, $3  }
0x3a: {  	_ = 	snop  }
0x3b: {  	_ = 	snop  }
0x3c: {  	p2 =	seq.s32 s10, $0x1;
	s10 =	sld [smem:$0x3FB8]  }
0x3d: {  	_ =	shalt  }
0x3e: {  	_ =	shalt  }
0x3f: {  	_ =	shalt  }
0x40: {  	_ =	shalt  }
0x41: {  	_ =	shalt  }
0x42: {  	_ =	shalt  }
0x43: {  	_ =	shalt  }
0x44: {  	_ =	shalt  }
0x45: {  	_ =	shalt  }
0x46: {  	_ =	shalt  }
0x47: {  	_ =	shalt  }
0x48: {  	_ =	shalt  }
0x49: {  	_ =	shalt  }
0x4a: {  	_ =	shalt  }
0x4b: {  	_ =	shalt  }
0x4c: {  	_ =	shalt  }
0x4d: {  	_ =	shalt  }
0x4e: {  	_ =	shalt  }
0x4f: {  	_ =	shalt  }
0x50: {  	_ =	shalt  }
0x51: {  	_ =	shalt  }
0x52: {  	_ =	shalt  }
0x53: {  	_ =	shalt  }
0x54: {  	_ =	shalt  }
0x55: {  	_ =	shalt  }
0x56: {  	_ =	shalt  }
0x57: {  	_ =	shalt  }
0x58: {  	_ =	shalt  }
0x59: {  	_ =	shalt  }
0x5a: {  	_ =	shalt  }
0x5b: {  	_ =	shalt  }
0x5c: {  	_ =	shalt  }
0x5d: {  	_ =	shalt  }
0x5e: {  	_ =	shalt  }
0x5f: {  	_ =	shalt  }
0x60: {  	_ =	shalt  }
0x61: {  	_ =	shalt  }
0x62: {  	_ =	shalt  }
0x63: {  	_ =	shalt  }
0x64: {  	_ =	shalt  }
0x65: {  	_ =	shalt  }
0x66: {  	_ =	shalt  }
0x67: {  	_ =	shalt  }
0x68: {  	_ =	shalt  }
0x69: {  	_ =	shalt  }
0x6a: {  	_ =	shalt  }
0x6b: {  	_ =	shalt  }
0x6c: {  	_ =	shalt  }
0x6d: {  	_ =	shalt  }
0x6e: {  	_ =	shalt  }
0x6f: {  	_ =	shalt  }
0x70: {  	_ =	shalt  }
0x71: {  	_ =	shalt  }
0x72: {  	_ =	shalt  }
0x73: {  	_ =	shalt  }
0x74: {  	_ =	shalt  }
0x75: {  	_ =	shalt  }
0x76: {  	_ =	shalt  }
0x77: {  	_ =	shalt  }
0x78: {  	_ =	shalt  }
0x79: {  	_ =	shalt  }
0x7a: {  	_ =	shalt  }
0x7b: {  	_ =	shalt  }
0x7c: {  	_ =	shalt  }
0x7d: {  	_ =	shalt  }
0x7e: {  	_ =	shalt  }
0x7f: {  	_ =	shalt  }
0x80: {  	_ =	shalt  }
0x81: {  	_ =	shalt  }
0x82: {  	_ =	shalt  }
0x83: {  	_ =	shalt  }
0x84: {  	_ =	shalt  }
0x85: {  	_ =	shalt  }
0x86: {  	_ =	shalt  }
0x87: {  	_ =	shalt  }
.Lfunc_end0:
.L_simem_size_0:
called_computation.1_lowered:
.L_overlay_start_0:
0x88: {  	s2 =	sld [smem:$0x3FD9]  }
0x89: {  	s3 =	sld [smem:$0x3FFE];
	_ =	sdelay $0x1  }
0x8a: {  	s1 =	srdreg.scid  }
0x8b: {  	s0 =	sand.u32 $0x1, s1  }
0x8c: {  	s17 =	sshll.u32 s0, $0xA;
	s2 =	sadd.s32 s3, s2  }
0x8d: {  	s2 =	sadd.s32 s2, s17  }
0x8e: {  	[smem:$0x3FC4] =	sst s2  }
0x8f: {  	_ = 	snop  }
0x90: {  	s2 =	sld [smem:$0x3FD0];
	(tm) =	ssettm $0x1  }
0x91: {  	s18 =	sld [smem:$0x3FFB];
	_ =	sdelay $0x3  }
0x92: {  	_ =	strace s18  }
0x93: {  	s3 =	sld [smem:$0x3FFC];
	_ =	sdelay $0x3  }
0x94: {  	_ =	strace s3  }
0x95: {  	s3 =	sld [smem:$0x3FFD];
	_ =	sdelay $0x3  }
0x96: {  	_ =	strace s3  }
0x97: {  	_ =	strace $0x8FFFFFFF  }
0x98: {  	s19 =	sld [smem:$0x3FDB];
	_ =	sdelay $0x1  }
0x99: {  	s4 =	simm.s32 $_scs_section_size  }
0x9a: {  	s5 =	simm.s32 $_size__tile_overlayer_lowered;
	s6 =	simm.s32 $_tile_overlayer_lowered  }
0x9b: {  	s22 =	simm.s32 $0x1BFF;
	s21 =	sshll.u32 s6, $0x1;
	s3 =	sadd.s32 s4, s19  }
0x9c: {  	s7 =	simm.s32 $0x0;
	s20 =	sshll.u32 s5, $0x1;
	s5 =	sadd.s32 s21, s3  }
0x9d: {  	[timem:s7], [sflag:s22] =	dma.local [hbm:s5], s20  }
0x9e: {  	_ =	swait.ge [sflag:s22], s20  }
0x9f: {  	s4 =	ssub.s32 $0x0, s20;
	[sflag:s22] =	ssyncset.done $0x0  }
0xa0: {  	[sflag:s22] =	ssyncadd.s32 s4;
	_ =	sdelay $0x1  }
0xa1: {  	s23 =	simm.s32 $0x1B8B  }
0xa2: {  	_ =	swait.ge [sflag:s23], $0x1  }
0xa3: {  	[sflag:s23] =	ssyncset.done $0x0  }
0xa4: {  	s25 =	simm.s32 $0x1B8E;
	s24 =	sld [smem:$0x3FFE];
	[sflag:s23] =	ssyncadd.s32 $0xFFFFFFFF  }
0xa5: {  	s26 =	simm.s32 $execute0_lowered;
	[smem:$0x3FD2] =	sst s25  }
0xa6: {  	s5 =	sshll.u32 s26, $0x1;
	_ =	strace $0x80000049;
	[dreg:$0x1] =	wrdreg $0xFFFFFFFF  }
0xa7: {  	s28 =	simm.s32 $_size_execute0_lowered;
	s3 =	sadd.s32 s3, s5;
	[dreg:$0x0] =	wrdreg $0x0  }
0xa8: {  	s5 =	sshll.u32 s28, $0x1;
	[dreg:$0x2] =	wrdreg s3  }
0xa9: {  	[dreg:$0x3] =	wrdreg s5  }
0xaa: {  	[dreg:$0x4] =	wrdreg $0xC0  }
0xab: {  	_ =	task [dreg:s7], $0x5FFFF  }
0xac: {  	[dreg:$0x1] =	wrdreg $0xFFFFFFFF  }
0xad: {  	[dreg:$0x0] =	wrdreg $0x60  }
0xae: {  	[dreg:$0x2] =	wrdreg s2  }
0xaf: {  	[dreg:$0x3] =	wrdreg s24  }
0xb0: {  	[dreg:$0x4] =	wrdreg $0xC0000  }
0xb1: {  	[dreg:$0x5] =	wrdreg $0x9  }
0xb2: {  	_ =	task.clear_ibuf [dreg:s7], $0x6FFFF;
	_ =	strace $0x90000049  }
0xb3: {  	s29 =	simm.s32 $0x9;
	_ =	strace $0x8000004B  }
0xb4: {  	_ =	swait.ge [sflag:s29], $0x1  }
0xb5: {  	[sflag:s29] =	ssyncadd.s32 $0xFFFFFFFF  }
0xb6: {  	_ =	strace $0x9000004B  }
0xb7: {  	_ =	sfence  }
0xb8: {  	s30 =	sld [smem:$0x0];
	_ =	sdelay $0x2  }
0xb9: {  	s31 =	sshll.u32 s1, $0xD;
	s1 =	sshrl.u32 s1, $0x2  }
0xba: {  	s3 =	sand.u32 $0x4000, s31;
	s1 =	sadd.s32 s1, s30  }
0xbb: {  	s0 =	sor.u32 s3, s0;
	s1 =	sshll.u32 s1, $0x11  }
0xbc: {  	s0 =	sor.u32 s1, s0  }
0xbd: {  	s0 =	sadd.s32 $0x8F2B, s0  }
0xbe: {  	[sflag:s0] =	ssyncadd.remote.s32 $0x1  }
0xbf: {  	_ =	sfence.sel $0xFFFF  }
0xc0: {  	[dreg:$0x0] =	wrdreg $0xFFFFFFFF;
	(pc) =	sbr.abs _section_cstart, $3  }
0xc1: {  	[dreg:$0x1] =	wrdreg $0xFFFFFFFF  }
0xc2: {  	_ =	task.clear_ibuf [dreg:s7], $0x2FFFF;
	_ =	strace $0x9FFFFFFF  }
0xc3: {  	(tm) =	ssettm $0x7FFFFFFF  }
tec
execute0_lowered:
.L_overlay_start_1:
0x0: {  	(tag) =	ssettag $0x1  }
0x1: {  	s2 =	rddreg [dreg:$0x0]  }
0x2: {  	s0 =	rddreg [dreg:$0x1]  }
0x3: {  	s3 =	rddreg [dreg:$0x2]  }
0x4: {  	s12 =	stileid.u32;
	s1 =	srdreg.scid;
	s4 =	simm.s32 $0x0  }
0x5: {  	s28 =	simm.s32 $0x9800;
	s29 =	simm.s32 $0x1;
	s30 =	simm.s32 $0x2  }
0x6: {  	s31 =	simm.s32 $0x3;
	s13 =	simm.s32 $0x0;
	s5 =	smul.u32 $0x14000, s12  }
0x7: {  	s1 =	sand.u32 $0x1, s1;
	[smem:$0x7FF] =	sst s4;
	s7 =	sadd.s32 $0x12A00, s0  }
0x8: {  	s8 =	sadd.s32 $0x2A00, s0;
	s11 =	smul.u32 $0x50000, s12;
	s19 =	sshll.u32 s12, $0xB  }
0x9: {  	s20 =	sshll.u32 s12, $0x6;
	s12 =	simm.s32 $0x1F80;
	s6 =	smul.u32 $0x140000, s1  }
0xa: {  	_ =	strace $0x8000004A;
	s16 =	ssub.s32 $0x2, s1;
	s1 =	sshll.u32 s1, $0xF  }
0xb: {  	s9 =	sshrl.u32 s5, $0x3;
	s10 =	sshrl.u32 s16, $0x1;
	s18 =	sshrl.u32 s11, $0x2  }
0xc: {  	s1 =	sor.u32 s19, s1;
	s19 =	simm.s32 $0x1000;
	s5 =	sadd.s32 s5, s6  }
0xd: {  	s9 =	sadd.s32 s9, s0;
	s17 =	ssub.s32 s16, s10;
	s11 =	sadd.s32 s18, s3  }
0xe: {  	s6 =	sor.u32 $0x1C09, s20;
	s21 =	sor.u32 $0x200, s1;
	s10 =	sadd.s32 s7, s1  }
0xf: {  	s22 =	sadd.s32 s8, s1;
	s24 =	sor.u32 $0x400, s1;
	s1 =	sor.u32 $0x600, s1  }
0x10: {  	s18 =	simm.s32 $0x9;
	s20 =	simm.s32 $0x50;
	[dreg:$0x5] =	wrdreg s10  }
0x11: {  	s5 =	sshrl.u32 s5, $0x3;
	s9 =	sadd.s32 $0x22A00, s9;
	[dreg:$0x6] =	wrdreg s22  }
0x12: {  	s23 =	sadd.s32 s7, s21;
	s25 =	sadd.s32 s7, s24;
	[dreg:$0x4] =	wrdreg s9  }
0x13: {  	s7 =	sadd.s32 s7, s1;
	s1 =	sadd.s32 s8, s1;
	[dreg:$0x7] =	wrdreg s23  }
0x14: {  	s26 =	smax.u32 s17, $0x1;
	s17 =	sshrl.u32 s11, $0x3;
	[dreg:$0x9] =	wrdreg s25  }
0x15: {  	s22 =	simm.s32 $0x80;
	s10 =	simm.s32 $0x1E80;
	[dreg:$0xb] =	wrdreg s7  }
0x16: {  	s11 =	simm.s32 $0x1F00;
	s0 =	sadd.s32 s5, s0;
	[dreg:$0xc] =	wrdreg s1  }
0x17: {  	s9 =	sadd.s32 s8, s21;
	[dreg:$0xe] =	wrdreg s26;
	s21 =	simm.s32 $0x2000  }
0x18: {  	s23 =	simm.s32 $0x4800;
	s25 =	simm.s32 $0x7000;
	s26 =	simm.s32 $0x180  }
0x19: {  	s1 =	simm.s32 $0x5;
	s5 =	simm.s32 $0x6;
	s7 =	simm.s32 $0x7  }
0x1a: {  	[dreg:$0x8] =	wrdreg s9;
	s9 =	sadd.s32 s8, s24;
	s0 =	sadd.s32 $0x4AA00, s0  }
0x1b: {  	s24 =	simm.s32 $0x100;
	s8 =	simm.s32 $0x8;
	[dreg:$0xa] =	wrdreg s9  }
0x1c: {  	[dreg:$0xd] =	wrdreg s0;
	s0 =	simm.s32 $0x4;
	s9 =	simm.s32 $0x1E00  }
.LBB2_1:
0x1d: {  	s14 =	rddreg [dreg:$0x4]  }
0x1e: {  	[spmem:s17], [sflag:s6] =	dma.local [hbm:s14], $0x2800  }
0x1f: {  	_ =	swait.ge [sflag:s18], $0x2800  }
0x20: {  	[sflag:s18] =	ssyncset.done $0x0  }
0x21: {  	s16 =	rddreg [dreg:$0x5];
	[sflag:s18] =	ssyncadd.s32 $0xFFFFD800  }
0x22: {  	[tilespmem:s4], [sflag:$0x9] =	stream.linear.gather [hbm4b:s16+s4], $0x1000, $0x38;
	v63 =	vld [tilespmem:$0x0]  }
0x23: {  	_ =	swait.ge [sflag:s18], $0x1000  }
0x24: {  	[sflag:s18] =	ssyncset.done $0x0  }
0x25: {  	s15 =	rddreg [dreg:$0x6];
	[sflag:s18] =	ssyncadd.s32 $0xFFFFF000  }
0x26: {  	[tilespmem:s19], [sflag:$0x9] =	stream.linear.gather [hbm4b:s15+s4], $0x1000, $0x38;
	v63 =	vld [tilespmem:$0x0]  }
0x27: {  	_ =	swait.ge [sflag:s18], $0x1000  }
0x28: {  	[sflag:s18] =	ssyncset.done $0x0  }
0x29: {  	[sflag:s18] =	ssyncadd.s32 $0xFFFFF000  }
0x2a: {  	[tilespmem:s21], [sflag:$0x1] =	stream.indirect.gather [hbm4b:s2+s20], $0x80, s4, s20, $0xb8;
	v63 =	vld [tilespmem:$0x0]  }
0x2b: {  	_ = 	snop  }
0x2c: {  	[tilespmem:s23], [sflag:$0x2] =	stream.indirect.gather [hbm4b:s2+s20], $0x80, s22, s20, $0xb8;
	v63 =	vld [tilespmem:$0x0]  }
0x2d: {  	_ = 	snop  }
0x2e: {  	[tilespmem:s25], [sflag:$0x3] =	stream.indirect.gather [hbm4b:s2+s20], $0x80, s24, s20, $0xb8;
	v63 =	vld [tilespmem:$0x0]  }
0x2f: {  	_ = 	snop  }
0x30: {  	[tilespmem:s28], [sflag:$0x4] =	stream.indirect.gather [hbm4b:s2+s20], $0x80, s26, s20, $0xb8;
	v63 =	vld [tilespmem:$0x0]  }
0x31: {  	[bflag:$0x0] =	sbarrier.arrive $0xFFFF  }
0x32: {  	_ =	swait.ge [sflag:s29], $0x2800  }
0x33: {  	[sflag:s29] =	ssyncset.done $0x0  }
0x34: {  	s16 =	simm.s32 $0x1000;
	[sflag:s29] =	ssyncadd.s32 $0xFFFFD800  }
0x35: {  	[spmem:s3] =	stream.indirect.scatter.add.f32 [tilespmem:s21], [sflag:$0x5], $0x80, s16, s20, $0xb8;
	v63 =	vld [tilespmem:$0x0]  }
0x36: {  	_ =	swait.ge [sflag:s30], $0x2800  }
0x37: {  	[sflag:s30] =	ssyncset.done $0x0  }
0x38: {  	s15 =	simm.s32 $0x1080;
	[sflag:s30] =	ssyncadd.s32 $0xFFFFD800  }
0x39: {  	[spmem:s3] =	stream.indirect.scatter.add.f32 [tilespmem:s23], [sflag:$0x6], $0x80, s15, s20, $0xb8;
	v63 =	vld [tilespmem:$0x0]  }
0x3a: {  	_ =	swait.ge [sflag:s31], $0x2800  }
0x3b: {  	[sflag:s31] =	ssyncset.done $0x0  }
0x3c: {  	s16 =	simm.s32 $0x1100;
	[sflag:s31] =	ssyncadd.s32 $0xFFFFD800  }
0x3d: {  	[spmem:s3] =	stream.indirect.scatter.add.f32 [tilespmem:s25], [sflag:$0x7], $0x80, s16, s20, $0xb8;
	v63 =	vld [tilespmem:$0x0]  }
0x3e: {  	_ =	swait.ge [sflag:s0], $0x2800  }
0x3f: {  	[sflag:s0] =	ssyncset.done $0x0  }
0x40: {  	s15 =	simm.s32 $0x1180;
	[sflag:s0] =	ssyncadd.s32 $0xFFFFD800  }
0x41: {  	[spmem:s3] =	stream.indirect.scatter.add.f32 [tilespmem:s28], [sflag:$0x8], $0x80, s15, s20, $0xb8;
	v63 =	vld [tilespmem:$0x0]  }
0x42: {  	_ =	swait.ge [sflag:s1], $0x2800  }
0x43: {  	[sflag:s1] =	ssyncset.done $0x0  }
0x44: {  	s16 =	simm.s32 $0x200;
	[sflag:s1] =	ssyncadd.s32 $0xFFFFD800  }
0x45: {  	[tilespmem:s21], [sflag:$0x1] =	stream.indirect.gather [hbm4b:s2+s20], $0x80, s16, s20, $0xb8;
	v63 =	vld [tilespmem:$0x0]  }
0x46: {  	_ =	swait.ge [sflag:s5], $0x2800  }
0x47: {  	[sflag:s5] =	ssyncset.done $0x0  }
0x48: {  	s15 =	simm.s32 $0x280;
	[sflag:s5] =	ssyncadd.s32 $0xFFFFD800  }
0x49: {  	[tilespmem:s23], [sflag:$0x2] =	stream.indirect.gather [hbm4b:s2+s20], $0x80, s15, s20, $0xb8;
	v63 =	vld [tilespmem:$0x0]  }
0x4a: {  	_ =	swait.ge [sflag:s7], $0x2800  }
0x4b: {  	[sflag:s7] =	ssyncset.done $0x0  }
0x4c: {  	s16 =	simm.s32 $0x300;
	[sflag:s7] =	ssyncadd.s32 $0xFFFFD800  }
0x4d: {  	[tilespmem:s25], [sflag:$0x3] =	stream.indirect.gather [hbm4b:s2+s20], $0x80, s16, s20, $0xb8;
	v63 =	vld [tilespmem:$0x0]  }
0x4e: {  	_ =	swait.ge [sflag:s8], $0x2800  }
0x4f: {  	[sflag:s8] =	ssyncset.done $0x0  }
0x50: {  	s14 =	simm.s32 $0x800;
	s15 =	simm.s32 $0x380;
	[sflag:s8] =	ssyncadd.s32 $0xFFFFD800  }
.LBB2_2:
0x51: {  	[tilespmem:s28], [sflag:$0x4] =	stream.indirect.gather [hbm4b:s2+s20], $0x80, s15, s20, $0xb8;
	v63 =	vld [tilespmem:$0x0]  }
0x52: {  	s15 =	smov.u32 s14  }
0x53: {  	p0 =	sne.s32 s14, $0x3000;
	s14 =	sadd.s32 $0x800, s14;
	_ =	swait.ge [sflag:s29], $0x2800  }
0x54: {  	s15 =	sshra.s32 s15, $0x2;
	[sflag:s29] =	ssyncset.done $0x0  }
0x55: {  	s16 =	sadd.s32 $0x1000, s15;
	[sflag:s29] =	ssyncadd.s32 $0xFFFFD800  }
0x56: {  	[spmem:s3] =	stream.indirect.scatter.add.f32 [tilespmem:s21], [sflag:$0x5], $0x80, s16, s20, $0xb8;
	v63 =	vld [tilespmem:$0x0]  }
0x57: {  	_ =	swait.ge [sflag:s30], $0x2800  }
0x58: {  	[sflag:s30] =	ssyncset.done $0x0  }
0x59: {  	s16 =	sadd.s32 $0x1080, s15;
	[sflag:s30] =	ssyncadd.s32 $0xFFFFD800  }
0x5a: {  	[spmem:s3] =	stream.indirect.scatter.add.f32 [tilespmem:s23], [sflag:$0x6], $0x80, s16, s20, $0xb8;
	v63 =	vld [tilespmem:$0x0]  }
0x5b: {  	_ =	swait.ge [sflag:s31], $0x2800  }
0x5c: {  	[sflag:s31] =	ssyncset.done $0x0  }
0x5d: {  	s16 =	sadd.s32 $0x1100, s15;
	[sflag:s31] =	ssyncadd.s32 $0xFFFFD800  }
0x5e: {  	[spmem:s3] =	stream.indirect.scatter.add.f32 [tilespmem:s25], [sflag:$0x7], $0x80, s16, s20, $0xb8;
	v63 =	vld [tilespmem:$0x0]  }
0x5f: {  	_ =	swait.ge [sflag:s0], $0x2800  }
0x60: {  	[sflag:s0] =	ssyncset.done $0x0  }
0x61: {  	s16 =	sadd.s32 $0x1180, s15;
	[sflag:s0] =	ssyncadd.s32 $0xFFFFD800  }
0x62: {  	[spmem:s3] =	stream.indirect.scatter.add.f32 [tilespmem:s28], [sflag:$0x8], $0x80, s16, s20, $0xb8;
	v63 =	vld [tilespmem:$0x0]  }
0x63: {  	_ =	swait.ge [sflag:s1], $0x2800  }
0x64: {  	[sflag:s1] =	ssyncset.done $0x0  }
0x65: {  	s16 =	sadd.s32 $0x200, s15;
	[sflag:s1] =	ssyncadd.s32 $0xFFFFD800  }
0x66: {  	[tilespmem:s21], [sflag:$0x1] =	stream.indirect.gather [hbm4b:s2+s20], $0x80, s16, s20, $0xb8;
	v63 =	vld [tilespmem:$0x0]  }
0x67: {  	_ =	swait.ge [sflag:s5], $0x2800  }
0x68: {  	[sflag:s5] =	ssyncset.done $0x0  }
0x69: {  	s16 =	sadd.s32 $0x280, s15;
	[sflag:s5] =	ssyncadd.s32 $0xFFFFD800  }
0x6a: {  	[tilespmem:s23], [sflag:$0x2] =	stream.indirect.gather [hbm4b:s2+s20], $0x80, s16, s20, $0xb8;
	v63 =	vld [tilespmem:$0x0]  }
0x6b: {  	_ =	swait.ge [sflag:s7], $0x2800  }
0x6c: {  	[sflag:s7] =	ssyncset.done $0x0  }
.Ltmp0:
0x6d: {  	s16 =	sadd.s32 $0x300, s15;
	[sflag:s7] =	ssyncadd.s32 $0xFFFFD800;
	(pc) =	sbr.rel @p0 .LBB2_2-.Ltmp0, $4  }
0x6e: {  	[tilespmem:s25], [sflag:$0x3] =	stream.indirect.gather [hbm4b:s2+s20], $0x80, s16, s20, $0xb8;
	v63 =	vld [tilespmem:$0x0]  }
0x6f: {  	_ =	swait.ge [sflag:s8], $0x2800  }
0x70: {  	[sflag:s8] =	ssyncset.done $0x0  }
0x71: {  	s15 =	sadd.s32 $0x380, s15;
	[sflag:s8] =	ssyncadd.s32 $0xFFFFD800  }
0x72: {  	[tilespmem:s28], [sflag:$0x4] =	stream.indirect.gather [hbm4b:s2+s20], $0x80, s15, s20, $0xb8;
	v63 =	vld [tilespmem:$0x0]  }
0x73: {  	_ =	swait.ge [sflag:s29], $0x2800  }
0x74: {  	[sflag:s29] =	ssyncset.done $0x0  }
0x75: {  	[sflag:s29] =	ssyncadd.s32 $0xFFFFD800  }
0x76: {  	[spmem:s3] =	stream.indirect.scatter.add.f32 [tilespmem:s21], [sflag:$0x5], $0x80, s9, s20, $0xb8;
	v63 =	vld [tilespmem:$0x0]  }
0x77: {  	_ =	swait.ge [sflag:s30], $0x2800  }
0x78: {  	[sflag:s30] =	ssyncset.done $0x0  }
0x79: {  	[sflag:s30] =	ssyncadd.s32 $0xFFFFD800  }
0x7a: {  	[spmem:s3] =	stream.indirect.scatter.add.f32 [tilespmem:s23], [sflag:$0x6], $0x80, s10, s20, $0xb8;
	v63 =	vld [tilespmem:$0x0]  }
0x7b: {  	_ =	swait.ge [sflag:s31], $0x2800  }
0x7c: {  	[sflag:s31] =	ssyncset.done $0x0  }
0x7d: {  	[sflag:s31] =	ssyncadd.s32 $0xFFFFD800  }
0x7e: {  	[spmem:s3] =	stream.indirect.scatter.add.f32 [tilespmem:s25], [sflag:$0x7], $0x80, s11, s20, $0xb8;
	v63 =	vld [tilespmem:$0x0]  }
0x7f: {  	_ =	swait.ge [sflag:s0], $0x2800  }
0x80: {  	[sflag:s0] =	ssyncset.done $0x0  }
0x81: {  	[sflag:s0] =	ssyncadd.s32 $0xFFFFD800  }
0x82: {  	[spmem:s3] =	stream.indirect.scatter.add.f32 [tilespmem:s28], [sflag:$0x8], $0x80, s12, s20, $0xb8;
	v63 =	vld [tilespmem:$0x0]  }
0x83: {  	_ =	swait.ge [sflag:s1], $0x2800  }
0x84: {  	[sflag:s1] =	ssyncset.done $0x0  }
0x85: {  	[sflag:s1] =	ssyncadd.s32 $0xFFFFD800  }
0x86: {  	_ =	swait.ge [sflag:s5], $0x2800  }
0x87: {  	[sflag:s5] =	ssyncset.done $0x0  }
0x88: {  	[sflag:s5] =	ssyncadd.s32 $0xFFFFD800  }
0x89: {  	_ =	swait.ge [sflag:s7], $0x2800  }
0x8a: {  	[sflag:s7] =	ssyncset.done $0x0  }
0x8b: {  	[sflag:s7] =	ssyncadd.s32 $0xFFFFD800  }
0x8c: {  	_ =	swait.ge [sflag:s8], $0x2800  }
0x8d: {  	[sflag:s8] =	ssyncset.done $0x0  }
0x8e: {  	s14 =	simm.s32 $0x0;
	s16 =	rddreg [dreg:$0x7];
	[sflag:s8] =	ssyncadd.s32 $0xFFFFD800  }
0x8f: {  	[tilespmem:s14], [sflag:$0x9] =	stream.linear.gather [hbm4b:s16+s14], $0x1000, $0x38;
	v63 =	vld [tilespmem:$0x0]  }
0x90: {  	_ =	swait.ge [sflag:s18], $0x1000  }
0x91: {  	[sflag:s18] =	ssyncset.done $0x0  }
0x92: {  	s16 =	rddreg [dreg:$0x8];
	[sflag:s18] =	ssyncadd.s32 $0xFFFFF000  }
0x93: {  	[tilespmem:s19], [sflag:$0x9] =	stream.linear.gather [hbm4b:s16+s14], $0x1000, $0x38;
	v63 =	vld [tilespmem:$0x0]  }
0x94: {  	_ =	swait.ge [sflag:s18], $0x1000  }
0x95: {  	[sflag:s18] =	ssyncset.done $0x0  }
0x96: {  	[sflag:s18] =	ssyncadd.s32 $0xFFFFF000  }
0x97: {  	[tilespmem:s21], [sflag:$0x1] =	stream.indirect.gather [hbm4b:s2+s20], $0x80, s14, s20, $0xb8;
	v63 =	vld [tilespmem:$0x0]  }
0x98: {  	_ = 	snop  }
0x99: {  	[tilespmem:s23], [sflag:$0x2] =	stream.indirect.gather [hbm4b:s2+s20], $0x80, s22, s20, $0xb8;
	v63 =	vld [tilespmem:$0x0]  }
0x9a: {  	_ = 	snop  }
0x9b: {  	[tilespmem:s25], [sflag:$0x3] =	stream.indirect.gather [hbm4b:s2+s20], $0x80, s24, s20, $0xb8;
	v63 =	vld [tilespmem:$0x0]  }
0x9c: {  	_ = 	snop  }
0x9d: {  	[tilespmem:s28], [sflag:$0x4] =	stream.indirect.gather [hbm4b:s2+s20], $0x80, s26, s20, $0xb8;
	v63 =	vld [tilespmem:$0x0]  }
0x9e: {  	_ =	swait.ge [sflag:s29], $0x2800  }
0x9f: {  	[sflag:s29] =	ssyncset.done $0x0  }
0xa0: {  	s16 =	simm.s32 $0x1000;
	[sflag:s29] =	ssyncadd.s32 $0xFFFFD800  }
0xa1: {  	[spmem:s3] =	stream.indirect.scatter.add.f32 [tilespmem:s21], [sflag:$0x5], $0x80, s16, s20, $0xb8;
	v63 =	vld [tilespmem:$0x0]  }
0xa2: {  	_ =	swait.ge [sflag:s30], $0x2800  }
0xa3: {  	[sflag:s30] =	ssyncset.done $0x0  }
0xa4: {  	s15 =	simm.s32 $0x1080;
	[sflag:s30] =	ssyncadd.s32 $0xFFFFD800  }
0xa5: {  	[spmem:s3] =	stream.indirect.scatter.add.f32 [tilespmem:s23], [sflag:$0x6], $0x80, s15, s20, $0xb8;
	v63 =	vld [tilespmem:$0x0]  }
0xa6: {  	_ =	swait.ge [sflag:s31], $0x2800  }
0xa7: {  	[sflag:s31] =	ssyncset.done $0x0  }
0xa8: {  	s16 =	simm.s32 $0x1100;
	[sflag:s31] =	ssyncadd.s32 $0xFFFFD800  }
0xa9: {  	[spmem:s3] =	stream.indirect.scatter.add.f32 [tilespmem:s25], [sflag:$0x7], $0x80, s16, s20, $0xb8;
	v63 =	vld [tilespmem:$0x0]  }
0xaa: {  	_ =	swait.ge [sflag:s0], $0x2800  }
0xab: {  	[sflag:s0] =	ssyncset.done $0x0  }
0xac: {  	s15 =	simm.s32 $0x1180;
	[sflag:s0] =	ssyncadd.s32 $0xFFFFD800  }
0xad: {  	[spmem:s3] =	stream.indirect.scatter.add.f32 [tilespmem:s28], [sflag:$0x8], $0x80, s15, s20, $0xb8;
	v63 =	vld [tilespmem:$0x0]  }
0xae: {  	_ =	swait.ge [sflag:s1], $0x2800  }
0xaf: {  	[sflag:s1] =	ssyncset.done $0x0  }
0xb0: {  	s16 =	simm.s32 $0x200;
	[sflag:s1] =	ssyncadd.s32 $0xFFFFD800  }
0xb1: {  	[tilespmem:s21], [sflag:$0x1] =	stream.indirect.gather [hbm4b:s2+s20], $0x80, s16, s20, $0xb8;
	v63 =	vld [tilespmem:$0x0]  }
0xb2: {  	_ =	swait.ge [sflag:s5], $0x2800  }
0xb3: {  	[sflag:s5] =	ssyncset.done $0x0  }
0xb4: {  	s15 =	simm.s32 $0x280;
	[sflag:s5] =	ssyncadd.s32 $0xFFFFD800  }
0xb5: {  	[tilespmem:s23], [sflag:$0x2] =	stream.indirect.gather [hbm4b:s2+s20], $0x80, s15, s20, $0xb8;
	v63 =	vld [tilespmem:$0x0]  }
0xb6: {  	_ =	swait.ge [sflag:s7], $0x2800  }
0xb7: {  	[sflag:s7] =	ssyncset.done $0x0  }
0xb8: {  	s16 =	simm.s32 $0x300;
	[sflag:s7] =	ssyncadd.s32 $0xFFFFD800  }
0xb9: {  	[tilespmem:s25], [sflag:$0x3] =	stream.indirect.gather [hbm4b:s2+s20], $0x80, s16, s20, $0xb8;
	v63 =	vld [tilespmem:$0x0]  }
0xba: {  	_ =	swait.ge [sflag:s8], $0x2800  }
0xbb: {  	[sflag:s8] =	ssyncset.done $0x0  }
0xbc: {  	s14 =	simm.s32 $0x800;
	s15 =	simm.s32 $0x380;
	[sflag:s8] =	ssyncadd.s32 $0xFFFFD800  }
.LBB2_4:
0xbd: {  	[tilespmem:s28], [sflag:$0x4] =	stream.indirect.gather [hbm4b:s2+s20], $0x80, s15, s20, $0xb8;
	v63 =	vld [tilespmem:$0x0]  }
0xbe: {  	s15 =	smov.u32 s14  }
0xbf: {  	p0 =	sne.s32 s14, $0x3000;
	s14 =	sadd.s32 $0x800, s14;
	_ =	swait.ge [sflag:s29], $0x2800  }
0xc0: {  	s15 =	sshra.s32 s15, $0x2;
	[sflag:s29] =	ssyncset.done $0x0  }
0xc1: {  	s16 =	sadd.s32 $0x1000, s15;
	[sflag:s29] =	ssyncadd.s32 $0xFFFFD800  }
0xc2: {  	[spmem:s3] =	stream.indirect.scatter.add.f32 [tilespmem:s21], [sflag:$0x5], $0x80, s16, s20, $0xb8;
	v63 =	vld [tilespmem:$0x0]  }
0xc3: {  	_ =	swait.ge [sflag:s30], $0x2800  }
0xc4: {  	[sflag:s30] =	ssyncset.done $0x0  }
0xc5: {  	s16 =	sadd.s32 $0x1080, s15;
	[sflag:s30] =	ssyncadd.s32 $0xFFFFD800  }
0xc6: {  	[spmem:s3] =	stream.indirect.scatter.add.f32 [tilespmem:s23], [sflag:$0x6], $0x80, s16, s20, $0xb8;
	v63 =	vld [tilespmem:$0x0]  }
0xc7: {  	_ =	swait.ge [sflag:s31], $0x2800  }
0xc8: {  	[sflag:s31] =	ssyncset.done $0x0  }
0xc9: {  	s16 =	sadd.s32 $0x1100, s15;
	[sflag:s31] =	ssyncadd.s32 $0xFFFFD800  }
0xca: {  	[spmem:s3] =	stream.indirect.scatter.add.f32 [tilespmem:s25], [sflag:$0x7], $0x80, s16, s20, $0xb8;
	v63 =	vld [tilespmem:$0x0]  }
0xcb: {  	_ =	swait.ge [sflag:s0], $0x2800  }
0xcc: {  	[sflag:s0] =	ssyncset.done $0x0  }
0xcd: {  	s16 =	sadd.s32 $0x1180, s15;
	[sflag:s0] =	ssyncadd.s32 $0xFFFFD800  }
0xce: {  	[spmem:s3] =	stream.indirect.scatter.add.f32 [tilespmem:s28], [sflag:$0x8], $0x80, s16, s20, $0xb8;
	v63 =	vld [tilespmem:$0x0]  }
0xcf: {  	_ =	swait.ge [sflag:s1], $0x2800  }
0xd0: {  	[sflag:s1] =	ssyncset.done $0x0  }
0xd1: {  	s16 =	sadd.s32 $0x200, s15;
	[sflag:s1] =	ssyncadd.s32 $0xFFFFD800  }
0xd2: {  	[tilespmem:s21], [sflag:$0x1] =	stream.indirect.gather [hbm4b:s2+s20], $0x80, s16, s20, $0xb8;
	v63 =	vld [tilespmem:$0x0]  }
0xd3: {  	_ =	swait.ge [sflag:s5], $0x2800  }
0xd4: {  	[sflag:s5] =	ssyncset.done $0x0  }
0xd5: {  	s16 =	sadd.s32 $0x280, s15;
	[sflag:s5] =	ssyncadd.s32 $0xFFFFD800  }
0xd6: {  	[tilespmem:s23], [sflag:$0x2] =	stream.indirect.gather [hbm4b:s2+s20], $0x80, s16, s20, $0xb8;
	v63 =	vld [tilespmem:$0x0]  }
0xd7: {  	_ =	swait.ge [sflag:s7], $0x2800  }
0xd8: {  	[sflag:s7] =	ssyncset.done $0x0  }
.Ltmp1:
0xd9: {  	s16 =	sadd.s32 $0x300, s15;
	[sflag:s7] =	ssyncadd.s32 $0xFFFFD800;
	(pc) =	sbr.rel @p0 .LBB2_4-.Ltmp1, $4  }
0xda: {  	[tilespmem:s25], [sflag:$0x3] =	stream.indirect.gather [hbm4b:s2+s20], $0x80, s16, s20, $0xb8;
	v63 =	vld [tilespmem:$0x0]  }
0xdb: {  	_ =	swait.ge [sflag:s8], $0x2800  }
0xdc: {  	[sflag:s8] =	ssyncset.done $0x0  }
0xdd: {  	s15 =	sadd.s32 $0x380, s15;
	[sflag:s8] =	ssyncadd.s32 $0xFFFFD800  }
0xde: {  	[tilespmem:s28], [sflag:$0x4] =	stream.indirect.gather [hbm4b:s2+s20], $0x80, s15, s20, $0xb8;
	v63 =	vld [tilespmem:$0x0]  }
0xdf: {  	_ =	swait.ge [sflag:s29], $0x2800  }
0xe0: {  	[sflag:s29] =	ssyncset.done $0x0  }
0xe1: {  	[sflag:s29] =	ssyncadd.s32 $0xFFFFD800  }
0xe2: {  	[spmem:s3] =	stream.indirect.scatter.add.f32 [tilespmem:s21], [sflag:$0x5], $0x80, s9, s20, $0xb8;
	v63 =	vld [tilespmem:$0x0]  }
0xe3: {  	_ =	swait.ge [sflag:s30], $0x2800  }
0xe4: {  	[sflag:s30] =	ssyncset.done $0x0  }
0xe5: {  	[sflag:s30] =	ssyncadd.s32 $0xFFFFD800  }
0xe6: {  	[spmem:s3] =	stream.indirect.scatter.add.f32 [tilespmem:s23], [sflag:$0x6], $0x80, s10, s20, $0xb8;
	v63 =	vld [tilespmem:$0x0]  }
0xe7: {  	_ =	swait.ge [sflag:s31], $0x2800  }
0xe8: {  	[sflag:s31] =	ssyncset.done $0x0  }
0xe9: {  	[sflag:s31] =	ssyncadd.s32 $0xFFFFD800  }
0xea: {  	[spmem:s3] =	stream.indirect.scatter.add.f32 [tilespmem:s25], [sflag:$0x7], $0x80, s11, s20, $0xb8;
	v63 =	vld [tilespmem:$0x0]  }
0xeb: {  	_ =	swait.ge [sflag:s0], $0x2800  }
0xec: {  	[sflag:s0] =	ssyncset.done $0x0  }
0xed: {  	[sflag:s0] =	ssyncadd.s32 $0xFFFFD800  }
0xee: {  	[spmem:s3] =	stream.indirect.scatter.add.f32 [tilespmem:s28], [sflag:$0x8], $0x80, s12, s20, $0xb8;
	v63 =	vld [tilespmem:$0x0]  }
0xef: {  	_ =	swait.ge [sflag:s1], $0x2800  }
0xf0: {  	[sflag:s1] =	ssyncset.done $0x0  }
0xf1: {  	[sflag:s1] =	ssyncadd.s32 $0xFFFFD800  }
0xf2: {  	_ =	swait.ge [sflag:s5], $0x2800  }
0xf3: {  	[sflag:s5] =	ssyncset.done $0x0  }
0xf4: {  	[sflag:s5] =	ssyncadd.s32 $0xFFFFD800  }
0xf5: {  	_ =	swait.ge [sflag:s7], $0x2800  }
0xf6: {  	[sflag:s7] =	ssyncset.done $0x0  }
0xf7: {  	[sflag:s7] =	ssyncadd.s32 $0xFFFFD800  }
0xf8: {  	_ =	swait.ge [sflag:s8], $0x2800  }
0xf9: {  	[sflag:s8] =	ssyncset.done $0x0  }
0xfa: {  	s14 =	simm.s32 $0x0;
	s16 =	rddreg [dreg:$0x9];
	[sflag:s8] =	ssyncadd.s32 $0xFFFFD800  }
0xfb: {  	[tilespmem:s14], [sflag:$0x9] =	stream.linear.gather [hbm4b:s16+s14], $0x1000, $0x38;
	v63 =	vld [tilespmem:$0x0]  }
0xfc: {  	_ =	swait.ge [sflag:s18], $0x1000  }
0xfd: {  	[sflag:s18] =	ssyncset.done $0x0  }
0xfe: {  	s16 =	rddreg [dreg:$0xa];
	[sflag:s18] =	ssyncadd.s32 $0xFFFFF000  }
0xff: {  	[tilespmem:s19], [sflag:$0x9] =	stream.linear.gather [hbm4b:s16+s14], $0x1000, $0x38;
	v63 =	vld [tilespmem:$0x0]  }
0x100: {  	_ =	swait.ge [sflag:s18], $0x1000  }
0x101: {  	[sflag:s18] =	ssyncset.done $0x0  }
0x102: {  	[sflag:s18] =	ssyncadd.s32 $0xFFFFF000  }
0x103: {  	[tilespmem:s21], [sflag:$0x1] =	stream.indirect.gather [hbm4b:s2+s20], $0x80, s14, s20, $0xb8;
	v63 =	vld [tilespmem:$0x0]  }
0x104: {  	_ = 	snop  }
0x105: {  	[tilespmem:s23], [sflag:$0x2] =	stream.indirect.gather [hbm4b:s2+s20], $0x80, s22, s20, $0xb8;
	v63 =	vld [tilespmem:$0x0]  }
0x106: {  	_ = 	snop  }
0x107: {  	[tilespmem:s25], [sflag:$0x3] =	stream.indirect.gather [hbm4b:s2+s20], $0x80, s24, s20, $0xb8;
	v63 =	vld [tilespmem:$0x0]  }
0x108: {  	_ = 	snop  }
0x109: {  	[tilespmem:s28], [sflag:$0x4] =	stream.indirect.gather [hbm4b:s2+s20], $0x80, s26, s20, $0xb8;
	v63 =	vld [tilespmem:$0x0]  }
0x10a: {  	_ =	swait.ge [sflag:s29], $0x2800  }
0x10b: {  	[sflag:s29] =	ssyncset.done $0x0  }
0x10c: {  	s16 =	simm.s32 $0x1000;
	[sflag:s29] =	ssyncadd.s32 $0xFFFFD800  }
0x10d: {  	[spmem:s3] =	stream.indirect.scatter.add.f32 [tilespmem:s21], [sflag:$0x5], $0x80, s16, s20, $0xb8;
	v63 =	vld [tilespmem:$0x0]  }
0x10e: {  	_ =	swait.ge [sflag:s30], $0x2800  }
0x10f: {  	[sflag:s30] =	ssyncset.done $0x0  }
0x110: {  	s15 =	simm.s32 $0x1080;
	[sflag:s30] =	ssyncadd.s32 $0xFFFFD800  }
0x111: {  	[spmem:s3] =	stream.indirect.scatter.add.f32 [tilespmem:s23], [sflag:$0x6], $0x80, s15, s20, $0xb8;
	v63 =	vld [tilespmem:$0x0]  }
0x112: {  	_ =	swait.ge [sflag:s31], $0x2800  }
0x113: {  	[sflag:s31] =	ssyncset.done $0x0  }
0x114: {  	s16 =	simm.s32 $0x1100;
	[sflag:s31] =	ssyncadd.s32 $0xFFFFD800  }
0x115: {  	[spmem:s3] =	stream.indirect.scatter.add.f32 [tilespmem:s25], [sflag:$0x7], $0x80, s16, s20, $0xb8;
	v63 =	vld [tilespmem:$0x0]  }
0x116: {  	_ =	swait.ge [sflag:s0], $0x2800  }
0x117: {  	[sflag:s0] =	ssyncset.done $0x0  }
0x118: {  	s15 =	simm.s32 $0x1180;
	[sflag:s0] =	ssyncadd.s32 $0xFFFFD800  }
0x119: {  	[spmem:s3] =	stream.indirect.scatter.add.f32 [tilespmem:s28], [sflag:$0x8], $0x80, s15, s20, $0xb8;
	v63 =	vld [tilespmem:$0x0]  }
0x11a: {  	_ =	swait.ge [sflag:s1], $0x2800  }
0x11b: {  	[sflag:s1] =	ssyncset.done $0x0  }
0x11c: {  	s16 =	simm.s32 $0x200;
	[sflag:s1] =	ssyncadd.s32 $0xFFFFD800  }
0x11d: {  	[tilespmem:s21], [sflag:$0x1] =	stream.indirect.gather [hbm4b:s2+s20], $0x80, s16, s20, $0xb8;
	v63 =	vld [tilespmem:$0x0]  }
0x11e: {  	_ =	swait.ge [sflag:s5], $0x2800  }
0x11f: {  	[sflag:s5] =	ssyncset.done $0x0  }
0x120: {  	s15 =	simm.s32 $0x280;
	[sflag:s5] =	ssyncadd.s32 $0xFFFFD800  }
0x121: {  	[tilespmem:s23], [sflag:$0x2] =	stream.indirect.gather [hbm4b:s2+s20], $0x80, s15, s20, $0xb8;
	v63 =	vld [tilespmem:$0x0]  }
0x122: {  	_ =	swait.ge [sflag:s7], $0x2800  }
0x123: {  	[sflag:s7] =	ssyncset.done $0x0  }
0x124: {  	s16 =	simm.s32 $0x300;
	[sflag:s7] =	ssyncadd.s32 $0xFFFFD800  }
0x125: {  	[tilespmem:s25], [sflag:$0x3] =	stream.indirect.gather [hbm4b:s2+s20], $0x80, s16, s20, $0xb8;
	v63 =	vld [tilespmem:$0x0]  }
0x126: {  	_ =	swait.ge [sflag:s8], $0x2800  }
0x127: {  	[sflag:s8] =	ssyncset.done $0x0  }
0x128: {  	s14 =	simm.s32 $0x800;
	s15 =	simm.s32 $0x380;
	[sflag:s8] =	ssyncadd.s32 $0xFFFFD800  }
.LBB2_6:
0x129: {  	[tilespmem:s28], [sflag:$0x4] =	stream.indirect.gather [hbm4b:s2+s20], $0x80, s15, s20, $0xb8;
	v63 =	vld [tilespmem:$0x0]  }
0x12a: {  	s15 =	smov.u32 s14  }
0x12b: {  	p0 =	sne.s32 s14, $0x3000;
	s14 =	sadd.s32 $0x800, s14;
	_ =	swait.ge [sflag:s29], $0x2800  }
0x12c: {  	s15 =	sshra.s32 s15, $0x2;
	[sflag:s29] =	ssyncset.done $0x0  }
0x12d: {  	s16 =	sadd.s32 $0x1000, s15;
	[sflag:s29] =	ssyncadd.s32 $0xFFFFD800  }
0x12e: {  	[spmem:s3] =	stream.indirect.scatter.add.f32 [tilespmem:s21], [sflag:$0x5], $0x80, s16, s20, $0xb8;
	v63 =	vld [tilespmem:$0x0]  }
0x12f: {  	_ =	swait.ge [sflag:s30], $0x2800  }
0x130: {  	[sflag:s30] =	ssyncset.done $0x0  }
0x131: {  	s16 =	sadd.s32 $0x1080, s15;
	[sflag:s30] =	ssyncadd.s32 $0xFFFFD800  }
0x132: {  	[spmem:s3] =	stream.indirect.scatter.add.f32 [tilespmem:s23], [sflag:$0x6], $0x80, s16, s20, $0xb8;
	v63 =	vld [tilespmem:$0x0]  }
0x133: {  	_ =	swait.ge [sflag:s31], $0x2800  }
0x134: {  	[sflag:s31] =	ssyncset.done $0x0  }
0x135: {  	s16 =	sadd.s32 $0x1100, s15;
	[sflag:s31] =	ssyncadd.s32 $0xFFFFD800  }
0x136: {  	[spmem:s3] =	stream.indirect.scatter.add.f32 [tilespmem:s25], [sflag:$0x7], $0x80, s16, s20, $0xb8;
	v63 =	vld [tilespmem:$0x0]  }
0x137: {  	_ =	swait.ge [sflag:s0], $0x2800  }
0x138: {  	[sflag:s0] =	ssyncset.done $0x0  }
0x139: {  	s16 =	sadd.s32 $0x1180, s15;
	[sflag:s0] =	ssyncadd.s32 $0xFFFFD800  }
0x13a: {  	[spmem:s3] =	stream.indirect.scatter.add.f32 [tilespmem:s28], [sflag:$0x8], $0x80, s16, s20, $0xb8;
	v63 =	vld [tilespmem:$0x0]  }
0x13b: {  	_ =	swait.ge [sflag:s1], $0x2800  }
0x13c: {  	[sflag:s1] =	ssyncset.done $0x0  }
0x13d: {  	s16 =	sadd.s32 $0x200, s15;
	[sflag:s1] =	ssyncadd.s32 $0xFFFFD800  }
0x13e: {  	[tilespmem:s21], [sflag:$0x1] =	stream.indirect.gather [hbm4b:s2+s20], $0x80, s16, s20, $0xb8;
	v63 =	vld [tilespmem:$0x0]  }
0x13f: {  	_ =	swait.ge [sflag:s5], $0x2800  }
0x140: {  	[sflag:s5] =	ssyncset.done $0x0  }
0x141: {  	s16 =	sadd.s32 $0x280, s15;
	[sflag:s5] =	ssyncadd.s32 $0xFFFFD800  }
0x142: {  	[tilespmem:s23], [sflag:$0x2] =	stream.indirect.gather [hbm4b:s2+s20], $0x80, s16, s20, $0xb8;
	v63 =	vld [tilespmem:$0x0]  }
0x143: {  	_ =	swait.ge [sflag:s7], $0x2800  }
0x144: {  	[sflag:s7] =	ssyncset.done $0x0  }
.Ltmp2:
0x145: {  	s16 =	sadd.s32 $0x300, s15;
	[sflag:s7] =	ssyncadd.s32 $0xFFFFD800;
	(pc) =	sbr.rel @p0 .LBB2_6-.Ltmp2, $4  }
0x146: {  	[tilespmem:s25], [sflag:$0x3] =	stream.indirect.gather [hbm4b:s2+s20], $0x80, s16, s20, $0xb8;
	v63 =	vld [tilespmem:$0x0]  }
0x147: {  	_ =	swait.ge [sflag:s8], $0x2800  }
0x148: {  	[sflag:s8] =	ssyncset.done $0x0  }
0x149: {  	s15 =	sadd.s32 $0x380, s15;
	[sflag:s8] =	ssyncadd.s32 $0xFFFFD800  }
0x14a: {  	[tilespmem:s28], [sflag:$0x4] =	stream.indirect.gather [hbm4b:s2+s20], $0x80, s15, s20, $0xb8;
	v63 =	vld [tilespmem:$0x0]  }
0x14b: {  	_ =	swait.ge [sflag:s29], $0x2800  }
0x14c: {  	[sflag:s29] =	ssyncset.done $0x0  }
0x14d: {  	[sflag:s29] =	ssyncadd.s32 $0xFFFFD800  }
0x14e: {  	[spmem:s3] =	stream.indirect.scatter.add.f32 [tilespmem:s21], [sflag:$0x5], $0x80, s9, s20, $0xb8;
	v63 =	vld [tilespmem:$0x0]  }
0x14f: {  	_ =	swait.ge [sflag:s30], $0x2800  }
0x150: {  	[sflag:s30] =	ssyncset.done $0x0  }
0x151: {  	[sflag:s30] =	ssyncadd.s32 $0xFFFFD800  }
0x152: {  	[spmem:s3] =	stream.indirect.scatter.add.f32 [tilespmem:s23], [sflag:$0x6], $0x80, s10, s20, $0xb8;
	v63 =	vld [tilespmem:$0x0]  }
0x153: {  	_ =	swait.ge [sflag:s31], $0x2800  }
0x154: {  	[sflag:s31] =	ssyncset.done $0x0  }
0x155: {  	[sflag:s31] =	ssyncadd.s32 $0xFFFFD800  }
0x156: {  	[spmem:s3] =	stream.indirect.scatter.add.f32 [tilespmem:s25], [sflag:$0x7], $0x80, s11, s20, $0xb8;
	v63 =	vld [tilespmem:$0x0]  }
0x157: {  	_ =	swait.ge [sflag:s0], $0x2800  }
0x158: {  	[sflag:s0] =	ssyncset.done $0x0  }
0x159: {  	[sflag:s0] =	ssyncadd.s32 $0xFFFFD800  }
0x15a: {  	[spmem:s3] =	stream.indirect.scatter.add.f32 [tilespmem:s28], [sflag:$0x8], $0x80, s12, s20, $0xb8;
	v63 =	vld [tilespmem:$0x0]  }
0x15b: {  	_ =	swait.ge [sflag:s1], $0x2800  }
0x15c: {  	[sflag:s1] =	ssyncset.done $0x0  }
0x15d: {  	[sflag:s1] =	ssyncadd.s32 $0xFFFFD800  }
0x15e: {  	_ =	swait.ge [sflag:s5], $0x2800  }
0x15f: {  	[sflag:s5] =	ssyncset.done $0x0  }
0x160: {  	[sflag:s5] =	ssyncadd.s32 $0xFFFFD800  }
0x161: {  	_ =	swait.ge [sflag:s7], $0x2800  }
0x162: {  	[sflag:s7] =	ssyncset.done $0x0  }
0x163: {  	[sflag:s7] =	ssyncadd.s32 $0xFFFFD800  }
0x164: {  	_ =	swait.ge [sflag:s8], $0x2800  }
0x165: {  	[sflag:s8] =	ssyncset.done $0x0  }
0x166: {  	s14 =	simm.s32 $0x0;
	s16 =	rddreg [dreg:$0xb];
	[sflag:s8] =	ssyncadd.s32 $0xFFFFD800  }
0x167: {  	[tilespmem:s14], [sflag:$0x9] =	stream.linear.gather [hbm4b:s16+s14], $0x1000, $0x38;
	v63 =	vld [tilespmem:$0x0]  }
0x168: {  	_ =	swait.ge [sflag:s18], $0x1000  }
0x169: {  	[sflag:s18] =	ssyncset.done $0x0  }
0x16a: {  	s16 =	rddreg [dreg:$0xc];
	[sflag:s18] =	ssyncadd.s32 $0xFFFFF000  }
0x16b: {  	[tilespmem:s19], [sflag:$0x9] =	stream.linear.gather [hbm4b:s16+s14], $0x1000, $0x38;
	v63 =	vld [tilespmem:$0x0]  }
0x16c: {  	_ =	swait.ge [sflag:s18], $0x1000  }
0x16d: {  	[sflag:s18] =	ssyncset.done $0x0  }
0x16e: {  	[sflag:s18] =	ssyncadd.s32 $0xFFFFF000  }
0x16f: {  	[tilespmem:s21], [sflag:$0x1] =	stream.indirect.gather [hbm4b:s2+s20], $0x80, s14, s20, $0xb8;
	v63 =	vld [tilespmem:$0x0]  }
0x170: {  	_ = 	snop  }
0x171: {  	[tilespmem:s23], [sflag:$0x2] =	stream.indirect.gather [hbm4b:s2+s20], $0x80, s22, s20, $0xb8;
	v63 =	vld [tilespmem:$0x0]  }
0x172: {  	_ = 	snop  }
0x173: {  	[tilespmem:s25], [sflag:$0x3] =	stream.indirect.gather [hbm4b:s2+s20], $0x80, s24, s20, $0xb8;
	v63 =	vld [tilespmem:$0x0]  }
0x174: {  	_ = 	snop  }
0x175: {  	[tilespmem:s28], [sflag:$0x4] =	stream.indirect.gather [hbm4b:s2+s20], $0x80, s26, s20, $0xb8;
	v63 =	vld [tilespmem:$0x0]  }
0x176: {  	_ =	swait.ge [sflag:s29], $0x2800  }
0x177: {  	[sflag:s29] =	ssyncset.done $0x0  }
0x178: {  	s16 =	simm.s32 $0x1000;
	[sflag:s29] =	ssyncadd.s32 $0xFFFFD800  }
0x179: {  	[spmem:s3] =	stream.indirect.scatter.add.f32 [tilespmem:s21], [sflag:$0x5], $0x80, s16, s20, $0xb8;
	v63 =	vld [tilespmem:$0x0]  }
0x17a: {  	_ =	swait.ge [sflag:s30], $0x2800  }
0x17b: {  	[sflag:s30] =	ssyncset.done $0x0  }
0x17c: {  	s15 =	simm.s32 $0x1080;
	[sflag:s30] =	ssyncadd.s32 $0xFFFFD800  }
0x17d: {  	[spmem:s3] =	stream.indirect.scatter.add.f32 [tilespmem:s23], [sflag:$0x6], $0x80, s15, s20, $0xb8;
	v63 =	vld [tilespmem:$0x0]  }
0x17e: {  	_ =	swait.ge [sflag:s31], $0x2800  }
0x17f: {  	[sflag:s31] =	ssyncset.done $0x0  }
0x180: {  	s16 =	simm.s32 $0x1100;
	[sflag:s31] =	ssyncadd.s32 $0xFFFFD800  }
0x181: {  	[spmem:s3] =	stream.indirect.scatter.add.f32 [tilespmem:s25], [sflag:$0x7], $0x80, s16, s20, $0xb8;
	v63 =	vld [tilespmem:$0x0]  }
0x182: {  	_ =	swait.ge [sflag:s0], $0x2800  }
0x183: {  	[sflag:s0] =	ssyncset.done $0x0  }
0x184: {  	s15 =	simm.s32 $0x1180;
	[sflag:s0] =	ssyncadd.s32 $0xFFFFD800  }
0x185: {  	[spmem:s3] =	stream.indirect.scatter.add.f32 [tilespmem:s28], [sflag:$0x8], $0x80, s15, s20, $0xb8;
	v63 =	vld [tilespmem:$0x0]  }
0x186: {  	_ =	swait.ge [sflag:s1], $0x2800  }
0x187: {  	[sflag:s1] =	ssyncset.done $0x0  }
0x188: {  	s16 =	simm.s32 $0x200;
	[sflag:s1] =	ssyncadd.s32 $0xFFFFD800  }
0x189: {  	[tilespmem:s21], [sflag:$0x1] =	stream.indirect.gather [hbm4b:s2+s20], $0x80, s16, s20, $0xb8;
	v63 =	vld [tilespmem:$0x0]  }
0x18a: {  	_ =	swait.ge [sflag:s5], $0x2800  }
0x18b: {  	[sflag:s5] =	ssyncset.done $0x0  }
0x18c: {  	s15 =	simm.s32 $0x280;
	[sflag:s5] =	ssyncadd.s32 $0xFFFFD800  }
0x18d: {  	[tilespmem:s23], [sflag:$0x2] =	stream.indirect.gather [hbm4b:s2+s20], $0x80, s15, s20, $0xb8;
	v63 =	vld [tilespmem:$0x0]  }
0x18e: {  	_ =	swait.ge [sflag:s7], $0x2800  }
0x18f: {  	[sflag:s7] =	ssyncset.done $0x0  }
0x190: {  	s16 =	simm.s32 $0x300;
	[sflag:s7] =	ssyncadd.s32 $0xFFFFD800  }
0x191: {  	[tilespmem:s25], [sflag:$0x3] =	stream.indirect.gather [hbm4b:s2+s20], $0x80, s16, s20, $0xb8;
	v63 =	vld [tilespmem:$0x0]  }
0x192: {  	_ =	swait.ge [sflag:s8], $0x2800  }
0x193: {  	[sflag:s8] =	ssyncset.done $0x0  }
0x194: {  	s14 =	simm.s32 $0x800;
	s15 =	simm.s32 $0x380;
	[sflag:s8] =	ssyncadd.s32 $0xFFFFD800  }
.LBB2_8:
0x195: {  	[tilespmem:s28], [sflag:$0x4] =	stream.indirect.gather [hbm4b:s2+s20], $0x80, s15, s20, $0xb8;
	v63 =	vld [tilespmem:$0x0]  }
0x196: {  	s15 =	smov.u32 s14  }
0x197: {  	p0 =	sne.s32 s14, $0x3000;
	s14 =	sadd.s32 $0x800, s14;
	_ =	swait.ge [sflag:s29], $0x2800  }
0x198: {  	s15 =	sshra.s32 s15, $0x2;
	[sflag:s29] =	ssyncset.done $0x0  }
0x199: {  	s16 =	sadd.s32 $0x1000, s15;
	[sflag:s29] =	ssyncadd.s32 $0xFFFFD800  }
0x19a: {  	[spmem:s3] =	stream.indirect.scatter.add.f32 [tilespmem:s21], [sflag:$0x5], $0x80, s16, s20, $0xb8;
	v63 =	vld [tilespmem:$0x0]  }
0x19b: {  	_ =	swait.ge [sflag:s30], $0x2800  }
0x19c: {  	[sflag:s30] =	ssyncset.done $0x0  }
0x19d: {  	s16 =	sadd.s32 $0x1080, s15;
	[sflag:s30] =	ssyncadd.s32 $0xFFFFD800  }
0x19e: {  	[spmem:s3] =	stream.indirect.scatter.add.f32 [tilespmem:s23], [sflag:$0x6], $0x80, s16, s20, $0xb8;
	v63 =	vld [tilespmem:$0x0]  }
0x19f: {  	_ =	swait.ge [sflag:s31], $0x2800  }
0x1a0: {  	[sflag:s31] =	ssyncset.done $0x0  }
0x1a1: {  	s16 =	sadd.s32 $0x1100, s15;
	[sflag:s31] =	ssyncadd.s32 $0xFFFFD800  }
0x1a2: {  	[spmem:s3] =	stream.indirect.scatter.add.f32 [tilespmem:s25], [sflag:$0x7], $0x80, s16, s20, $0xb8;
	v63 =	vld [tilespmem:$0x0]  }
0x1a3: {  	_ =	swait.ge [sflag:s0], $0x2800  }
0x1a4: {  	[sflag:s0] =	ssyncset.done $0x0  }
0x1a5: {  	s16 =	sadd.s32 $0x1180, s15;
	[sflag:s0] =	ssyncadd.s32 $0xFFFFD800  }
0x1a6: {  	[spmem:s3] =	stream.indirect.scatter.add.f32 [tilespmem:s28], [sflag:$0x8], $0x80, s16, s20, $0xb8;
	v63 =	vld [tilespmem:$0x0]  }
0x1a7: {  	_ =	swait.ge [sflag:s1], $0x2800  }
0x1a8: {  	[sflag:s1] =	ssyncset.done $0x0  }
0x1a9: {  	s16 =	sadd.s32 $0x200, s15;
	[sflag:s1] =	ssyncadd.s32 $0xFFFFD800  }
0x1aa: {  	[tilespmem:s21], [sflag:$0x1] =	stream.indirect.gather [hbm4b:s2+s20], $0x80, s16, s20, $0xb8;
	v63 =	vld [tilespmem:$0x0]  }
0x1ab: {  	_ =	swait.ge [sflag:s5], $0x2800  }
0x1ac: {  	[sflag:s5] =	ssyncset.done $0x0  }
0x1ad: {  	s16 =	sadd.s32 $0x280, s15;
	[sflag:s5] =	ssyncadd.s32 $0xFFFFD800  }
0x1ae: {  	[tilespmem:s23], [sflag:$0x2] =	stream.indirect.gather [hbm4b:s2+s20], $0x80, s16, s20, $0xb8;
	v63 =	vld [tilespmem:$0x0]  }
0x1af: {  	_ =	swait.ge [sflag:s7], $0x2800  }
0x1b0: {  	[sflag:s7] =	ssyncset.done $0x0  }
.Ltmp3:
0x1b1: {  	s16 =	sadd.s32 $0x300, s15;
	[sflag:s7] =	ssyncadd.s32 $0xFFFFD800;
	(pc) =	sbr.rel @p0 .LBB2_8-.Ltmp3, $4  }
0x1b2: {  	[tilespmem:s25], [sflag:$0x3] =	stream.indirect.gather [hbm4b:s2+s20], $0x80, s16, s20, $0xb8;
	v63 =	vld [tilespmem:$0x0]  }
0x1b3: {  	_ =	swait.ge [sflag:s8], $0x2800  }
0x1b4: {  	[sflag:s8] =	ssyncset.done $0x0  }
0x1b5: {  	s15 =	sadd.s32 $0x380, s15;
	[sflag:s8] =	ssyncadd.s32 $0xFFFFD800  }
0x1b6: {  	[tilespmem:s28], [sflag:$0x4] =	stream.indirect.gather [hbm4b:s2+s20], $0x80, s15, s20, $0xb8;
	v63 =	vld [tilespmem:$0x0]  }
0x1b7: {  	_ =	swait.ge [sflag:s29], $0x2800  }
0x1b8: {  	[sflag:s29] =	ssyncset.done $0x0  }
0x1b9: {  	[sflag:s29] =	ssyncadd.s32 $0xFFFFD800  }
0x1ba: {  	[spmem:s3] =	stream.indirect.scatter.add.f32 [tilespmem:s21], [sflag:$0x5], $0x80, s9, s20, $0xb8;
	v63 =	vld [tilespmem:$0x0]  }
0x1bb: {  	_ =	swait.ge [sflag:s30], $0x2800  }
0x1bc: {  	[sflag:s30] =	ssyncset.done $0x0  }
0x1bd: {  	[sflag:s30] =	ssyncadd.s32 $0xFFFFD800  }
0x1be: {  	[spmem:s3] =	stream.indirect.scatter.add.f32 [tilespmem:s23], [sflag:$0x6], $0x80, s10, s20, $0xb8;
	v63 =	vld [tilespmem:$0x0]  }
0x1bf: {  	_ =	swait.ge [sflag:s31], $0x2800  }
0x1c0: {  	[sflag:s31] =	ssyncset.done $0x0  }
0x1c1: {  	[sflag:s31] =	ssyncadd.s32 $0xFFFFD800  }
0x1c2: {  	[spmem:s3] =	stream.indirect.scatter.add.f32 [tilespmem:s25], [sflag:$0x7], $0x80, s11, s20, $0xb8;
	v63 =	vld [tilespmem:$0x0]  }
0x1c3: {  	_ =	swait.ge [sflag:s0], $0x2800  }
0x1c4: {  	[sflag:s0] =	ssyncset.done $0x0  }
0x1c5: {  	[sflag:s0] =	ssyncadd.s32 $0xFFFFD800  }
0x1c6: {  	[spmem:s3] =	stream.indirect.scatter.add.f32 [tilespmem:s28], [sflag:$0x8], $0x80, s12, s20, $0xb8;
	v63 =	vld [tilespmem:$0x0]  }
0x1c7: {  	_ =	swait.ge [sflag:s1], $0x2800  }
0x1c8: {  	[sflag:s1] =	ssyncset.done $0x0  }
0x1c9: {  	[sflag:s1] =	ssyncadd.s32 $0xFFFFD800  }
0x1ca: {  	_ =	swait.ge [sflag:s5], $0x2800  }
0x1cb: {  	[sflag:s5] =	ssyncset.done $0x0  }
0x1cc: {  	[sflag:s5] =	ssyncadd.s32 $0xFFFFD800  }
0x1cd: {  	_ =	swait.ge [sflag:s7], $0x2800  }
0x1ce: {  	[sflag:s7] =	ssyncset.done $0x0  }
0x1cf: {  	[sflag:s7] =	ssyncadd.s32 $0xFFFFD800  }
0x1d0: {  	_ =	swait.ge [sflag:s8], $0x2800  }
0x1d1: {  	[sflag:s8] =	ssyncset.done $0x0  }
0x1d2: {  	[sflag:s8] =	ssyncadd.s32 $0xFFFFD800  }
0x1d3: {  	[bflag:$0x0] =	sbarrier.arrive $0xFFFF  }
0x1d4: {  	s14 =	rddreg [dreg:$0xd]  }
0x1d5: {  	[hbm:s14], [sflag:s6] =	dma.local [spmem:s17], $0x2800  }
0x1d6: {  	_ =	swait.ge [sflag:s18], $0x2800  }
0x1d7: {  	s13 =	sadd.s32 $0x1, s13;
	s16 =	rddreg [dreg:$0xe]  }
0x1d8: {  	p0 =	sne.s32 s13, s16  }
.Ltmp4:
0x1d9: {  	_ = 	snop;
	(pc) =	sbr.rel @p0 .LBB2_1-.Ltmp4, $3  }
0x1da: {  	_ =	sdelay $0x1  }
0x1db: {  	[sflag:s18] =	ssyncset.done $0x0  }
0x1dc: {  	[sflag:s18] =	ssyncadd.s32 $0xFFFFD800  }
0x1dd: {  	_ =	sfence.sel $0x180000  }
0x1de: {  	[bflag:$0x0] =	sbarrier.arrive $0xFFFF  }
0x1df: {  	_ =	strace $0x9000004A  }
0x1e0: {  	s0 =	stileid.u32;
	[bflag:$0x2] =	sbarrier.arrive $0xFFFF  }
0x1e1: {  	p0 =	sne.s32 s0, $0x0;
	s0 =	rddreg [dreg:$0x3]  }
0x1e2: {  	s0 =	sadd.s32 @!p0 $0x100000, s0  }
0x1e3: {  	[sflag:s0] =	ssyncadd.tile.s32 @!p0 $0x1;
	_ =	shalt  }
.Lfunc_end2:
_tile_overlayer_lowered:
.L_overlay_start_2:
0x1e4: {  	(tag) =	ssettag $0x2  }
0x1e5: {  	s0 =	rddreg [dreg:$0x0];
	s2 =	stileid.u32  }
0x1e6: {  	s1 =	rddreg [dreg:$0x1];
	p0 =	sne.s32 s2, $0x0  }
0x1e7: {  	s3 =	rddreg [dreg:$0x2];
	[bflag:$0x3] =	sbarrier.arrive $0xFFFF;
	s2 =	simm.s32 @!p0 $0x1C09  }
0x1e8: {  	[timem:s3], [sflag:s2] =	dma.local @!p0 [hbm:s0], s1  }
0x1e9: {  	s0 =	simm.s32 @!p0 $0x9  }
0x1ea: {  	_ =	swait.ge @!p0 [sflag:s0], s1  }
0x1eb: {  	s1 =	ssub.s32 @!p0 $0x0, s1;
	[sflag:s0] =	ssyncset.done @!p0 $0x0  }
0x1ec: {  	[sflag:s0] =	ssyncadd.s32 @!p0 s1  }
0x1ed: {  	[bflag:$0x3] =	sbarrier.arrive $0xFFFF  }
0x1ee: {  	_ =	shalt  }

// kernel: kernel.15.cloned.1.call-start
scs
__scs_entry_jumppad:
0x0: {  	(pc) =	sbr.rel $0x88, $3  }
0x1: {  	(tag) =	ssettag $0x0;
	lr =	simm.s32 $0x1  }
0x2: {  	[smem:$0x3F9D] =	sst lr;
	_ =	strace $0xD0000000  }
0x3: {  	_ = 	snop  }
0x4: {  	_ = 	snop  }
0x5: {  	_ = 	snop  }
0x6: {  	_ = 	snop  }
0x7: {  	_ = 	snop  }
__scs_overlays_trampoline_lowered:
0x8: {  	[smem:$0x3FAC] =	sst s0  }
0x9: {  	[smem:$0x3FAD] =	sst s1  }
0xa: {  	[smem:$0x3FAE] =	sst s2  }
0xb: {  	[smem:$0x3FAF] =	sst s3  }
0xc: {  	[smem:$0x3FB0] =	sst s4  }
0xd: {  	[smem:$0x3FB1] =	sst s5  }
0xe: {  	[smem:$0x3FB2] =	sst s6  }
0xf: {  	[smem:$0x3FB3] =	sst s7  }
0x10: {  	[smem:$0x3FB4] =	sst s8  }
0x11: {  	[smem:$0x3FB5] =	sst s9;
	s0 =	simm.s32 @!p0 $0x0  }
0x12: {  	s1 =	sld [smem:$0x3F9B];
	s0 =	simm.s32 @p0 $0x1  }
0x13: {  	[smem:$0x3FB6] =	sst s0;
	s0 =	simm.s32 @!p1 $0x0  }
0x14: {  	s2 =	sld [smem:$0x3F9A];
	s0 =	simm.s32 @p1 $0x1  }
0x15: {  	[smem:$0x3FB7] =	sst s0;
	s0 =	simm.s32 @!p2 $0x0  }
0x16: {  	s3 =	sld [smem:$0x3FDB];
	s0 =	simm.s32 @p2 $0x1  }
0x17: {  	s4 =	simm.s32 $0x1BF5;
	[smem:$0x3FB9] =	sst s0  }
0x18: {  	s0 =	sld [smem:$0x3F9C];
	_ =	swait.ge [sflag:s4], $0x0  }
0x19: {  	s7 =	sld [smem:$0x3F9D]  }
0x1a: {  	s8 =	sadd.s32 $0xFFFFE003, lr  }
0x1b: {  	s9 =	sadd.s32 $0xFFFFFEF7, lr;
	s5 =	simm.s32 $0xFFFFFFFF;
	p2 =	slt.u32 s8, $0xFFFFF086  }
0x1c: {  	p1 =	slt.u32 s9, $0xF7A;
	s5 =	simm.s32 @!p2 $0x0  }
0x1d: {  	s5 =	simm.s32 @p1 $0x1;
	p0 =	seq.s32 s7, s2  }
0x1e: {  	s7 =	smul.u32 @!p0 $0xF7A, s2;
	p2 =	seq.s32 @!p0 s5, $0x0  }
0x1f: {  	s9 =	smul.u32 $0xF7A, s1;
	s8 =	simm.s32 @!p0 $0x1BF5;
	p2 =	por !p2, p0  }
0x20: {  	[sflag:s8] =	ssyncset.s32 @!p0 $0xFFFFF086;
	s6 =	sadd.s32 @!p0 s3, s7;
	s7 =	simm.s32 @!p0 $0x108  }
0x21: {  	s3 =	sadd.s32 s3, s9;
	s6 =	sadd.s32 @!p0 $0x88, s6;
	s7 =	simm.s32 @p2 $0x1082  }
0x22: {  	[simem:s7], [sflag:s8] =	dma.local @!p0 [hbm:s6], $0xF7A  }
0x23: {  	s9 =	sor.u32 $0xD0000000, s2;
	s6 =	simm.s32 $0x108;
	_ =	swait.ge @!p0 [sflag:s8], $0x0  }
0x24: {  	s3 =	sadd.s32 $0x88, s3;
	s6 =	simm.s32 @!p1 $0x1082;
	[sflag:s4] =	ssyncset.s32 $0xFFFFF086  }
0x25: {  	[simem:s6], [sflag:s4] =	dma.local [hbm:s3], $0xF7A  }
0x26: {  	[smem:$0x3F9D] =	sst s1;
	(tag) =	ssettag s2;
	_ =	strace s9  }
0x27: {  	s1 =	sld [smem:$0x3FAD]  }
0x28: {  	s2 =	sld [smem:$0x3FAE]  }
0x29: {  	s4 =	sld [smem:$0x3FB0]  }
0x2a: {  	p0 =	seq.s32 s5, $0x0;
	s5 =	sld [smem:$0x3FB1]  }
0x2b: {  	s6 =	sld [smem:$0x3FB2]  }
0x2c: {  	s7 =	sld [smem:$0x3FB3]  }
0x2d: {  	s3 =	simm.s32 $0x108;
	s8 =	sld [smem:$0x3FB4]  }
0x2e: {  	s3 =	simm.s32 @!p0 $0x1082;
	s9 =	sld [smem:$0x3FB5]  }
0x2f: {  	lr =	sadd.s32 s0, s3;
	s0 =	sld [smem:$0x3FAC]  }
0x30: {  	s3 =	sld [smem:$0x3FAF]  }
0x31: {  	[smem:$0x3FB8] =	sst s10  }
0x32: {  	s10 =	sld [smem:$0x3FB6];
	_ =	sdelay $0x3  }
0x33: {  	p0 =	seq.s32 s10, $0x1;
	s10 =	sld [smem:$0x3FB8];
	_ =	sdelay $0x3  }
0x34: {  	[smem:$0x3FB8] =	sst s10  }
0x35: {  	s10 =	sld [smem:$0x3FB7];
	_ =	sdelay $0x3  }
0x36: {  	p1 =	seq.s32 s10, $0x1;
	s10 =	sld [smem:$0x3FB8];
	_ =	sdelay $0x3  }
0x37: {  	[smem:$0x3FB8] =	sst s10  }
0x38: {  	s10 =	sld [smem:$0x3FB9]  }
0x39: {  	_ = 	snop;
	(pc) =	sbr.ind lr, $3  }
0x3a: {  	_ = 	snop  }
0x3b: {  	_ = 	snop  }
0x3c: {  	p2 =	seq.s32 s10, $0x1;
	s10 =	sld [smem:$0x3FB8]  }
0x3d: {  	_ =	shalt  }
0x3e: {  	_ =	shalt  }
0x3f: {  	_ =	shalt  }
0x40: {  	_ =	shalt  }
0x41: {  	_ =	shalt  }
0x42: {  	_ =	shalt  }
0x43: {  	_ =	shalt  }
0x44: {  	_ =	shalt  }
0x45: {  	_ =	shalt  }
0x46: {  	_ =	shalt  }
0x47: {  	_ =	shalt  }
0x48: {  	_ =	shalt  }
0x49: {  	_ =	shalt  }
0x4a: {  	_ =	shalt  }
0x4b: {  	_ =	shalt  }
0x4c: {  	_ =	shalt  }
0x4d: {  	_ =	shalt  }
0x4e: {  	_ =	shalt  }
0x4f: {  	_ =	shalt  }
0x50: {  	_ =	shalt  }
0x51: {  	_ =	shalt  }
0x52: {  	_ =	shalt  }
0x53: {  	_ =	shalt  }
0x54: {  	_ =	shalt  }
0x55: {  	_ =	shalt  }
0x56: {  	_ =	shalt  }
0x57: {  	_ =	shalt  }
0x58: {  	_ =	shalt  }
0x59: {  	_ =	shalt  }
0x5a: {  	_ =	shalt  }
0x5b: {  	_ =	shalt  }
0x5c: {  	_ =	shalt  }
0x5d: {  	_ =	shalt  }
0x5e: {  	_ =	shalt  }
0x5f: {  	_ =	shalt  }
0x60: {  	_ =	shalt  }
0x61: {  	_ =	shalt  }
0x62: {  	_ =	shalt  }
0x63: {  	_ =	shalt  }
0x64: {  	_ =	shalt  }
0x65: {  	_ =	shalt  }
0x66: {  	_ =	shalt  }
0x67: {  	_ =	shalt  }
0x68: {  	_ =	shalt  }
0x69: {  	_ =	shalt  }
0x6a: {  	_ =	shalt  }
0x6b: {  	_ =	shalt  }
0x6c: {  	_ =	shalt  }
0x6d: {  	_ =	shalt  }
0x6e: {  	_ =	shalt  }
0x6f: {  	_ =	shalt  }
0x70: {  	_ =	shalt  }
0x71: {  	_ =	shalt  }
0x72: {  	_ =	shalt  }
0x73: {  	_ =	shalt  }
0x74: {  	_ =	shalt  }
0x75: {  	_ =	shalt  }
0x76: {  	_ =	shalt  }
0x77: {  	_ =	shalt  }
0x78: {  	_ =	shalt  }
0x79: {  	_ =	shalt  }
0x7a: {  	_ =	shalt  }
0x7b: {  	_ =	shalt  }
0x7c: {  	_ =	shalt  }
0x7d: {  	_ =	shalt  }
0x7e: {  	_ =	shalt  }
0x7f: {  	_ =	shalt  }
0x80: {  	_ =	shalt  }
0x81: {  	_ =	shalt  }
0x82: {  	_ =	shalt  }
0x83: {  	_ =	shalt  }
0x84: {  	_ =	shalt  }
0x85: {  	_ =	shalt  }
0x86: {  	_ =	shalt  }
0x87: {  	_ =	shalt  }
.Lfunc_end0:
.L_simem_size_0:
called_computation.2_lowered:
.L_overlay_start_0:
0x88: {  	s2 =	sld [smem:$0x3FD9]  }
0x89: {  	s3 =	sld [smem:$0x3FFE];
	_ =	sdelay $0x1  }
0x8a: {  	s1 =	srdreg.scid  }
0x8b: {  	s0 =	sand.u32 $0x1, s1  }
0x8c: {  	s17 =	sshll.u32 s0, $0xA;
	s2 =	sadd.s32 s3, s2  }
0x8d: {  	s2 =	sadd.s32 s2, s17  }
0x8e: {  	[smem:$0x3FC4] =	sst s2  }
0x8f: {  	_ = 	snop  }
0x90: {  	s2 =	sld [smem:$0x3FD0];
	(tm) =	ssettm $0x1  }
0x91: {  	s18 =	sld [smem:$0x3FFB];
	_ =	sdelay $0x3  }
0x92: {  	_ =	strace s18  }
0x93: {  	s3 =	sld [smem:$0x3FFC];
	_ =	sdelay $0x3  }
0x94: {  	_ =	strace s3  }
0x95: {  	s3 =	sld [smem:$0x3FFD];
	_ =	sdelay $0x3  }
0x96: {  	_ =	strace s3  }
0x97: {  	_ =	strace $0x8FFFFFFF  }
0x98: {  	s19 =	sld [smem:$0x3FDB];
	_ =	sdelay $0x1  }
0x99: {  	s4 =	simm.s32 $_scs_section_size  }
0x9a: {  	s5 =	simm.s32 $_size__tile_overlayer_lowered;
	s6 =	simm.s32 $_tile_overlayer_lowered  }
0x9b: {  	s22 =	simm.s32 $0x1BFF;
	s21 =	sshll.u32 s6, $0x1;
	s3 =	sadd.s32 s4, s19  }
0x9c: {  	s7 =	simm.s32 $0x0;
	s20 =	sshll.u32 s5, $0x1;
	s5 =	sadd.s32 s21, s3  }
0x9d: {  	[timem:s7], [sflag:s22] =	dma.local [hbm:s5], s20  }
0x9e: {  	_ =	swait.ge [sflag:s22], s20  }
0x9f: {  	s4 =	ssub.s32 $0x0, s20;
	[sflag:s22] =	ssyncset.done $0x0  }
0xa0: {  	[sflag:s22] =	ssyncadd.s32 s4;
	_ =	sdelay $0x1  }
0xa1: {  	s23 =	simm.s32 $0x1B8B  }
0xa2: {  	_ =	swait.ge [sflag:s23], $0x1  }
0xa3: {  	[sflag:s23] =	ssyncset.done $0x0  }
0xa4: {  	s25 =	simm.s32 $0x1B8E;
	s24 =	sld [smem:$0x3FFE];
	[sflag:s23] =	ssyncadd.s32 $0xFFFFFFFF  }
0xa5: {  	s26 =	simm.s32 $execute0_lowered;
	[smem:$0x3FD2] =	sst s25  }
0xa6: {  	s5 =	sshll.u32 s26, $0x1;
	_ =	strace $0x8000004C;
	[dreg:$0x1] =	wrdreg $0xFFFFFFFF  }
0xa7: {  	s28 =	simm.s32 $_size_execute0_lowered;
	s3 =	sadd.s32 s3, s5;
	[dreg:$0x0] =	wrdreg $0x0  }
0xa8: {  	s5 =	sshll.u32 s28, $0x1;
	[dreg:$0x2] =	wrdreg s3  }
0xa9: {  	[dreg:$0x3] =	wrdreg s5  }
0xaa: {  	[dreg:$0x4] =	wrdreg $0xC0  }
0xab: {  	_ =	task [dreg:s7], $0x5FFFF  }
0xac: {  	[dreg:$0x1] =	wrdreg $0xFFFFFFFF  }
0xad: {  	[dreg:$0x0] =	wrdreg $0x60  }
0xae: {  	[dreg:$0x2] =	wrdreg s2  }
0xaf: {  	[dreg:$0x3] =	wrdreg s24  }
0xb0: {  	[dreg:$0x4] =	wrdreg $0xC0000  }
0xb1: {  	[dreg:$0x5] =	wrdreg $0x9  }
0xb2: {  	_ =	task.clear_ibuf [dreg:s7], $0x6FFFF;
	_ =	strace $0x9000004C  }
0xb3: {  	s29 =	simm.s32 $0x9;
	_ =	strace $0x8000004E  }
0xb4: {  	_ =	swait.ge [sflag:s29], $0x1  }
0xb5: {  	[sflag:s29] =	ssyncadd.s32 $0xFFFFFFFF  }
0xb6: {  	_ =	strace $0x9000004E  }
0xb7: {  	_ =	sfence  }
0xb8: {  	s30 =	sld [smem:$0x0];
	_ =	sdelay $0x2  }
0xb9: {  	s31 =	sshll.u32 s1, $0xD;
	s1 =	sshrl.u32 s1, $0x2  }
0xba: {  	s3 =	sand.u32 $0x4000, s31;
	s1 =	sadd.s32 s1, s30  }
0xbb: {  	s0 =	sor.u32 s3, s0;
	s1 =	sshll.u32 s1, $0x11  }
0xbc: {  	s0 =	sor.u32 s1, s0  }
0xbd: {  	s0 =	sadd.s32 $0x8F2B, s0  }
0xbe: {  	[sflag:s0] =	ssyncadd.remote.s32 $0x1  }
0xbf: {  	_ =	sfence.sel $0xFFFF  }
0xc0: {  	[dreg:$0x0] =	wrdreg $0xFFFFFFFF;
	(pc) =	sbr.abs _section_cstart, $3  }
0xc1: {  	[dreg:$0x1] =	wrdreg $0xFFFFFFFF  }
0xc2: {  	_ =	task.clear_ibuf [dreg:s7], $0x2FFFF;
	_ =	strace $0x9FFFFFFF  }
0xc3: {  	(tm) =	ssettm $0x7FFFFFFF  }
tec
execute0_lowered:
.L_overlay_start_1:
0x0: {  	(tag) =	ssettag $0x1  }
0x1: {  	s2 =	rddreg [dreg:$0x0]  }
0x2: {  	s0 =	rddreg [dreg:$0x1]  }
0x3: {  	s3 =	rddreg [dreg:$0x2]  }
0x4: {  	s12 =	stileid.u32;
	s1 =	srdreg.scid;
	s4 =	simm.s32 $0x0  }
0x5: {  	s28 =	simm.s32 $0x9800;
	s29 =	simm.s32 $0x1;
	s30 =	simm.s32 $0x2  }
0x6: {  	s31 =	simm.s32 $0x3;
	s13 =	simm.s32 $0x0;
	s5 =	smul.u32 $0x14000, s12  }
0x7: {  	s1 =	sand.u32 $0x1, s1;
	[smem:$0x7FF] =	sst s4;
	s7 =	sadd.s32 $0x12A00, s0  }
0x8: {  	s8 =	sadd.s32 $0x2A00, s0;
	s11 =	smul.u32 $0x50000, s12;
	s19 =	sshll.u32 s12, $0xB  }
0x9: {  	s20 =	sshll.u32 s12, $0x6;
	s12 =	simm.s32 $0x1F80;
	s6 =	smul.u32 $0x140000, s1  }
0xa: {  	_ =	strace $0x8000004D;
	s16 =	ssub.s32 $0x2, s1;
	s1 =	sshll.u32 s1, $0xF  }
0xb: {  	s9 =	sshrl.u32 s5, $0x3;
	s10 =	sshrl.u32 s16, $0x1;
	s18 =	sshrl.u32 s11, $0x2  }
0xc: {  	s1 =	sor.u32 s19, s1;
	s19 =	simm.s32 $0x1000;
	s5 =	sadd.s32 s5, s6  }
0xd: {  	s9 =	sadd.s32 s9, s0;
	s17 =	ssub.s32 s16, s10;
	s11 =	sadd.s32 s18, s3  }
0xe: {  	s6 =	sor.u32 $0x1C09, s20;
	s21 =	sor.u32 $0x200, s1;
	s10 =	sadd.s32 s7, s1  }
0xf: {  	s22 =	sadd.s32 s8, s1;
	s24 =	sor.u32 $0x400, s1;
	s1 =	sor.u32 $0x600, s1  }
0x10: {  	s18 =	simm.s32 $0x9;
	s20 =	simm.s32 $0x50;
	[dreg:$0x5] =	wrdreg s10  }
0x11: {  	s5 =	sshrl.u32 s5, $0x3;
	s9 =	sadd.s32 $0x22A00, s9;
	[dreg:$0x6] =	wrdreg s22  }
0x12: {  	s23 =	sadd.s32 s7, s21;
	s25 =	sadd.s32 s7, s24;
	[dreg:$0x4] =	wrdreg s9  }
0x13: {  	s7 =	sadd.s32 s7, s1;
	s1 =	sadd.s32 s8, s1;
	[dreg:$0x7] =	wrdreg s23  }
0x14: {  	s26 =	smax.u32 s17, $0x1;
	s17 =	sshrl.u32 s11, $0x3;
	[dreg:$0x9] =	wrdreg s25  }
0x15: {  	s22 =	simm.s32 $0x80;
	s10 =	simm.s32 $0x1E80;
	[dreg:$0xb] =	wrdreg s7  }
0x16: {  	s11 =	simm.s32 $0x1F00;
	s0 =	sadd.s32 s5, s0;
	[dreg:$0xc] =	wrdreg s1  }
0x17: {  	s9 =	sadd.s32 s8, s21;
	[dreg:$0xe] =	wrdreg s26;
	s21 =	simm.s32 $0x2000  }
0x18: {  	s23 =	simm.s32 $0x4800;
	s25 =	simm.s32 $0x7000;
	s26 =	simm.s32 $0x180  }
0x19: {  	s1 =	simm.s32 $0x5;
	s5 =	simm.s32 $0x6;
	s7 =	simm.s32 $0x7  }
0x1a: {  	[dreg:$0x8] =	wrdreg s9;
	s9 =	sadd.s32 s8, s24;
	s0 =	sadd.s32 $0x4AA00, s0  }
0x1b: {  	s24 =	simm.s32 $0x100;
	s8 =	simm.s32 $0x8;
	[dreg:$0xa] =	wrdreg s9  }
0x1c: {  	[dreg:$0xd] =	wrdreg s0;
	s0 =	simm.s32 $0x4;
	s9 =	simm.s32 $0x1E00  }
.LBB2_1:
0x1d: {  	s14 =	rddreg [dreg:$0x4]  }
0x1e: {  	[spmem:s17], [sflag:s6] =	dma.local [hbm:s14], $0x2800  }
0x1f: {  	_ =	swait.ge [sflag:s18], $0x2800  }
0x20: {  	[sflag:s18] =	ssyncset.done $0x0  }
0x21: {  	s16 =	rddreg [dreg:$0x5];
	[sflag:s18] =	ssyncadd.s32 $0xFFFFD800  }
0x22: {  	[tilespmem:s4], [sflag:$0x9] =	stream.linear.gather [hbm4b:s16+s4], $0x1000, $0x38;
	v63 =	vld [tilespmem:$0x0]  }
0x23: {  	_ =	swait.ge [sflag:s18], $0x1000  }
0x24: {  	[sflag:s18] =	ssyncset.done $0x0  }
0x25: {  	s15 =	rddreg [dreg:$0x6];
	[sflag:s18] =	ssyncadd.s32 $0xFFFFF000  }
0x26: {  	[tilespmem:s19], [sflag:$0x9] =	stream.linear.gather [hbm4b:s15+s4], $0x1000, $0x38;
	v63 =	vld [tilespmem:$0x0]  }
0x27: {  	_ =	swait.ge [sflag:s18], $0x1000  }
0x28: {  	[sflag:s18] =	ssyncset.done $0x0  }
0x29: {  	[sflag:s18] =	ssyncadd.s32 $0xFFFFF000  }
0x2a: {  	[tilespmem:s21], [sflag:$0x1] =	stream.indirect.gather [hbm4b:s2+s20], $0x80, s4, s20, $0xb8;
	v63 =	vld [tilespmem:$0x0]  }
0x2b: {  	_ = 	snop  }
0x2c: {  	[tilespmem:s23], [sflag:$0x2] =	stream.indirect.gather [hbm4b:s2+s20], $0x80, s22, s20, $0xb8;
	v63 =	vld [tilespmem:$0x0]  }
0x2d: {  	_ = 	snop  }
0x2e: {  	[tilespmem:s25], [sflag:$0x3] =	stream.indirect.gather [hbm4b:s2+s20], $0x80, s24, s20, $0xb8;
	v63 =	vld [tilespmem:$0x0]  }
0x2f: {  	_ = 	snop  }
0x30: {  	[tilespmem:s28], [sflag:$0x4] =	stream.indirect.gather [hbm4b:s2+s20], $0x80, s26, s20, $0xb8;
	v63 =	vld [tilespmem:$0x0]  }
0x31: {  	[bflag:$0x0] =	sbarrier.arrive $0xFFFF  }
0x32: {  	_ =	swait.ge [sflag:s29], $0x2800  }
0x33: {  	[sflag:s29] =	ssyncset.done $0x0  }
0x34: {  	s16 =	simm.s32 $0x1000;
	[sflag:s29] =	ssyncadd.s32 $0xFFFFD800  }
0x35: {  	[spmem:s3] =	stream.indirect.scatter.add.f32 [tilespmem:s21], [sflag:$0x5], $0x80, s16, s20, $0xb8;
	v63 =	vld [tilespmem:$0x0]  }
0x36: {  	_ =	swait.ge [sflag:s30], $0x2800  }
0x37: {  	[sflag:s30] =	ssyncset.done $0x0  }
0x38: {  	s15 =	simm.s32 $0x1080;
	[sflag:s30] =	ssyncadd.s32 $0xFFFFD800  }
0x39: {  	[spmem:s3] =	stream.indirect.scatter.add.f32 [tilespmem:s23], [sflag:$0x6], $0x80, s15, s20, $0xb8;
	v63 =	vld [tilespmem:$0x0]  }
0x3a: {  	_ =	swait.ge [sflag:s31], $0x2800  }
0x3b: {  	[sflag:s31] =	ssyncset.done $0x0  }
0x3c: {  	s16 =	simm.s32 $0x1100;
	[sflag:s31] =	ssyncadd.s32 $0xFFFFD800  }
0x3d: {  	[spmem:s3] =	stream.indirect.scatter.add.f32 [tilespmem:s25], [sflag:$0x7], $0x80, s16, s20, $0xb8;
	v63 =	vld [tilespmem:$0x0]  }
0x3e: {  	_ =	swait.ge [sflag:s0], $0x2800  }
0x3f: {  	[sflag:s0] =	ssyncset.done $0x0  }
0x40: {  	s15 =	simm.s32 $0x1180;
	[sflag:s0] =	ssyncadd.s32 $0xFFFFD800  }
0x41: {  	[spmem:s3] =	stream.indirect.scatter.add.f32 [tilespmem:s28], [sflag:$0x8], $0x80, s15, s20, $0xb8;
	v63 =	vld [tilespmem:$0x0]  }
0x42: {  	_ =	swait.ge [sflag:s1], $0x2800  }
0x43: {  	[sflag:s1] =	ssyncset.done $0x0  }
0x44: {  	s16 =	simm.s32 $0x200;
	[sflag:s1] =	ssyncadd.s32 $0xFFFFD800  }
0x45: {  	[tilespmem:s21], [sflag:$0x1] =	stream.indirect.gather [hbm4b:s2+s20], $0x80, s16, s20, $0xb8;
	v63 =	vld [tilespmem:$0x0]  }
0x46: {  	_ =	swait.ge [sflag:s5], $0x2800  }
0x47: {  	[sflag:s5] =	ssyncset.done $0x0  }
0x48: {  	s15 =	simm.s32 $0x280;
	[sflag:s5] =	ssyncadd.s32 $0xFFFFD800  }
0x49: {  	[tilespmem:s23], [sflag:$0x2] =	stream.indirect.gather [hbm4b:s2+s20], $0x80, s15, s20, $0xb8;
	v63 =	vld [tilespmem:$0x0]  }
0x4a: {  	_ =	swait.ge [sflag:s7], $0x2800  }
0x4b: {  	[sflag:s7] =	ssyncset.done $0x0  }
0x4c: {  	s16 =	simm.s32 $0x300;
	[sflag:s7] =	ssyncadd.s32 $0xFFFFD800  }
0x4d: {  	[tilespmem:s25], [sflag:$0x3] =	stream.indirect.gather [hbm4b:s2+s20], $0x80, s16, s20, $0xb8;
	v63 =	vld [tilespmem:$0x0]  }
0x4e: {  	_ =	swait.ge [sflag:s8], $0x2800  }
0x4f: {  	[sflag:s8] =	ssyncset.done $0x0  }
0x50: {  	s14 =	simm.s32 $0x800;
	s15 =	simm.s32 $0x380;
	[sflag:s8] =	ssyncadd.s32 $0xFFFFD800  }
.LBB2_2:
0x51: {  	[tilespmem:s28], [sflag:$0x4] =	stream.indirect.gather [hbm4b:s2+s20], $0x80, s15, s20, $0xb8;
	v63 =	vld [tilespmem:$0x0]  }
0x52: {  	s15 =	smov.u32 s14  }
0x53: {  	p0 =	sne.s32 s14, $0x3000;
	s14 =	sadd.s32 $0x800, s14;
	_ =	swait.ge [sflag:s29], $0x2800  }
0x54: {  	s15 =	sshra.s32 s15, $0x2;
	[sflag:s29] =	ssyncset.done $0x0  }
0x55: {  	s16 =	sadd.s32 $0x1000, s15;
	[sflag:s29] =	ssyncadd.s32 $0xFFFFD800  }
0x56: {  	[spmem:s3] =	stream.indirect.scatter.add.f32 [tilespmem:s21], [sflag:$0x5], $0x80, s16, s20, $0xb8;
	v63 =	vld [tilespmem:$0x0]  }
0x57: {  	_ =	swait.ge [sflag:s30], $0x2800  }
0x58: {  	[sflag:s30] =	ssyncset.done $0x0  }
0x59: {  	s16 =	sadd.s32 $0x1080, s15;
	[sflag:s30] =	ssyncadd.s32 $0xFFFFD800  }
0x5a: {  	[spmem:s3] =	stream.indirect.scatter.add.f32 [tilespmem:s23], [sflag:$0x6], $0x80, s16, s20, $0xb8;
	v63 =	vld [tilespmem:$0x0]  }
0x5b: {  	_ =	swait.ge [sflag:s31], $0x2800  }
0x5c: {  	[sflag:s31] =	ssyncset.done $0x0  }
0x5d: {  	s16 =	sadd.s32 $0x1100, s15;
	[sflag:s31] =	ssyncadd.s32 $0xFFFFD800  }
0x5e: {  	[spmem:s3] =	stream.indirect.scatter.add.f32 [tilespmem:s25], [sflag:$0x7], $0x80, s16, s20, $0xb8;
	v63 =	vld [tilespmem:$0x0]  }
0x5f: {  	_ =	swait.ge [sflag:s0], $0x2800  }
0x60: {  	[sflag:s0] =	ssyncset.done $0x0  }
0x61: {  	s16 =	sadd.s32 $0x1180, s15;
	[sflag:s0] =	ssyncadd.s32 $0xFFFFD800  }
0x62: {  	[spmem:s3] =	stream.indirect.scatter.add.f32 [tilespmem:s28], [sflag:$0x8], $0x80, s16, s20, $0xb8;
	v63 =	vld [tilespmem:$0x0]  }
0x63: {  	_ =	swait.ge [sflag:s1], $0x2800  }
0x64: {  	[sflag:s1] =	ssyncset.done $0x0  }
0x65: {  	s16 =	sadd.s32 $0x200, s15;
	[sflag:s1] =	ssyncadd.s32 $0xFFFFD800  }
0x66: {  	[tilespmem:s21], [sflag:$0x1] =	stream.indirect.gather [hbm4b:s2+s20], $0x80, s16, s20, $0xb8;
	v63 =	vld [tilespmem:$0x0]  }
0x67: {  	_ =	swait.ge [sflag:s5], $0x2800  }
0x68: {  	[sflag:s5] =	ssyncset.done $0x0  }
0x69: {  	s16 =	sadd.s32 $0x280, s15;
	[sflag:s5] =	ssyncadd.s32 $0xFFFFD800  }
0x6a: {  	[tilespmem:s23], [sflag:$0x2] =	stream.indirect.gather [hbm4b:s2+s20], $0x80, s16, s20, $0xb8;
	v63 =	vld [tilespmem:$0x0]  }
0x6b: {  	_ =	swait.ge [sflag:s7], $0x2800  }
0x6c: {  	[sflag:s7] =	ssyncset.done $0x0  }
.Ltmp0:
0x6d: {  	s16 =	sadd.s32 $0x300, s15;
	[sflag:s7] =	ssyncadd.s32 $0xFFFFD800;
	(pc) =	sbr.rel @p0 .LBB2_2-.Ltmp0, $4  }
0x6e: {  	[tilespmem:s25], [sflag:$0x3] =	stream.indirect.gather [hbm4b:s2+s20], $0x80, s16, s20, $0xb8;
	v63 =	vld [tilespmem:$0x0]  }
0x6f: {  	_ =	swait.ge [sflag:s8], $0x2800  }
0x70: {  	[sflag:s8] =	ssyncset.done $0x0  }
0x71: {  	s15 =	sadd.s32 $0x380, s15;
	[sflag:s8] =	ssyncadd.s32 $0xFFFFD800  }
0x72: {  	[tilespmem:s28], [sflag:$0x4] =	stream.indirect.gather [hbm4b:s2+s20], $0x80, s15, s20, $0xb8;
	v63 =	vld [tilespmem:$0x0]  }
0x73: {  	_ =	swait.ge [sflag:s29], $0x2800  }
0x74: {  	[sflag:s29] =	ssyncset.done $0x0  }
0x75: {  	[sflag:s29] =	ssyncadd.s32 $0xFFFFD800  }
0x76: {  	[spmem:s3] =	stream.indirect.scatter.add.f32 [tilespmem:s21], [sflag:$0x5], $0x80, s9, s20, $0xb8;
	v63 =	vld [tilespmem:$0x0]  }
0x77: {  	_ =	swait.ge [sflag:s30], $0x2800  }
0x78: {  	[sflag:s30] =	ssyncset.done $0x0  }
0x79: {  	[sflag:s30] =	ssyncadd.s32 $0xFFFFD800  }
0x7a: {  	[spmem:s3] =	stream.indirect.scatter.add.f32 [tilespmem:s23], [sflag:$0x6], $0x80, s10, s20, $0xb8;
	v63 =	vld [tilespmem:$0x0]  }
0x7b: {  	_ =	swait.ge [sflag:s31], $0x2800  }
0x7c: {  	[sflag:s31] =	ssyncset.done $0x0  }
0x7d: {  	[sflag:s31] =	ssyncadd.s32 $0xFFFFD800  }
0x7e: {  	[spmem:s3] =	stream.indirect.scatter.add.f32 [tilespmem:s25], [sflag:$0x7], $0x80, s11, s20, $0xb8;
	v63 =	vld [tilespmem:$0x0]  }
0x7f: {  	_ =	swait.ge [sflag:s0], $0x2800  }
0x80: {  	[sflag:s0] =	ssyncset.done $0x0  }
0x81: {  	[sflag:s0] =	ssyncadd.s32 $0xFFFFD800  }
0x82: {  	[spmem:s3] =	stream.indirect.scatter.add.f32 [tilespmem:s28], [sflag:$0x8], $0x80, s12, s20, $0xb8;
	v63 =	vld [tilespmem:$0x0]  }
0x83: {  	_ =	swait.ge [sflag:s1], $0x2800  }
0x84: {  	[sflag:s1] =	ssyncset.done $0x0  }
0x85: {  	[sflag:s1] =	ssyncadd.s32 $0xFFFFD800  }
0x86: {  	_ =	swait.ge [sflag:s5], $0x2800  }
0x87: {  	[sflag:s5] =	ssyncset.done $0x0  }
0x88: {  	[sflag:s5] =	ssyncadd.s32 $0xFFFFD800  }
0x89: {  	_ =	swait.ge [sflag:s7], $0x2800  }
0x8a: {  	[sflag:s7] =	ssyncset.done $0x0  }
0x8b: {  	[sflag:s7] =	ssyncadd.s32 $0xFFFFD800  }
0x8c: {  	_ =	swait.ge [sflag:s8], $0x2800  }
0x8d: {  	[sflag:s8] =	ssyncset.done $0x0  }
0x8e: {  	s14 =	simm.s32 $0x0;
	s16 =	rddreg [dreg:$0x7];
	[sflag:s8] =	ssyncadd.s32 $0xFFFFD800  }
0x8f: {  	[tilespmem:s14], [sflag:$0x9] =	stream.linear.gather [hbm4b:s16+s14], $0x1000, $0x38;
	v63 =	vld [tilespmem:$0x0]  }
0x90: {  	_ =	swait.ge [sflag:s18], $0x1000  }
0x91: {  	[sflag:s18] =	ssyncset.done $0x0  }
0x92: {  	s16 =	rddreg [dreg:$0x8];
	[sflag:s18] =	ssyncadd.s32 $0xFFFFF000  }
0x93: {  	[tilespmem:s19], [sflag:$0x9] =	stream.linear.gather [hbm4b:s16+s14], $0x1000, $0x38;
	v63 =	vld [tilespmem:$0x0]  }
0x94: {  	_ =	swait.ge [sflag:s18], $0x1000  }
0x95: {  	[sflag:s18] =	ssyncset.done $0x0  }
0x96: {  	[sflag:s18] =	ssyncadd.s32 $0xFFFFF000  }
0x97: {  	[tilespmem:s21], [sflag:$0x1] =	stream.indirect.gather [hbm4b:s2+s20], $0x80, s14, s20, $0xb8;
	v63 =	vld [tilespmem:$0x0]  }
0x98: {  	_ = 	snop  }
0x99: {  	[tilespmem:s23], [sflag:$0x2] =	stream.indirect.gather [hbm4b:s2+s20], $0x80, s22, s20, $0xb8;
	v63 =	vld [tilespmem:$0x0]  }
0x9a: {  	_ = 	snop  }
0x9b: {  	[tilespmem:s25], [sflag:$0x3] =	stream.indirect.gather [hbm4b:s2+s20], $0x80, s24, s20, $0xb8;
	v63 =	vld [tilespmem:$0x0]  }
0x9c: {  	_ = 	snop  }
0x9d: {  	[tilespmem:s28], [sflag:$0x4] =	stream.indirect.gather [hbm4b:s2+s20], $0x80, s26, s20, $0xb8;
	v63 =	vld [tilespmem:$0x0]  }
0x9e: {  	_ =	swait.ge [sflag:s29], $0x2800  }
0x9f: {  	[sflag:s29] =	ssyncset.done $0x0  }
0xa0: {  	s16 =	simm.s32 $0x1000;
	[sflag:s29] =	ssyncadd.s32 $0xFFFFD800  }
0xa1: {  	[spmem:s3] =	stream.indirect.scatter.add.f32 [tilespmem:s21], [sflag:$0x5], $0x80, s16, s20, $0xb8;
	v63 =	vld [tilespmem:$0x0]  }
0xa2: {  	_ =	swait.ge [sflag:s30], $0x2800  }
0xa3: {  	[sflag:s30] =	ssyncset.done $0x0  }
0xa4: {  	s15 =	simm.s32 $0x1080;
	[sflag:s30] =	ssyncadd.s32 $0xFFFFD800  }
0xa5: {  	[spmem:s3] =	stream.indirect.scatter.add.f32 [tilespmem:s23], [sflag:$0x6], $0x80, s15, s20, $0xb8;
	v63 =	vld [tilespmem:$0x0]  }
0xa6: {  	_ =	swait.ge [sflag:s31], $0x2800  }
0xa7: {  	[sflag:s31] =	ssyncset.done $0x0  }
0xa8: {  	s16 =	simm.s32 $0x1100;
	[sflag:s31] =	ssyncadd.s32 $0xFFFFD800  }
0xa9: {  	[spmem:s3] =	stream.indirect.scatter.add.f32 [tilespmem:s25], [sflag:$0x7], $0x80, s16, s20, $0xb8;
	v63 =	vld [tilespmem:$0x0]  }
0xaa: {  	_ =	swait.ge [sflag:s0], $0x2800  }
0xab: {  	[sflag:s0] =	ssyncset.done $0x0  }
0xac: {  	s15 =	simm.s32 $0x1180;
	[sflag:s0] =	ssyncadd.s32 $0xFFFFD800  }
0xad: {  	[spmem:s3] =	stream.indirect.scatter.add.f32 [tilespmem:s28], [sflag:$0x8], $0x80, s15, s20, $0xb8;
	v63 =	vld [tilespmem:$0x0]  }
0xae: {  	_ =	swait.ge [sflag:s1], $0x2800  }
0xaf: {  	[sflag:s1] =	ssyncset.done $0x0  }
0xb0: {  	s16 =	simm.s32 $0x200;
	[sflag:s1] =	ssyncadd.s32 $0xFFFFD800  }
0xb1: {  	[tilespmem:s21], [sflag:$0x1] =	stream.indirect.gather [hbm4b:s2+s20], $0x80, s16, s20, $0xb8;
	v63 =	vld [tilespmem:$0x0]  }
0xb2: {  	_ =	swait.ge [sflag:s5], $0x2800  }
0xb3: {  	[sflag:s5] =	ssyncset.done $0x0  }
0xb4: {  	s15 =	simm.s32 $0x280;
	[sflag:s5] =	ssyncadd.s32 $0xFFFFD800  }
0xb5: {  	[tilespmem:s23], [sflag:$0x2] =	stream.indirect.gather [hbm4b:s2+s20], $0x80, s15, s20, $0xb8;
	v63 =	vld [tilespmem:$0x0]  }
0xb6: {  	_ =	swait.ge [sflag:s7], $0x2800  }
0xb7: {  	[sflag:s7] =	ssyncset.done $0x0  }
0xb8: {  	s16 =	simm.s32 $0x300;
	[sflag:s7] =	ssyncadd.s32 $0xFFFFD800  }
0xb9: {  	[tilespmem:s25], [sflag:$0x3] =	stream.indirect.gather [hbm4b:s2+s20], $0x80, s16, s20, $0xb8;
	v63 =	vld [tilespmem:$0x0]  }
0xba: {  	_ =	swait.ge [sflag:s8], $0x2800  }
0xbb: {  	[sflag:s8] =	ssyncset.done $0x0  }
0xbc: {  	s14 =	simm.s32 $0x800;
	s15 =	simm.s32 $0x380;
	[sflag:s8] =	ssyncadd.s32 $0xFFFFD800  }
.LBB2_4:
0xbd: {  	[tilespmem:s28], [sflag:$0x4] =	stream.indirect.gather [hbm4b:s2+s20], $0x80, s15, s20, $0xb8;
	v63 =	vld [tilespmem:$0x0]  }
0xbe: {  	s15 =	smov.u32 s14  }
0xbf: {  	p0 =	sne.s32 s14, $0x3000;
	s14 =	sadd.s32 $0x800, s14;
	_ =	swait.ge [sflag:s29], $0x2800  }
0xc0: {  	s15 =	sshra.s32 s15, $0x2;
	[sflag:s29] =	ssyncset.done $0x0  }
0xc1: {  	s16 =	sadd.s32 $0x1000, s15;
	[sflag:s29] =	ssyncadd.s32 $0xFFFFD800  }
0xc2: {  	[spmem:s3] =	stream.indirect.scatter.add.f32 [tilespmem:s21], [sflag:$0x5], $0x80, s16, s20, $0xb8;
	v63 =	vld [tilespmem:$0x0]  }
0xc3: {  	_ =	swait.ge [sflag:s30], $0x2800  }
0xc4: {  	[sflag:s30] =	ssyncset.done $0x0  }
0xc5: {  	s16 =	sadd.s32 $0x1080, s15;
	[sflag:s30] =	ssyncadd.s32 $0xFFFFD800  }
0xc6: {  	[spmem:s3] =	stream.indirect.scatter.add.f32 [tilespmem:s23], [sflag:$0x6], $0x80, s16, s20, $0xb8;
	v63 =	vld [tilespmem:$0x0]  }
0xc7: {  	_ =	swait.ge [sflag:s31], $0x2800  }
0xc8: {  	[sflag:s31] =	ssyncset.done $0x0  }
0xc9: {  	s16 =	sadd.s32 $0x1100, s15;
	[sflag:s31] =	ssyncadd.s32 $0xFFFFD800  }
0xca: {  	[spmem:s3] =	stream.indirect.scatter.add.f32 [tilespmem:s25], [sflag:$0x7], $0x80, s16, s20, $0xb8;
	v63 =	vld [tilespmem:$0x0]  }
0xcb: {  	_ =	swait.ge [sflag:s0], $0x2800  }
0xcc: {  	[sflag:s0] =	ssyncset.done $0x0  }
0xcd: {  	s16 =	sadd.s32 $0x1180, s15;
	[sflag:s0] =	ssyncadd.s32 $0xFFFFD800  }
0xce: {  	[spmem:s3] =	stream.indirect.scatter.add.f32 [tilespmem:s28], [sflag:$0x8], $0x80, s16, s20, $0xb8;
	v63 =	vld [tilespmem:$0x0]  }
0xcf: {  	_ =	swait.ge [sflag:s1], $0x2800  }
0xd0: {  	[sflag:s1] =	ssyncset.done $0x0  }
0xd1: {  	s16 =	sadd.s32 $0x200, s15;
	[sflag:s1] =	ssyncadd.s32 $0xFFFFD800  }
0xd2: {  	[tilespmem:s21], [sflag:$0x1] =	stream.indirect.gather [hbm4b:s2+s20], $0x80, s16, s20, $0xb8;
	v63 =	vld [tilespmem:$0x0]  }
0xd3: {  	_ =	swait.ge [sflag:s5], $0x2800  }
0xd4: {  	[sflag:s5] =	ssyncset.done $0x0  }
0xd5: {  	s16 =	sadd.s32 $0x280, s15;
	[sflag:s5] =	ssyncadd.s32 $0xFFFFD800  }
0xd6: {  	[tilespmem:s23], [sflag:$0x2] =	stream.indirect.gather [hbm4b:s2+s20], $0x80, s16, s20, $0xb8;
	v63 =	vld [tilespmem:$0x0]  }
0xd7: {  	_ =	swait.ge [sflag:s7], $0x2800  }
0xd8: {  	[sflag:s7] =	ssyncset.done $0x0  }
.Ltmp1:
0xd9: {  	s16 =	sadd.s32 $0x300, s15;
	[sflag:s7] =	ssyncadd.s32 $0xFFFFD800;
	(pc) =	sbr.rel @p0 .LBB2_4-.Ltmp1, $4  }
0xda: {  	[tilespmem:s25], [sflag:$0x3] =	stream.indirect.gather [hbm4b:s2+s20], $0x80, s16, s20, $0xb8;
	v63 =	vld [tilespmem:$0x0]  }
0xdb: {  	_ =	swait.ge [sflag:s8], $0x2800  }
0xdc: {  	[sflag:s8] =	ssyncset.done $0x0  }
0xdd: {  	s15 =	sadd.s32 $0x380, s15;
	[sflag:s8] =	ssyncadd.s32 $0xFFFFD800  }
0xde: {  	[tilespmem:s28], [sflag:$0x4] =	stream.indirect.gather [hbm4b:s2+s20], $0x80, s15, s20, $0xb8;
	v63 =	vld [tilespmem:$0x0]  }
0xdf: {  	_ =	swait.ge [sflag:s29], $0x2800  }
0xe0: {  	[sflag:s29] =	ssyncset.done $0x0  }
0xe1: {  	[sflag:s29] =	ssyncadd.s32 $0xFFFFD800  }
0xe2: {  	[spmem:s3] =	stream.indirect.scatter.add.f32 [tilespmem:s21], [sflag:$0x5], $0x80, s9, s20, $0xb8;
	v63 =	vld [tilespmem:$0x0]  }
0xe3: {  	_ =	swait.ge [sflag:s30], $0x2800  }
0xe4: {  	[sflag:s30] =	ssyncset.done $0x0  }
0xe5: {  	[sflag:s30] =	ssyncadd.s32 $0xFFFFD800  }
0xe6: {  	[spmem:s3] =	stream.indirect.scatter.add.f32 [tilespmem:s23], [sflag:$0x6], $0x80, s10, s20, $0xb8;
	v63 =	vld [tilespmem:$0x0]  }
0xe7: {  	_ =	swait.ge [sflag:s31], $0x2800  }
0xe8: {  	[sflag:s31] =	ssyncset.done $0x0  }
0xe9: {  	[sflag:s31] =	ssyncadd.s32 $0xFFFFD800  }
0xea: {  	[spmem:s3] =	stream.indirect.scatter.add.f32 [tilespmem:s25], [sflag:$0x7], $0x80, s11, s20, $0xb8;
	v63 =	vld [tilespmem:$0x0]  }
0xeb: {  	_ =	swait.ge [sflag:s0], $0x2800  }
0xec: {  	[sflag:s0] =	ssyncset.done $0x0  }
0xed: {  	[sflag:s0] =	ssyncadd.s32 $0xFFFFD800  }
0xee: {  	[spmem:s3] =	stream.indirect.scatter.add.f32 [tilespmem:s28], [sflag:$0x8], $0x80, s12, s20, $0xb8;
	v63 =	vld [tilespmem:$0x0]  }
0xef: {  	_ =	swait.ge [sflag:s1], $0x2800  }
0xf0: {  	[sflag:s1] =	ssyncset.done $0x0  }
0xf1: {  	[sflag:s1] =	ssyncadd.s32 $0xFFFFD800  }
0xf2: {  	_ =	swait.ge [sflag:s5], $0x2800  }
0xf3: {  	[sflag:s5] =	ssyncset.done $0x0  }
0xf4: {  	[sflag:s5] =	ssyncadd.s32 $0xFFFFD800  }
0xf5: {  	_ =	swait.ge [sflag:s7], $0x2800  }
0xf6: {  	[sflag:s7] =	ssyncset.done $0x0  }
0xf7: {  	[sflag:s7] =	ssyncadd.s32 $0xFFFFD800  }
0xf8: {  	_ =	swait.ge [sflag:s8], $0x2800  }
0xf9: {  	[sflag:s8] =	ssyncset.done $0x0  }
0xfa: {  	s14 =	simm.s32 $0x0;
	s16 =	rddreg [dreg:$0x9];
	[sflag:s8] =	ssyncadd.s32 $0xFFFFD800  }
0xfb: {  	[tilespmem:s14], [sflag:$0x9] =	stream.linear.gather [hbm4b:s16+s14], $0x1000, $0x38;
	v63 =	vld [tilespmem:$0x0]  }
0xfc: {  	_ =	swait.ge [sflag:s18], $0x1000  }
0xfd: {  	[sflag:s18] =	ssyncset.done $0x0  }
0xfe: {  	s16 =	rddreg [dreg:$0xa];
	[sflag:s18] =	ssyncadd.s32 $0xFFFFF000  }
0xff: {  	[tilespmem:s19], [sflag:$0x9] =	stream.linear.gather [hbm4b:s16+s14], $0x1000, $0x38;
	v63 =	vld [tilespmem:$0x0]  }
0x100: {  	_ =	swait.ge [sflag:s18], $0x1000  }
0x101: {  	[sflag:s18] =	ssyncset.done $0x0  }
0x102: {  	[sflag:s18] =	ssyncadd.s32 $0xFFFFF000  }
0x103: {  	[tilespmem:s21], [sflag:$0x1] =	stream.indirect.gather [hbm4b:s2+s20], $0x80, s14, s20, $0xb8;
	v63 =	vld [tilespmem:$0x0]  }
0x104: {  	_ = 	snop  }
0x105: {  	[tilespmem:s23], [sflag:$0x2] =	stream.indirect.gather [hbm4b:s2+s20], $0x80, s22, s20, $0xb8;
	v63 =	vld [tilespmem:$0x0]  }
0x106: {  	_ = 	snop  }
0x107: {  	[tilespmem:s25], [sflag:$0x3] =	stream.indirect.gather [hbm4b:s2+s20], $0x80, s24, s20, $0xb8;
	v63 =	vld [tilespmem:$0x0]  }
0x108: {  	_ = 	snop  }
0x109: {  	[tilespmem:s28], [sflag:$0x4] =	stream.indirect.gather [hbm4b:s2+s20], $0x80, s26, s20, $0xb8;
	v63 =	vld [tilespmem:$0x0]  }
0x10a: {  	_ =	swait.ge [sflag:s29], $0x2800  }
0x10b: {  	[sflag:s29] =	ssyncset.done $0x0  }
0x10c: {  	s16 =	simm.s32 $0x1000;
	[sflag:s29] =	ssyncadd.s32 $0xFFFFD800  }
0x10d: {  	[spmem:s3] =	stream.indirect.scatter.add.f32 [tilespmem:s21], [sflag:$0x5], $0x80, s16, s20, $0xb8;
	v63 =	vld [tilespmem:$0x0]  }
0x10e: {  	_ =	swait.ge [sflag:s30], $0x2800  }
0x10f: {  	[sflag:s30] =	ssyncset.done $0x0  }
0x110: {  	s15 =	simm.s32 $0x1080;
	[sflag:s30] =	ssyncadd.s32 $0xFFFFD800  }
0x111: {  	[spmem:s3] =	stream.indirect.scatter.add.f32 [tilespmem:s23], [sflag:$0x6], $0x80, s15, s20, $0xb8;
	v63 =	vld [tilespmem:$0x0]  }
0x112: {  	_ =	swait.ge [sflag:s31], $0x2800  }
0x113: {  	[sflag:s31] =	ssyncset.done $0x0  }
0x114: {  	s16 =	simm.s32 $0x1100;
	[sflag:s31] =	ssyncadd.s32 $0xFFFFD800  }
0x115: {  	[spmem:s3] =	stream.indirect.scatter.add.f32 [tilespmem:s25], [sflag:$0x7], $0x80, s16, s20, $0xb8;
	v63 =	vld [tilespmem:$0x0]  }
0x116: {  	_ =	swait.ge [sflag:s0], $0x2800  }
0x117: {  	[sflag:s0] =	ssyncset.done $0x0  }
0x118: {  	s15 =	simm.s32 $0x1180;
	[sflag:s0] =	ssyncadd.s32 $0xFFFFD800  }
0x119: {  	[spmem:s3] =	stream.indirect.scatter.add.f32 [tilespmem:s28], [sflag:$0x8], $0x80, s15, s20, $0xb8;
	v63 =	vld [tilespmem:$0x0]  }
0x11a: {  	_ =	swait.ge [sflag:s1], $0x2800  }
0x11b: {  	[sflag:s1] =	ssyncset.done $0x0  }
0x11c: {  	s16 =	simm.s32 $0x200;
	[sflag:s1] =	ssyncadd.s32 $0xFFFFD800  }
0x11d: {  	[tilespmem:s21], [sflag:$0x1] =	stream.indirect.gather [hbm4b:s2+s20], $0x80, s16, s20, $0xb8;
	v63 =	vld [tilespmem:$0x0]  }
0x11e: {  	_ =	swait.ge [sflag:s5], $0x2800  }
0x11f: {  	[sflag:s5] =	ssyncset.done $0x0  }
0x120: {  	s15 =	simm.s32 $0x280;
	[sflag:s5] =	ssyncadd.s32 $0xFFFFD800  }
0x121: {  	[tilespmem:s23], [sflag:$0x2] =	stream.indirect.gather [hbm4b:s2+s20], $0x80, s15, s20, $0xb8;
	v63 =	vld [tilespmem:$0x0]  }
0x122: {  	_ =	swait.ge [sflag:s7], $0x2800  }
0x123: {  	[sflag:s7] =	ssyncset.done $0x0  }
0x124: {  	s16 =	simm.s32 $0x300;
	[sflag:s7] =	ssyncadd.s32 $0xFFFFD800  }
0x125: {  	[tilespmem:s25], [sflag:$0x3] =	stream.indirect.gather [hbm4b:s2+s20], $0x80, s16, s20, $0xb8;
	v63 =	vld [tilespmem:$0x0]  }
0x126: {  	_ =	swait.ge [sflag:s8], $0x2800  }
0x127: {  	[sflag:s8] =	ssyncset.done $0x0  }
0x128: {  	s14 =	simm.s32 $0x800;
	s15 =	simm.s32 $0x380;
	[sflag:s8] =	ssyncadd.s32 $0xFFFFD800  }
.LBB2_6:
0x129: {  	[tilespmem:s28], [sflag:$0x4] =	stream.indirect.gather [hbm4b:s2+s20], $0x80, s15, s20, $0xb8;
	v63 =	vld [tilespmem:$0x0]  }
0x12a: {  	s15 =	smov.u32 s14  }
0x12b: {  	p0 =	sne.s32 s14, $0x3000;
	s14 =	sadd.s32 $0x800, s14;
	_ =	swait.ge [sflag:s29], $0x2800  }
0x12c: {  	s15 =	sshra.s32 s15, $0x2;
	[sflag:s29] =	ssyncset.done $0x0  }
0x12d: {  	s16 =	sadd.s32 $0x1000, s15;
	[sflag:s29] =	ssyncadd.s32 $0xFFFFD800  }
0x12e: {  	[spmem:s3] =	stream.indirect.scatter.add.f32 [tilespmem:s21], [sflag:$0x5], $0x80, s16, s20, $0xb8;
	v63 =	vld [tilespmem:$0x0]  }
0x12f: {  	_ =	swait.ge [sflag:s30], $0x2800  }
0x130: {  	[sflag:s30] =	ssyncset.done $0x0  }
0x131: {  	s16 =	sadd.s32 $0x1080, s15;
	[sflag:s30] =	ssyncadd.s32 $0xFFFFD800  }
0x132: {  	[spmem:s3] =	stream.indirect.scatter.add.f32 [tilespmem:s23], [sflag:$0x6], $0x80, s16, s20, $0xb8;
	v63 =	vld [tilespmem:$0x0]  }
0x133: {  	_ =	swait.ge [sflag:s31], $0x2800  }
0x134: {  	[sflag:s31] =	ssyncset.done $0x0  }
0x135: {  	s16 =	sadd.s32 $0x1100, s15;
	[sflag:s31] =	ssyncadd.s32 $0xFFFFD800  }
0x136: {  	[spmem:s3] =	stream.indirect.scatter.add.f32 [tilespmem:s25], [sflag:$0x7], $0x80, s16, s20, $0xb8;
	v63 =	vld [tilespmem:$0x0]  }
0x137: {  	_ =	swait.ge [sflag:s0], $0x2800  }
0x138: {  	[sflag:s0] =	ssyncset.done $0x0  }
0x139: {  	s16 =	sadd.s32 $0x1180, s15;
	[sflag:s0] =	ssyncadd.s32 $0xFFFFD800  }
0x13a: {  	[spmem:s3] =	stream.indirect.scatter.add.f32 [tilespmem:s28], [sflag:$0x8], $0x80, s16, s20, $0xb8;
	v63 =	vld [tilespmem:$0x0]  }
0x13b: {  	_ =	swait.ge [sflag:s1], $0x2800  }
0x13c: {  	[sflag:s1] =	ssyncset.done $0x0  }
0x13d: {  	s16 =	sadd.s32 $0x200, s15;
	[sflag:s1] =	ssyncadd.s32 $0xFFFFD800  }
0x13e: {  	[tilespmem:s21], [sflag:$0x1] =	stream.indirect.gather [hbm4b:s2+s20], $0x80, s16, s20, $0xb8;
	v63 =	vld [tilespmem:$0x0]  }
0x13f: {  	_ =	swait.ge [sflag:s5], $0x2800  }
0x140: {  	[sflag:s5] =	ssyncset.done $0x0  }
0x141: {  	s16 =	sadd.s32 $0x280, s15;
	[sflag:s5] =	ssyncadd.s32 $0xFFFFD800  }
0x142: {  	[tilespmem:s23], [sflag:$0x2] =	stream.indirect.gather [hbm4b:s2+s20], $0x80, s16, s20, $0xb8;
	v63 =	vld [tilespmem:$0x0]  }
0x143: {  	_ =	swait.ge [sflag:s7], $0x2800  }
0x144: {  	[sflag:s7] =	ssyncset.done $0x0  }
.Ltmp2:
0x145: {  	s16 =	sadd.s32 $0x300, s15;
	[sflag:s7] =	ssyncadd.s32 $0xFFFFD800;
	(pc) =	sbr.rel @p0 .LBB2_6-.Ltmp2, $4  }
0x146: {  	[tilespmem:s25], [sflag:$0x3] =	stream.indirect.gather [hbm4b:s2+s20], $0x80, s16, s20, $0xb8;
	v63 =	vld [tilespmem:$0x0]  }
0x147: {  	_ =	swait.ge [sflag:s8], $0x2800  }
0x148: {  	[sflag:s8] =	ssyncset.done $0x0  }
0x149: {  	s15 =	sadd.s32 $0x380, s15;
	[sflag:s8] =	ssyncadd.s32 $0xFFFFD800  }
0x14a: {  	[tilespmem:s28], [sflag:$0x4] =	stream.indirect.gather [hbm4b:s2+s20], $0x80, s15, s20, $0xb8;
	v63 =	vld [tilespmem:$0x0]  }
0x14b: {  	_ =	swait.ge [sflag:s29], $0x2800  }
0x14c: {  	[sflag:s29] =	ssyncset.done $0x0  }
0x14d: {  	[sflag:s29] =	ssyncadd.s32 $0xFFFFD800  }
0x14e: {  	[spmem:s3] =	stream.indirect.scatter.add.f32 [tilespmem:s21], [sflag:$0x5], $0x80, s9, s20, $0xb8;
	v63 =	vld [tilespmem:$0x0]  }
0x14f: {  	_ =	swait.ge [sflag:s30], $0x2800  }
0x150: {  	[sflag:s30] =	ssyncset.done $0x0  }
0x151: {  	[sflag:s30] =	ssyncadd.s32 $0xFFFFD800  }
0x152: {  	[spmem:s3] =	stream.indirect.scatter.add.f32 [tilespmem:s23], [sflag:$0x6], $0x80, s10, s20, $0xb8;
	v63 =	vld [tilespmem:$0x0]  }
0x153: {  	_ =	swait.ge [sflag:s31], $0x2800  }
0x154: {  	[sflag:s31] =	ssyncset.done $0x0  }
0x155: {  	[sflag:s31] =	ssyncadd.s32 $0xFFFFD800  }
0x156: {  	[spmem:s3] =	stream.indirect.scatter.add.f32 [tilespmem:s25], [sflag:$0x7], $0x80, s11, s20, $0xb8;
	v63 =	vld [tilespmem:$0x0]  }
0x157: {  	_ =	swait.ge [sflag:s0], $0x2800  }
0x158: {  	[sflag:s0] =	ssyncset.done $0x0  }
0x159: {  	[sflag:s0] =	ssyncadd.s32 $0xFFFFD800  }
0x15a: {  	[spmem:s3] =	stream.indirect.scatter.add.f32 [tilespmem:s28], [sflag:$0x8], $0x80, s12, s20, $0xb8;
	v63 =	vld [tilespmem:$0x0]  }
0x15b: {  	_ =	swait.ge [sflag:s1], $0x2800  }
0x15c: {  	[sflag:s1] =	ssyncset.done $0x0  }
0x15d: {  	[sflag:s1] =	ssyncadd.s32 $0xFFFFD800  }
0x15e: {  	_ =	swait.ge [sflag:s5], $0x2800  }
0x15f: {  	[sflag:s5] =	ssyncset.done $0x0  }
0x160: {  	[sflag:s5] =	ssyncadd.s32 $0xFFFFD800  }
0x161: {  	_ =	swait.ge [sflag:s7], $0x2800  }
0x162: {  	[sflag:s7] =	ssyncset.done $0x0  }
0x163: {  	[sflag:s7] =	ssyncadd.s32 $0xFFFFD800  }
0x164: {  	_ =	swait.ge [sflag:s8], $0x2800  }
0x165: {  	[sflag:s8] =	ssyncset.done $0x0  }
0x166: {  	s14 =	simm.s32 $0x0;
	s16 =	rddreg [dreg:$0xb];
	[sflag:s8] =	ssyncadd.s32 $0xFFFFD800  }
0x167: {  	[tilespmem:s14], [sflag:$0x9] =	stream.linear.gather [hbm4b:s16+s14], $0x1000, $0x38;
	v63 =	vld [tilespmem:$0x0]  }
0x168: {  	_ =	swait.ge [sflag:s18], $0x1000  }
0x169: {  	[sflag:s18] =	ssyncset.done $0x0  }
0x16a: {  	s16 =	rddreg [dreg:$0xc];
	[sflag:s18] =	ssyncadd.s32 $0xFFFFF000  }
0x16b: {  	[tilespmem:s19], [sflag:$0x9] =	stream.linear.gather [hbm4b:s16+s14], $0x1000, $0x38;
	v63 =	vld [tilespmem:$0x0]  }
0x16c: {  	_ =	swait.ge [sflag:s18], $0x1000  }
0x16d: {  	[sflag:s18] =	ssyncset.done $0x0  }
0x16e: {  	[sflag:s18] =	ssyncadd.s32 $0xFFFFF000  }
0x16f: {  	[tilespmem:s21], [sflag:$0x1] =	stream.indirect.gather [hbm4b:s2+s20], $0x80, s14, s20, $0xb8;
	v63 =	vld [tilespmem:$0x0]  }
0x170: {  	_ = 	snop  }
0x171: {  	[tilespmem:s23], [sflag:$0x2] =	stream.indirect.gather [hbm4b:s2+s20], $0x80, s22, s20, $0xb8;
	v63 =	vld [tilespmem:$0x0]  }
0x172: {  	_ = 	snop  }
0x173: {  	[tilespmem:s25], [sflag:$0x3] =	stream.indirect.gather [hbm4b:s2+s20], $0x80, s24, s20, $0xb8;
	v63 =	vld [tilespmem:$0x0]  }
0x174: {  	_ = 	snop  }
0x175: {  	[tilespmem:s28], [sflag:$0x4] =	stream.indirect.gather [hbm4b:s2+s20], $0x80, s26, s20, $0xb8;
	v63 =	vld [tilespmem:$0x0]  }
0x176: {  	_ =	swait.ge [sflag:s29], $0x2800  }
0x177: {  	[sflag:s29] =	ssyncset.done $0x0  }
0x178: {  	s16 =	simm.s32 $0x1000;
	[sflag:s29] =	ssyncadd.s32 $0xFFFFD800  }
0x179: {  	[spmem:s3] =	stream.indirect.scatter.add.f32 [tilespmem:s21], [sflag:$0x5], $0x80, s16, s20, $0xb8;
	v63 =	vld [tilespmem:$0x0]  }
0x17a: {  	_ =	swait.ge [sflag:s30], $0x2800  }
0x17b: {  	[sflag:s30] =	ssyncset.done $0x0  }
0x17c: {  	s15 =	simm.s32 $0x1080;
	[sflag:s30] =	ssyncadd.s32 $0xFFFFD800  }
0x17d: {  	[spmem:s3] =	stream.indirect.scatter.add.f32 [tilespmem:s23], [sflag:$0x6], $0x80, s15, s20, $0xb8;
	v63 =	vld [tilespmem:$0x0]  }
0x17e: {  	_ =	swait.ge [sflag:s31], $0x2800  }
0x17f: {  	[sflag:s31] =	ssyncset.done $0x0  }
0x180: {  	s16 =	simm.s32 $0x1100;
	[sflag:s31] =	ssyncadd.s32 $0xFFFFD800  }
0x181: {  	[spmem:s3] =	stream.indirect.scatter.add.f32 [tilespmem:s25], [sflag:$0x7], $0x80, s16, s20, $0xb8;
	v63 =	vld [tilespmem:$0x0]  }
0x182: {  	_ =	swait.ge [sflag:s0], $0x2800  }
0x183: {  	[sflag:s0] =	ssyncset.done $0x0  }
0x184: {  	s15 =	simm.s32 $0x1180;
	[sflag:s0] =	ssyncadd.s32 $0xFFFFD800  }
0x185: {  	[spmem:s3] =	stream.indirect.scatter.add.f32 [tilespmem:s28], [sflag:$0x8], $0x80, s15, s20, $0xb8;
	v63 =	vld [tilespmem:$0x0]  }
0x186: {  	_ =	swait.ge [sflag:s1], $0x2800  }
0x187: {  	[sflag:s1] =	ssyncset.done $0x0  }
0x188: {  	s16 =	simm.s32 $0x200;
	[sflag:s1] =	ssyncadd.s32 $0xFFFFD800  }
0x189: {  	[tilespmem:s21], [sflag:$0x1] =	stream.indirect.gather [hbm4b:s2+s20], $0x80, s16, s20, $0xb8;
	v63 =	vld [tilespmem:$0x0]  }
0x18a: {  	_ =	swait.ge [sflag:s5], $0x2800  }
0x18b: {  	[sflag:s5] =	ssyncset.done $0x0  }
0x18c: {  	s15 =	simm.s32 $0x280;
	[sflag:s5] =	ssyncadd.s32 $0xFFFFD800  }
0x18d: {  	[tilespmem:s23], [sflag:$0x2] =	stream.indirect.gather [hbm4b:s2+s20], $0x80, s15, s20, $0xb8;
	v63 =	vld [tilespmem:$0x0]  }
0x18e: {  	_ =	swait.ge [sflag:s7], $0x2800  }
0x18f: {  	[sflag:s7] =	ssyncset.done $0x0  }
0x190: {  	s16 =	simm.s32 $0x300;
	[sflag:s7] =	ssyncadd.s32 $0xFFFFD800  }
0x191: {  	[tilespmem:s25], [sflag:$0x3] =	stream.indirect.gather [hbm4b:s2+s20], $0x80, s16, s20, $0xb8;
	v63 =	vld [tilespmem:$0x0]  }
0x192: {  	_ =	swait.ge [sflag:s8], $0x2800  }
0x193: {  	[sflag:s8] =	ssyncset.done $0x0  }
0x194: {  	s14 =	simm.s32 $0x800;
	s15 =	simm.s32 $0x380;
	[sflag:s8] =	ssyncadd.s32 $0xFFFFD800  }
.LBB2_8:
0x195: {  	[tilespmem:s28], [sflag:$0x4] =	stream.indirect.gather [hbm4b:s2+s20], $0x80, s15, s20, $0xb8;
	v63 =	vld [tilespmem:$0x0]  }
0x196: {  	s15 =	smov.u32 s14  }
0x197: {  	p0 =	sne.s32 s14, $0x3000;
	s14 =	sadd.s32 $0x800, s14;
	_ =	swait.ge [sflag:s29], $0x2800  }
0x198: {  	s15 =	sshra.s32 s15, $0x2;
	[sflag:s29] =	ssyncset.done $0x0  }
0x199: {  	s16 =	sadd.s32 $0x1000, s15;
	[sflag:s29] =	ssyncadd.s32 $0xFFFFD800  }
0x19a: {  	[spmem:s3] =	stream.indirect.scatter.add.f32 [tilespmem:s21], [sflag:$0x5], $0x80, s16, s20, $0xb8;
	v63 =	vld [tilespmem:$0x0]  }
0x19b: {  	_ =	swait.ge [sflag:s30], $0x2800  }
0x19c: {  	[sflag:s30] =	ssyncset.done $0x0  }
0x19d: {  	s16 =	sadd.s32 $0x1080, s15;
	[sflag:s30] =	ssyncadd.s32 $0xFFFFD800  }
0x19e: {  	[spmem:s3] =	stream.indirect.scatter.add.f32 [tilespmem:s23], [sflag:$0x6], $0x80, s16, s20, $0xb8;
	v63 =	vld [tilespmem:$0x0]  }
0x19f: {  	_ =	swait.ge [sflag:s31], $0x2800  }
0x1a0: {  	[sflag:s31] =	ssyncset.done $0x0  }
0x1a1: {  	s16 =	sadd.s32 $0x1100, s15;
	[sflag:s31] =	ssyncadd.s32 $0xFFFFD800  }
0x1a2: {  	[spmem:s3] =	stream.indirect.scatter.add.f32 [tilespmem:s25], [sflag:$0x7], $0x80, s16, s20, $0xb8;
	v63 =	vld [tilespmem:$0x0]  }
0x1a3: {  	_ =	swait.ge [sflag:s0], $0x2800  }
0x1a4: {  	[sflag:s0] =	ssyncset.done $0x0  }
0x1a5: {  	s16 =	sadd.s32 $0x1180, s15;
	[sflag:s0] =	ssyncadd.s32 $0xFFFFD800  }
0x1a6: {  	[spmem:s3] =	stream.indirect.scatter.add.f32 [tilespmem:s28], [sflag:$0x8], $0x80, s16, s20, $0xb8;
	v63 =	vld [tilespmem:$0x0]  }
0x1a7: {  	_ =	swait.ge [sflag:s1], $0x2800  }
0x1a8: {  	[sflag:s1] =	ssyncset.done $0x0  }
0x1a9: {  	s16 =	sadd.s32 $0x200, s15;
	[sflag:s1] =	ssyncadd.s32 $0xFFFFD800  }
0x1aa: {  	[tilespmem:s21], [sflag:$0x1] =	stream.indirect.gather [hbm4b:s2+s20], $0x80, s16, s20, $0xb8;
	v63 =	vld [tilespmem:$0x0]  }
0x1ab: {  	_ =	swait.ge [sflag:s5], $0x2800  }
0x1ac: {  	[sflag:s5] =	ssyncset.done $0x0  }
0x1ad: {  	s16 =	sadd.s32 $0x280, s15;
	[sflag:s5] =	ssyncadd.s32 $0xFFFFD800  }
0x1ae: {  	[tilespmem:s23], [sflag:$0x2] =	stream.indirect.gather [hbm4b:s2+s20], $0x80, s16, s20, $0xb8;
	v63 =	vld [tilespmem:$0x0]  }
0x1af: {  	_ =	swait.ge [sflag:s7], $0x2800  }
0x1b0: {  	[sflag:s7] =	ssyncset.done $0x0  }
.Ltmp3:
0x1b1: {  	s16 =	sadd.s32 $0x300, s15;
	[sflag:s7] =	ssyncadd.s32 $0xFFFFD800;
	(pc) =	sbr.rel @p0 .LBB2_8-.Ltmp3, $4  }
0x1b2: {  	[tilespmem:s25], [sflag:$0x3] =	stream.indirect.gather [hbm4b:s2+s20], $0x80, s16, s20, $0xb8;
	v63 =	vld [tilespmem:$0x0]  }
0x1b3: {  	_ =	swait.ge [sflag:s8], $0x2800  }
0x1b4: {  	[sflag:s8] =	ssyncset.done $0x0  }
0x1b5: {  	s15 =	sadd.s32 $0x380, s15;
	[sflag:s8] =	ssyncadd.s32 $0xFFFFD800  }
0x1b6: {  	[tilespmem:s28], [sflag:$0x4] =	stream.indirect.gather [hbm4b:s2+s20], $0x80, s15, s20, $0xb8;
	v63 =	vld [tilespmem:$0x0]  }
0x1b7: {  	_ =	swait.ge [sflag:s29], $0x2800  }
0x1b8: {  	[sflag:s29] =	ssyncset.done $0x0  }
0x1b9: {  	[sflag:s29] =	ssyncadd.s32 $0xFFFFD800  }
0x1ba: {  	[spmem:s3] =	stream.indirect.scatter.add.f32 [tilespmem:s21], [sflag:$0x5], $0x80, s9, s20, $0xb8;
	v63 =	vld [tilespmem:$0x0]  }
0x1bb: {  	_ =	swait.ge [sflag:s30], $0x2800  }
0x1bc: {  	[sflag:s30] =	ssyncset.done $0x0  }
0x1bd: {  	[sflag:s30] =	ssyncadd.s32 $0xFFFFD800  }
0x1be: {  	[spmem:s3] =	stream.indirect.scatter.add.f32 [tilespmem:s23], [sflag:$0x6], $0x80, s10, s20, $0xb8;
	v63 =	vld [tilespmem:$0x0]  }
0x1bf: {  	_ =	swait.ge [sflag:s31], $0x2800  }
0x1c0: {  	[sflag:s31] =	ssyncset.done $0x0  }
0x1c1: {  	[sflag:s31] =	ssyncadd.s32 $0xFFFFD800  }
0x1c2: {  	[spmem:s3] =	stream.indirect.scatter.add.f32 [tilespmem:s25], [sflag:$0x7], $0x80, s11, s20, $0xb8;
	v63 =	vld [tilespmem:$0x0]  }
0x1c3: {  	_ =	swait.ge [sflag:s0], $0x2800  }
0x1c4: {  	[sflag:s0] =	ssyncset.done $0x0  }
0x1c5: {  	[sflag:s0] =	ssyncadd.s32 $0xFFFFD800  }
0x1c6: {  	[spmem:s3] =	stream.indirect.scatter.add.f32 [tilespmem:s28], [sflag:$0x8], $0x80, s12, s20, $0xb8;
	v63 =	vld [tilespmem:$0x0]  }
0x1c7: {  	_ =	swait.ge [sflag:s1], $0x2800  }
0x1c8: {  	[sflag:s1] =	ssyncset.done $0x0  }
0x1c9: {  	[sflag:s1] =	ssyncadd.s32 $0xFFFFD800  }
0x1ca: {  	_ =	swait.ge [sflag:s5], $0x2800  }
0x1cb: {  	[sflag:s5] =	ssyncset.done $0x0  }
0x1cc: {  	[sflag:s5] =	ssyncadd.s32 $0xFFFFD800  }
0x1cd: {  	_ =	swait.ge [sflag:s7], $0x2800  }
0x1ce: {  	[sflag:s7] =	ssyncset.done $0x0  }
0x1cf: {  	[sflag:s7] =	ssyncadd.s32 $0xFFFFD800  }
0x1d0: {  	_ =	swait.ge [sflag:s8], $0x2800  }
0x1d1: {  	[sflag:s8] =	ssyncset.done $0x0  }
0x1d2: {  	[sflag:s8] =	ssyncadd.s32 $0xFFFFD800  }
0x1d3: {  	[bflag:$0x0] =	sbarrier.arrive $0xFFFF  }
0x1d4: {  	s14 =	rddreg [dreg:$0xd]  }
0x1d5: {  	[hbm:s14], [sflag:s6] =	dma.local [spmem:s17], $0x2800  }
0x1d6: {  	_ =	swait.ge [sflag:s18], $0x2800  }
0x1d7: {  	s13 =	sadd.s32 $0x1, s13;
	s16 =	rddreg [dreg:$0xe]  }
0x1d8: {  	p0 =	sne.s32 s13, s16  }
.Ltmp4:
0x1d9: {  	_ = 	snop;
	(pc) =	sbr.rel @p0 .LBB2_1-.Ltmp4, $3  }
0x1da: {  	_ =	sdelay $0x1  }
0x1db: {  	[sflag:s18] =	ssyncset.done $0x0  }
0x1dc: {  	[sflag:s18] =	ssyncadd.s32 $0xFFFFD800  }
0x1dd: {  	_ =	sfence.sel $0x180000  }
0x1de: {  	[bflag:$0x0] =	sbarrier.arrive $0xFFFF  }
0x1df: {  	_ =	strace $0x9000004D  }
0x1e0: {  	s0 =	stileid.u32;
	[bflag:$0x2] =	sbarrier.arrive $0xFFFF  }
0x1e1: {  	p0 =	sne.s32 s0, $0x0;
	s0 =	rddreg [dreg:$0x3]  }
0x1e2: {  	s0 =	sadd.s32 @!p0 $0x100000, s0  }
0x1e3: {  	[sflag:s0] =	ssyncadd.tile.s32 @!p0 $0x1;
	_ =	shalt  }
.Lfunc_end2:
_tile_overlayer_lowered:
.L_overlay_start_2:
0x1e4: {  	(tag) =	ssettag $0x2  }
0x1e5: {  	s0 =	rddreg [dreg:$0x0];
	s2 =	stileid.u32  }
0x1e6: {  	s1 =	rddreg [dreg:$0x1];
	p0 =	sne.s32 s2, $0x0  }
0x1e7: {  	s3 =	rddreg [dreg:$0x2];
	[bflag:$0x3] =	sbarrier.arrive $0xFFFF;
	s2 =	simm.s32 @!p0 $0x1C09  }
0x1e8: {  	[timem:s3], [sflag:s2] =	dma.local @!p0 [hbm:s0], s1  }
0x1e9: {  	s0 =	simm.s32 @!p0 $0x9  }
0x1ea: {  	_ =	swait.ge @!p0 [sflag:s0], s1  }
0x1eb: {  	s1 =	ssub.s32 @!p0 $0x0, s1;
	[sflag:s0] =	ssyncset.done @!p0 $0x0  }
0x1ec: {  	[sflag:s0] =	ssyncadd.s32 @!p0 s1  }
0x1ed: {  	[bflag:$0x3] =	sbarrier.arrive $0xFFFF  }
0x1ee: {  	_ =	shalt  }

// kernel: kernel.9.cloned.1.call-start
scs
__scs_entry_jumppad:
0x0: {  	(pc) =	sbr.rel $0x88, $3  }
0x1: {  	(tag) =	ssettag $0x0;
	lr =	simm.s32 $0x1  }
0x2: {  	[smem:$0x3F9D] =	sst lr;
	_ =	strace $0xD0000000  }
0x3: {  	_ = 	snop  }
0x4: {  	_ = 	snop  }
0x5: {  	_ = 	snop  }
0x6: {  	_ = 	snop  }
0x7: {  	_ = 	snop  }
__scs_overlays_trampoline_lowered:
0x8: {  	[smem:$0x3FAC] =	sst s0  }
0x9: {  	[smem:$0x3FAD] =	sst s1  }
0xa: {  	[smem:$0x3FAE] =	sst s2  }
0xb: {  	[smem:$0x3FAF] =	sst s3  }
0xc: {  	[smem:$0x3FB0] =	sst s4  }
0xd: {  	[smem:$0x3FB1] =	sst s5  }
0xe: {  	[smem:$0x3FB2] =	sst s6  }
0xf: {  	[smem:$0x3FB3] =	sst s7  }
0x10: {  	[smem:$0x3FB4] =	sst s8  }
0x11: {  	[smem:$0x3FB5] =	sst s9;
	s0 =	simm.s32 @!p0 $0x0  }
0x12: {  	s1 =	sld [smem:$0x3F9B];
	s0 =	simm.s32 @p0 $0x1  }
0x13: {  	[smem:$0x3FB6] =	sst s0;
	s0 =	simm.s32 @!p1 $0x0  }
0x14: {  	s2 =	sld [smem:$0x3F9A];
	s0 =	simm.s32 @p1 $0x1  }
0x15: {  	[smem:$0x3FB7] =	sst s0;
	s0 =	simm.s32 @!p2 $0x0  }
0x16: {  	s3 =	sld [smem:$0x3FDB];
	s0 =	simm.s32 @p2 $0x1  }
0x17: {  	s4 =	simm.s32 $0x1BF5;
	[smem:$0x3FB9] =	sst s0  }
0x18: {  	s0 =	sld [smem:$0x3F9C];
	_ =	swait.ge [sflag:s4], $0x0  }
0x19: {  	s7 =	sld [smem:$0x3F9D]  }
0x1a: {  	s8 =	sadd.s32 $0xFFFFE003, lr  }
0x1b: {  	s9 =	sadd.s32 $0xFFFFFEF7, lr;
	s5 =	simm.s32 $0xFFFFFFFF;
	p2 =	slt.u32 s8, $0xFFFFF086  }
0x1c: {  	p1 =	slt.u32 s9, $0xF7A;
	s5 =	simm.s32 @!p2 $0x0  }
0x1d: {  	s5 =	simm.s32 @p1 $0x1;
	p0 =	seq.s32 s7, s2  }
0x1e: {  	s7 =	smul.u32 @!p0 $0xF7A, s2;
	p2 =	seq.s32 @!p0 s5, $0x0  }
0x1f: {  	s9 =	smul.u32 $0xF7A, s1;
	s8 =	simm.s32 @!p0 $0x1BF5;
	p2 =	por !p2, p0  }
0x20: {  	[sflag:s8] =	ssyncset.s32 @!p0 $0xFFFFF086;
	s6 =	sadd.s32 @!p0 s3, s7;
	s7 =	simm.s32 @!p0 $0x108  }
0x21: {  	s3 =	sadd.s32 s3, s9;
	s6 =	sadd.s32 @!p0 $0x88, s6;
	s7 =	simm.s32 @p2 $0x1082  }
0x22: {  	[simem:s7], [sflag:s8] =	dma.local @!p0 [hbm:s6], $0xF7A  }
0x23: {  	s9 =	sor.u32 $0xD0000000, s2;
	s6 =	simm.s32 $0x108;
	_ =	swait.ge @!p0 [sflag:s8], $0x0  }
0x24: {  	s3 =	sadd.s32 $0x88, s3;
	s6 =	simm.s32 @!p1 $0x1082;
	[sflag:s4] =	ssyncset.s32 $0xFFFFF086  }
0x25: {  	[simem:s6], [sflag:s4] =	dma.local [hbm:s3], $0xF7A  }
0x26: {  	[smem:$0x3F9D] =	sst s1;
	(tag) =	ssettag s2;
	_ =	strace s9  }
0x27: {  	s1 =	sld [smem:$0x3FAD]  }
0x28: {  	s2 =	sld [smem:$0x3FAE]  }
0x29: {  	s4 =	sld [smem:$0x3FB0]  }
0x2a: {  	p0 =	seq.s32 s5, $0x0;
	s5 =	sld [smem:$0x3FB1]  }
0x2b: {  	s6 =	sld [smem:$0x3FB2]  }
0x2c: {  	s7 =	sld [smem:$0x3FB3]  }
0x2d: {  	s3 =	simm.s32 $0x108;
	s8 =	sld [smem:$0x3FB4]  }
0x2e: {  	s3 =	simm.s32 @!p0 $0x1082;
	s9 =	sld [smem:$0x3FB5]  }
0x2f: {  	lr =	sadd.s32 s0, s3;
	s0 =	sld [smem:$0x3FAC]  }
0x30: {  	s3 =	sld [smem:$0x3FAF]  }
0x31: {  	[smem:$0x3FB8] =	sst s10  }
0x32: {  	s10 =	sld [smem:$0x3FB6];
	_ =	sdelay $0x3  }
0x33: {  	p0 =	seq.s32 s10, $0x1;
	s10 =	sld [smem:$0x3FB8];
	_ =	sdelay $0x3  }
0x34: {  	[smem:$0x3FB8] =	sst s10  }
0x35: {  	s10 =	sld [smem:$0x3FB7];
	_ =	sdelay $0x3  }
0x36: {  	p1 =	seq.s32 s10, $0x1;
	s10 =	sld [smem:$0x3FB8];
	_ =	sdelay $0x3  }
0x37: {  	[smem:$0x3FB8] =	sst s10  }
0x38: {  	s10 =	sld [smem:$0x3FB9]  }
0x39: {  	_ = 	snop;
	(pc) =	sbr.ind lr, $3  }
0x3a: {  	_ = 	snop  }
0x3b: {  	_ = 	snop  }
0x3c: {  	p2 =	seq.s32 s10, $0x1;
	s10 =	sld [smem:$0x3FB8]  }
0x3d: {  	_ =	shalt  }
0x3e: {  	_ =	shalt  }
0x3f: {  	_ =	shalt  }
0x40: {  	_ =	shalt  }
0x41: {  	_ =	shalt  }
0x42: {  	_ =	shalt  }
0x43: {  	_ =	shalt  }
0x44: {  	_ =	shalt  }
0x45: {  	_ =	shalt  }
0x46: {  	_ =	shalt  }
0x47: {  	_ =	shalt  }
0x48: {  	_ =	shalt  }
0x49: {  	_ =	shalt  }
0x4a: {  	_ =	shalt  }
0x4b: {  	_ =	shalt  }
0x4c: {  	_ =	shalt  }
0x4d: {  	_ =	shalt  }
0x4e: {  	_ =	shalt  }
0x4f: {  	_ =	shalt  }
0x50: {  	_ =	shalt  }
0x51: {  	_ =	shalt  }
0x52: {  	_ =	shalt  }
0x53: {  	_ =	shalt  }
0x54: {  	_ =	shalt  }
0x55: {  	_ =	shalt  }
0x56: {  	_ =	shalt  }
0x57: {  	_ =	shalt  }
0x58: {  	_ =	shalt  }
0x59: {  	_ =	shalt  }
0x5a: {  	_ =	shalt  }
0x5b: {  	_ =	shalt  }
0x5c: {  	_ =	shalt  }
0x5d: {  	_ =	shalt  }
0x5e: {  	_ =	shalt  }
0x5f: {  	_ =	shalt  }
0x60: {  	_ =	shalt  }
0x61: {  	_ =	shalt  }
0x62: {  	_ =	shalt  }
0x63: {  	_ =	shalt  }
0x64: {  	_ =	shalt  }
0x65: {  	_ =	shalt  }
0x66: {  	_ =	shalt  }
0x67: {  	_ =	shalt  }
0x68: {  	_ =	shalt  }
0x69: {  	_ =	shalt  }
0x6a: {  	_ =	shalt  }
0x6b: {  	_ =	shalt  }
0x6c: {  	_ =	shalt  }
0x6d: {  	_ =	shalt  }
0x6e: {  	_ =	shalt  }
0x6f: {  	_ =	shalt  }
0x70: {  	_ =	shalt  }
0x71: {  	_ =	shalt  }
0x72: {  	_ =	shalt  }
0x73: {  	_ =	shalt  }
0x74: {  	_ =	shalt  }
0x75: {  	_ =	shalt  }
0x76: {  	_ =	shalt  }
0x77: {  	_ =	shalt  }
0x78: {  	_ =	shalt  }
0x79: {  	_ =	shalt  }
0x7a: {  	_ =	shalt  }
0x7b: {  	_ =	shalt  }
0x7c: {  	_ =	shalt  }
0x7d: {  	_ =	shalt  }
0x7e: {  	_ =	shalt  }
0x7f: {  	_ =	shalt  }
0x80: {  	_ =	shalt  }
0x81: {  	_ =	shalt  }
0x82: {  	_ =	shalt  }
0x83: {  	_ =	shalt  }
0x84: {  	_ =	shalt  }
0x85: {  	_ =	shalt  }
0x86: {  	_ =	shalt  }
0x87: {  	_ =	shalt  }
.Lfunc_end0:
.L_simem_size_0:
called_computation_lowered:
.L_overlay_start_0:
0x88: {  	s2 =	sld [smem:$0x3FD9]  }
0x89: {  	s3 =	sld [smem:$0x3FFE];
	_ =	sdelay $0x1  }
0x8a: {  	s1 =	srdreg.scid  }
0x8b: {  	s0 =	sand.u32 $0x1, s1  }
0x8c: {  	s17 =	sshll.u32 s0, $0xA;
	s2 =	sadd.s32 s3, s2  }
0x8d: {  	s2 =	sadd.s32 s2, s17  }
0x8e: {  	[smem:$0x3FC4] =	sst s2  }
0x8f: {  	_ = 	snop  }
0x90: {  	s2 =	sld [smem:$0x3FD0];
	(tm) =	ssettm $0x1  }
0x91: {  	s18 =	sld [smem:$0x3FFB];
	_ =	sdelay $0x3  }
0x92: {  	_ =	strace s18  }
0x93: {  	s3 =	sld [smem:$0x3FFC];
	_ =	sdelay $0x3  }
0x94: {  	_ =	strace s3  }
0x95: {  	s3 =	sld [smem:$0x3FFD];
	_ =	sdelay $0x3  }
0x96: {  	_ =	strace s3  }
0x97: {  	_ =	strace $0x8FFFFFFF  }
0x98: {  	s19 =	sld [smem:$0x3FDB];
	_ =	sdelay $0x1  }
0x99: {  	s4 =	simm.s32 $_scs_section_size  }
0x9a: {  	s5 =	simm.s32 $_size__tile_overlayer_lowered;
	s6 =	simm.s32 $_tile_overlayer_lowered  }
0x9b: {  	s22 =	simm.s32 $0x1BFF;
	s21 =	sshll.u32 s6, $0x1;
	s3 =	sadd.s32 s4, s19  }
0x9c: {  	s7 =	simm.s32 $0x0;
	s20 =	sshll.u32 s5, $0x1;
	s5 =	sadd.s32 s21, s3  }
0x9d: {  	[timem:s7], [sflag:s22] =	dma.local [hbm:s5], s20  }
0x9e: {  	_ =	swait.ge [sflag:s22], s20  }
0x9f: {  	s4 =	ssub.s32 $0x0, s20;
	[sflag:s22] =	ssyncset.done $0x0  }
0xa0: {  	[sflag:s22] =	ssyncadd.s32 s4;
	_ =	sdelay $0x1  }
0xa1: {  	s23 =	simm.s32 $0x1B8B  }
0xa2: {  	_ =	swait.ge [sflag:s23], $0x1  }
0xa3: {  	[sflag:s23] =	ssyncset.done $0x0  }
0xa4: {  	s25 =	simm.s32 $0x1B8E;
	s24 =	sld [smem:$0x3FFE];
	[sflag:s23] =	ssyncadd.s32 $0xFFFFFFFF  }
0xa5: {  	s26 =	simm.s32 $execute0_lowered;
	[smem:$0x3FD2] =	sst s25  }
0xa6: {  	s5 =	sshll.u32 s26, $0x1;
	_ =	strace $0x80000046;
	[dreg:$0x1] =	wrdreg $0xFFFFFFFF  }
0xa7: {  	s28 =	simm.s32 $_size_execute0_lowered;
	s3 =	sadd.s32 s3, s5;
	[dreg:$0x0] =	wrdreg $0x0  }
0xa8: {  	s5 =	sshll.u32 s28, $0x1;
	[dreg:$0x2] =	wrdreg s3  }
0xa9: {  	[dreg:$0x3] =	wrdreg s5  }
0xaa: {  	[dreg:$0x4] =	wrdreg $0xC0  }
0xab: {  	_ =	task [dreg:s7], $0x5FFFF  }
0xac: {  	[dreg:$0x1] =	wrdreg $0xFFFFFFFF  }
0xad: {  	[dreg:$0x0] =	wrdreg $0x60  }
0xae: {  	[dreg:$0x2] =	wrdreg s2  }
0xaf: {  	[dreg:$0x3] =	wrdreg s24  }
0xb0: {  	[dreg:$0x4] =	wrdreg $0x2B000  }
0xb1: {  	[dreg:$0x5] =	wrdreg $0x9  }
0xb2: {  	_ =	task.clear_ibuf [dreg:s7], $0x6FFFF;
	_ =	strace $0x90000046  }
0xb3: {  	s29 =	simm.s32 $0x9;
	_ =	strace $0x80000048  }
0xb4: {  	_ =	swait.ge [sflag:s29], $0x1  }
0xb5: {  	[sflag:s29] =	ssyncadd.s32 $0xFFFFFFFF  }
0xb6: {  	_ =	strace $0x90000048  }
0xb7: {  	_ =	sfence  }
0xb8: {  	s30 =	sld [smem:$0x0];
	_ =	sdelay $0x2  }
0xb9: {  	s31 =	sshll.u32 s1, $0xD;
	s1 =	sshrl.u32 s1, $0x2  }
0xba: {  	s3 =	sand.u32 $0x4000, s31;
	s1 =	sadd.s32 s1, s30  }
0xbb: {  	s0 =	sor.u32 s3, s0;
	s1 =	sshll.u32 s1, $0x11  }
0xbc: {  	s0 =	sor.u32 s1, s0  }
0xbd: {  	s0 =	sadd.s32 $0x8F2B, s0  }
0xbe: {  	[sflag:s0] =	ssyncadd.remote.s32 $0x1  }
0xbf: {  	_ =	sfence.sel $0xFFFF  }
0xc0: {  	[dreg:$0x0] =	wrdreg $0xFFFFFFFF;
	(pc) =	sbr.abs _section_cstart, $3  }
0xc1: {  	[dreg:$0x1] =	wrdreg $0xFFFFFFFF  }
0xc2: {  	_ =	task.clear_ibuf [dreg:s7], $0x2FFFF;
	_ =	strace $0x9FFFFFFF  }
0xc3: {  	(tm) =	ssettm $0x7FFFFFFF  }
tec
execute0_lowered:
.L_overlay_start_1:
0x0: {  	(tag) =	ssettag $0x1  }
0x1: {  	s5 =	rddreg [dreg:$0x0]  }
0x2: {  	s1 =	srdreg.scid;
	s4 =	rddreg [dreg:$0x1]  }
0x3: {  	s0 =	stileid.u32;
	s2 =	rddreg [dreg:$0x2]  }
0x4: {  	s3 =	simm.s32 $0x0;
	s11 =	simm.s32 $0x2800;
	s12 =	simm.s32 $0x1  }
0x5: {  	s13 =	simm.s32 $0x2;
	s6 =	sand.u32 $0x1, s1;
	s1 =	rddreg [dreg:$0x3]  }
0x6: {  	s16 =	simm.s32 $0x0;
	s7 =	smul.u32 $0x280, s0;
	[smem:$0x7FF] =	sst s3  }
0x7: {  	s14 =	sshll.u32 s0, $0x6;
	s8 =	smul.u32 $0x2800, s6;
	s9 =	sshll.u32 s6, $0x4  }
0x8: {  	s6 =	ssub.s32 $0x2, s6;
	_ =	strace $0x80000047;
	s9 =	sor.u32 s0, s9  }
0x9: {  	s31 =	sshrl.u32 s6, $0x1;
	s8 =	sadd.s32 s7, s8;
	s9 =	smul.u32 $0x500, s9  }
0xa: {  	s14 =	sor.u32 $0x1C03, s14;
	s10 =	ssub.s32 s6, s31;
	s8 =	sshrl.u32 s8, $0x3  }
0xb: {  	s8 =	sadd.s32 s8, s4;
	s4 =	sadd.s32 s7, s2;
	s5 =	sadd.s32 s5, s9  }
0xc: {  	s7 =	smax.u32 s10, $0x1;
	s9 =	simm.s32 $0x3;
	s10 =	simm.s32 $0x80  }
0xd: {  	v0 =	vimm.f32 $0.0e+00;
	v1 =	vimm.f32 $1.000000000e+00;
	s6 =	sadd.s32 $0x2000, s8;
	s8 =	simm.s32 $0x2880;
	s15 =	sshrl.u32 s4, $0x3  }
.LBB2_1:
0xe: {  	[tilespmem:$0x2880] =	vst v0  }
0xf: {  	[tilespmem:$0x2890] =	vst v0  }
0x10: {  	[tilespmem:$0x28A0] =	vst v0  }
0x11: {  	[tilespmem:$0x28B0] =	vst v0  }
0x12: {  	[tilespmem:$0x28C0] =	vst v0  }
0x13: {  	[tilespmem:$0x28D0] =	vst v0  }
0x14: {  	[tilespmem:$0x28E0] =	vst v0  }
0x15: {  	[tilespmem:$0x28F0] =	vst v0  }
0x16: {  	[tilespmem:$0x2900] =	vst v0  }
0x17: {  	[tilespmem:$0x2910] =	vst v0  }
0x18: {  	[tilespmem:$0x2920] =	vst v0  }
0x19: {  	[tilespmem:$0x2930] =	vst v0  }
0x1a: {  	[tilespmem:$0x2940] =	vst v0  }
0x1b: {  	[tilespmem:$0x2950] =	vst v0  }
0x1c: {  	[tilespmem:$0x2960] =	vst v0  }
0x1d: {  	[tilespmem:$0x2970] =	vst v0  }
0x1e: {  	[tilespmem:$0x2980] =	vst v0  }
0x1f: {  	[tilespmem:$0x2990] =	vst v0  }
0x20: {  	[tilespmem:$0x29A0] =	vst v0  }
0x21: {  	[tilespmem:$0x29B0] =	vst v0  }
0x22: {  	[tilespmem:$0x29C0] =	vst v0  }
0x23: {  	[tilespmem:$0x29D0] =	vst v0  }
0x24: {  	[tilespmem:$0x29E0] =	vst v0  }
0x25: {  	[tilespmem:$0x29F0] =	vst v0  }
0x26: {  	[tilespmem:$0x2A00] =	vst v0  }
0x27: {  	[tilespmem:$0x2A10] =	vst v0  }
0x28: {  	[tilespmem:$0x2A20] =	vst v0  }
0x29: {  	[tilespmem:$0x2A30] =	vst v0  }
0x2a: {  	[tilespmem:$0x2A40] =	vst v0  }
0x2b: {  	[tilespmem:$0x2A50] =	vst v0  }
0x2c: {  	[tilespmem:$0x2A60] =	vst v0  }
0x2d: {  	[tilespmem:$0x2A70] =	vst v0  }
0x2e: {  	[tilespmem:$0x2A80] =	vst v0  }
0x2f: {  	[tilespmem:$0x2A90] =	vst v0  }
0x30: {  	[tilespmem:$0x2AA0] =	vst v0  }
0x31: {  	[tilespmem:$0x2AB0] =	vst v0  }
0x32: {  	[tilespmem:$0x2AC0] =	vst v0  }
0x33: {  	[tilespmem:$0x2AD0] =	vst v0  }
0x34: {  	[tilespmem:$0x2AE0] =	vst v0  }
0x35: {  	[tilespmem:$0x2AF0] =	vst v0  }
0x36: {  	[tilespmem:$0x2800] =	vst v1  }
0x37: {  	[tilespmem:$0x2810] =	vst v1  }
0x38: {  	[tilespmem:$0x2820] =	vst v1  }
0x39: {  	[tilespmem:$0x2830] =	vst v1  }
0x3a: {  	[tilespmem:$0x2840] =	vst v1  }
0x3b: {  	[tilespmem:$0x2850] =	vst v1  }
0x3c: {  	[tilespmem:$0x2860] =	vst v1  }
0x3d: {  	[tilespmem:$0x2870] =	vst v1  }
0x3e: {  	[spmem:s4] =	stream.linear.scatter [tilespmem:s8], [sflag:$0x3], $0x280, $0x38;
	[tilespmem:$0x2D80] =	vst v63  }
0x3f: {  	_ =	swait.ge [sflag:s9], $0x280  }
0x40: {  	[sflag:s9] =	ssyncset.done $0x0  }
0x41: {  	[sflag:s9] =	ssyncadd.s32 $0xFFFFFD80  }
0x42: {  	[tilespmem:s3], [sflag:$0x3] =	stream.linear.gather [hbm4b:s5+s3], $0x2800, $0x38;
	[tilespmem:$0x2D80] =	vst v63  }
0x43: {  	_ =	swait.ge [sflag:s9], $0x2800  }
0x44: {  	[sflag:s9] =	ssyncset.done $0x0  }
0x45: {  	[sflag:s9] =	ssyncadd.s32 $0xFFFFD800  }
0x46: {  	s17 =	simm.s32 $0x0;
	[bflag:$0x0] =	sbarrier.arrive $0xFFFF  }
0x47: {  	[spmem:s2] =	stream.indirect.scatter.add.f32 [tilespmem:s11], [sflag:$0x1], $0x1, s17, s10, $0xb8;
	[tilespmem:$0x2D80] =	vst v63  }
0x48: {  	s31 =	simm.s32 $0x80  }
0x49: {  	[spmem:s2] =	stream.indirect.scatter.add.f32 [tilespmem:s11], [sflag:$0x2], $0x1, s31, s10, $0xb8;
	[tilespmem:$0x2D80] =	vst v63  }
0x4a: {  	_ =	swait.ge [sflag:s12], $0x80  }
0x4b: {  	[sflag:s12] =	ssyncset.done $0x0  }
0x4c: {  	[sflag:s12] =	ssyncadd.s32 $0xFFFFFF80  }
0x4d: {  	_ =	swait.ge [sflag:s13], $0x80  }
0x4e: {  	s18 =	simm.s32 $0x800;
	s17 =	simm.s32 $0x400;
	[sflag:s13] =	ssyncset.done $0x0  }
.LBB2_2:
0x4f: {  	s19 =	sshra.s32 s17, $0x2  }
0x50: {  	[sflag:s13] =	ssyncadd.s32 $0xFFFFFF80;
	s17 =	smov.u32 s18;
	s20 =	sadd.s32 $0x400, s18  }
0x51: {  	[spmem:s2] =	stream.indirect.scatter.add.f32 [tilespmem:s11], [sflag:$0x1], $0x1, s19, s10, $0xb8;
	[tilespmem:$0x2D80] =	vst v63  }
0x52: {  	p0 =	sne.s32 s18, $0x9C00;
	s18 =	sadd.s32 $0x80, s19  }
0x53: {  	[spmem:s2] =	stream.indirect.scatter.add.f32 [tilespmem:s11], [sflag:$0x2], $0x1, s18, s10, $0xb8;
	[tilespmem:$0x2D80] =	vst v63  }
.Ltmp0:
0x54: {  	_ =	swait.ge [sflag:s12], $0x80;
	(pc) =	sbr.rel @p0 .LBB2_2-.Ltmp0, $4  }
0x55: {  	[sflag:s12] =	ssyncset.done $0x0  }
0x56: {  	[sflag:s12] =	ssyncadd.s32 $0xFFFFFF80  }
0x57: {  	_ =	swait.ge [sflag:s13], $0x80  }
0x58: {  	s18 =	smov.u32 s20;
	[sflag:s13] =	ssyncset.done $0x0  }
0x59: {  	s17 =	sshra.s32 s17, $0x2;
	[sflag:s13] =	ssyncadd.s32 $0xFFFFFF80  }
0x5a: {  	[spmem:s2] =	stream.indirect.scatter.add.f32 [tilespmem:s11], [sflag:$0x1], $0x1, s17, s10, $0xb8;
	[tilespmem:$0x2D80] =	vst v63  }
0x5b: {  	s17 =	sadd.s32 $0x80, s17  }
0x5c: {  	[spmem:s2] =	stream.indirect.scatter.add.f32 [tilespmem:s11], [sflag:$0x2], $0x1, s17, s10, $0xb8;
	[tilespmem:$0x2D80] =	vst v63  }
0x5d: {  	_ =	swait.ge [sflag:s12], $0x80  }
0x5e: {  	[sflag:s12] =	ssyncset.done $0x0  }
0x5f: {  	[sflag:s12] =	ssyncadd.s32 $0xFFFFFF80  }
0x60: {  	_ =	swait.ge [sflag:s13], $0x80  }
0x61: {  	s16 =	sadd.s32 $0x1, s16;
	[sflag:s13] =	ssyncset.done $0x0  }
0x62: {  	p0 =	sne.s32 s16, s7;
	[sflag:s13] =	ssyncadd.s32 $0xFFFFFF80  }
.Ltmp1:
0x63: {  	[bflag:$0x0] =	sbarrier.arrive $0xFFFF;
	(pc) =	sbr.rel @p0 .LBB2_1-.Ltmp1, $4  }
0x64: {  	[hbm:s6], [sflag:s14] =	dma.local [spmem:s15], $0x50  }
0x65: {  	_ =	swait.ge [sflag:s9], $0x50  }
0x66: {  	[sflag:s9] =	ssyncset.done $0x0  }
0x67: {  	[sflag:s9] =	ssyncadd.s32 $0xFFFFFFB0  }
0x68: {  	_ =	sfence.sel $0x180000  }
0x69: {  	[bflag:$0x0] =	sbarrier.arrive $0xFFFF  }
0x6a: {  	p0 =	sne.s32 s0, $0x0;
	_ =	strace $0x90000047  }
0x6b: {  	s0 =	sadd.s32 @!p0 $0x100000, s1;
	[bflag:$0x2] =	sbarrier.arrive $0xFFFF  }
0x6c: {  	[sflag:s0] =	ssyncadd.tile.s32 @!p0 $0x1;
	_ =	shalt  }
.Lfunc_end2:
_tile_overlayer_lowered:
.L_overlay_start_2:
0x6d: {  	(tag) =	ssettag $0x2  }
0x6e: {  	s0 =	rddreg [dreg:$0x0];
	s2 =	stileid.u32  }
0x6f: {  	s1 =	rddreg [dreg:$0x1];
	p0 =	sne.s32 s2, $0x0  }
0x70: {  	s3 =	rddreg [dreg:$0x2];
	[bflag:$0x3] =	sbarrier.arrive $0xFFFF;
	s2 =	simm.s32 @!p0 $0x1C03  }
0x71: {  	[timem:s3], [sflag:s2] =	dma.local @!p0 [hbm:s0], s1  }
0x72: {  	s0 =	simm.s32 @!p0 $0x3  }
0x73: {  	_ =	swait.ge @!p0 [sflag:s0], s1  }
0x74: {  	s1 =	ssub.s32 @!p0 $0x0, s1;
	[sflag:s0] =	ssyncset.done @!p0 $0x0  }
0x75: {  	[sflag:s0] =	ssyncadd.s32 @!p0 s1  }
0x76: {  	[bflag:$0x3] =	sbarrier.arrive $0xFFFF  }
0x77: {  	_ =	shalt  }

</sc_bundles>
